<compile_context>
chip_gen: v7x
topology: tpu7x:2x2x1
jax: 0.10.2.dev20260603
libtpu: 0.0.44.dev20260713+nightly
codegen_flags: <defaults>
</compile_context>

<pallas_src>
import jax
import jax.numpy as jnp
from jax import lax
from jax.experimental import pallas as pl
from jax.experimental.pallas import tpu as pltpu
from jax.experimental.pallas import tpu_sc as plsc

N = 10000
D = 128
H = 128
G = 64
EPS = 1e-5

NP = 10240
NC, NS = 2, 16
NW = NC * NS
CHUNK = 128
ROWS_PER_SUB = NP // NS
RB = 512


NBUF = 2


def _make_sc_agg(chunks_per_worker: int, with_deg: bool):
    mesh = plsc.VectorSubcoreMesh(core_axis_name="c", subcore_axis_name="s",
                                  num_cores=NC, num_subcores=NS)
    cpw = chunks_per_worker
    NI = 4
    out_type = [jax.ShapeDtypeStruct((NC, NP, H), jnp.float32)]
    scratch = [pltpu.VMEM((2, CHUNK), jnp.int32) for _ in range(NI)]
    scratch += [pltpu.VMEM((CHUNK, H), jnp.float32) for _ in range(NBUF)]
    scratch.append(pltpu.VMEM_SHARED((NP, H), jnp.float32))
    if with_deg:
        out_type.append(jax.ShapeDtypeStruct((NW, NP), jnp.float32))
        scratch.append(pltpu.VMEM((NP,), jnp.float32))
    scratch += [pltpu.SemaphoreType.DMA for _ in range(2 * NBUF + NI)]

    def body(h_hbm, ed_hbm, z_hbm, *rest):
        if with_deg:
            (out_agg, out_deg, *rest2) = rest
        else:
            (out_agg, *rest2) = rest
        idxr = rest2[:NI]
        st = rest2[NI:NI + NBUF]
        agg_sh = rest2[NI + NBUF]
        if with_deg:
            degloc = rest2[NI + NBUF + 1]
            sems = rest2[NI + NBUF + 2:]
        else:
            sems = rest2[NI + NBUF + 1:]
        gsem, ssem = sems[:NBUF], sems[NBUF:2 * NBUF]
        isem = sems[2 * NBUF:]
        c = lax.axis_index("c")
        s = lax.axis_index("s")
        row0 = s * ROWS_PER_SUB
        wid = c * NS + s

        pltpu.sync_copy(z_hbm, st[0])
        for k in range(ROWS_PER_SUB // CHUNK):
            pltpu.sync_copy(st[0], agg_sh.at[pl.ds(row0 + k * CHUNK, CHUNK)])
        if with_deg:
            z16v = jnp.zeros((16,), jnp.float32)

            def zi(j, carry):
                degloc[pl.ds(j * 16, 16)] = z16v
                return carry

            lax.fori_loop(0, NP // 16, zi, 0)
        plsc.subcore_barrier()

        if with_deg:
            ones16 = jnp.ones((16,), jnp.float32)
        base_chunk = wid * cpw

        def wait_gather(b):
            pltpu.make_async_copy(h_hbm.at[pl.ds(0, CHUNK)], st[b],
                                  gsem[b]).wait()

        def wait_scatter(b):
            pltpu.make_async_copy(st[b], agg_sh.at[pl.ds(0, CHUNK)],
                                  ssem[b]).wait()

        def load_idx(g, i):
            pltpu.async_copy(ed_hbm.at[base_chunk + g], idxr[i], isem[i])

        def wait_idx(i):
            pltpu.make_async_copy(ed_hbm.at[0], idxr[i], isem[i]).wait()

        def start_gather(b, i):
            pltpu.async_copy(h_hbm.at[idxr[i].at[0]], st[b], gsem[b])

        def section(g, b, i, prime, pf_idx, pf_gather):
            o = b ^ 1
            wait_gather(b)
            pltpu.async_copy(st[b], agg_sh.at[idxr[i].at[1]], ssem[b],
                             add=True)
            if with_deg:
                for j in range(CHUNK // 16):
                    idx = idxr[i][1, pl.ds(j * 16, 16)]
                    plsc.addupdate_scatter(degloc, [idx], ones16)
            if pf_gather:
                if not prime:
                    wait_scatter(o)
                if pf_idx:
                    load_idx(g + 3, (i + 3) % NI)
                wait_idx((i + 1) % NI)
                start_gather(o, (i + 1) % NI)

        for i in range(NI):
            load_idx(i, i)
        wait_idx(0)
        start_gather(0, 0)
        for i in range(NI):
            section(i, i % 2, i, i == 0, i >= 1, True)

        def oiter(oo, carry):
            for i in range(NI):
                section(NI * oo + i, i % 2, i, False, True, True)
            return carry

        lax.fori_loop(1, cpw // NI - 1, oiter, 0)
        g_last = cpw - NI
        for i in range(NI):
            section(g_last + i, i % 2, i, False, i + 3 < NI, i + 1 < NI)
        for b in range(NBUF):
            wait_scatter(b)
        plsc.subcore_barrier()

        for k in range(ROWS_PER_SUB // CHUNK):
            r = row0 + k * CHUNK
            b = k % NBUF
            if k >= NBUF:
                pltpu.make_async_copy(st[b], out_agg.at[c, pl.ds(row0, CHUNK)],
                                      ssem[b]).wait()
            pltpu.sync_copy(agg_sh.at[pl.ds(r, CHUNK)], st[b])
            pltpu.async_copy(st[b], out_agg.at[c, pl.ds(r, CHUNK)], ssem[b])
        for k in range(min(NBUF, ROWS_PER_SUB // CHUNK)):
            pltpu.make_async_copy(st[k], out_agg.at[c, pl.ds(row0, CHUNK)],
                                  ssem[k]).wait()
        if with_deg:
            pltpu.sync_copy(degloc, out_deg.at[wid])

    return pl.kernel(
        body, out_type=tuple(out_type), mesh=mesh,
        compiler_params=pltpu.CompilerParams(needs_layout_passes=False),
        scratch_types=tuple(scratch))


def _emb_body(x_ref, w_ref, b_ref, o_ref):
    t = jnp.dot(x_ref[...], w_ref[...], preferred_element_type=jnp.float32)
    o_ref[...] = jnp.maximum(t + b_ref[...], 0.0)


def _emb(x, w, b):
    return pl.pallas_call(
        _emb_body,
        grid=(NP // RB,),
        in_specs=[
            pl.BlockSpec((RB, D), lambda i: (i, 0)),
            pl.BlockSpec((D, H), lambda i: (0, 0)),
            pl.BlockSpec((1, H), lambda i: (0, 0)),
        ],
        out_specs=pl.BlockSpec((RB, H), lambda i: (i, 0)),
        out_shape=jax.ShapeDtypeStruct((NP, H), jnp.float32),
    )(x, w, b)


def _conv_mm0_body(p_ref, degp_ref, w_ref, b_ref, t_ref, stats_ref, deg_ref):
    i = pl.program_id(0)
    deg = jnp.sum(degp_ref[...], axis=0).reshape(RB, 1)
    deg_ref[...] = deg
    agg = (p_ref[0] + p_ref[1]) / jnp.maximum(deg, 1.0)
    t = jnp.dot(agg, w_ref[...], preferred_element_type=jnp.float32) + b_ref[...]
    t_ref[...] = t
    rows = i * RB + lax.broadcasted_iota(jnp.int32, (RB, 1), 0)
    tm = jnp.where(rows < N, t, 0.0)

    @pl.when(i == 0)
    def _():
        stats_ref[...] = jnp.zeros_like(stats_ref)

    stats_ref[0:1, :] += jnp.sum(tm, axis=0, keepdims=True)
    stats_ref[1:2, :] += jnp.sum(tm * tm, axis=0, keepdims=True)


def _conv_mm0(p, degp, w, b):
    return pl.pallas_call(
        _conv_mm0_body,
        grid=(NP // RB,),
        in_specs=[
            pl.BlockSpec((NC, RB, H), lambda i: (0, i, 0)),
            pl.BlockSpec((NW, RB), lambda i: (0, i)),
            pl.BlockSpec((H, H), lambda i: (0, 0)),
            pl.BlockSpec((1, H), lambda i: (0, 0)),
        ],
        out_specs=[
            pl.BlockSpec((RB, H), lambda i: (i, 0)),
            pl.BlockSpec((2, H), lambda i: (0, 0)),
            pl.BlockSpec((RB, 1), lambda i: (i, 0)),
        ],
        out_shape=[
            jax.ShapeDtypeStruct((NP, H), jnp.float32),
            jax.ShapeDtypeStruct((2, H), jnp.float32),
            jax.ShapeDtypeStruct((NP, 1), jnp.float32),
        ],
    )(p, degp, w, b)


def _conv_mm_body(p_ref, deg_ref, w_ref, b_ref, t_ref, stats_ref):
    i = pl.program_id(0)
    agg = (p_ref[0] + p_ref[1]) / jnp.maximum(deg_ref[...], 1.0)
    t = jnp.dot(agg, w_ref[...], preferred_element_type=jnp.float32) + b_ref[...]
    t_ref[...] = t
    rows = i * RB + lax.broadcasted_iota(jnp.int32, (RB, 1), 0)
    tm = jnp.where(rows < N, t, 0.0)

    @pl.when(i == 0)
    def _():
        stats_ref[...] = jnp.zeros_like(stats_ref)

    stats_ref[0:1, :] += jnp.sum(tm, axis=0, keepdims=True)
    stats_ref[1:2, :] += jnp.sum(tm * tm, axis=0, keepdims=True)


def _conv_mm(p, deg, w, b):
    return pl.pallas_call(
        _conv_mm_body,
        grid=(NP // RB,),
        in_specs=[
            pl.BlockSpec((NC, RB, H), lambda i: (0, i, 0)),
            pl.BlockSpec((RB, 1), lambda i: (i, 0)),
            pl.BlockSpec((H, H), lambda i: (0, 0)),
            pl.BlockSpec((1, H), lambda i: (0, 0)),
        ],
        out_specs=[
            pl.BlockSpec((RB, H), lambda i: (i, 0)),
            pl.BlockSpec((2, H), lambda i: (0, 0)),
        ],
        out_shape=[
            jax.ShapeDtypeStruct((NP, H), jnp.float32),
            jax.ShapeDtypeStruct((2, H), jnp.float32),
        ],
    )(p, deg, w, b)


def _bn_res_body(t_ref, stats_ref, g_ref, be_ref, h_ref, o_ref):
    mean = stats_ref[0:1, :] / N
    var = stats_ref[1:2, :] / N - mean * mean
    norm = (t_ref[...] - mean) / jnp.sqrt(var + EPS)
    o_ref[...] = h_ref[...] + jnp.maximum(norm * g_ref[...] + be_ref[...], 0.0)


def _bn_res(t, stats, gamma, beta, h):
    return pl.pallas_call(
        _bn_res_body,
        grid=(NP // RB,),
        in_specs=[
            pl.BlockSpec((RB, H), lambda i: (i, 0)),
            pl.BlockSpec((2, H), lambda i: (0, 0)),
            pl.BlockSpec((1, H), lambda i: (0, 0)),
            pl.BlockSpec((1, H), lambda i: (0, 0)),
            pl.BlockSpec((RB, H), lambda i: (i, 0)),
        ],
        out_specs=pl.BlockSpec((RB, H), lambda i: (i, 0)),
        out_shape=jax.ShapeDtypeStruct((NP, H), jnp.float32),
    )(t, stats, gamma, beta, h)


def _pool_body(b_ref, h_ref, o_ref, acc_ref, cnt_ref):
    i = pl.program_id(0)

    @pl.when(i == 0)
    def _():
        acc_ref[...] = jnp.zeros_like(acc_ref)
        cnt_ref[...] = jnp.zeros_like(cnt_ref)

    gids = lax.broadcasted_iota(jnp.int32, (G, RB), 0).astype(jnp.float32)
    m = (b_ref[...] == gids).astype(jnp.float32)
    acc_ref[...] += jnp.dot(m, h_ref[...], preferred_element_type=jnp.float32)
    cnt_ref[...] += jnp.sum(m, axis=1, keepdims=True)

    @pl.when(i == pl.num_programs(0) - 1)
    def _():
        o_ref[...] = acc_ref[...] / jnp.maximum(cnt_ref[...], 1.0)


def _pool(batchf, h):
    return pl.pallas_call(
        _pool_body,
        grid=(NP // RB,),
        in_specs=[
            pl.BlockSpec((1, RB), lambda i: (0, i)),
            pl.BlockSpec((RB, H), lambda i: (i, 0)),
        ],
        out_specs=pl.BlockSpec((G, H), lambda i: (0, 0)),
        out_shape=jax.ShapeDtypeStruct((G, H), jnp.float32),
        scratch_shapes=[
            pltpu.VMEM((G, H), jnp.float32),
            pltpu.VMEM((G, 1), jnp.float32),
        ],
    )(batchf, h)


def kernel(x, edge_index, batch, W_emb, b_emb,
           W0, b0, gamma0, beta0,
           W1, b1, gamma1, beta1,
           W2, b2, gamma2, beta2):
    E = edge_index.shape[1]
    chunks_per_worker = -(-E // (CHUNK * NW))
    chunks_per_worker = -(-chunks_per_worker // 4) * 4
    epad = chunks_per_worker * CHUNK * NW
    npad_e = epad - E

    src = edge_index[0].astype(jnp.int32)
    dst = edge_index[1].astype(jnp.int32)
    pad_ids = jnp.arange(npad_e, dtype=jnp.int32)
    src = jnp.concatenate([src, pad_ids % N]).reshape(-1, 1, CHUNK)
    dst = jnp.concatenate([dst, N + pad_ids % (NP - N)]).reshape(-1, 1, CHUNK)
    ed = jnp.concatenate([src, dst], axis=1)

    xp = jnp.zeros((NP, D), jnp.float32).at[:N].set(x.astype(jnp.float32))
    batchf = jnp.full((1, NP), float(G), jnp.float32).at[0, :N].set(
        batch.astype(jnp.float32))
    z128 = jnp.zeros((CHUNK, H), jnp.float32)

    sc_deg = _make_sc_agg(chunks_per_worker, True)
    sc_nodeg = _make_sc_agg(chunks_per_worker, False)

    h = _emb(xp, W_emb.astype(jnp.float32), b_emb.reshape(1, H))

    deg = None
    for li, (W, b, gm, be) in enumerate(
            [(W0, b0, gamma0, beta0), (W1, b1, gamma1, beta1),
             (W2, b2, gamma2, beta2)]):
        if li == 0:
            p, degp = sc_deg(h, ed, z128)
            t, stats, deg = _conv_mm0(p, degp, W, b.reshape(1, H))
        else:
            (p,) = sc_nodeg(h, ed, z128)
            t, stats = _conv_mm(p, deg, W, b.reshape(1, H))
        h = _bn_res(t, stats, gm.reshape(1, H), be.reshape(1, H), h)

    return _pool(batchf, h)

# --- scband reference (transcript-rebuilt; emitter-appended) ---
"""Pipeline reference for scband-base-gnn-73864847556818 (READ-ONLY COPY).

The authoritative reference and input builder live on the scoring server;
editing this copy changes nothing except your own understanding.
"""

import jax, jax.numpy as jnp
import numpy as np

N = 10000
E = 320000
D = 128
H = 128
L = 3
G = 64
EPS = 1e-5


def setup_inputs(seed: int = 0) -> dict:
    key = jax.random.key(seed)
    ks = jax.random.split(key, 20)
    inp = {}
    inp["x"] = jax.random.normal(ks[0], (N, D), dtype=jnp.float32)
    inp["edge_index"] = jax.random.randint(ks[1], (2, E), 0, N)
    inp["batch"] = jnp.sort(jax.random.randint(ks[2], (N,), 0, G))
    inp["W_emb"] = jax.random.normal(ks[3], (D, H), dtype=jnp.float32) * (1.0 / np.sqrt(D))
    inp["b_emb"] = jnp.zeros((H,), dtype=jnp.float32)
    for i in range(L):
        inp[f"W{i}"] = jax.random.normal(ks[4 + i], (H, H), dtype=jnp.float32) * (1.0 / np.sqrt(H))
        inp[f"b{i}"] = jnp.zeros((H,), dtype=jnp.float32)
        inp[f"gamma{i}"] = jnp.ones((H,), dtype=jnp.float32)
        inp[f"beta{i}"] = jnp.zeros((H,), dtype=jnp.float32)
    return inp


def _conv(x, edge_index, W, b):
    # mean-aggregation message passing (concrete impl of abstract _conv_forward)
    src = edge_index[0]
    dst = edge_index[1]
    msg = jnp.take(x, src, axis=0)                     # gather  [E, H]
    agg = jax.ops.segment_sum(msg, dst, num_segments=N)  # scatter-add [N, H]
    deg = jax.ops.segment_sum(jnp.ones((E,), dtype=x.dtype), dst, num_segments=N)
    agg = agg / jnp.clip(deg, 1.0)[:, None]
    return agg @ W + b


def _bn(x, gamma, beta):
    # BatchNorm1d, training-mode batch statistics over nodes
    mean = jnp.mean(x, axis=0)
    var = jnp.var(x, axis=0)
    return (x - mean) / jnp.sqrt(var + EPS) * gamma + beta


def reference(x, edge_index, batch, W_emb, b_emb,
              W0, b0, gamma0, beta0,
              W1, b1, gamma1, beta1,
              W2, b2, gamma2, beta2):
    # node embedding + relu (dropout is identity in eval mode)
    h = jax.nn.relu(x @ W_emb + b_emb)
    params = [(W0, b0, gamma0, beta0), (W1, b1, gamma1, beta1), (W2, b2, gamma2, beta2)]
    for (W, b, g, be) in params:
        h_new = _conv(h, edge_index, W, b)
        h_new = _bn(h_new, g, be)
        h_new = jax.nn.relu(h_new)
        h = h + h_new  # residual
    # global mean pool over graphs in batch
    s = jax.ops.segment_sum(h, batch, num_segments=G)
    cnt = jax.ops.segment_sum(jnp.ones((N,), dtype=h.dtype), batch, num_segments=G)
    return s / jnp.clip(cnt, 1.0)[:, None]

if __name__ == "__main__":
    import jax
    _d = setup_inputs()
    print(jax.jit(kernel)(*tuple(_d.values())))

</pallas_src>

<mosaic_0001>
#map = affine_map<(d0, d1) -> (0, 0)>
#map1 = affine_map<(d0, d1) -> (0, 0, 0)>
module attributes {stable_mosaic.version = 14 : i64} {
  func.func @body(%arg0: i32, %arg1: i32, %arg2: memref<10240x128xf32, #tpu.memory_space<hbm>>, %arg3: memref<2560x2x128xi32, #tpu.memory_space<hbm>>, %arg4: memref<128x128xf32, #tpu.memory_space<hbm>>, %arg5: memref<2x10240x128xf32, #tpu.memory_space<hbm>>, %arg6: memref<2x128xi32, #tpu.memory_space<vmem>>, %arg7: memref<2x128xi32, #tpu.memory_space<vmem>>, %arg8: memref<2x128xi32, #tpu.memory_space<vmem>>, %arg9: memref<2x128xi32, #tpu.memory_space<vmem>>, %arg10: memref<128x128xf32, #tpu.memory_space<vmem>>, %arg11: memref<128x128xf32, #tpu.memory_space<vmem>>, %arg12: memref<10240x128xf32, #tpu.memory_space<vmem_shared>>, %arg13: memref<!tpu.dma_semaphore, #tpu.memory_space<semaphore_mem>>, %arg14: memref<!tpu.dma_semaphore, #tpu.memory_space<semaphore_mem>>, %arg15: memref<!tpu.dma_semaphore, #tpu.memory_space<semaphore_mem>>, %arg16: memref<!tpu.dma_semaphore, #tpu.memory_space<semaphore_mem>>, %arg17: memref<!tpu.dma_semaphore, #tpu.memory_space<semaphore_mem>>, %arg18: memref<!tpu.dma_semaphore, #tpu.memory_space<semaphore_mem>>, %arg19: memref<!tpu.dma_semaphore, #tpu.memory_space<semaphore_mem>>, %arg20: memref<!tpu.dma_semaphore, #tpu.memory_space<semaphore_mem>>) attributes {dimension_semantics = [#tpu.dimension_semantics<core_parallel>, #tpu.dimension_semantics<subcore_parallel>], iteration_bounds = array<i64: 2, 16>, scalar_prefetch = 0 : i64, scratch_operands = 15 : i64, tpu.core_type = #tpu.core_type<sc_vector_subcore>, window_params = [{transform_indices = #map}, {transform_indices = #map1}, {transform_indices = #map}, {transform_indices = #map1}]} {
    %mul3A = arith.constant 640 : i32
    %mul3A_0 = arith.muli %arg1, %mul3A : i32
    %mul3A_1 = arith.constant 16 : i32
    %mul3A_2 = arith.muli %arg0, %mul3A_1 : i32
    %add3A = arith.addi %mul3A_2, %arg1 : i32
    "tpu.region"() ({
      %run_scoped3A = tpu.sem_alloc : memref<!tpu.dma_semaphore, #tpu.memory_space<semaphore_mem>>
      tpu.enqueue_dma source(%arg4 : memref<128x128xf32, #tpu.memory_space<hbm>>) target(%arg10 : memref<128x128xf32, #tpu.memory_space<vmem>>) target_semaphore(%run_scoped3A : memref<!tpu.dma_semaphore, #tpu.memory_space<semaphore_mem>>)
      tpu.wait_dma2 semaphore(%run_scoped3A : memref<!tpu.dma_semaphore, #tpu.memory_space<semaphore_mem>>) src(%arg4 : memref<128x128xf32, #tpu.memory_space<hbm>>) dst(%arg10 : memref<128x128xf32, #tpu.memory_space<vmem>>)
      tpu.yield
    }) : () -> ()
    %add3A_3 = arith.constant 0 : i32
    %add3A_4 = arith.addi %mul3A_0, %add3A_3 : i32
    "tpu.region"() ({
      %run_scoped3A = tpu.sem_alloc : memref<!tpu.dma_semaphore, #tpu.memory_space<semaphore_mem>>
      %dma_start3A_449 = arith.constant 0 : i32
      %dma_start3A_450 = tpu.memref_slice %arg12[%add3A_4, %dma_start3A_449] : memref<10240x128xf32, #tpu.memory_space<vmem_shared>> -> memref<128x128xf32, #tpu.memory_space<vmem_shared>>
      %dma_start3A_451 = arith.constant 0 : i32
      %dma_start3A_452 = tpu.memref_slice %arg12[%add3A_4, %dma_start3A_451] : memref<10240x128xf32, #tpu.memory_space<vmem_shared>> -> memref<128x128xf32, #tpu.memory_space<vmem_shared>>
      tpu.enqueue_dma source(%arg10 : memref<128x128xf32, #tpu.memory_space<vmem>>) target(%dma_start3A_452 : memref<128x128xf32, #tpu.memory_space<vmem_shared>>) target_semaphore(%run_scoped3A : memref<!tpu.dma_semaphore, #tpu.memory_space<semaphore_mem>>)
      %dma_wait3A_453 = arith.constant 0 : i32
      %dma_wait3A_454 = tpu.memref_slice %arg12[%add3A_4, %dma_wait3A_453] : memref<10240x128xf32, #tpu.memory_space<vmem_shared>> -> memref<128x128xf32, #tpu.memory_space<vmem_shared>>
      %dma_wait3A_455 = arith.constant 0 : i32
      %dma_wait3A_456 = tpu.memref_slice %arg12[%add3A_4, %dma_wait3A_455] : memref<10240x128xf32, #tpu.memory_space<vmem_shared>> -> memref<128x128xf32, #tpu.memory_space<vmem_shared>>
      tpu.wait_dma2 semaphore(%run_scoped3A : memref<!tpu.dma_semaphore, #tpu.memory_space<semaphore_mem>>) src(%arg10 : memref<128x128xf32, #tpu.memory_space<vmem>>) dst(%dma_wait3A_456 : memref<128x128xf32, #tpu.memory_space<vmem_shared>>)
      tpu.yield
    }) : () -> ()
    %add3A_5 = arith.constant 128 : i32
    %add3A_6 = arith.addi %mul3A_0, %add3A_5 : i32
    "tpu.region"() ({
      %run_scoped3A = tpu.sem_alloc : memref<!tpu.dma_semaphore, #tpu.memory_space<semaphore_mem>>
      %dma_start3A_449 = arith.constant 0 : i32
      %dma_start3A_450 = tpu.memref_slice %arg12[%add3A_6, %dma_start3A_449] : memref<10240x128xf32, #tpu.memory_space<vmem_shared>> -> memref<128x128xf32, #tpu.memory_space<vmem_shared>>
      %dma_start3A_451 = arith.constant 0 : i32
      %dma_start3A_452 = tpu.memref_slice %arg12[%add3A_6, %dma_start3A_451] : memref<10240x128xf32, #tpu.memory_space<vmem_shared>> -> memref<128x128xf32, #tpu.memory_space<vmem_shared>>
      tpu.enqueue_dma source(%arg10 : memref<128x128xf32, #tpu.memory_space<vmem>>) target(%dma_start3A_452 : memref<128x128xf32, #tpu.memory_space<vmem_shared>>) target_semaphore(%run_scoped3A : memref<!tpu.dma_semaphore, #tpu.memory_space<semaphore_mem>>)
      %dma_wait3A_453 = arith.constant 0 : i32
      %dma_wait3A_454 = tpu.memref_slice %arg12[%add3A_6, %dma_wait3A_453] : memref<10240x128xf32, #tpu.memory_space<vmem_shared>> -> memref<128x128xf32, #tpu.memory_space<vmem_shared>>
      %dma_wait3A_455 = arith.constant 0 : i32
      %dma_wait3A_456 = tpu.memref_slice %arg12[%add3A_6, %dma_wait3A_455] : memref<10240x128xf32, #tpu.memory_space<vmem_shared>> -> memref<128x128xf32, #tpu.memory_space<vmem_shared>>
      tpu.wait_dma2 semaphore(%run_scoped3A : memref<!tpu.dma_semaphore, #tpu.memory_space<semaphore_mem>>) src(%arg10 : memref<128x128xf32, #tpu.memory_space<vmem>>) dst(%dma_wait3A_456 : memref<128x128xf32, #tpu.memory_space<vmem_shared>>)
      tpu.yield
    }) : () -> ()
    %add3A_7 = arith.constant 256 : i32
    %add3A_8 = arith.addi %mul3A_0, %add3A_7 : i32
    "tpu.region"() ({
      %run_scoped3A = tpu.sem_alloc : memref<!tpu.dma_semaphore, #tpu.memory_space<semaphore_mem>>
      %dma_start3A_449 = arith.constant 0 : i32
      %dma_start3A_450 = tpu.memref_slice %arg12[%add3A_8, %dma_start3A_449] : memref<10240x128xf32, #tpu.memory_space<vmem_shared>> -> memref<128x128xf32, #tpu.memory_space<vmem_shared>>
      %dma_start3A_451 = arith.constant 0 : i32
      %dma_start3A_452 = tpu.memref_slice %arg12[%add3A_8, %dma_start3A_451] : memref<10240x128xf32, #tpu.memory_space<vmem_shared>> -> memref<128x128xf32, #tpu.memory_space<vmem_shared>>
      tpu.enqueue_dma source(%arg10 : memref<128x128xf32, #tpu.memory_space<vmem>>) target(%dma_start3A_452 : memref<128x128xf32, #tpu.memory_space<vmem_shared>>) target_semaphore(%run_scoped3A : memref<!tpu.dma_semaphore, #tpu.memory_space<semaphore_mem>>)
      %dma_wait3A_453 = arith.constant 0 : i32
      %dma_wait3A_454 = tpu.memref_slice %arg12[%add3A_8, %dma_wait3A_453] : memref<10240x128xf32, #tpu.memory_space<vmem_shared>> -> memref<128x128xf32, #tpu.memory_space<vmem_shared>>
      %dma_wait3A_455 = arith.constant 0 : i32
      %dma_wait3A_456 = tpu.memref_slice %arg12[%add3A_8, %dma_wait3A_455] : memref<10240x128xf32, #tpu.memory_space<vmem_shared>> -> memref<128x128xf32, #tpu.memory_space<vmem_shared>>
      tpu.wait_dma2 semaphore(%run_scoped3A : memref<!tpu.dma_semaphore, #tpu.memory_space<semaphore_mem>>) src(%arg10 : memref<128x128xf32, #tpu.memory_space<vmem>>) dst(%dma_wait3A_456 : memref<128x128xf32, #tpu.memory_space<vmem_shared>>)
      tpu.yield
    }) : () -> ()
    %add3A_9 = arith.constant 384 : i32
    %add3A_10 = arith.addi %mul3A_0, %add3A_9 : i32
    "tpu.region"() ({
      %run_scoped3A = tpu.sem_alloc : memref<!tpu.dma_semaphore, #tpu.memory_space<semaphore_mem>>
      %dma_start3A_449 = arith.constant 0 : i32
      %dma_start3A_450 = tpu.memref_slice %arg12[%add3A_10, %dma_start3A_449] : memref<10240x128xf32, #tpu.memory_space<vmem_shared>> -> memref<128x128xf32, #tpu.memory_space<vmem_shared>>
      %dma_start3A_451 = arith.constant 0 : i32
      %dma_start3A_452 = tpu.memref_slice %arg12[%add3A_10, %dma_start3A_451] : memref<10240x128xf32, #tpu.memory_space<vmem_shared>> -> memref<128x128xf32, #tpu.memory_space<vmem_shared>>
      tpu.enqueue_dma source(%arg10 : memref<128x128xf32, #tpu.memory_space<vmem>>) target(%dma_start3A_452 : memref<128x128xf32, #tpu.memory_space<vmem_shared>>) target_semaphore(%run_scoped3A : memref<!tpu.dma_semaphore, #tpu.memory_space<semaphore_mem>>)
      %dma_wait3A_453 = arith.constant 0 : i32
      %dma_wait3A_454 = tpu.memref_slice %arg12[%add3A_10, %dma_wait3A_453] : memref<10240x128xf32, #tpu.memory_space<vmem_shared>> -> memref<128x128xf32, #tpu.memory_space<vmem_shared>>
      %dma_wait3A_455 = arith.constant 0 : i32
      %dma_wait3A_456 = tpu.memref_slice %arg12[%add3A_10, %dma_wait3A_455] : memref<10240x128xf32, #tpu.memory_space<vmem_shared>> -> memref<128x128xf32, #tpu.memory_space<vmem_shared>>
      tpu.wait_dma2 semaphore(%run_scoped3A : memref<!tpu.dma_semaphore, #tpu.memory_space<semaphore_mem>>) src(%arg10 : memref<128x128xf32, #tpu.memory_space<vmem>>) dst(%dma_wait3A_456 : memref<128x128xf32, #tpu.memory_space<vmem_shared>>)
      tpu.yield
    }) : () -> ()
    %add3A_11 = arith.constant 512 : i32
    %add3A_12 = arith.addi %mul3A_0, %add3A_11 : i32
    "tpu.region"() ({
      %run_scoped3A = tpu.sem_alloc : memref<!tpu.dma_semaphore, #tpu.memory_space<semaphore_mem>>
      %dma_start3A_449 = arith.constant 0 : i32
      %dma_start3A_450 = tpu.memref_slice %arg12[%add3A_12, %dma_start3A_449] : memref<10240x128xf32, #tpu.memory_space<vmem_shared>> -> memref<128x128xf32, #tpu.memory_space<vmem_shared>>
      %dma_start3A_451 = arith.constant 0 : i32
      %dma_start3A_452 = tpu.memref_slice %arg12[%add3A_12, %dma_start3A_451] : memref<10240x128xf32, #tpu.memory_space<vmem_shared>> -> memref<128x128xf32, #tpu.memory_space<vmem_shared>>
      tpu.enqueue_dma source(%arg10 : memref<128x128xf32, #tpu.memory_space<vmem>>) target(%dma_start3A_452 : memref<128x128xf32, #tpu.memory_space<vmem_shared>>) target_semaphore(%run_scoped3A : memref<!tpu.dma_semaphore, #tpu.memory_space<semaphore_mem>>)
      %dma_wait3A_453 = arith.constant 0 : i32
      %dma_wait3A_454 = tpu.memref_slice %arg12[%add3A_12, %dma_wait3A_453] : memref<10240x128xf32, #tpu.memory_space<vmem_shared>> -> memref<128x128xf32, #tpu.memory_space<vmem_shared>>
      %dma_wait3A_455 = arith.constant 0 : i32
      %dma_wait3A_456 = tpu.memref_slice %arg12[%add3A_12, %dma_wait3A_455] : memref<10240x128xf32, #tpu.memory_space<vmem_shared>> -> memref<128x128xf32, #tpu.memory_space<vmem_shared>>
      tpu.wait_dma2 semaphore(%run_scoped3A : memref<!tpu.dma_semaphore, #tpu.memory_space<semaphore_mem>>) src(%arg10 : memref<128x128xf32, #tpu.memory_space<vmem>>) dst(%dma_wait3A_456 : memref<128x128xf32, #tpu.memory_space<vmem_shared>>)
      tpu.yield
    }) : () -> ()
    %barrier3A = arith.constant 0 : index
    tpu.barrier barrier_id(%barrier3A)
    %mul3A_13 = arith.constant 80 : i32
    %mul3A_14 = arith.muli %add3A, %mul3A_13 : i32
    %add3A_15 = arith.constant 0 : i32
    %add3A_16 = arith.addi %mul3A_14, %add3A_15 : i32
    %dma_start3A = arith.constant 0 : i32
    %dma_start3A_17 = arith.constant 0 : i32
    %dma_start3A_18 = tpu.memref_slice %arg3[%add3A_16, %dma_start3A, %dma_start3A_17] : memref<2560x2x128xi32, #tpu.memory_space<hbm>> -> memref<1x2x128xi32, #tpu.memory_space<hbm>>
    %dma_start3A_19 = tpu.memref_squeeze %dma_start3A_18 : memref<1x2x128xi32, #tpu.memory_space<hbm>> -> memref<2x128xi32, #tpu.memory_space<hbm>>
    %dma_start3A_20 = arith.constant 0 : i32
    %dma_start3A_21 = arith.constant 0 : i32
    %dma_start3A_22 = tpu.memref_slice %arg3[%add3A_16, %dma_start3A_20, %dma_start3A_21] : memref<2560x2x128xi32, #tpu.memory_space<hbm>> -> memref<1x2x128xi32, #tpu.memory_space<hbm>>
    %dma_start3A_23 = tpu.memref_squeeze %dma_start3A_22 : memref<1x2x128xi32, #tpu.memory_space<hbm>> -> memref<2x128xi32, #tpu.memory_space<hbm>>
    tpu.enqueue_dma source(%dma_start3A_23 : memref<2x128xi32, #tpu.memory_space<hbm>>) target(%arg6 : memref<2x128xi32, #tpu.memory_space<vmem>>) target_semaphore(%arg17 : memref<!tpu.dma_semaphore, #tpu.memory_space<semaphore_mem>>)
    %add3A_24 = arith.constant 1 : i32
    %add3A_25 = arith.addi %mul3A_14, %add3A_24 : i32
    %dma_start3A_26 = arith.constant 0 : i32
    %dma_start3A_27 = arith.constant 0 : i32
    %dma_start3A_28 = tpu.memref_slice %arg3[%add3A_25, %dma_start3A_26, %dma_start3A_27] : memref<2560x2x128xi32, #tpu.memory_space<hbm>> -> memref<1x2x128xi32, #tpu.memory_space<hbm>>
    %dma_start3A_29 = tpu.memref_squeeze %dma_start3A_28 : memref<1x2x128xi32, #tpu.memory_space<hbm>> -> memref<2x128xi32, #tpu.memory_space<hbm>>
    %dma_start3A_30 = arith.constant 0 : i32
    %dma_start3A_31 = arith.constant 0 : i32
    %dma_start3A_32 = tpu.memref_slice %arg3[%add3A_25, %dma_start3A_30, %dma_start3A_31] : memref<2560x2x128xi32, #tpu.memory_space<hbm>> -> memref<1x2x128xi32, #tpu.memory_space<hbm>>
    %dma_start3A_33 = tpu.memref_squeeze %dma_start3A_32 : memref<1x2x128xi32, #tpu.memory_space<hbm>> -> memref<2x128xi32, #tpu.memory_space<hbm>>
    tpu.enqueue_dma source(%dma_start3A_33 : memref<2x128xi32, #tpu.memory_space<hbm>>) target(%arg7 : memref<2x128xi32, #tpu.memory_space<vmem>>) target_semaphore(%arg18 : memref<!tpu.dma_semaphore, #tpu.memory_space<semaphore_mem>>)
    %add3A_34 = arith.constant 2 : i32
    %add3A_35 = arith.addi %mul3A_14, %add3A_34 : i32
    %dma_start3A_36 = arith.constant 0 : i32
    %dma_start3A_37 = arith.constant 0 : i32
    %dma_start3A_38 = tpu.memref_slice %arg3[%add3A_35, %dma_start3A_36, %dma_start3A_37] : memref<2560x2x128xi32, #tpu.memory_space<hbm>> -> memref<1x2x128xi32, #tpu.memory_space<hbm>>
    %dma_start3A_39 = tpu.memref_squeeze %dma_start3A_38 : memref<1x2x128xi32, #tpu.memory_space<hbm>> -> memref<2x128xi32, #tpu.memory_space<hbm>>
    %dma_start3A_40 = arith.constant 0 : i32
    %dma_start3A_41 = arith.constant 0 : i32
    %dma_start3A_42 = tpu.memref_slice %arg3[%add3A_35, %dma_start3A_40, %dma_start3A_41] : memref<2560x2x128xi32, #tpu.memory_space<hbm>> -> memref<1x2x128xi32, #tpu.memory_space<hbm>>
    %dma_start3A_43 = tpu.memref_squeeze %dma_start3A_42 : memref<1x2x128xi32, #tpu.memory_space<hbm>> -> memref<2x128xi32, #tpu.memory_space<hbm>>
    tpu.enqueue_dma source(%dma_start3A_43 : memref<2x128xi32, #tpu.memory_space<hbm>>) target(%arg8 : memref<2x128xi32, #tpu.memory_space<vmem>>) target_semaphore(%arg19 : memref<!tpu.dma_semaphore, #tpu.memory_space<semaphore_mem>>)
    %add3A_44 = arith.constant 3 : i32
    %add3A_45 = arith.addi %mul3A_14, %add3A_44 : i32
    %dma_start3A_46 = arith.constant 0 : i32
    %dma_start3A_47 = arith.constant 0 : i32
    %dma_start3A_48 = tpu.memref_slice %arg3[%add3A_45, %dma_start3A_46, %dma_start3A_47] : memref<2560x2x128xi32, #tpu.memory_space<hbm>> -> memref<1x2x128xi32, #tpu.memory_space<hbm>>
    %dma_start3A_49 = tpu.memref_squeeze %dma_start3A_48 : memref<1x2x128xi32, #tpu.memory_space<hbm>> -> memref<2x128xi32, #tpu.memory_space<hbm>>
    %dma_start3A_50 = arith.constant 0 : i32
    %dma_start3A_51 = arith.constant 0 : i32
    %dma_start3A_52 = tpu.memref_slice %arg3[%add3A_45, %dma_start3A_50, %dma_start3A_51] : memref<2560x2x128xi32, #tpu.memory_space<hbm>> -> memref<1x2x128xi32, #tpu.memory_space<hbm>>
    %dma_start3A_53 = tpu.memref_squeeze %dma_start3A_52 : memref<1x2x128xi32, #tpu.memory_space<hbm>> -> memref<2x128xi32, #tpu.memory_space<hbm>>
    tpu.enqueue_dma source(%dma_start3A_53 : memref<2x128xi32, #tpu.memory_space<hbm>>) target(%arg9 : memref<2x128xi32, #tpu.memory_space<vmem>>) target_semaphore(%arg20 : memref<!tpu.dma_semaphore, #tpu.memory_space<semaphore_mem>>)
    %dma_wait3A = arith.constant 0 : i32
    %dma_wait3A_54 = arith.constant 0 : i32
    %dma_wait3A_55 = arith.constant 0 : i32
    %dma_wait3A_56 = tpu.memref_slice %arg3[%dma_wait3A, %dma_wait3A_54, %dma_wait3A_55] : memref<2560x2x128xi32, #tpu.memory_space<hbm>> -> memref<1x2x128xi32, #tpu.memory_space<hbm>>
    %dma_wait3A_57 = tpu.memref_squeeze %dma_wait3A_56 : memref<1x2x128xi32, #tpu.memory_space<hbm>> -> memref<2x128xi32, #tpu.memory_space<hbm>>
    %dma_wait3A_58 = arith.constant 0 : i32
    %dma_wait3A_59 = arith.constant 0 : i32
    %dma_wait3A_60 = tpu.memref_slice %arg3[%dma_wait3A, %dma_wait3A_58, %dma_wait3A_59] : memref<2560x2x128xi32, #tpu.memory_space<hbm>> -> memref<1x2x128xi32, #tpu.memory_space<hbm>>
    %dma_wait3A_61 = tpu.memref_squeeze %dma_wait3A_60 : memref<1x2x128xi32, #tpu.memory_space<hbm>> -> memref<2x128xi32, #tpu.memory_space<hbm>>
    tpu.wait_dma2 semaphore(%arg17 : memref<!tpu.dma_semaphore, #tpu.memory_space<semaphore_mem>>) src(%dma_wait3A_61 : memref<2x128xi32, #tpu.memory_space<hbm>>) dst(%arg6 : memref<2x128xi32, #tpu.memory_space<vmem>>)
    %dma_start3A_62 = arith.constant 0 : i32
    %dma_start3A_63 = arith.constant 0 : i32
    %dma_start3A_64 = tpu.memref_slice %arg6[%dma_start3A_62, %dma_start3A_63] : memref<2x128xi32, #tpu.memory_space<vmem>> -> memref<1x128xi32, #tpu.memory_space<vmem>>
    %dma_start3A_65 = tpu.memref_squeeze %dma_start3A_64 : memref<1x128xi32, #tpu.memory_space<vmem>> -> memref<128xi32, #tpu.memory_space<vmem>>
    %dma_start3A_66 = arith.constant 0 : i32
    %dma_start3A_67 = arith.constant 0 : i32
    %dma_start3A_68 = tpu.memref_slice %arg2[%dma_start3A_66, %dma_start3A_67] : memref<10240x128xf32, #tpu.memory_space<hbm>> -> memref<10240x128xf32, #tpu.memory_space<hbm>>
    tpu.enqueue_indirect_dma source(%dma_start3A_68 : memref<10240x128xf32, #tpu.memory_space<hbm>>) target(%arg10 : memref<128x128xf32, #tpu.memory_space<vmem>>) offsets(%dma_start3A_65 : memref<128xi32, #tpu.memory_space<vmem>>) semaphore(%arg13 : memref<!tpu.dma_semaphore, #tpu.memory_space<semaphore_mem>>)
    %dma_wait3A_69 = arith.constant 0 : i32
    %dma_wait3A_70 = arith.constant 0 : i32
    %dma_wait3A_71 = tpu.memref_slice %arg2[%dma_wait3A_69, %dma_wait3A_70] : memref<10240x128xf32, #tpu.memory_space<hbm>> -> memref<128x128xf32, #tpu.memory_space<hbm>>
    %dma_wait3A_72 = arith.constant 0 : i32
    %dma_wait3A_73 = arith.constant 0 : i32
    %dma_wait3A_74 = tpu.memref_slice %arg2[%dma_wait3A_72, %dma_wait3A_73] : memref<10240x128xf32, #tpu.memory_space<hbm>> -> memref<128x128xf32, #tpu.memory_space<hbm>>
    tpu.wait_dma2 semaphore(%arg13 : memref<!tpu.dma_semaphore, #tpu.memory_space<semaphore_mem>>) src(%dma_wait3A_74 : memref<128x128xf32, #tpu.memory_space<hbm>>) dst(%arg10 : memref<128x128xf32, #tpu.memory_space<vmem>>)
    %dma_start3A_75 = arith.constant 1 : i32
    %dma_start3A_76 = arith.constant 0 : i32
    %dma_start3A_77 = tpu.memref_slice %arg6[%dma_start3A_75, %dma_start3A_76] : memref<2x128xi32, #tpu.memory_space<vmem>> -> memref<1x128xi32, #tpu.memory_space<vmem>>
    %dma_start3A_78 = tpu.memref_squeeze %dma_start3A_77 : memref<1x128xi32, #tpu.memory_space<vmem>> -> memref<128xi32, #tpu.memory_space<vmem>>
    %dma_start3A_79 = arith.constant 0 : i32
    %dma_start3A_80 = arith.constant 0 : i32
    %dma_start3A_81 = tpu.memref_slice %arg12[%dma_start3A_79, %dma_start3A_80] : memref<10240x128xf32, #tpu.memory_space<vmem_shared>> -> memref<10240x128xf32, #tpu.memory_space<vmem_shared>>
    tpu.enqueue_indirect_dma source(%arg10 : memref<128x128xf32, #tpu.memory_space<vmem>>) target(%dma_start3A_81 : memref<10240x128xf32, #tpu.memory_space<vmem_shared>>) offsets(%dma_start3A_78 : memref<128xi32, #tpu.memory_space<vmem>>) semaphore(%arg15 : memref<!tpu.dma_semaphore, #tpu.memory_space<semaphore_mem>>) {add = true}
    %dma_wait3A_82 = arith.constant 0 : i32
    %dma_wait3A_83 = arith.constant 0 : i32
    %dma_wait3A_84 = arith.constant 0 : i32
    %dma_wait3A_85 = tpu.memref_slice %arg3[%dma_wait3A_82, %dma_wait3A_83, %dma_wait3A_84] : memref<2560x2x128xi32, #tpu.memory_space<hbm>> -> memref<1x2x128xi32, #tpu.memory_space<hbm>>
    %dma_wait3A_86 = tpu.memref_squeeze %dma_wait3A_85 : memref<1x2x128xi32, #tpu.memory_space<hbm>> -> memref<2x128xi32, #tpu.memory_space<hbm>>
    %dma_wait3A_87 = arith.constant 0 : i32
    %dma_wait3A_88 = arith.constant 0 : i32
    %dma_wait3A_89 = tpu.memref_slice %arg3[%dma_wait3A_82, %dma_wait3A_87, %dma_wait3A_88] : memref<2560x2x128xi32, #tpu.memory_space<hbm>> -> memref<1x2x128xi32, #tpu.memory_space<hbm>>
    %dma_wait3A_90 = tpu.memref_squeeze %dma_wait3A_89 : memref<1x2x128xi32, #tpu.memory_space<hbm>> -> memref<2x128xi32, #tpu.memory_space<hbm>>
    tpu.wait_dma2 semaphore(%arg18 : memref<!tpu.dma_semaphore, #tpu.memory_space<semaphore_mem>>) src(%dma_wait3A_90 : memref<2x128xi32, #tpu.memory_space<hbm>>) dst(%arg7 : memref<2x128xi32, #tpu.memory_space<vmem>>)
    %dma_start3A_91 = arith.constant 0 : i32
    %dma_start3A_92 = arith.constant 0 : i32
    %dma_start3A_93 = tpu.memref_slice %arg7[%dma_start3A_91, %dma_start3A_92] : memref<2x128xi32, #tpu.memory_space<vmem>> -> memref<1x128xi32, #tpu.memory_space<vmem>>
    %dma_start3A_94 = tpu.memref_squeeze %dma_start3A_93 : memref<1x128xi32, #tpu.memory_space<vmem>> -> memref<128xi32, #tpu.memory_space<vmem>>
    %dma_start3A_95 = arith.constant 0 : i32
    %dma_start3A_96 = arith.constant 0 : i32
    %dma_start3A_97 = tpu.memref_slice %arg2[%dma_start3A_95, %dma_start3A_96] : memref<10240x128xf32, #tpu.memory_space<hbm>> -> memref<10240x128xf32, #tpu.memory_space<hbm>>
    tpu.enqueue_indirect_dma source(%dma_start3A_97 : memref<10240x128xf32, #tpu.memory_space<hbm>>) target(%arg11 : memref<128x128xf32, #tpu.memory_space<vmem>>) offsets(%dma_start3A_94 : memref<128xi32, #tpu.memory_space<vmem>>) semaphore(%arg14 : memref<!tpu.dma_semaphore, #tpu.memory_space<semaphore_mem>>)
    %dma_wait3A_98 = arith.constant 0 : i32
    %dma_wait3A_99 = arith.constant 0 : i32
    %dma_wait3A_100 = tpu.memref_slice %arg2[%dma_wait3A_98, %dma_wait3A_99] : memref<10240x128xf32, #tpu.memory_space<hbm>> -> memref<128x128xf32, #tpu.memory_space<hbm>>
    %dma_wait3A_101 = arith.constant 0 : i32
    %dma_wait3A_102 = arith.constant 0 : i32
    %dma_wait3A_103 = tpu.memref_slice %arg2[%dma_wait3A_101, %dma_wait3A_102] : memref<10240x128xf32, #tpu.memory_space<hbm>> -> memref<128x128xf32, #tpu.memory_space<hbm>>
    tpu.wait_dma2 semaphore(%arg14 : memref<!tpu.dma_semaphore, #tpu.memory_space<semaphore_mem>>) src(%dma_wait3A_103 : memref<128x128xf32, #tpu.memory_space<hbm>>) dst(%arg11 : memref<128x128xf32, #tpu.memory_space<vmem>>)
    %dma_start3A_104 = arith.constant 1 : i32
    %dma_start3A_105 = arith.constant 0 : i32
    %dma_start3A_106 = tpu.memref_slice %arg7[%dma_start3A_104, %dma_start3A_105] : memref<2x128xi32, #tpu.memory_space<vmem>> -> memref<1x128xi32, #tpu.memory_space<vmem>>
    %dma_start3A_107 = tpu.memref_squeeze %dma_start3A_106 : memref<1x128xi32, #tpu.memory_space<vmem>> -> memref<128xi32, #tpu.memory_space<vmem>>
    %dma_start3A_108 = arith.constant 0 : i32
    %dma_start3A_109 = arith.constant 0 : i32
    %dma_start3A_110 = tpu.memref_slice %arg12[%dma_start3A_108, %dma_start3A_109] : memref<10240x128xf32, #tpu.memory_space<vmem_shared>> -> memref<10240x128xf32, #tpu.memory_space<vmem_shared>>
    tpu.enqueue_indirect_dma source(%arg11 : memref<128x128xf32, #tpu.memory_space<vmem>>) target(%dma_start3A_110 : memref<10240x128xf32, #tpu.memory_space<vmem_shared>>) offsets(%dma_start3A_107 : memref<128xi32, #tpu.memory_space<vmem>>) semaphore(%arg16 : memref<!tpu.dma_semaphore, #tpu.memory_space<semaphore_mem>>) {add = true}
    %dma_wait3A_111 = arith.constant 0 : i32
    %dma_wait3A_112 = arith.constant 0 : i32
    %dma_wait3A_113 = tpu.memref_slice %arg12[%dma_wait3A_111, %dma_wait3A_112] : memref<10240x128xf32, #tpu.memory_space<vmem_shared>> -> memref<128x128xf32, #tpu.memory_space<vmem_shared>>
    %dma_wait3A_114 = arith.constant 0 : i32
    %dma_wait3A_115 = arith.constant 0 : i32
    %dma_wait3A_116 = tpu.memref_slice %arg12[%dma_wait3A_114, %dma_wait3A_115] : memref<10240x128xf32, #tpu.memory_space<vmem_shared>> -> memref<128x128xf32, #tpu.memory_space<vmem_shared>>
    tpu.wait_dma2 semaphore(%arg15 : memref<!tpu.dma_semaphore, #tpu.memory_space<semaphore_mem>>) src(%arg10 : memref<128x128xf32, #tpu.memory_space<vmem>>) dst(%dma_wait3A_116 : memref<128x128xf32, #tpu.memory_space<vmem_shared>>)
    %add3A_117 = arith.constant 4 : i32
    %add3A_118 = arith.addi %mul3A_14, %add3A_117 : i32
    %dma_start3A_119 = arith.constant 0 : i32
    %dma_start3A_120 = arith.constant 0 : i32
    %dma_start3A_121 = tpu.memref_slice %arg3[%add3A_118, %dma_start3A_119, %dma_start3A_120] : memref<2560x2x128xi32, #tpu.memory_space<hbm>> -> memref<1x2x128xi32, #tpu.memory_space<hbm>>
    %dma_start3A_122 = tpu.memref_squeeze %dma_start3A_121 : memref<1x2x128xi32, #tpu.memory_space<hbm>> -> memref<2x128xi32, #tpu.memory_space<hbm>>
    %dma_start3A_123 = arith.constant 0 : i32
    %dma_start3A_124 = arith.constant 0 : i32
    %dma_start3A_125 = tpu.memref_slice %arg3[%add3A_118, %dma_start3A_123, %dma_start3A_124] : memref<2560x2x128xi32, #tpu.memory_space<hbm>> -> memref<1x2x128xi32, #tpu.memory_space<hbm>>
    %dma_start3A_126 = tpu.memref_squeeze %dma_start3A_125 : memref<1x2x128xi32, #tpu.memory_space<hbm>> -> memref<2x128xi32, #tpu.memory_space<hbm>>
    tpu.enqueue_dma source(%dma_start3A_126 : memref<2x128xi32, #tpu.memory_space<hbm>>) target(%arg6 : memref<2x128xi32, #tpu.memory_space<vmem>>) target_semaphore(%arg17 : memref<!tpu.dma_semaphore, #tpu.memory_space<semaphore_mem>>)
    %dma_wait3A_127 = arith.constant 0 : i32
    %dma_wait3A_128 = arith.constant 0 : i32
    %dma_wait3A_129 = arith.constant 0 : i32
    %dma_wait3A_130 = tpu.memref_slice %arg3[%dma_wait3A_127, %dma_wait3A_128, %dma_wait3A_129] : memref<2560x2x128xi32, #tpu.memory_space<hbm>> -> memref<1x2x128xi32, #tpu.memory_space<hbm>>
    %dma_wait3A_131 = tpu.memref_squeeze %dma_wait3A_130 : memref<1x2x128xi32, #tpu.memory_space<hbm>> -> memref<2x128xi32, #tpu.memory_space<hbm>>
    %dma_wait3A_132 = arith.constant 0 : i32
    %dma_wait3A_133 = arith.constant 0 : i32
    %dma_wait3A_134 = tpu.memref_slice %arg3[%dma_wait3A_127, %dma_wait3A_132, %dma_wait3A_133] : memref<2560x2x128xi32, #tpu.memory_space<hbm>> -> memref<1x2x128xi32, #tpu.memory_space<hbm>>
    %dma_wait3A_135 = tpu.memref_squeeze %dma_wait3A_134 : memref<1x2x128xi32, #tpu.memory_space<hbm>> -> memref<2x128xi32, #tpu.memory_space<hbm>>
    tpu.wait_dma2 semaphore(%arg19 : memref<!tpu.dma_semaphore, #tpu.memory_space<semaphore_mem>>) src(%dma_wait3A_135 : memref<2x128xi32, #tpu.memory_space<hbm>>) dst(%arg8 : memref<2x128xi32, #tpu.memory_space<vmem>>)
    %dma_start3A_136 = arith.constant 0 : i32
    %dma_start3A_137 = arith.constant 0 : i32
    %dma_start3A_138 = tpu.memref_slice %arg8[%dma_start3A_136, %dma_start3A_137] : memref<2x128xi32, #tpu.memory_space<vmem>> -> memref<1x128xi32, #tpu.memory_space<vmem>>
    %dma_start3A_139 = tpu.memref_squeeze %dma_start3A_138 : memref<1x128xi32, #tpu.memory_space<vmem>> -> memref<128xi32, #tpu.memory_space<vmem>>
    %dma_start3A_140 = arith.constant 0 : i32
    %dma_start3A_141 = arith.constant 0 : i32
    %dma_start3A_142 = tpu.memref_slice %arg2[%dma_start3A_140, %dma_start3A_141] : memref<10240x128xf32, #tpu.memory_space<hbm>> -> memref<10240x128xf32, #tpu.memory_space<hbm>>
    tpu.enqueue_indirect_dma source(%dma_start3A_142 : memref<10240x128xf32, #tpu.memory_space<hbm>>) target(%arg10 : memref<128x128xf32, #tpu.memory_space<vmem>>) offsets(%dma_start3A_139 : memref<128xi32, #tpu.memory_space<vmem>>) semaphore(%arg13 : memref<!tpu.dma_semaphore, #tpu.memory_space<semaphore_mem>>)
    %dma_wait3A_143 = arith.constant 0 : i32
    %dma_wait3A_144 = arith.constant 0 : i32
    %dma_wait3A_145 = tpu.memref_slice %arg2[%dma_wait3A_143, %dma_wait3A_144] : memref<10240x128xf32, #tpu.memory_space<hbm>> -> memref<128x128xf32, #tpu.memory_space<hbm>>
    %dma_wait3A_146 = arith.constant 0 : i32
    %dma_wait3A_147 = arith.constant 0 : i32
    %dma_wait3A_148 = tpu.memref_slice %arg2[%dma_wait3A_146, %dma_wait3A_147] : memref<10240x128xf32, #tpu.memory_space<hbm>> -> memref<128x128xf32, #tpu.memory_space<hbm>>
    tpu.wait_dma2 semaphore(%arg13 : memref<!tpu.dma_semaphore, #tpu.memory_space<semaphore_mem>>) src(%dma_wait3A_148 : memref<128x128xf32, #tpu.memory_space<hbm>>) dst(%arg10 : memref<128x128xf32, #tpu.memory_space<vmem>>)
    %dma_start3A_149 = arith.constant 1 : i32
    %dma_start3A_150 = arith.constant 0 : i32
    %dma_start3A_151 = tpu.memref_slice %arg8[%dma_start3A_149, %dma_start3A_150] : memref<2x128xi32, #tpu.memory_space<vmem>> -> memref<1x128xi32, #tpu.memory_space<vmem>>
    %dma_start3A_152 = tpu.memref_squeeze %dma_start3A_151 : memref<1x128xi32, #tpu.memory_space<vmem>> -> memref<128xi32, #tpu.memory_space<vmem>>
    %dma_start3A_153 = arith.constant 0 : i32
    %dma_start3A_154 = arith.constant 0 : i32
    %dma_start3A_155 = tpu.memref_slice %arg12[%dma_start3A_153, %dma_start3A_154] : memref<10240x128xf32, #tpu.memory_space<vmem_shared>> -> memref<10240x128xf32, #tpu.memory_space<vmem_shared>>
    tpu.enqueue_indirect_dma source(%arg10 : memref<128x128xf32, #tpu.memory_space<vmem>>) target(%dma_start3A_155 : memref<10240x128xf32, #tpu.memory_space<vmem_shared>>) offsets(%dma_start3A_152 : memref<128xi32, #tpu.memory_space<vmem>>) semaphore(%arg15 : memref<!tpu.dma_semaphore, #tpu.memory_space<semaphore_mem>>) {add = true}
    %dma_wait3A_156 = arith.constant 0 : i32
    %dma_wait3A_157 = arith.constant 0 : i32
    %dma_wait3A_158 = tpu.memref_slice %arg12[%dma_wait3A_156, %dma_wait3A_157] : memref<10240x128xf32, #tpu.memory_space<vmem_shared>> -> memref<128x128xf32, #tpu.memory_space<vmem_shared>>
    %dma_wait3A_159 = arith.constant 0 : i32
    %dma_wait3A_160 = arith.constant 0 : i32
    %dma_wait3A_161 = tpu.memref_slice %arg12[%dma_wait3A_159, %dma_wait3A_160] : memref<10240x128xf32, #tpu.memory_space<vmem_shared>> -> memref<128x128xf32, #tpu.memory_space<vmem_shared>>
    tpu.wait_dma2 semaphore(%arg16 : memref<!tpu.dma_semaphore, #tpu.memory_space<semaphore_mem>>) src(%arg11 : memref<128x128xf32, #tpu.memory_space<vmem>>) dst(%dma_wait3A_161 : memref<128x128xf32, #tpu.memory_space<vmem_shared>>)
    %add3A_162 = arith.constant 5 : i32
    %add3A_163 = arith.addi %mul3A_14, %add3A_162 : i32
    %dma_start3A_164 = arith.constant 0 : i32
    %dma_start3A_165 = arith.constant 0 : i32
    %dma_start3A_166 = tpu.memref_slice %arg3[%add3A_163, %dma_start3A_164, %dma_start3A_165] : memref<2560x2x128xi32, #tpu.memory_space<hbm>> -> memref<1x2x128xi32, #tpu.memory_space<hbm>>
    %dma_start3A_167 = tpu.memref_squeeze %dma_start3A_166 : memref<1x2x128xi32, #tpu.memory_space<hbm>> -> memref<2x128xi32, #tpu.memory_space<hbm>>
    %dma_start3A_168 = arith.constant 0 : i32
    %dma_start3A_169 = arith.constant 0 : i32
    %dma_start3A_170 = tpu.memref_slice %arg3[%add3A_163, %dma_start3A_168, %dma_start3A_169] : memref<2560x2x128xi32, #tpu.memory_space<hbm>> -> memref<1x2x128xi32, #tpu.memory_space<hbm>>
    %dma_start3A_171 = tpu.memref_squeeze %dma_start3A_170 : memref<1x2x128xi32, #tpu.memory_space<hbm>> -> memref<2x128xi32, #tpu.memory_space<hbm>>
    tpu.enqueue_dma source(%dma_start3A_171 : memref<2x128xi32, #tpu.memory_space<hbm>>) target(%arg7 : memref<2x128xi32, #tpu.memory_space<vmem>>) target_semaphore(%arg18 : memref<!tpu.dma_semaphore, #tpu.memory_space<semaphore_mem>>)
    %dma_wait3A_172 = arith.constant 0 : i32
    %dma_wait3A_173 = arith.constant 0 : i32
    %dma_wait3A_174 = arith.constant 0 : i32
    %dma_wait3A_175 = tpu.memref_slice %arg3[%dma_wait3A_172, %dma_wait3A_173, %dma_wait3A_174] : memref<2560x2x128xi32, #tpu.memory_space<hbm>> -> memref<1x2x128xi32, #tpu.memory_space<hbm>>
    %dma_wait3A_176 = tpu.memref_squeeze %dma_wait3A_175 : memref<1x2x128xi32, #tpu.memory_space<hbm>> -> memref<2x128xi32, #tpu.memory_space<hbm>>
    %dma_wait3A_177 = arith.constant 0 : i32
    %dma_wait3A_178 = arith.constant 0 : i32
    %dma_wait3A_179 = tpu.memref_slice %arg3[%dma_wait3A_172, %dma_wait3A_177, %dma_wait3A_178] : memref<2560x2x128xi32, #tpu.memory_space<hbm>> -> memref<1x2x128xi32, #tpu.memory_space<hbm>>
    %dma_wait3A_180 = tpu.memref_squeeze %dma_wait3A_179 : memref<1x2x128xi32, #tpu.memory_space<hbm>> -> memref<2x128xi32, #tpu.memory_space<hbm>>
    tpu.wait_dma2 semaphore(%arg20 : memref<!tpu.dma_semaphore, #tpu.memory_space<semaphore_mem>>) src(%dma_wait3A_180 : memref<2x128xi32, #tpu.memory_space<hbm>>) dst(%arg9 : memref<2x128xi32, #tpu.memory_space<vmem>>)
    %dma_start3A_181 = arith.constant 0 : i32
    %dma_start3A_182 = arith.constant 0 : i32
    %dma_start3A_183 = tpu.memref_slice %arg9[%dma_start3A_181, %dma_start3A_182] : memref<2x128xi32, #tpu.memory_space<vmem>> -> memref<1x128xi32, #tpu.memory_space<vmem>>
    %dma_start3A_184 = tpu.memref_squeeze %dma_start3A_183 : memref<1x128xi32, #tpu.memory_space<vmem>> -> memref<128xi32, #tpu.memory_space<vmem>>
    %dma_start3A_185 = arith.constant 0 : i32
    %dma_start3A_186 = arith.constant 0 : i32
    %dma_start3A_187 = tpu.memref_slice %arg2[%dma_start3A_185, %dma_start3A_186] : memref<10240x128xf32, #tpu.memory_space<hbm>> -> memref<10240x128xf32, #tpu.memory_space<hbm>>
    tpu.enqueue_indirect_dma source(%dma_start3A_187 : memref<10240x128xf32, #tpu.memory_space<hbm>>) target(%arg11 : memref<128x128xf32, #tpu.memory_space<vmem>>) offsets(%dma_start3A_184 : memref<128xi32, #tpu.memory_space<vmem>>) semaphore(%arg14 : memref<!tpu.dma_semaphore, #tpu.memory_space<semaphore_mem>>)
    %dma_wait3A_188 = arith.constant 0 : i32
    %dma_wait3A_189 = arith.constant 0 : i32
    %dma_wait3A_190 = tpu.memref_slice %arg2[%dma_wait3A_188, %dma_wait3A_189] : memref<10240x128xf32, #tpu.memory_space<hbm>> -> memref<128x128xf32, #tpu.memory_space<hbm>>
    %dma_wait3A_191 = arith.constant 0 : i32
    %dma_wait3A_192 = arith.constant 0 : i32
    %dma_wait3A_193 = tpu.memref_slice %arg2[%dma_wait3A_191, %dma_wait3A_192] : memref<10240x128xf32, #tpu.memory_space<hbm>> -> memref<128x128xf32, #tpu.memory_space<hbm>>
    tpu.wait_dma2 semaphore(%arg14 : memref<!tpu.dma_semaphore, #tpu.memory_space<semaphore_mem>>) src(%dma_wait3A_193 : memref<128x128xf32, #tpu.memory_space<hbm>>) dst(%arg11 : memref<128x128xf32, #tpu.memory_space<vmem>>)
    %dma_start3A_194 = arith.constant 1 : i32
    %dma_start3A_195 = arith.constant 0 : i32
    %dma_start3A_196 = tpu.memref_slice %arg9[%dma_start3A_194, %dma_start3A_195] : memref<2x128xi32, #tpu.memory_space<vmem>> -> memref<1x128xi32, #tpu.memory_space<vmem>>
    %dma_start3A_197 = tpu.memref_squeeze %dma_start3A_196 : memref<1x128xi32, #tpu.memory_space<vmem>> -> memref<128xi32, #tpu.memory_space<vmem>>
    %dma_start3A_198 = arith.constant 0 : i32
    %dma_start3A_199 = arith.constant 0 : i32
    %dma_start3A_200 = tpu.memref_slice %arg12[%dma_start3A_198, %dma_start3A_199] : memref<10240x128xf32, #tpu.memory_space<vmem_shared>> -> memref<10240x128xf32, #tpu.memory_space<vmem_shared>>
    tpu.enqueue_indirect_dma source(%arg11 : memref<128x128xf32, #tpu.memory_space<vmem>>) target(%dma_start3A_200 : memref<10240x128xf32, #tpu.memory_space<vmem_shared>>) offsets(%dma_start3A_197 : memref<128xi32, #tpu.memory_space<vmem>>) semaphore(%arg16 : memref<!tpu.dma_semaphore, #tpu.memory_space<semaphore_mem>>) {add = true}
    %dma_wait3A_201 = arith.constant 0 : i32
    %dma_wait3A_202 = arith.constant 0 : i32
    %dma_wait3A_203 = tpu.memref_slice %arg12[%dma_wait3A_201, %dma_wait3A_202] : memref<10240x128xf32, #tpu.memory_space<vmem_shared>> -> memref<128x128xf32, #tpu.memory_space<vmem_shared>>
    %dma_wait3A_204 = arith.constant 0 : i32
    %dma_wait3A_205 = arith.constant 0 : i32
    %dma_wait3A_206 = tpu.memref_slice %arg12[%dma_wait3A_204, %dma_wait3A_205] : memref<10240x128xf32, #tpu.memory_space<vmem_shared>> -> memref<128x128xf32, #tpu.memory_space<vmem_shared>>
    tpu.wait_dma2 semaphore(%arg15 : memref<!tpu.dma_semaphore, #tpu.memory_space<semaphore_mem>>) src(%arg10 : memref<128x128xf32, #tpu.memory_space<vmem>>) dst(%dma_wait3A_206 : memref<128x128xf32, #tpu.memory_space<vmem_shared>>)
    %add3A_207 = arith.constant 6 : i32
    %add3A_208 = arith.addi %mul3A_14, %add3A_207 : i32
    %dma_start3A_209 = arith.constant 0 : i32
    %dma_start3A_210 = arith.constant 0 : i32
    %dma_start3A_211 = tpu.memref_slice %arg3[%add3A_208, %dma_start3A_209, %dma_start3A_210] : memref<2560x2x128xi32, #tpu.memory_space<hbm>> -> memref<1x2x128xi32, #tpu.memory_space<hbm>>
    %dma_start3A_212 = tpu.memref_squeeze %dma_start3A_211 : memref<1x2x128xi32, #tpu.memory_space<hbm>> -> memref<2x128xi32, #tpu.memory_space<hbm>>
    %dma_start3A_213 = arith.constant 0 : i32
    %dma_start3A_214 = arith.constant 0 : i32
    %dma_start3A_215 = tpu.memref_slice %arg3[%add3A_208, %dma_start3A_213, %dma_start3A_214] : memref<2560x2x128xi32, #tpu.memory_space<hbm>> -> memref<1x2x128xi32, #tpu.memory_space<hbm>>
    %dma_start3A_216 = tpu.memref_squeeze %dma_start3A_215 : memref<1x2x128xi32, #tpu.memory_space<hbm>> -> memref<2x128xi32, #tpu.memory_space<hbm>>
    tpu.enqueue_dma source(%dma_start3A_216 : memref<2x128xi32, #tpu.memory_space<hbm>>) target(%arg8 : memref<2x128xi32, #tpu.memory_space<vmem>>) target_semaphore(%arg19 : memref<!tpu.dma_semaphore, #tpu.memory_space<semaphore_mem>>)
    %dma_wait3A_217 = arith.constant 0 : i32
    %dma_wait3A_218 = arith.constant 0 : i32
    %dma_wait3A_219 = arith.constant 0 : i32
    %dma_wait3A_220 = tpu.memref_slice %arg3[%dma_wait3A_217, %dma_wait3A_218, %dma_wait3A_219] : memref<2560x2x128xi32, #tpu.memory_space<hbm>> -> memref<1x2x128xi32, #tpu.memory_space<hbm>>
    %dma_wait3A_221 = tpu.memref_squeeze %dma_wait3A_220 : memref<1x2x128xi32, #tpu.memory_space<hbm>> -> memref<2x128xi32, #tpu.memory_space<hbm>>
    %dma_wait3A_222 = arith.constant 0 : i32
    %dma_wait3A_223 = arith.constant 0 : i32
    %dma_wait3A_224 = tpu.memref_slice %arg3[%dma_wait3A_217, %dma_wait3A_222, %dma_wait3A_223] : memref<2560x2x128xi32, #tpu.memory_space<hbm>> -> memref<1x2x128xi32, #tpu.memory_space<hbm>>
    %dma_wait3A_225 = tpu.memref_squeeze %dma_wait3A_224 : memref<1x2x128xi32, #tpu.memory_space<hbm>> -> memref<2x128xi32, #tpu.memory_space<hbm>>
    tpu.wait_dma2 semaphore(%arg17 : memref<!tpu.dma_semaphore, #tpu.memory_space<semaphore_mem>>) src(%dma_wait3A_225 : memref<2x128xi32, #tpu.memory_space<hbm>>) dst(%arg6 : memref<2x128xi32, #tpu.memory_space<vmem>>)
    %dma_start3A_226 = arith.constant 0 : i32
    %dma_start3A_227 = arith.constant 0 : i32
    %dma_start3A_228 = tpu.memref_slice %arg6[%dma_start3A_226, %dma_start3A_227] : memref<2x128xi32, #tpu.memory_space<vmem>> -> memref<1x128xi32, #tpu.memory_space<vmem>>
    %dma_start3A_229 = tpu.memref_squeeze %dma_start3A_228 : memref<1x128xi32, #tpu.memory_space<vmem>> -> memref<128xi32, #tpu.memory_space<vmem>>
    %dma_start3A_230 = arith.constant 0 : i32
    %dma_start3A_231 = arith.constant 0 : i32
    %dma_start3A_232 = tpu.memref_slice %arg2[%dma_start3A_230, %dma_start3A_231] : memref<10240x128xf32, #tpu.memory_space<hbm>> -> memref<10240x128xf32, #tpu.memory_space<hbm>>
    tpu.enqueue_indirect_dma source(%dma_start3A_232 : memref<10240x128xf32, #tpu.memory_space<hbm>>) target(%arg10 : memref<128x128xf32, #tpu.memory_space<vmem>>) offsets(%dma_start3A_229 : memref<128xi32, #tpu.memory_space<vmem>>) semaphore(%arg13 : memref<!tpu.dma_semaphore, #tpu.memory_space<semaphore_mem>>)
    %scan3A = arith.constant 0 : i32
    %scan3A_233 = arith.constant 1 : i32
    %scan3A_234 = arith.constant 18 : i32
    %scan3A_235 = arith.addi %scan3A_233, %scan3A_234 : i32
    %scan3A_236 = arith.constant 1 : i32
    scf.for %scan3A_449 = %scan3A_233 to %scan3A_235 step %scan3A_236  : i32 {
      %mul3A_450 = arith.constant 4 : i32
      %mul3A_451 = arith.muli %mul3A_450, %scan3A_449 : i32
      %add3A_452 = arith.constant 0 : i32
      %add3A_453 = arith.addi %mul3A_451, %add3A_452 : i32
      %dma_wait3A_454 = arith.constant 0 : i32
      %dma_wait3A_455 = arith.constant 0 : i32
      %dma_wait3A_456 = tpu.memref_slice %arg2[%dma_wait3A_454, %dma_wait3A_455] : memref<10240x128xf32, #tpu.memory_space<hbm>> -> memref<128x128xf32, #tpu.memory_space<hbm>>
      %dma_wait3A_457 = arith.constant 0 : i32
      %dma_wait3A_458 = arith.constant 0 : i32
      %dma_wait3A_459 = tpu.memref_slice %arg2[%dma_wait3A_457, %dma_wait3A_458] : memref<10240x128xf32, #tpu.memory_space<hbm>> -> memref<128x128xf32, #tpu.memory_space<hbm>>
      tpu.wait_dma2 semaphore(%arg13 : memref<!tpu.dma_semaphore, #tpu.memory_space<semaphore_mem>>) src(%dma_wait3A_459 : memref<128x128xf32, #tpu.memory_space<hbm>>) dst(%arg10 : memref<128x128xf32, #tpu.memory_space<vmem>>)
      %dma_start3A_460 = arith.constant 1 : i32
      %dma_start3A_461 = arith.constant 0 : i32
      %dma_start3A_462 = tpu.memref_slice %arg6[%dma_start3A_460, %dma_start3A_461] : memref<2x128xi32, #tpu.memory_space<vmem>> -> memref<1x128xi32, #tpu.memory_space<vmem>>
      %dma_start3A_463 = tpu.memref_squeeze %dma_start3A_462 : memref<1x128xi32, #tpu.memory_space<vmem>> -> memref<128xi32, #tpu.memory_space<vmem>>
      %dma_start3A_464 = arith.constant 0 : i32
      %dma_start3A_465 = arith.constant 0 : i32
      %dma_start3A_466 = tpu.memref_slice %arg12[%dma_start3A_464, %dma_start3A_465] : memref<10240x128xf32, #tpu.memory_space<vmem_shared>> -> memref<10240x128xf32, #tpu.memory_space<vmem_shared>>
      tpu.enqueue_indirect_dma source(%arg10 : memref<128x128xf32, #tpu.memory_space<vmem>>) target(%dma_start3A_466 : memref<10240x128xf32, #tpu.memory_space<vmem_shared>>) offsets(%dma_start3A_463 : memref<128xi32, #tpu.memory_space<vmem>>) semaphore(%arg15 : memref<!tpu.dma_semaphore, #tpu.memory_space<semaphore_mem>>) {add = true}
      %dma_wait3A_467 = arith.constant 0 : i32
      %dma_wait3A_468 = arith.constant 0 : i32
      %dma_wait3A_469 = tpu.memref_slice %arg12[%dma_wait3A_467, %dma_wait3A_468] : memref<10240x128xf32, #tpu.memory_space<vmem_shared>> -> memref<128x128xf32, #tpu.memory_space<vmem_shared>>
      %dma_wait3A_470 = arith.constant 0 : i32
      %dma_wait3A_471 = arith.constant 0 : i32
      %dma_wait3A_472 = tpu.memref_slice %arg12[%dma_wait3A_470, %dma_wait3A_471] : memref<10240x128xf32, #tpu.memory_space<vmem_shared>> -> memref<128x128xf32, #tpu.memory_space<vmem_shared>>
      tpu.wait_dma2 semaphore(%arg16 : memref<!tpu.dma_semaphore, #tpu.memory_space<semaphore_mem>>) src(%arg11 : memref<128x128xf32, #tpu.memory_space<vmem>>) dst(%dma_wait3A_472 : memref<128x128xf32, #tpu.memory_space<vmem_shared>>)
      %add3A_473 = arith.constant 3 : i32
      %add3A_474 = arith.addi %add3A_453, %add3A_473 : i32
      %add3A_475 = arith.addi %mul3A_14, %add3A_474 : i32
      %dma_start3A_476 = arith.constant 0 : i32
      %dma_start3A_477 = arith.constant 0 : i32
      %dma_start3A_478 = tpu.memref_slice %arg3[%add3A_475, %dma_start3A_476, %dma_start3A_477] : memref<2560x2x128xi32, #tpu.memory_space<hbm>> -> memref<1x2x128xi32, #tpu.memory_space<hbm>>
      %dma_start3A_479 = tpu.memref_squeeze %dma_start3A_478 : memref<1x2x128xi32, #tpu.memory_space<hbm>> -> memref<2x128xi32, #tpu.memory_space<hbm>>
      %dma_start3A_480 = arith.constant 0 : i32
      %dma_start3A_481 = arith.constant 0 : i32
      %dma_start3A_482 = tpu.memref_slice %arg3[%add3A_475, %dma_start3A_480, %dma_start3A_481] : memref<2560x2x128xi32, #tpu.memory_space<hbm>> -> memref<1x2x128xi32, #tpu.memory_space<hbm>>
      %dma_start3A_483 = tpu.memref_squeeze %dma_start3A_482 : memref<1x2x128xi32, #tpu.memory_space<hbm>> -> memref<2x128xi32, #tpu.memory_space<hbm>>
      tpu.enqueue_dma source(%dma_start3A_483 : memref<2x128xi32, #tpu.memory_space<hbm>>) target(%arg9 : memref<2x128xi32, #tpu.memory_space<vmem>>) target_semaphore(%arg20 : memref<!tpu.dma_semaphore, #tpu.memory_space<semaphore_mem>>)
      %dma_wait3A_484 = arith.constant 0 : i32
      %dma_wait3A_485 = arith.constant 0 : i32
      %dma_wait3A_486 = arith.constant 0 : i32
      %dma_wait3A_487 = tpu.memref_slice %arg3[%dma_wait3A_484, %dma_wait3A_485, %dma_wait3A_486] : memref<2560x2x128xi32, #tpu.memory_space<hbm>> -> memref<1x2x128xi32, #tpu.memory_space<hbm>>
      %dma_wait3A_488 = tpu.memref_squeeze %dma_wait3A_487 : memref<1x2x128xi32, #tpu.memory_space<hbm>> -> memref<2x128xi32, #tpu.memory_space<hbm>>
      %dma_wait3A_489 = arith.constant 0 : i32
      %dma_wait3A_490 = arith.constant 0 : i32
      %dma_wait3A_491 = tpu.memref_slice %arg3[%dma_wait3A_484, %dma_wait3A_489, %dma_wait3A_490] : memref<2560x2x128xi32, #tpu.memory_space<hbm>> -> memref<1x2x128xi32, #tpu.memory_space<hbm>>
      %dma_wait3A_492 = tpu.memref_squeeze %dma_wait3A_491 : memref<1x2x128xi32, #tpu.memory_space<hbm>> -> memref<2x128xi32, #tpu.memory_space<hbm>>
      tpu.wait_dma2 semaphore(%arg18 : memref<!tpu.dma_semaphore, #tpu.memory_space<semaphore_mem>>) src(%dma_wait3A_492 : memref<2x128xi32, #tpu.memory_space<hbm>>) dst(%arg7 : memref<2x128xi32, #tpu.memory_space<vmem>>)
      %dma_start3A_493 = arith.constant 0 : i32
      %dma_start3A_494 = arith.constant 0 : i32
      %dma_start3A_495 = tpu.memref_slice %arg7[%dma_start3A_493, %dma_start3A_494] : memref<2x128xi32, #tpu.memory_space<vmem>> -> memref<1x128xi32, #tpu.memory_space<vmem>>
      %dma_start3A_496 = tpu.memref_squeeze %dma_start3A_495 : memref<1x128xi32, #tpu.memory_space<vmem>> -> memref<128xi32, #tpu.memory_space<vmem>>
      %dma_start3A_497 = arith.constant 0 : i32
      %dma_start3A_498 = arith.constant 0 : i32
      %dma_start3A_499 = tpu.memref_slice %arg2[%dma_start3A_497, %dma_start3A_498] : memref<10240x128xf32, #tpu.memory_space<hbm>> -> memref<10240x128xf32, #tpu.memory_space<hbm>>
      tpu.enqueue_indirect_dma source(%dma_start3A_499 : memref<10240x128xf32, #tpu.memory_space<hbm>>) target(%arg11 : memref<128x128xf32, #tpu.memory_space<vmem>>) offsets(%dma_start3A_496 : memref<128xi32, #tpu.memory_space<vmem>>) semaphore(%arg14 : memref<!tpu.dma_semaphore, #tpu.memory_space<semaphore_mem>>)
      %mul3A_500 = arith.constant 4 : i32
      %mul3A_501 = arith.muli %mul3A_500, %scan3A_449 : i32
      %add3A_502 = arith.constant 1 : i32
      %add3A_503 = arith.addi %mul3A_501, %add3A_502 : i32
      %dma_wait3A_504 = arith.constant 0 : i32
      %dma_wait3A_505 = arith.constant 0 : i32
      %dma_wait3A_506 = tpu.memref_slice %arg2[%dma_wait3A_504, %dma_wait3A_505] : memref<10240x128xf32, #tpu.memory_space<hbm>> -> memref<128x128xf32, #tpu.memory_space<hbm>>
      %dma_wait3A_507 = arith.constant 0 : i32
      %dma_wait3A_508 = arith.constant 0 : i32
      %dma_wait3A_509 = tpu.memref_slice %arg2[%dma_wait3A_507, %dma_wait3A_508] : memref<10240x128xf32, #tpu.memory_space<hbm>> -> memref<128x128xf32, #tpu.memory_space<hbm>>
      tpu.wait_dma2 semaphore(%arg14 : memref<!tpu.dma_semaphore, #tpu.memory_space<semaphore_mem>>) src(%dma_wait3A_509 : memref<128x128xf32, #tpu.memory_space<hbm>>) dst(%arg11 : memref<128x128xf32, #tpu.memory_space<vmem>>)
      %dma_start3A_510 = arith.constant 1 : i32
      %dma_start3A_511 = arith.constant 0 : i32
      %dma_start3A_512 = tpu.memref_slice %arg7[%dma_start3A_510, %dma_start3A_511] : memref<2x128xi32, #tpu.memory_space<vmem>> -> memref<1x128xi32, #tpu.memory_space<vmem>>
      %dma_start3A_513 = tpu.memref_squeeze %dma_start3A_512 : memref<1x128xi32, #tpu.memory_space<vmem>> -> memref<128xi32, #tpu.memory_space<vmem>>
      %dma_start3A_514 = arith.constant 0 : i32
      %dma_start3A_515 = arith.constant 0 : i32
      %dma_start3A_516 = tpu.memref_slice %arg12[%dma_start3A_514, %dma_start3A_515] : memref<10240x128xf32, #tpu.memory_space<vmem_shared>> -> memref<10240x128xf32, #tpu.memory_space<vmem_shared>>
      tpu.enqueue_indirect_dma source(%arg11 : memref<128x128xf32, #tpu.memory_space<vmem>>) target(%dma_start3A_516 : memref<10240x128xf32, #tpu.memory_space<vmem_shared>>) offsets(%dma_start3A_513 : memref<128xi32, #tpu.memory_space<vmem>>) semaphore(%arg16 : memref<!tpu.dma_semaphore, #tpu.memory_space<semaphore_mem>>) {add = true}
      %dma_wait3A_517 = arith.constant 0 : i32
      %dma_wait3A_518 = arith.constant 0 : i32
      %dma_wait3A_519 = tpu.memref_slice %arg12[%dma_wait3A_517, %dma_wait3A_518] : memref<10240x128xf32, #tpu.memory_space<vmem_shared>> -> memref<128x128xf32, #tpu.memory_space<vmem_shared>>
      %dma_wait3A_520 = arith.constant 0 : i32
      %dma_wait3A_521 = arith.constant 0 : i32
      %dma_wait3A_522 = tpu.memref_slice %arg12[%dma_wait3A_520, %dma_wait3A_521] : memref<10240x128xf32, #tpu.memory_space<vmem_shared>> -> memref<128x128xf32, #tpu.memory_space<vmem_shared>>
      tpu.wait_dma2 semaphore(%arg15 : memref<!tpu.dma_semaphore, #tpu.memory_space<semaphore_mem>>) src(%arg10 : memref<128x128xf32, #tpu.memory_space<vmem>>) dst(%dma_wait3A_522 : memref<128x128xf32, #tpu.memory_space<vmem_shared>>)
      %add3A_523 = arith.constant 3 : i32
      %add3A_524 = arith.addi %add3A_503, %add3A_523 : i32
      %add3A_525 = arith.addi %mul3A_14, %add3A_524 : i32
      %dma_start3A_526 = arith.constant 0 : i32
      %dma_start3A_527 = arith.constant 0 : i32
      %dma_start3A_528 = tpu.memref_slice %arg3[%add3A_525, %dma_start3A_526, %dma_start3A_527] : memref<2560x2x128xi32, #tpu.memory_space<hbm>> -> memref<1x2x128xi32, #tpu.memory_space<hbm>>
      %dma_start3A_529 = tpu.memref_squeeze %dma_start3A_528 : memref<1x2x128xi32, #tpu.memory_space<hbm>> -> memref<2x128xi32, #tpu.memory_space<hbm>>
      %dma_start3A_530 = arith.constant 0 : i32
      %dma_start3A_531 = arith.constant 0 : i32
      %dma_start3A_532 = tpu.memref_slice %arg3[%add3A_525, %dma_start3A_530, %dma_start3A_531] : memref<2560x2x128xi32, #tpu.memory_space<hbm>> -> memref<1x2x128xi32, #tpu.memory_space<hbm>>
      %dma_start3A_533 = tpu.memref_squeeze %dma_start3A_532 : memref<1x2x128xi32, #tpu.memory_space<hbm>> -> memref<2x128xi32, #tpu.memory_space<hbm>>
      tpu.enqueue_dma source(%dma_start3A_533 : memref<2x128xi32, #tpu.memory_space<hbm>>) target(%arg6 : memref<2x128xi32, #tpu.memory_space<vmem>>) target_semaphore(%arg17 : memref<!tpu.dma_semaphore, #tpu.memory_space<semaphore_mem>>)
      %dma_wait3A_534 = arith.constant 0 : i32
      %dma_wait3A_535 = arith.constant 0 : i32
      %dma_wait3A_536 = arith.constant 0 : i32
      %dma_wait3A_537 = tpu.memref_slice %arg3[%dma_wait3A_534, %dma_wait3A_535, %dma_wait3A_536] : memref<2560x2x128xi32, #tpu.memory_space<hbm>> -> memref<1x2x128xi32, #tpu.memory_space<hbm>>
      %dma_wait3A_538 = tpu.memref_squeeze %dma_wait3A_537 : memref<1x2x128xi32, #tpu.memory_space<hbm>> -> memref<2x128xi32, #tpu.memory_space<hbm>>
      %dma_wait3A_539 = arith.constant 0 : i32
      %dma_wait3A_540 = arith.constant 0 : i32
      %dma_wait3A_541 = tpu.memref_slice %arg3[%dma_wait3A_534, %dma_wait3A_539, %dma_wait3A_540] : memref<2560x2x128xi32, #tpu.memory_space<hbm>> -> memref<1x2x128xi32, #tpu.memory_space<hbm>>
      %dma_wait3A_542 = tpu.memref_squeeze %dma_wait3A_541 : memref<1x2x128xi32, #tpu.memory_space<hbm>> -> memref<2x128xi32, #tpu.memory_space<hbm>>
      tpu.wait_dma2 semaphore(%arg19 : memref<!tpu.dma_semaphore, #tpu.memory_space<semaphore_mem>>) src(%dma_wait3A_542 : memref<2x128xi32, #tpu.memory_space<hbm>>) dst(%arg8 : memref<2x128xi32, #tpu.memory_space<vmem>>)
      %dma_start3A_543 = arith.constant 0 : i32
      %dma_start3A_544 = arith.constant 0 : i32
      %dma_start3A_545 = tpu.memref_slice %arg8[%dma_start3A_543, %dma_start3A_544] : memref<2x128xi32, #tpu.memory_space<vmem>> -> memref<1x128xi32, #tpu.memory_space<vmem>>
      %dma_start3A_546 = tpu.memref_squeeze %dma_start3A_545 : memref<1x128xi32, #tpu.memory_space<vmem>> -> memref<128xi32, #tpu.memory_space<vmem>>
      %dma_start3A_547 = arith.constant 0 : i32
      %dma_start3A_548 = arith.constant 0 : i32
      %dma_start3A_549 = tpu.memref_slice %arg2[%dma_start3A_547, %dma_start3A_548] : memref<10240x128xf32, #tpu.memory_space<hbm>> -> memref<10240x128xf32, #tpu.memory_space<hbm>>
      tpu.enqueue_indirect_dma source(%dma_start3A_549 : memref<10240x128xf32, #tpu.memory_space<hbm>>) target(%arg10 : memref<128x128xf32, #tpu.memory_space<vmem>>) offsets(%dma_start3A_546 : memref<128xi32, #tpu.memory_space<vmem>>) semaphore(%arg13 : memref<!tpu.dma_semaphore, #tpu.memory_space<semaphore_mem>>)
      %mul3A_550 = arith.constant 4 : i32
      %mul3A_551 = arith.muli %mul3A_550, %scan3A_449 : i32
      %add3A_552 = arith.constant 2 : i32
      %add3A_553 = arith.addi %mul3A_551, %add3A_552 : i32
      %dma_wait3A_554 = arith.constant 0 : i32
      %dma_wait3A_555 = arith.constant 0 : i32
      %dma_wait3A_556 = tpu.memref_slice %arg2[%dma_wait3A_554, %dma_wait3A_555] : memref<10240x128xf32, #tpu.memory_space<hbm>> -> memref<128x128xf32, #tpu.memory_space<hbm>>
      %dma_wait3A_557 = arith.constant 0 : i32
      %dma_wait3A_558 = arith.constant 0 : i32
      %dma_wait3A_559 = tpu.memref_slice %arg2[%dma_wait3A_557, %dma_wait3A_558] : memref<10240x128xf32, #tpu.memory_space<hbm>> -> memref<128x128xf32, #tpu.memory_space<hbm>>
      tpu.wait_dma2 semaphore(%arg13 : memref<!tpu.dma_semaphore, #tpu.memory_space<semaphore_mem>>) src(%dma_wait3A_559 : memref<128x128xf32, #tpu.memory_space<hbm>>) dst(%arg10 : memref<128x128xf32, #tpu.memory_space<vmem>>)
      %dma_start3A_560 = arith.constant 1 : i32
      %dma_start3A_561 = arith.constant 0 : i32
      %dma_start3A_562 = tpu.memref_slice %arg8[%dma_start3A_560, %dma_start3A_561] : memref<2x128xi32, #tpu.memory_space<vmem>> -> memref<1x128xi32, #tpu.memory_space<vmem>>
      %dma_start3A_563 = tpu.memref_squeeze %dma_start3A_562 : memref<1x128xi32, #tpu.memory_space<vmem>> -> memref<128xi32, #tpu.memory_space<vmem>>
      %dma_start3A_564 = arith.constant 0 : i32
      %dma_start3A_565 = arith.constant 0 : i32
      %dma_start3A_566 = tpu.memref_slice %arg12[%dma_start3A_564, %dma_start3A_565] : memref<10240x128xf32, #tpu.memory_space<vmem_shared>> -> memref<10240x128xf32, #tpu.memory_space<vmem_shared>>
      tpu.enqueue_indirect_dma source(%arg10 : memref<128x128xf32, #tpu.memory_space<vmem>>) target(%dma_start3A_566 : memref<10240x128xf32, #tpu.memory_space<vmem_shared>>) offsets(%dma_start3A_563 : memref<128xi32, #tpu.memory_space<vmem>>) semaphore(%arg15 : memref<!tpu.dma_semaphore, #tpu.memory_space<semaphore_mem>>) {add = true}
      %dma_wait3A_567 = arith.constant 0 : i32
      %dma_wait3A_568 = arith.constant 0 : i32
      %dma_wait3A_569 = tpu.memref_slice %arg12[%dma_wait3A_567, %dma_wait3A_568] : memref<10240x128xf32, #tpu.memory_space<vmem_shared>> -> memref<128x128xf32, #tpu.memory_space<vmem_shared>>
      %dma_wait3A_570 = arith.constant 0 : i32
      %dma_wait3A_571 = arith.constant 0 : i32
      %dma_wait3A_572 = tpu.memref_slice %arg12[%dma_wait3A_570, %dma_wait3A_571] : memref<10240x128xf32, #tpu.memory_space<vmem_shared>> -> memref<128x128xf32, #tpu.memory_space<vmem_shared>>
      tpu.wait_dma2 semaphore(%arg16 : memref<!tpu.dma_semaphore, #tpu.memory_space<semaphore_mem>>) src(%arg11 : memref<128x128xf32, #tpu.memory_space<vmem>>) dst(%dma_wait3A_572 : memref<128x128xf32, #tpu.memory_space<vmem_shared>>)
      %add3A_573 = arith.constant 3 : i32
      %add3A_574 = arith.addi %add3A_553, %add3A_573 : i32
      %add3A_575 = arith.addi %mul3A_14, %add3A_574 : i32
      %dma_start3A_576 = arith.constant 0 : i32
      %dma_start3A_577 = arith.constant 0 : i32
      %dma_start3A_578 = tpu.memref_slice %arg3[%add3A_575, %dma_start3A_576, %dma_start3A_577] : memref<2560x2x128xi32, #tpu.memory_space<hbm>> -> memref<1x2x128xi32, #tpu.memory_space<hbm>>
      %dma_start3A_579 = tpu.memref_squeeze %dma_start3A_578 : memref<1x2x128xi32, #tpu.memory_space<hbm>> -> memref<2x128xi32, #tpu.memory_space<hbm>>
      %dma_start3A_580 = arith.constant 0 : i32
      %dma_start3A_581 = arith.constant 0 : i32
      %dma_start3A_582 = tpu.memref_slice %arg3[%add3A_575, %dma_start3A_580, %dma_start3A_581] : memref<2560x2x128xi32, #tpu.memory_space<hbm>> -> memref<1x2x128xi32, #tpu.memory_space<hbm>>
      %dma_start3A_583 = tpu.memref_squeeze %dma_start3A_582 : memref<1x2x128xi32, #tpu.memory_space<hbm>> -> memref<2x128xi32, #tpu.memory_space<hbm>>
      tpu.enqueue_dma source(%dma_start3A_583 : memref<2x128xi32, #tpu.memory_space<hbm>>) target(%arg7 : memref<2x128xi32, #tpu.memory_space<vmem>>) target_semaphore(%arg18 : memref<!tpu.dma_semaphore, #tpu.memory_space<semaphore_mem>>)
      %dma_wait3A_584 = arith.constant 0 : i32
      %dma_wait3A_585 = arith.constant 0 : i32
      %dma_wait3A_586 = arith.constant 0 : i32
      %dma_wait3A_587 = tpu.memref_slice %arg3[%dma_wait3A_584, %dma_wait3A_585, %dma_wait3A_586] : memref<2560x2x128xi32, #tpu.memory_space<hbm>> -> memref<1x2x128xi32, #tpu.memory_space<hbm>>
      %dma_wait3A_588 = tpu.memref_squeeze %dma_wait3A_587 : memref<1x2x128xi32, #tpu.memory_space<hbm>> -> memref<2x128xi32, #tpu.memory_space<hbm>>
      %dma_wait3A_589 = arith.constant 0 : i32
      %dma_wait3A_590 = arith.constant 0 : i32
      %dma_wait3A_591 = tpu.memref_slice %arg3[%dma_wait3A_584, %dma_wait3A_589, %dma_wait3A_590] : memref<2560x2x128xi32, #tpu.memory_space<hbm>> -> memref<1x2x128xi32, #tpu.memory_space<hbm>>
      %dma_wait3A_592 = tpu.memref_squeeze %dma_wait3A_591 : memref<1x2x128xi32, #tpu.memory_space<hbm>> -> memref<2x128xi32, #tpu.memory_space<hbm>>
      tpu.wait_dma2 semaphore(%arg20 : memref<!tpu.dma_semaphore, #tpu.memory_space<semaphore_mem>>) src(%dma_wait3A_592 : memref<2x128xi32, #tpu.memory_space<hbm>>) dst(%arg9 : memref<2x128xi32, #tpu.memory_space<vmem>>)
      %dma_start3A_593 = arith.constant 0 : i32
      %dma_start3A_594 = arith.constant 0 : i32
      %dma_start3A_595 = tpu.memref_slice %arg9[%dma_start3A_593, %dma_start3A_594] : memref<2x128xi32, #tpu.memory_space<vmem>> -> memref<1x128xi32, #tpu.memory_space<vmem>>
      %dma_start3A_596 = tpu.memref_squeeze %dma_start3A_595 : memref<1x128xi32, #tpu.memory_space<vmem>> -> memref<128xi32, #tpu.memory_space<vmem>>
      %dma_start3A_597 = arith.constant 0 : i32
      %dma_start3A_598 = arith.constant 0 : i32
      %dma_start3A_599 = tpu.memref_slice %arg2[%dma_start3A_597, %dma_start3A_598] : memref<10240x128xf32, #tpu.memory_space<hbm>> -> memref<10240x128xf32, #tpu.memory_space<hbm>>
      tpu.enqueue_indirect_dma source(%dma_start3A_599 : memref<10240x128xf32, #tpu.memory_space<hbm>>) target(%arg11 : memref<128x128xf32, #tpu.memory_space<vmem>>) offsets(%dma_start3A_596 : memref<128xi32, #tpu.memory_space<vmem>>) semaphore(%arg14 : memref<!tpu.dma_semaphore, #tpu.memory_space<semaphore_mem>>)
      %mul3A_600 = arith.constant 4 : i32
      %mul3A_601 = arith.muli %mul3A_600, %scan3A_449 : i32
      %add3A_602 = arith.constant 3 : i32
      %add3A_603 = arith.addi %mul3A_601, %add3A_602 : i32
      %dma_wait3A_604 = arith.constant 0 : i32
      %dma_wait3A_605 = arith.constant 0 : i32
      %dma_wait3A_606 = tpu.memref_slice %arg2[%dma_wait3A_604, %dma_wait3A_605] : memref<10240x128xf32, #tpu.memory_space<hbm>> -> memref<128x128xf32, #tpu.memory_space<hbm>>
      %dma_wait3A_607 = arith.constant 0 : i32
      %dma_wait3A_608 = arith.constant 0 : i32
      %dma_wait3A_609 = tpu.memref_slice %arg2[%dma_wait3A_607, %dma_wait3A_608] : memref<10240x128xf32, #tpu.memory_space<hbm>> -> memref<128x128xf32, #tpu.memory_space<hbm>>
      tpu.wait_dma2 semaphore(%arg14 : memref<!tpu.dma_semaphore, #tpu.memory_space<semaphore_mem>>) src(%dma_wait3A_609 : memref<128x128xf32, #tpu.memory_space<hbm>>) dst(%arg11 : memref<128x128xf32, #tpu.memory_space<vmem>>)
      %dma_start3A_610 = arith.constant 1 : i32
      %dma_start3A_611 = arith.constant 0 : i32
      %dma_start3A_612 = tpu.memref_slice %arg9[%dma_start3A_610, %dma_start3A_611] : memref<2x128xi32, #tpu.memory_space<vmem>> -> memref<1x128xi32, #tpu.memory_space<vmem>>
      %dma_start3A_613 = tpu.memref_squeeze %dma_start3A_612 : memref<1x128xi32, #tpu.memory_space<vmem>> -> memref<128xi32, #tpu.memory_space<vmem>>
      %dma_start3A_614 = arith.constant 0 : i32
      %dma_start3A_615 = arith.constant 0 : i32
      %dma_start3A_616 = tpu.memref_slice %arg12[%dma_start3A_614, %dma_start3A_615] : memref<10240x128xf32, #tpu.memory_space<vmem_shared>> -> memref<10240x128xf32, #tpu.memory_space<vmem_shared>>
      tpu.enqueue_indirect_dma source(%arg11 : memref<128x128xf32, #tpu.memory_space<vmem>>) target(%dma_start3A_616 : memref<10240x128xf32, #tpu.memory_space<vmem_shared>>) offsets(%dma_start3A_613 : memref<128xi32, #tpu.memory_space<vmem>>) semaphore(%arg16 : memref<!tpu.dma_semaphore, #tpu.memory_space<semaphore_mem>>) {add = true}
      %dma_wait3A_617 = arith.constant 0 : i32
      %dma_wait3A_618 = arith.constant 0 : i32
      %dma_wait3A_619 = tpu.memref_slice %arg12[%dma_wait3A_617, %dma_wait3A_618] : memref<10240x128xf32, #tpu.memory_space<vmem_shared>> -> memref<128x128xf32, #tpu.memory_space<vmem_shared>>
      %dma_wait3A_620 = arith.constant 0 : i32
      %dma_wait3A_621 = arith.constant 0 : i32
      %dma_wait3A_622 = tpu.memref_slice %arg12[%dma_wait3A_620, %dma_wait3A_621] : memref<10240x128xf32, #tpu.memory_space<vmem_shared>> -> memref<128x128xf32, #tpu.memory_space<vmem_shared>>
      tpu.wait_dma2 semaphore(%arg15 : memref<!tpu.dma_semaphore, #tpu.memory_space<semaphore_mem>>) src(%arg10 : memref<128x128xf32, #tpu.memory_space<vmem>>) dst(%dma_wait3A_622 : memref<128x128xf32, #tpu.memory_space<vmem_shared>>)
      %add3A_623 = arith.constant 3 : i32
      %add3A_624 = arith.addi %add3A_603, %add3A_623 : i32
      %add3A_625 = arith.addi %mul3A_14, %add3A_624 : i32
      %dma_start3A_626 = arith.constant 0 : i32
      %dma_start3A_627 = arith.constant 0 : i32
      %dma_start3A_628 = tpu.memref_slice %arg3[%add3A_625, %dma_start3A_626, %dma_start3A_627] : memref<2560x2x128xi32, #tpu.memory_space<hbm>> -> memref<1x2x128xi32, #tpu.memory_space<hbm>>
      %dma_start3A_629 = tpu.memref_squeeze %dma_start3A_628 : memref<1x2x128xi32, #tpu.memory_space<hbm>> -> memref<2x128xi32, #tpu.memory_space<hbm>>
      %dma_start3A_630 = arith.constant 0 : i32
      %dma_start3A_631 = arith.constant 0 : i32
      %dma_start3A_632 = tpu.memref_slice %arg3[%add3A_625, %dma_start3A_630, %dma_start3A_631] : memref<2560x2x128xi32, #tpu.memory_space<hbm>> -> memref<1x2x128xi32, #tpu.memory_space<hbm>>
      %dma_start3A_633 = tpu.memref_squeeze %dma_start3A_632 : memref<1x2x128xi32, #tpu.memory_space<hbm>> -> memref<2x128xi32, #tpu.memory_space<hbm>>
      tpu.enqueue_dma source(%dma_start3A_633 : memref<2x128xi32, #tpu.memory_space<hbm>>) target(%arg8 : memref<2x128xi32, #tpu.memory_space<vmem>>) target_semaphore(%arg19 : memref<!tpu.dma_semaphore, #tpu.memory_space<semaphore_mem>>)
      %dma_wait3A_634 = arith.constant 0 : i32
      %dma_wait3A_635 = arith.constant 0 : i32
      %dma_wait3A_636 = arith.constant 0 : i32
      %dma_wait3A_637 = tpu.memref_slice %arg3[%dma_wait3A_634, %dma_wait3A_635, %dma_wait3A_636] : memref<2560x2x128xi32, #tpu.memory_space<hbm>> -> memref<1x2x128xi32, #tpu.memory_space<hbm>>
      %dma_wait3A_638 = tpu.memref_squeeze %dma_wait3A_637 : memref<1x2x128xi32, #tpu.memory_space<hbm>> -> memref<2x128xi32, #tpu.memory_space<hbm>>
      %dma_wait3A_639 = arith.constant 0 : i32
      %dma_wait3A_640 = arith.constant 0 : i32
      %dma_wait3A_641 = tpu.memref_slice %arg3[%dma_wait3A_634, %dma_wait3A_639, %dma_wait3A_640] : memref<2560x2x128xi32, #tpu.memory_space<hbm>> -> memref<1x2x128xi32, #tpu.memory_space<hbm>>
      %dma_wait3A_642 = tpu.memref_squeeze %dma_wait3A_641 : memref<1x2x128xi32, #tpu.memory_space<hbm>> -> memref<2x128xi32, #tpu.memory_space<hbm>>
      tpu.wait_dma2 semaphore(%arg17 : memref<!tpu.dma_semaphore, #tpu.memory_space<semaphore_mem>>) src(%dma_wait3A_642 : memref<2x128xi32, #tpu.memory_space<hbm>>) dst(%arg6 : memref<2x128xi32, #tpu.memory_space<vmem>>)
      %dma_start3A_643 = arith.constant 0 : i32
      %dma_start3A_644 = arith.constant 0 : i32
      %dma_start3A_645 = tpu.memref_slice %arg6[%dma_start3A_643, %dma_start3A_644] : memref<2x128xi32, #tpu.memory_space<vmem>> -> memref<1x128xi32, #tpu.memory_space<vmem>>
      %dma_start3A_646 = tpu.memref_squeeze %dma_start3A_645 : memref<1x128xi32, #tpu.memory_space<vmem>> -> memref<128xi32, #tpu.memory_space<vmem>>
      %dma_start3A_647 = arith.constant 0 : i32
      %dma_start3A_648 = arith.constant 0 : i32
      %dma_start3A_649 = tpu.memref_slice %arg2[%dma_start3A_647, %dma_start3A_648] : memref<10240x128xf32, #tpu.memory_space<hbm>> -> memref<10240x128xf32, #tpu.memory_space<hbm>>
      tpu.enqueue_indirect_dma source(%dma_start3A_649 : memref<10240x128xf32, #tpu.memory_space<hbm>>) target(%arg10 : memref<128x128xf32, #tpu.memory_space<vmem>>) offsets(%dma_start3A_646 : memref<128xi32, #tpu.memory_space<vmem>>) semaphore(%arg13 : memref<!tpu.dma_semaphore, #tpu.memory_space<semaphore_mem>>)
    }
    %scan3A_237 = arith.constant 18 : i32
    %dma_wait3A_238 = arith.constant 0 : i32
    %dma_wait3A_239 = arith.constant 0 : i32
    %dma_wait3A_240 = tpu.memref_slice %arg2[%dma_wait3A_238, %dma_wait3A_239] : memref<10240x128xf32, #tpu.memory_space<hbm>> -> memref<128x128xf32, #tpu.memory_space<hbm>>
    %dma_wait3A_241 = arith.constant 0 : i32
    %dma_wait3A_242 = arith.constant 0 : i32
    %dma_wait3A_243 = tpu.memref_slice %arg2[%dma_wait3A_241, %dma_wait3A_242] : memref<10240x128xf32, #tpu.memory_space<hbm>> -> memref<128x128xf32, #tpu.memory_space<hbm>>
    tpu.wait_dma2 semaphore(%arg13 : memref<!tpu.dma_semaphore, #tpu.memory_space<semaphore_mem>>) src(%dma_wait3A_243 : memref<128x128xf32, #tpu.memory_space<hbm>>) dst(%arg10 : memref<128x128xf32, #tpu.memory_space<vmem>>)
    %dma_start3A_244 = arith.constant 1 : i32
    %dma_start3A_245 = arith.constant 0 : i32
    %dma_start3A_246 = tpu.memref_slice %arg6[%dma_start3A_244, %dma_start3A_245] : memref<2x128xi32, #tpu.memory_space<vmem>> -> memref<1x128xi32, #tpu.memory_space<vmem>>
    %dma_start3A_247 = tpu.memref_squeeze %dma_start3A_246 : memref<1x128xi32, #tpu.memory_space<vmem>> -> memref<128xi32, #tpu.memory_space<vmem>>
    %dma_start3A_248 = arith.constant 0 : i32
    %dma_start3A_249 = arith.constant 0 : i32
    %dma_start3A_250 = tpu.memref_slice %arg12[%dma_start3A_248, %dma_start3A_249] : memref<10240x128xf32, #tpu.memory_space<vmem_shared>> -> memref<10240x128xf32, #tpu.memory_space<vmem_shared>>
    tpu.enqueue_indirect_dma source(%arg10 : memref<128x128xf32, #tpu.memory_space<vmem>>) target(%dma_start3A_250 : memref<10240x128xf32, #tpu.memory_space<vmem_shared>>) offsets(%dma_start3A_247 : memref<128xi32, #tpu.memory_space<vmem>>) semaphore(%arg15 : memref<!tpu.dma_semaphore, #tpu.memory_space<semaphore_mem>>) {add = true}
    %dma_wait3A_251 = arith.constant 0 : i32
    %dma_wait3A_252 = arith.constant 0 : i32
    %dma_wait3A_253 = tpu.memref_slice %arg12[%dma_wait3A_251, %dma_wait3A_252] : memref<10240x128xf32, #tpu.memory_space<vmem_shared>> -> memref<128x128xf32, #tpu.memory_space<vmem_shared>>
    %dma_wait3A_254 = arith.constant 0 : i32
    %dma_wait3A_255 = arith.constant 0 : i32
    %dma_wait3A_256 = tpu.memref_slice %arg12[%dma_wait3A_254, %dma_wait3A_255] : memref<10240x128xf32, #tpu.memory_space<vmem_shared>> -> memref<128x128xf32, #tpu.memory_space<vmem_shared>>
    tpu.wait_dma2 semaphore(%arg16 : memref<!tpu.dma_semaphore, #tpu.memory_space<semaphore_mem>>) src(%arg11 : memref<128x128xf32, #tpu.memory_space<vmem>>) dst(%dma_wait3A_256 : memref<128x128xf32, #tpu.memory_space<vmem_shared>>)
    %add3A_257 = arith.constant 79 : i32
    %add3A_258 = arith.addi %mul3A_14, %add3A_257 : i32
    %dma_start3A_259 = arith.constant 0 : i32
    %dma_start3A_260 = arith.constant 0 : i32
    %dma_start3A_261 = tpu.memref_slice %arg3[%add3A_258, %dma_start3A_259, %dma_start3A_260] : memref<2560x2x128xi32, #tpu.memory_space<hbm>> -> memref<1x2x128xi32, #tpu.memory_space<hbm>>
    %dma_start3A_262 = tpu.memref_squeeze %dma_start3A_261 : memref<1x2x128xi32, #tpu.memory_space<hbm>> -> memref<2x128xi32, #tpu.memory_space<hbm>>
    %dma_start3A_263 = arith.constant 0 : i32
    %dma_start3A_264 = arith.constant 0 : i32
    %dma_start3A_265 = tpu.memref_slice %arg3[%add3A_258, %dma_start3A_263, %dma_start3A_264] : memref<2560x2x128xi32, #tpu.memory_space<hbm>> -> memref<1x2x128xi32, #tpu.memory_space<hbm>>
    %dma_start3A_266 = tpu.memref_squeeze %dma_start3A_265 : memref<1x2x128xi32, #tpu.memory_space<hbm>> -> memref<2x128xi32, #tpu.memory_space<hbm>>
    tpu.enqueue_dma source(%dma_start3A_266 : memref<2x128xi32, #tpu.memory_space<hbm>>) target(%arg9 : memref<2x128xi32, #tpu.memory_space<vmem>>) target_semaphore(%arg20 : memref<!tpu.dma_semaphore, #tpu.memory_space<semaphore_mem>>)
    %dma_wait3A_267 = arith.constant 0 : i32
    %dma_wait3A_268 = arith.constant 0 : i32
    %dma_wait3A_269 = arith.constant 0 : i32
    %dma_wait3A_270 = tpu.memref_slice %arg3[%dma_wait3A_267, %dma_wait3A_268, %dma_wait3A_269] : memref<2560x2x128xi32, #tpu.memory_space<hbm>> -> memref<1x2x128xi32, #tpu.memory_space<hbm>>
    %dma_wait3A_271 = tpu.memref_squeeze %dma_wait3A_270 : memref<1x2x128xi32, #tpu.memory_space<hbm>> -> memref<2x128xi32, #tpu.memory_space<hbm>>
    %dma_wait3A_272 = arith.constant 0 : i32
    %dma_wait3A_273 = arith.constant 0 : i32
    %dma_wait3A_274 = tpu.memref_slice %arg3[%dma_wait3A_267, %dma_wait3A_272, %dma_wait3A_273] : memref<2560x2x128xi32, #tpu.memory_space<hbm>> -> memref<1x2x128xi32, #tpu.memory_space<hbm>>
    %dma_wait3A_275 = tpu.memref_squeeze %dma_wait3A_274 : memref<1x2x128xi32, #tpu.memory_space<hbm>> -> memref<2x128xi32, #tpu.memory_space<hbm>>
    tpu.wait_dma2 semaphore(%arg18 : memref<!tpu.dma_semaphore, #tpu.memory_space<semaphore_mem>>) src(%dma_wait3A_275 : memref<2x128xi32, #tpu.memory_space<hbm>>) dst(%arg7 : memref<2x128xi32, #tpu.memory_space<vmem>>)
    %dma_start3A_276 = arith.constant 0 : i32
    %dma_start3A_277 = arith.constant 0 : i32
    %dma_start3A_278 = tpu.memref_slice %arg7[%dma_start3A_276, %dma_start3A_277] : memref<2x128xi32, #tpu.memory_space<vmem>> -> memref<1x128xi32, #tpu.memory_space<vmem>>
    %dma_start3A_279 = tpu.memref_squeeze %dma_start3A_278 : memref<1x128xi32, #tpu.memory_space<vmem>> -> memref<128xi32, #tpu.memory_space<vmem>>
    %dma_start3A_280 = arith.constant 0 : i32
    %dma_start3A_281 = arith.constant 0 : i32
    %dma_start3A_282 = tpu.memref_slice %arg2[%dma_start3A_280, %dma_start3A_281] : memref<10240x128xf32, #tpu.memory_space<hbm>> -> memref<10240x128xf32, #tpu.memory_space<hbm>>
    tpu.enqueue_indirect_dma source(%dma_start3A_282 : memref<10240x128xf32, #tpu.memory_space<hbm>>) target(%arg11 : memref<128x128xf32, #tpu.memory_space<vmem>>) offsets(%dma_start3A_279 : memref<128xi32, #tpu.memory_space<vmem>>) semaphore(%arg14 : memref<!tpu.dma_semaphore, #tpu.memory_space<semaphore_mem>>)
    %dma_wait3A_283 = arith.constant 0 : i32
    %dma_wait3A_284 = arith.constant 0 : i32
    %dma_wait3A_285 = tpu.memref_slice %arg2[%dma_wait3A_283, %dma_wait3A_284] : memref<10240x128xf32, #tpu.memory_space<hbm>> -> memref<128x128xf32, #tpu.memory_space<hbm>>
    %dma_wait3A_286 = arith.constant 0 : i32
    %dma_wait3A_287 = arith.constant 0 : i32
    %dma_wait3A_288 = tpu.memref_slice %arg2[%dma_wait3A_286, %dma_wait3A_287] : memref<10240x128xf32, #tpu.memory_space<hbm>> -> memref<128x128xf32, #tpu.memory_space<hbm>>
    tpu.wait_dma2 semaphore(%arg14 : memref<!tpu.dma_semaphore, #tpu.memory_space<semaphore_mem>>) src(%dma_wait3A_288 : memref<128x128xf32, #tpu.memory_space<hbm>>) dst(%arg11 : memref<128x128xf32, #tpu.memory_space<vmem>>)
    %dma_start3A_289 = arith.constant 1 : i32
    %dma_start3A_290 = arith.constant 0 : i32
    %dma_start3A_291 = tpu.memref_slice %arg7[%dma_start3A_289, %dma_start3A_290] : memref<2x128xi32, #tpu.memory_space<vmem>> -> memref<1x128xi32, #tpu.memory_space<vmem>>
    %dma_start3A_292 = tpu.memref_squeeze %dma_start3A_291 : memref<1x128xi32, #tpu.memory_space<vmem>> -> memref<128xi32, #tpu.memory_space<vmem>>
    %dma_start3A_293 = arith.constant 0 : i32
    %dma_start3A_294 = arith.constant 0 : i32
    %dma_start3A_295 = tpu.memref_slice %arg12[%dma_start3A_293, %dma_start3A_294] : memref<10240x128xf32, #tpu.memory_space<vmem_shared>> -> memref<10240x128xf32, #tpu.memory_space<vmem_shared>>
    tpu.enqueue_indirect_dma source(%arg11 : memref<128x128xf32, #tpu.memory_space<vmem>>) target(%dma_start3A_295 : memref<10240x128xf32, #tpu.memory_space<vmem_shared>>) offsets(%dma_start3A_292 : memref<128xi32, #tpu.memory_space<vmem>>) semaphore(%arg16 : memref<!tpu.dma_semaphore, #tpu.memory_space<semaphore_mem>>) {add = true}
    %dma_wait3A_296 = arith.constant 0 : i32
    %dma_wait3A_297 = arith.constant 0 : i32
    %dma_wait3A_298 = tpu.memref_slice %arg12[%dma_wait3A_296, %dma_wait3A_297] : memref<10240x128xf32, #tpu.memory_space<vmem_shared>> -> memref<128x128xf32, #tpu.memory_space<vmem_shared>>
    %dma_wait3A_299 = arith.constant 0 : i32
    %dma_wait3A_300 = arith.constant 0 : i32
    %dma_wait3A_301 = tpu.memref_slice %arg12[%dma_wait3A_299, %dma_wait3A_300] : memref<10240x128xf32, #tpu.memory_space<vmem_shared>> -> memref<128x128xf32, #tpu.memory_space<vmem_shared>>
    tpu.wait_dma2 semaphore(%arg15 : memref<!tpu.dma_semaphore, #tpu.memory_space<semaphore_mem>>) src(%arg10 : memref<128x128xf32, #tpu.memory_space<vmem>>) dst(%dma_wait3A_301 : memref<128x128xf32, #tpu.memory_space<vmem_shared>>)
    %dma_wait3A_302 = arith.constant 0 : i32
    %dma_wait3A_303 = arith.constant 0 : i32
    %dma_wait3A_304 = arith.constant 0 : i32
    %dma_wait3A_305 = tpu.memref_slice %arg3[%dma_wait3A_302, %dma_wait3A_303, %dma_wait3A_304] : memref<2560x2x128xi32, #tpu.memory_space<hbm>> -> memref<1x2x128xi32, #tpu.memory_space<hbm>>
    %dma_wait3A_306 = tpu.memref_squeeze %dma_wait3A_305 : memref<1x2x128xi32, #tpu.memory_space<hbm>> -> memref<2x128xi32, #tpu.memory_space<hbm>>
    %dma_wait3A_307 = arith.constant 0 : i32
    %dma_wait3A_308 = arith.constant 0 : i32
    %dma_wait3A_309 = tpu.memref_slice %arg3[%dma_wait3A_302, %dma_wait3A_307, %dma_wait3A_308] : memref<2560x2x128xi32, #tpu.memory_space<hbm>> -> memref<1x2x128xi32, #tpu.memory_space<hbm>>
    %dma_wait3A_310 = tpu.memref_squeeze %dma_wait3A_309 : memref<1x2x128xi32, #tpu.memory_space<hbm>> -> memref<2x128xi32, #tpu.memory_space<hbm>>
    tpu.wait_dma2 semaphore(%arg19 : memref<!tpu.dma_semaphore, #tpu.memory_space<semaphore_mem>>) src(%dma_wait3A_310 : memref<2x128xi32, #tpu.memory_space<hbm>>) dst(%arg8 : memref<2x128xi32, #tpu.memory_space<vmem>>)
    %dma_start3A_311 = arith.constant 0 : i32
    %dma_start3A_312 = arith.constant 0 : i32
    %dma_start3A_313 = tpu.memref_slice %arg8[%dma_start3A_311, %dma_start3A_312] : memref<2x128xi32, #tpu.memory_space<vmem>> -> memref<1x128xi32, #tpu.memory_space<vmem>>
    %dma_start3A_314 = tpu.memref_squeeze %dma_start3A_313 : memref<1x128xi32, #tpu.memory_space<vmem>> -> memref<128xi32, #tpu.memory_space<vmem>>
    %dma_start3A_315 = arith.constant 0 : i32
    %dma_start3A_316 = arith.constant 0 : i32
    %dma_start3A_317 = tpu.memref_slice %arg2[%dma_start3A_315, %dma_start3A_316] : memref<10240x128xf32, #tpu.memory_space<hbm>> -> memref<10240x128xf32, #tpu.memory_space<hbm>>
    tpu.enqueue_indirect_dma source(%dma_start3A_317 : memref<10240x128xf32, #tpu.memory_space<hbm>>) target(%arg10 : memref<128x128xf32, #tpu.memory_space<vmem>>) offsets(%dma_start3A_314 : memref<128xi32, #tpu.memory_space<vmem>>) semaphore(%arg13 : memref<!tpu.dma_semaphore, #tpu.memory_space<semaphore_mem>>)
    %dma_wait3A_318 = arith.constant 0 : i32
    %dma_wait3A_319 = arith.constant 0 : i32
    %dma_wait3A_320 = tpu.memref_slice %arg2[%dma_wait3A_318, %dma_wait3A_319] : memref<10240x128xf32, #tpu.memory_space<hbm>> -> memref<128x128xf32, #tpu.memory_space<hbm>>
    %dma_wait3A_321 = arith.constant 0 : i32
    %dma_wait3A_322 = arith.constant 0 : i32
    %dma_wait3A_323 = tpu.memref_slice %arg2[%dma_wait3A_321, %dma_wait3A_322] : memref<10240x128xf32, #tpu.memory_space<hbm>> -> memref<128x128xf32, #tpu.memory_space<hbm>>
    tpu.wait_dma2 semaphore(%arg13 : memref<!tpu.dma_semaphore, #tpu.memory_space<semaphore_mem>>) src(%dma_wait3A_323 : memref<128x128xf32, #tpu.memory_space<hbm>>) dst(%arg10 : memref<128x128xf32, #tpu.memory_space<vmem>>)
    %dma_start3A_324 = arith.constant 1 : i32
    %dma_start3A_325 = arith.constant 0 : i32
    %dma_start3A_326 = tpu.memref_slice %arg8[%dma_start3A_324, %dma_start3A_325] : memref<2x128xi32, #tpu.memory_space<vmem>> -> memref<1x128xi32, #tpu.memory_space<vmem>>
    %dma_start3A_327 = tpu.memref_squeeze %dma_start3A_326 : memref<1x128xi32, #tpu.memory_space<vmem>> -> memref<128xi32, #tpu.memory_space<vmem>>
    %dma_start3A_328 = arith.constant 0 : i32
    %dma_start3A_329 = arith.constant 0 : i32
    %dma_start3A_330 = tpu.memref_slice %arg12[%dma_start3A_328, %dma_start3A_329] : memref<10240x128xf32, #tpu.memory_space<vmem_shared>> -> memref<10240x128xf32, #tpu.memory_space<vmem_shared>>
    tpu.enqueue_indirect_dma source(%arg10 : memref<128x128xf32, #tpu.memory_space<vmem>>) target(%dma_start3A_330 : memref<10240x128xf32, #tpu.memory_space<vmem_shared>>) offsets(%dma_start3A_327 : memref<128xi32, #tpu.memory_space<vmem>>) semaphore(%arg15 : memref<!tpu.dma_semaphore, #tpu.memory_space<semaphore_mem>>) {add = true}
    %dma_wait3A_331 = arith.constant 0 : i32
    %dma_wait3A_332 = arith.constant 0 : i32
    %dma_wait3A_333 = tpu.memref_slice %arg12[%dma_wait3A_331, %dma_wait3A_332] : memref<10240x128xf32, #tpu.memory_space<vmem_shared>> -> memref<128x128xf32, #tpu.memory_space<vmem_shared>>
    %dma_wait3A_334 = arith.constant 0 : i32
    %dma_wait3A_335 = arith.constant 0 : i32
    %dma_wait3A_336 = tpu.memref_slice %arg12[%dma_wait3A_334, %dma_wait3A_335] : memref<10240x128xf32, #tpu.memory_space<vmem_shared>> -> memref<128x128xf32, #tpu.memory_space<vmem_shared>>
    tpu.wait_dma2 semaphore(%arg16 : memref<!tpu.dma_semaphore, #tpu.memory_space<semaphore_mem>>) src(%arg11 : memref<128x128xf32, #tpu.memory_space<vmem>>) dst(%dma_wait3A_336 : memref<128x128xf32, #tpu.memory_space<vmem_shared>>)
    %dma_wait3A_337 = arith.constant 0 : i32
    %dma_wait3A_338 = arith.constant 0 : i32
    %dma_wait3A_339 = arith.constant 0 : i32
    %dma_wait3A_340 = tpu.memref_slice %arg3[%dma_wait3A_337, %dma_wait3A_338, %dma_wait3A_339] : memref<2560x2x128xi32, #tpu.memory_space<hbm>> -> memref<1x2x128xi32, #tpu.memory_space<hbm>>
    %dma_wait3A_341 = tpu.memref_squeeze %dma_wait3A_340 : memref<1x2x128xi32, #tpu.memory_space<hbm>> -> memref<2x128xi32, #tpu.memory_space<hbm>>
    %dma_wait3A_342 = arith.constant 0 : i32
    %dma_wait3A_343 = arith.constant 0 : i32
    %dma_wait3A_344 = tpu.memref_slice %arg3[%dma_wait3A_337, %dma_wait3A_342, %dma_wait3A_343] : memref<2560x2x128xi32, #tpu.memory_space<hbm>> -> memref<1x2x128xi32, #tpu.memory_space<hbm>>
    %dma_wait3A_345 = tpu.memref_squeeze %dma_wait3A_344 : memref<1x2x128xi32, #tpu.memory_space<hbm>> -> memref<2x128xi32, #tpu.memory_space<hbm>>
    tpu.wait_dma2 semaphore(%arg20 : memref<!tpu.dma_semaphore, #tpu.memory_space<semaphore_mem>>) src(%dma_wait3A_345 : memref<2x128xi32, #tpu.memory_space<hbm>>) dst(%arg9 : memref<2x128xi32, #tpu.memory_space<vmem>>)
    %dma_start3A_346 = arith.constant 0 : i32
    %dma_start3A_347 = arith.constant 0 : i32
    %dma_start3A_348 = tpu.memref_slice %arg9[%dma_start3A_346, %dma_start3A_347] : memref<2x128xi32, #tpu.memory_space<vmem>> -> memref<1x128xi32, #tpu.memory_space<vmem>>
    %dma_start3A_349 = tpu.memref_squeeze %dma_start3A_348 : memref<1x128xi32, #tpu.memory_space<vmem>> -> memref<128xi32, #tpu.memory_space<vmem>>
    %dma_start3A_350 = arith.constant 0 : i32
    %dma_start3A_351 = arith.constant 0 : i32
    %dma_start3A_352 = tpu.memref_slice %arg2[%dma_start3A_350, %dma_start3A_351] : memref<10240x128xf32, #tpu.memory_space<hbm>> -> memref<10240x128xf32, #tpu.memory_space<hbm>>
    tpu.enqueue_indirect_dma source(%dma_start3A_352 : memref<10240x128xf32, #tpu.memory_space<hbm>>) target(%arg11 : memref<128x128xf32, #tpu.memory_space<vmem>>) offsets(%dma_start3A_349 : memref<128xi32, #tpu.memory_space<vmem>>) semaphore(%arg14 : memref<!tpu.dma_semaphore, #tpu.memory_space<semaphore_mem>>)
    %dma_wait3A_353 = arith.constant 0 : i32
    %dma_wait3A_354 = arith.constant 0 : i32
    %dma_wait3A_355 = tpu.memref_slice %arg2[%dma_wait3A_353, %dma_wait3A_354] : memref<10240x128xf32, #tpu.memory_space<hbm>> -> memref<128x128xf32, #tpu.memory_space<hbm>>
    %dma_wait3A_356 = arith.constant 0 : i32
    %dma_wait3A_357 = arith.constant 0 : i32
    %dma_wait3A_358 = tpu.memref_slice %arg2[%dma_wait3A_356, %dma_wait3A_357] : memref<10240x128xf32, #tpu.memory_space<hbm>> -> memref<128x128xf32, #tpu.memory_space<hbm>>
    tpu.wait_dma2 semaphore(%arg14 : memref<!tpu.dma_semaphore, #tpu.memory_space<semaphore_mem>>) src(%dma_wait3A_358 : memref<128x128xf32, #tpu.memory_space<hbm>>) dst(%arg11 : memref<128x128xf32, #tpu.memory_space<vmem>>)
    %dma_start3A_359 = arith.constant 1 : i32
    %dma_start3A_360 = arith.constant 0 : i32
    %dma_start3A_361 = tpu.memref_slice %arg9[%dma_start3A_359, %dma_start3A_360] : memref<2x128xi32, #tpu.memory_space<vmem>> -> memref<1x128xi32, #tpu.memory_space<vmem>>
    %dma_start3A_362 = tpu.memref_squeeze %dma_start3A_361 : memref<1x128xi32, #tpu.memory_space<vmem>> -> memref<128xi32, #tpu.memory_space<vmem>>
    %dma_start3A_363 = arith.constant 0 : i32
    %dma_start3A_364 = arith.constant 0 : i32
    %dma_start3A_365 = tpu.memref_slice %arg12[%dma_start3A_363, %dma_start3A_364] : memref<10240x128xf32, #tpu.memory_space<vmem_shared>> -> memref<10240x128xf32, #tpu.memory_space<vmem_shared>>
    tpu.enqueue_indirect_dma source(%arg11 : memref<128x128xf32, #tpu.memory_space<vmem>>) target(%dma_start3A_365 : memref<10240x128xf32, #tpu.memory_space<vmem_shared>>) offsets(%dma_start3A_362 : memref<128xi32, #tpu.memory_space<vmem>>) semaphore(%arg16 : memref<!tpu.dma_semaphore, #tpu.memory_space<semaphore_mem>>) {add = true}
    %dma_wait3A_366 = arith.constant 0 : i32
    %dma_wait3A_367 = arith.constant 0 : i32
    %dma_wait3A_368 = tpu.memref_slice %arg12[%dma_wait3A_366, %dma_wait3A_367] : memref<10240x128xf32, #tpu.memory_space<vmem_shared>> -> memref<128x128xf32, #tpu.memory_space<vmem_shared>>
    %dma_wait3A_369 = arith.constant 0 : i32
    %dma_wait3A_370 = arith.constant 0 : i32
    %dma_wait3A_371 = tpu.memref_slice %arg12[%dma_wait3A_369, %dma_wait3A_370] : memref<10240x128xf32, #tpu.memory_space<vmem_shared>> -> memref<128x128xf32, #tpu.memory_space<vmem_shared>>
    tpu.wait_dma2 semaphore(%arg15 : memref<!tpu.dma_semaphore, #tpu.memory_space<semaphore_mem>>) src(%arg10 : memref<128x128xf32, #tpu.memory_space<vmem>>) dst(%dma_wait3A_371 : memref<128x128xf32, #tpu.memory_space<vmem_shared>>)
    %dma_wait3A_372 = arith.constant 0 : i32
    %dma_wait3A_373 = arith.constant 0 : i32
    %dma_wait3A_374 = tpu.memref_slice %arg12[%dma_wait3A_372, %dma_wait3A_373] : memref<10240x128xf32, #tpu.memory_space<vmem_shared>> -> memref<128x128xf32, #tpu.memory_space<vmem_shared>>
    %dma_wait3A_375 = arith.constant 0 : i32
    %dma_wait3A_376 = arith.constant 0 : i32
    %dma_wait3A_377 = tpu.memref_slice %arg12[%dma_wait3A_375, %dma_wait3A_376] : memref<10240x128xf32, #tpu.memory_space<vmem_shared>> -> memref<128x128xf32, #tpu.memory_space<vmem_shared>>
    tpu.wait_dma2 semaphore(%arg16 : memref<!tpu.dma_semaphore, #tpu.memory_space<semaphore_mem>>) src(%arg11 : memref<128x128xf32, #tpu.memory_space<vmem>>) dst(%dma_wait3A_377 : memref<128x128xf32, #tpu.memory_space<vmem_shared>>)
    %barrier3A_378 = arith.constant 0 : index
    tpu.barrier barrier_id(%barrier3A_378)
    %add3A_379 = arith.constant 0 : i32
    %add3A_380 = arith.addi %mul3A_0, %add3A_379 : i32
    "tpu.region"() ({
      %run_scoped3A = tpu.sem_alloc : memref<!tpu.dma_semaphore, #tpu.memory_space<semaphore_mem>>
      %dma_start3A_449 = arith.constant 0 : i32
      %dma_start3A_450 = tpu.memref_slice %arg12[%add3A_380, %dma_start3A_449] : memref<10240x128xf32, #tpu.memory_space<vmem_shared>> -> memref<128x128xf32, #tpu.memory_space<vmem_shared>>
      %dma_start3A_451 = arith.constant 0 : i32
      %dma_start3A_452 = tpu.memref_slice %arg12[%add3A_380, %dma_start3A_451] : memref<10240x128xf32, #tpu.memory_space<vmem_shared>> -> memref<128x128xf32, #tpu.memory_space<vmem_shared>>
      tpu.enqueue_dma source(%dma_start3A_452 : memref<128x128xf32, #tpu.memory_space<vmem_shared>>) target(%arg10 : memref<128x128xf32, #tpu.memory_space<vmem>>) target_semaphore(%run_scoped3A : memref<!tpu.dma_semaphore, #tpu.memory_space<semaphore_mem>>)
      %dma_wait3A_453 = arith.constant 0 : i32
      %dma_wait3A_454 = tpu.memref_slice %arg12[%add3A_380, %dma_wait3A_453] : memref<10240x128xf32, #tpu.memory_space<vmem_shared>> -> memref<128x128xf32, #tpu.memory_space<vmem_shared>>
      %dma_wait3A_455 = arith.constant 0 : i32
      %dma_wait3A_456 = tpu.memref_slice %arg12[%add3A_380, %dma_wait3A_455] : memref<10240x128xf32, #tpu.memory_space<vmem_shared>> -> memref<128x128xf32, #tpu.memory_space<vmem_shared>>
      tpu.wait_dma2 semaphore(%run_scoped3A : memref<!tpu.dma_semaphore, #tpu.memory_space<semaphore_mem>>) src(%dma_wait3A_456 : memref<128x128xf32, #tpu.memory_space<vmem_shared>>) dst(%arg10 : memref<128x128xf32, #tpu.memory_space<vmem>>)
      tpu.yield
    }) : () -> ()
    %dma_start3A_381 = arith.constant 0 : i32
    %dma_start3A_382 = tpu.memref_slice %arg5[%arg0, %add3A_380, %dma_start3A_381] : memref<2x10240x128xf32, #tpu.memory_space<hbm>> -> memref<1x128x128xf32, #tpu.memory_space<hbm>>
    %dma_start3A_383 = tpu.memref_squeeze %dma_start3A_382 : memref<1x128x128xf32, #tpu.memory_space<hbm>> -> memref<128x128xf32, #tpu.memory_space<hbm>>
    %dma_start3A_384 = arith.constant 0 : i32
    %dma_start3A_385 = tpu.memref_slice %arg5[%arg0, %add3A_380, %dma_start3A_384] : memref<2x10240x128xf32, #tpu.memory_space<hbm>> -> memref<1x128x128xf32, #tpu.memory_space<hbm>>
    %dma_start3A_386 = tpu.memref_squeeze %dma_start3A_385 : memref<1x128x128xf32, #tpu.memory_space<hbm>> -> memref<128x128xf32, #tpu.memory_space<hbm>>
    tpu.enqueue_dma source(%arg10 : memref<128x128xf32, #tpu.memory_space<vmem>>) target(%dma_start3A_386 : memref<128x128xf32, #tpu.memory_space<hbm>>) target_semaphore(%arg15 : memref<!tpu.dma_semaphore, #tpu.memory_space<semaphore_mem>>)
    %add3A_387 = arith.constant 128 : i32
    %add3A_388 = arith.addi %mul3A_0, %add3A_387 : i32
    "tpu.region"() ({
      %run_scoped3A = tpu.sem_alloc : memref<!tpu.dma_semaphore, #tpu.memory_space<semaphore_mem>>
      %dma_start3A_449 = arith.constant 0 : i32
      %dma_start3A_450 = tpu.memref_slice %arg12[%add3A_388, %dma_start3A_449] : memref<10240x128xf32, #tpu.memory_space<vmem_shared>> -> memref<128x128xf32, #tpu.memory_space<vmem_shared>>
      %dma_start3A_451 = arith.constant 0 : i32
      %dma_start3A_452 = tpu.memref_slice %arg12[%add3A_388, %dma_start3A_451] : memref<10240x128xf32, #tpu.memory_space<vmem_shared>> -> memref<128x128xf32, #tpu.memory_space<vmem_shared>>
      tpu.enqueue_dma source(%dma_start3A_452 : memref<128x128xf32, #tpu.memory_space<vmem_shared>>) target(%arg11 : memref<128x128xf32, #tpu.memory_space<vmem>>) target_semaphore(%run_scoped3A : memref<!tpu.dma_semaphore, #tpu.memory_space<semaphore_mem>>)
      %dma_wait3A_453 = arith.constant 0 : i32
      %dma_wait3A_454 = tpu.memref_slice %arg12[%add3A_388, %dma_wait3A_453] : memref<10240x128xf32, #tpu.memory_space<vmem_shared>> -> memref<128x128xf32, #tpu.memory_space<vmem_shared>>
      %dma_wait3A_455 = arith.constant 0 : i32
      %dma_wait3A_456 = tpu.memref_slice %arg12[%add3A_388, %dma_wait3A_455] : memref<10240x128xf32, #tpu.memory_space<vmem_shared>> -> memref<128x128xf32, #tpu.memory_space<vmem_shared>>
      tpu.wait_dma2 semaphore(%run_scoped3A : memref<!tpu.dma_semaphore, #tpu.memory_space<semaphore_mem>>) src(%dma_wait3A_456 : memref<128x128xf32, #tpu.memory_space<vmem_shared>>) dst(%arg11 : memref<128x128xf32, #tpu.memory_space<vmem>>)
      tpu.yield
    }) : () -> ()
    %dma_start3A_389 = arith.constant 0 : i32
    %dma_start3A_390 = tpu.memref_slice %arg5[%arg0, %add3A_388, %dma_start3A_389] : memref<2x10240x128xf32, #tpu.memory_space<hbm>> -> memref<1x128x128xf32, #tpu.memory_space<hbm>>
    %dma_start3A_391 = tpu.memref_squeeze %dma_start3A_390 : memref<1x128x128xf32, #tpu.memory_space<hbm>> -> memref<128x128xf32, #tpu.memory_space<hbm>>
    %dma_start3A_392 = arith.constant 0 : i32
    %dma_start3A_393 = tpu.memref_slice %arg5[%arg0, %add3A_388, %dma_start3A_392] : memref<2x10240x128xf32, #tpu.memory_space<hbm>> -> memref<1x128x128xf32, #tpu.memory_space<hbm>>
    %dma_start3A_394 = tpu.memref_squeeze %dma_start3A_393 : memref<1x128x128xf32, #tpu.memory_space<hbm>> -> memref<128x128xf32, #tpu.memory_space<hbm>>
    tpu.enqueue_dma source(%arg11 : memref<128x128xf32, #tpu.memory_space<vmem>>) target(%dma_start3A_394 : memref<128x128xf32, #tpu.memory_space<hbm>>) target_semaphore(%arg16 : memref<!tpu.dma_semaphore, #tpu.memory_space<semaphore_mem>>)
    %add3A_395 = arith.constant 256 : i32
    %add3A_396 = arith.addi %mul3A_0, %add3A_395 : i32
    %dma_wait3A_397 = arith.constant 0 : i32
    %dma_wait3A_398 = tpu.memref_slice %arg5[%arg0, %mul3A_0, %dma_wait3A_397] : memref<2x10240x128xf32, #tpu.memory_space<hbm>> -> memref<1x128x128xf32, #tpu.memory_space<hbm>>
    %dma_wait3A_399 = tpu.memref_squeeze %dma_wait3A_398 : memref<1x128x128xf32, #tpu.memory_space<hbm>> -> memref<128x128xf32, #tpu.memory_space<hbm>>
    %dma_wait3A_400 = arith.constant 0 : i32
    %dma_wait3A_401 = tpu.memref_slice %arg5[%arg0, %mul3A_0, %dma_wait3A_400] : memref<2x10240x128xf32, #tpu.memory_space<hbm>> -> memref<1x128x128xf32, #tpu.memory_space<hbm>>
    %dma_wait3A_402 = tpu.memref_squeeze %dma_wait3A_401 : memref<1x128x128xf32, #tpu.memory_space<hbm>> -> memref<128x128xf32, #tpu.memory_space<hbm>>
    tpu.wait_dma2 semaphore(%arg15 : memref<!tpu.dma_semaphore, #tpu.memory_space<semaphore_mem>>) src(%arg10 : memref<128x128xf32, #tpu.memory_space<vmem>>) dst(%dma_wait3A_402 : memref<128x128xf32, #tpu.memory_space<hbm>>)
    "tpu.region"() ({
      %run_scoped3A = tpu.sem_alloc : memref<!tpu.dma_semaphore, #tpu.memory_space<semaphore_mem>>
      %dma_start3A_449 = arith.constant 0 : i32
      %dma_start3A_450 = tpu.memref_slice %arg12[%add3A_396, %dma_start3A_449] : memref<10240x128xf32, #tpu.memory_space<vmem_shared>> -> memref<128x128xf32, #tpu.memory_space<vmem_shared>>
      %dma_start3A_451 = arith.constant 0 : i32
      %dma_start3A_452 = tpu.memref_slice %arg12[%add3A_396, %dma_start3A_451] : memref<10240x128xf32, #tpu.memory_space<vmem_shared>> -> memref<128x128xf32, #tpu.memory_space<vmem_shared>>
      tpu.enqueue_dma source(%dma_start3A_452 : memref<128x128xf32, #tpu.memory_space<vmem_shared>>) target(%arg10 : memref<128x128xf32, #tpu.memory_space<vmem>>) target_semaphore(%run_scoped3A : memref<!tpu.dma_semaphore, #tpu.memory_space<semaphore_mem>>)
      %dma_wait3A_453 = arith.constant 0 : i32
      %dma_wait3A_454 = tpu.memref_slice %arg12[%add3A_396, %dma_wait3A_453] : memref<10240x128xf32, #tpu.memory_space<vmem_shared>> -> memref<128x128xf32, #tpu.memory_space<vmem_shared>>
      %dma_wait3A_455 = arith.constant 0 : i32
      %dma_wait3A_456 = tpu.memref_slice %arg12[%add3A_396, %dma_wait3A_455] : memref<10240x128xf32, #tpu.memory_space<vmem_shared>> -> memref<128x128xf32, #tpu.memory_space<vmem_shared>>
      tpu.wait_dma2 semaphore(%run_scoped3A : memref<!tpu.dma_semaphore, #tpu.memory_space<semaphore_mem>>) src(%dma_wait3A_456 : memref<128x128xf32, #tpu.memory_space<vmem_shared>>) dst(%arg10 : memref<128x128xf32, #tpu.memory_space<vmem>>)
      tpu.yield
    }) : () -> ()
    %dma_start3A_403 = arith.constant 0 : i32
    %dma_start3A_404 = tpu.memref_slice %arg5[%arg0, %add3A_396, %dma_start3A_403] : memref<2x10240x128xf32, #tpu.memory_space<hbm>> -> memref<1x128x128xf32, #tpu.memory_space<hbm>>
    %dma_start3A_405 = tpu.memref_squeeze %dma_start3A_404 : memref<1x128x128xf32, #tpu.memory_space<hbm>> -> memref<128x128xf32, #tpu.memory_space<hbm>>
    %dma_start3A_406 = arith.constant 0 : i32
    %dma_start3A_407 = tpu.memref_slice %arg5[%arg0, %add3A_396, %dma_start3A_406] : memref<2x10240x128xf32, #tpu.memory_space<hbm>> -> memref<1x128x128xf32, #tpu.memory_space<hbm>>
    %dma_start3A_408 = tpu.memref_squeeze %dma_start3A_407 : memref<1x128x128xf32, #tpu.memory_space<hbm>> -> memref<128x128xf32, #tpu.memory_space<hbm>>
    tpu.enqueue_dma source(%arg10 : memref<128x128xf32, #tpu.memory_space<vmem>>) target(%dma_start3A_408 : memref<128x128xf32, #tpu.memory_space<hbm>>) target_semaphore(%arg15 : memref<!tpu.dma_semaphore, #tpu.memory_space<semaphore_mem>>)
    %add3A_409 = arith.constant 384 : i32
    %add3A_410 = arith.addi %mul3A_0, %add3A_409 : i32
    %dma_wait3A_411 = arith.constant 0 : i32
    %dma_wait3A_412 = tpu.memref_slice %arg5[%arg0, %mul3A_0, %dma_wait3A_411] : memref<2x10240x128xf32, #tpu.memory_space<hbm>> -> memref<1x128x128xf32, #tpu.memory_space<hbm>>
    %dma_wait3A_413 = tpu.memref_squeeze %dma_wait3A_412 : memref<1x128x128xf32, #tpu.memory_space<hbm>> -> memref<128x128xf32, #tpu.memory_space<hbm>>
    %dma_wait3A_414 = arith.constant 0 : i32
    %dma_wait3A_415 = tpu.memref_slice %arg5[%arg0, %mul3A_0, %dma_wait3A_414] : memref<2x10240x128xf32, #tpu.memory_space<hbm>> -> memref<1x128x128xf32, #tpu.memory_space<hbm>>
    %dma_wait3A_416 = tpu.memref_squeeze %dma_wait3A_415 : memref<1x128x128xf32, #tpu.memory_space<hbm>> -> memref<128x128xf32, #tpu.memory_space<hbm>>
    tpu.wait_dma2 semaphore(%arg16 : memref<!tpu.dma_semaphore, #tpu.memory_space<semaphore_mem>>) src(%arg11 : memref<128x128xf32, #tpu.memory_space<vmem>>) dst(%dma_wait3A_416 : memref<128x128xf32, #tpu.memory_space<hbm>>)
    "tpu.region"() ({
      %run_scoped3A = tpu.sem_alloc : memref<!tpu.dma_semaphore, #tpu.memory_space<semaphore_mem>>
      %dma_start3A_449 = arith.constant 0 : i32
      %dma_start3A_450 = tpu.memref_slice %arg12[%add3A_410, %dma_start3A_449] : memref<10240x128xf32, #tpu.memory_space<vmem_shared>> -> memref<128x128xf32, #tpu.memory_space<vmem_shared>>
      %dma_start3A_451 = arith.constant 0 : i32
      %dma_start3A_452 = tpu.memref_slice %arg12[%add3A_410, %dma_start3A_451] : memref<10240x128xf32, #tpu.memory_space<vmem_shared>> -> memref<128x128xf32, #tpu.memory_space<vmem_shared>>
      tpu.enqueue_dma source(%dma_start3A_452 : memref<128x128xf32, #tpu.memory_space<vmem_shared>>) target(%arg11 : memref<128x128xf32, #tpu.memory_space<vmem>>) target_semaphore(%run_scoped3A : memref<!tpu.dma_semaphore, #tpu.memory_space<semaphore_mem>>)
      %dma_wait3A_453 = arith.constant 0 : i32
      %dma_wait3A_454 = tpu.memref_slice %arg12[%add3A_410, %dma_wait3A_453] : memref<10240x128xf32, #tpu.memory_space<vmem_shared>> -> memref<128x128xf32, #tpu.memory_space<vmem_shared>>
      %dma_wait3A_455 = arith.constant 0 : i32
      %dma_wait3A_456 = tpu.memref_slice %arg12[%add3A_410, %dma_wait3A_455] : memref<10240x128xf32, #tpu.memory_space<vmem_shared>> -> memref<128x128xf32, #tpu.memory_space<vmem_shared>>
      tpu.wait_dma2 semaphore(%run_scoped3A : memref<!tpu.dma_semaphore, #tpu.memory_space<semaphore_mem>>) src(%dma_wait3A_456 : memref<128x128xf32, #tpu.memory_space<vmem_shared>>) dst(%arg11 : memref<128x128xf32, #tpu.memory_space<vmem>>)
      tpu.yield
    }) : () -> ()
    %dma_start3A_417 = arith.constant 0 : i32
    %dma_start3A_418 = tpu.memref_slice %arg5[%arg0, %add3A_410, %dma_start3A_417] : memref<2x10240x128xf32, #tpu.memory_space<hbm>> -> memref<1x128x128xf32, #tpu.memory_space<hbm>>
    %dma_start3A_419 = tpu.memref_squeeze %dma_start3A_418 : memref<1x128x128xf32, #tpu.memory_space<hbm>> -> memref<128x128xf32, #tpu.memory_space<hbm>>
    %dma_start3A_420 = arith.constant 0 : i32
    %dma_start3A_421 = tpu.memref_slice %arg5[%arg0, %add3A_410, %dma_start3A_420] : memref<2x10240x128xf32, #tpu.memory_space<hbm>> -> memref<1x128x128xf32, #tpu.memory_space<hbm>>
    %dma_start3A_422 = tpu.memref_squeeze %dma_start3A_421 : memref<1x128x128xf32, #tpu.memory_space<hbm>> -> memref<128x128xf32, #tpu.memory_space<hbm>>
    tpu.enqueue_dma source(%arg11 : memref<128x128xf32, #tpu.memory_space<vmem>>) target(%dma_start3A_422 : memref<128x128xf32, #tpu.memory_space<hbm>>) target_semaphore(%arg16 : memref<!tpu.dma_semaphore, #tpu.memory_space<semaphore_mem>>)
    %add3A_423 = arith.constant 512 : i32
    %add3A_424 = arith.addi %mul3A_0, %add3A_423 : i32
    %dma_wait3A_425 = arith.constant 0 : i32
    %dma_wait3A_426 = tpu.memref_slice %arg5[%arg0, %mul3A_0, %dma_wait3A_425] : memref<2x10240x128xf32, #tpu.memory_space<hbm>> -> memref<1x128x128xf32, #tpu.memory_space<hbm>>
    %dma_wait3A_427 = tpu.memref_squeeze %dma_wait3A_426 : memref<1x128x128xf32, #tpu.memory_space<hbm>> -> memref<128x128xf32, #tpu.memory_space<hbm>>
    %dma_wait3A_428 = arith.constant 0 : i32
    %dma_wait3A_429 = tpu.memref_slice %arg5[%arg0, %mul3A_0, %dma_wait3A_428] : memref<2x10240x128xf32, #tpu.memory_space<hbm>> -> memref<1x128x128xf32, #tpu.memory_space<hbm>>
    %dma_wait3A_430 = tpu.memref_squeeze %dma_wait3A_429 : memref<1x128x128xf32, #tpu.memory_space<hbm>> -> memref<128x128xf32, #tpu.memory_space<hbm>>
    tpu.wait_dma2 semaphore(%arg15 : memref<!tpu.dma_semaphore, #tpu.memory_space<semaphore_mem>>) src(%arg10 : memref<128x128xf32, #tpu.memory_space<vmem>>) dst(%dma_wait3A_430 : memref<128x128xf32, #tpu.memory_space<hbm>>)
    "tpu.region"() ({
      %run_scoped3A = tpu.sem_alloc : memref<!tpu.dma_semaphore, #tpu.memory_space<semaphore_mem>>
      %dma_start3A_449 = arith.constant 0 : i32
      %dma_start3A_450 = tpu.memref_slice %arg12[%add3A_424, %dma_start3A_449] : memref<10240x128xf32, #tpu.memory_space<vmem_shared>> -> memref<128x128xf32, #tpu.memory_space<vmem_shared>>
      %dma_start3A_451 = arith.constant 0 : i32
      %dma_start3A_452 = tpu.memref_slice %arg12[%add3A_424, %dma_start3A_451] : memref<10240x128xf32, #tpu.memory_space<vmem_shared>> -> memref<128x128xf32, #tpu.memory_space<vmem_shared>>
      tpu.enqueue_dma source(%dma_start3A_452 : memref<128x128xf32, #tpu.memory_space<vmem_shared>>) target(%arg10 : memref<128x128xf32, #tpu.memory_space<vmem>>) target_semaphore(%run_scoped3A : memref<!tpu.dma_semaphore, #tpu.memory_space<semaphore_mem>>)
      %dma_wait3A_453 = arith.constant 0 : i32
      %dma_wait3A_454 = tpu.memref_slice %arg12[%add3A_424, %dma_wait3A_453] : memref<10240x128xf32, #tpu.memory_space<vmem_shared>> -> memref<128x128xf32, #tpu.memory_space<vmem_shared>>
      %dma_wait3A_455 = arith.constant 0 : i32
      %dma_wait3A_456 = tpu.memref_slice %arg12[%add3A_424, %dma_wait3A_455] : memref<10240x128xf32, #tpu.memory_space<vmem_shared>> -> memref<128x128xf32, #tpu.memory_space<vmem_shared>>
      tpu.wait_dma2 semaphore(%run_scoped3A : memref<!tpu.dma_semaphore, #tpu.memory_space<semaphore_mem>>) src(%dma_wait3A_456 : memref<128x128xf32, #tpu.memory_space<vmem_shared>>) dst(%arg10 : memref<128x128xf32, #tpu.memory_space<vmem>>)
      tpu.yield
    }) : () -> ()
    %dma_start3A_431 = arith.constant 0 : i32
    %dma_start3A_432 = tpu.memref_slice %arg5[%arg0, %add3A_424, %dma_start3A_431] : memref<2x10240x128xf32, #tpu.memory_space<hbm>> -> memref<1x128x128xf32, #tpu.memory_space<hbm>>
    %dma_start3A_433 = tpu.memref_squeeze %dma_start3A_432 : memref<1x128x128xf32, #tpu.memory_space<hbm>> -> memref<128x128xf32, #tpu.memory_space<hbm>>
    %dma_start3A_434 = arith.constant 0 : i32
    %dma_start3A_435 = tpu.memref_slice %arg5[%arg0, %add3A_424, %dma_start3A_434] : memref<2x10240x128xf32, #tpu.memory_space<hbm>> -> memref<1x128x128xf32, #tpu.memory_space<hbm>>
    %dma_start3A_436 = tpu.memref_squeeze %dma_start3A_435 : memref<1x128x128xf32, #tpu.memory_space<hbm>> -> memref<128x128xf32, #tpu.memory_space<hbm>>
    tpu.enqueue_dma source(%arg10 : memref<128x128xf32, #tpu.memory_space<vmem>>) target(%dma_start3A_436 : memref<128x128xf32, #tpu.memory_space<hbm>>) target_semaphore(%arg15 : memref<!tpu.dma_semaphore, #tpu.memory_space<semaphore_mem>>)
    %dma_wait3A_437 = arith.constant 0 : i32
    %dma_wait3A_438 = tpu.memref_slice %arg5[%arg0, %mul3A_0, %dma_wait3A_437] : memref<2x10240x128xf32, #tpu.memory_space<hbm>> -> memref<1x128x128xf32, #tpu.memory_space<hbm>>
    %dma_wait3A_439 = tpu.memref_squeeze %dma_wait3A_438 : memref<1x128x128xf32, #tpu.memory_space<hbm>> -> memref<128x128xf32, #tpu.memory_space<hbm>>
    %dma_wait3A_440 = arith.constant 0 : i32
    %dma_wait3A_441 = tpu.memref_slice %arg5[%arg0, %mul3A_0, %dma_wait3A_440] : memref<2x10240x128xf32, #tpu.memory_space<hbm>> -> memref<1x128x128xf32, #tpu.memory_space<hbm>>
    %dma_wait3A_442 = tpu.memref_squeeze %dma_wait3A_441 : memref<1x128x128xf32, #tpu.memory_space<hbm>> -> memref<128x128xf32, #tpu.memory_space<hbm>>
    tpu.wait_dma2 semaphore(%arg15 : memref<!tpu.dma_semaphore, #tpu.memory_space<semaphore_mem>>) src(%arg10 : memref<128x128xf32, #tpu.memory_space<vmem>>) dst(%dma_wait3A_442 : memref<128x128xf32, #tpu.memory_space<hbm>>)
    %dma_wait3A_443 = arith.constant 0 : i32
    %dma_wait3A_444 = tpu.memref_slice %arg5[%arg0, %mul3A_0, %dma_wait3A_443] : memref<2x10240x128xf32, #tpu.memory_space<hbm>> -> memref<1x128x128xf32, #tpu.memory_space<hbm>>
    %dma_wait3A_445 = tpu.memref_squeeze %dma_wait3A_444 : memref<1x128x128xf32, #tpu.memory_space<hbm>> -> memref<128x128xf32, #tpu.memory_space<hbm>>
    %dma_wait3A_446 = arith.constant 0 : i32
    %dma_wait3A_447 = tpu.memref_slice %arg5[%arg0, %mul3A_0, %dma_wait3A_446] : memref<2x10240x128xf32, #tpu.memory_space<hbm>> -> memref<1x128x128xf32, #tpu.memory_space<hbm>>
    %dma_wait3A_448 = tpu.memref_squeeze %dma_wait3A_447 : memref<1x128x128xf32, #tpu.memory_space<hbm>> -> memref<128x128xf32, #tpu.memory_space<hbm>>
    tpu.wait_dma2 semaphore(%arg16 : memref<!tpu.dma_semaphore, #tpu.memory_space<semaphore_mem>>) src(%arg11 : memref<128x128xf32, #tpu.memory_space<vmem>>) dst(%dma_wait3A_448 : memref<128x128xf32, #tpu.memory_space<hbm>>)
    return
  }
}

#map = affine_map<(d0, d1) -> (0, 0)>
#map1 = affine_map<(d0, d1) -> (0, 0, 0)>
module attributes {stable_mosaic.version = 14 : i64} {
  func.func @body(%arg0: i32, %arg1: i32, %arg2: memref<10240x128xf32, #tpu.memory_space<hbm>>, %arg3: memref<2560x2x128xi32, #tpu.memory_space<hbm>>, %arg4: memref<128x128xf32, #tpu.memory_space<hbm>>, %arg5: memref<2x10240x128xf32, #tpu.memory_space<hbm>>, %arg6: memref<2x128xi32, #tpu.memory_space<vmem>>, %arg7: memref<2x128xi32, #tpu.memory_space<vmem>>, %arg8: memref<2x128xi32, #tpu.memory_space<vmem>>, %arg9: memref<2x128xi32, #tpu.memory_space<vmem>>, %arg10: memref<128x128xf32, #tpu.memory_space<vmem>>, %arg11: memref<128x128xf32, #tpu.memory_space<vmem>>, %arg12: memref<10240x128xf32, #tpu.memory_space<vmem_shared>>, %arg13: memref<!tpu.dma_semaphore, #tpu.memory_space<semaphore_mem>>, %arg14: memref<!tpu.dma_semaphore, #tpu.memory_space<semaphore_mem>>, %arg15: memref<!tpu.dma_semaphore, #tpu.memory_space<semaphore_mem>>, %arg16: memref<!tpu.dma_semaphore, #tpu.memory_space<semaphore_mem>>, %arg17: memref<!tpu.dma_semaphore, #tpu.memory_space<semaphore_mem>>, %arg18: memref<!tpu.dma_semaphore, #tpu.memory_space<semaphore_mem>>, %arg19: memref<!tpu.dma_semaphore, #tpu.memory_space<semaphore_mem>>, %arg20: memref<!tpu.dma_semaphore, #tpu.memory_space<semaphore_mem>>) attributes {dimension_semantics = [#tpu.dimension_semantics<core_parallel>, #tpu.dimension_semantics<subcore_parallel>], iteration_bounds = array<i64: 2, 16>, scalar_prefetch = 0 : i64, scratch_operands = 15 : i64, tpu.core_type = #tpu.core_type<sc_vector_subcore>, window_params = [{transform_indices = #map}, {transform_indices = #map1}, {transform_indices = #map}, {transform_indices = #map1}]} {
    %mul3A = arith.constant 640 : i32
    %mul3A_0 = arith.muli %arg1, %mul3A : i32
    %mul3A_1 = arith.constant 16 : i32
    %mul3A_2 = arith.muli %arg0, %mul3A_1 : i32
    %add3A = arith.addi %mul3A_2, %arg1 : i32
    "tpu.region"() ({
      %run_scoped3A = tpu.sem_alloc : memref<!tpu.dma_semaphore, #tpu.memory_space<semaphore_mem>>
      tpu.enqueue_dma source(%arg4 : memref<128x128xf32, #tpu.memory_space<hbm>>) target(%arg10 : memref<128x128xf32, #tpu.memory_space<vmem>>) target_semaphore(%run_scoped3A : memref<!tpu.dma_semaphore, #tpu.memory_space<semaphore_mem>>)
      tpu.wait_dma2 semaphore(%run_scoped3A : memref<!tpu.dma_semaphore, #tpu.memory_space<semaphore_mem>>) src(%arg4 : memref<128x128xf32, #tpu.memory_space<hbm>>) dst(%arg10 : memref<128x128xf32, #tpu.memory_space<vmem>>)
      tpu.yield
    }) : () -> ()
    %add3A_3 = arith.constant 0 : i32
    %add3A_4 = arith.addi %mul3A_0, %add3A_3 : i32
    "tpu.region"() ({
      %run_scoped3A = tpu.sem_alloc : memref<!tpu.dma_semaphore, #tpu.memory_space<semaphore_mem>>
      %dma_start3A_449 = arith.constant 0 : i32
      %dma_start3A_450 = tpu.memref_slice %arg12[%add3A_4, %dma_start3A_449] : memref<10240x128xf32, #tpu.memory_space<vmem_shared>> -> memref<128x128xf32, #tpu.memory_space<vmem_shared>>
      %dma_start3A_451 = arith.constant 0 : i32
      %dma_start3A_452 = tpu.memref_slice %arg12[%add3A_4, %dma_start3A_451] : memref<10240x128xf32, #tpu.memory_space<vmem_shared>> -> memref<128x128xf32, #tpu.memory_space<vmem_shared>>
      tpu.enqueue_dma source(%arg10 : memref<128x128xf32, #tpu.memory_space<vmem>>) target(%dma_start3A_452 : memref<128x128xf32, #tpu.memory_space<vmem_shared>>) target_semaphore(%run_scoped3A : memref<!tpu.dma_semaphore, #tpu.memory_space<semaphore_mem>>)
      %dma_wait3A_453 = arith.constant 0 : i32
      %dma_wait3A_454 = tpu.memref_slice %arg12[%add3A_4, %dma_wait3A_453] : memref<10240x128xf32, #tpu.memory_space<vmem_shared>> -> memref<128x128xf32, #tpu.memory_space<vmem_shared>>
      %dma_wait3A_455 = arith.constant 0 : i32
      %dma_wait3A_456 = tpu.memref_slice %arg12[%add3A_4, %dma_wait3A_455] : memref<10240x128xf32, #tpu.memory_space<vmem_shared>> -> memref<128x128xf32, #tpu.memory_space<vmem_shared>>
      tpu.wait_dma2 semaphore(%run_scoped3A : memref<!tpu.dma_semaphore, #tpu.memory_space<semaphore_mem>>) src(%arg10 : memref<128x128xf32, #tpu.memory_space<vmem>>) dst(%dma_wait3A_456 : memref<128x128xf32, #tpu.memory_space<vmem_shared>>)
      tpu.yield
    }) : () -> ()
    %add3A_5 = arith.constant 128 : i32
    %add3A_6 = arith.addi %mul3A_0, %add3A_5 : i32
    "tpu.region"() ({
      %run_scoped3A = tpu.sem_alloc : memref<!tpu.dma_semaphore, #tpu.memory_space<semaphore_mem>>
      %dma_start3A_449 = arith.constant 0 : i32
      %dma_start3A_450 = tpu.memref_slice %arg12[%add3A_6, %dma_start3A_449] : memref<10240x128xf32, #tpu.memory_space<vmem_shared>> -> memref<128x128xf32, #tpu.memory_space<vmem_shared>>
      %dma_start3A_451 = arith.constant 0 : i32
      %dma_start3A_452 = tpu.memref_slice %arg12[%add3A_6, %dma_start3A_451] : memref<10240x128xf32, #tpu.memory_space<vmem_shared>> -> memref<128x128xf32, #tpu.memory_space<vmem_shared>>
      tpu.enqueue_dma source(%arg10 : memref<128x128xf32, #tpu.memory_space<vmem>>) target(%dma_start3A_452 : memref<128x128xf32, #tpu.memory_space<vmem_shared>>) target_semaphore(%run_scoped3A : memref<!tpu.dma_semaphore, #tpu.memory_space<semaphore_mem>>)
      %dma_wait3A_453 = arith.constant 0 : i32
      %dma_wait3A_454 = tpu.memref_slice %arg12[%add3A_6, %dma_wait3A_453] : memref<10240x128xf32, #tpu.memory_space<vmem_shared>> -> memref<128x128xf32, #tpu.memory_space<vmem_shared>>
      %dma_wait3A_455 = arith.constant 0 : i32
      %dma_wait3A_456 = tpu.memref_slice %arg12[%add3A_6, %dma_wait3A_455] : memref<10240x128xf32, #tpu.memory_space<vmem_shared>> -> memref<128x128xf32, #tpu.memory_space<vmem_shared>>
      tpu.wait_dma2 semaphore(%run_scoped3A : memref<!tpu.dma_semaphore, #tpu.memory_space<semaphore_mem>>) src(%arg10 : memref<128x128xf32, #tpu.memory_space<vmem>>) dst(%dma_wait3A_456 : memref<128x128xf32, #tpu.memory_space<vmem_shared>>)
      tpu.yield
    }) : () -> ()
    %add3A_7 = arith.constant 256 : i32
    %add3A_8 = arith.addi %mul3A_0, %add3A_7 : i32
    "tpu.region"() ({
      %run_scoped3A = tpu.sem_alloc : memref<!tpu.dma_semaphore, #tpu.memory_space<semaphore_mem>>
      %dma_start3A_449 = arith.constant 0 : i32
      %dma_start3A_450 = tpu.memref_slice %arg12[%add3A_8, %dma_start3A_449] : memref<10240x128xf32, #tpu.memory_space<vmem_shared>> -> memref<128x128xf32, #tpu.memory_space<vmem_shared>>
      %dma_start3A_451 = arith.constant 0 : i32
      %dma_start3A_452 = tpu.memref_slice %arg12[%add3A_8, %dma_start3A_451] : memref<10240x128xf32, #tpu.memory_space<vmem_shared>> -> memref<128x128xf32, #tpu.memory_space<vmem_shared>>
      tpu.enqueue_dma source(%arg10 : memref<128x128xf32, #tpu.memory_space<vmem>>) target(%dma_start3A_452 : memref<128x128xf32, #tpu.memory_space<vmem_shared>>) target_semaphore(%run_scoped3A : memref<!tpu.dma_semaphore, #tpu.memory_space<semaphore_mem>>)
      %dma_wait3A_453 = arith.constant 0 : i32
      %dma_wait3A_454 = tpu.memref_slice %arg12[%add3A_8, %dma_wait3A_453] : memref<10240x128xf32, #tpu.memory_space<vmem_shared>> -> memref<128x128xf32, #tpu.memory_space<vmem_shared>>
      %dma_wait3A_455 = arith.constant 0 : i32
      %dma_wait3A_456 = tpu.memref_slice %arg12[%add3A_8, %dma_wait3A_455] : memref<10240x128xf32, #tpu.memory_space<vmem_shared>> -> memref<128x128xf32, #tpu.memory_space<vmem_shared>>
      tpu.wait_dma2 semaphore(%run_scoped3A : memref<!tpu.dma_semaphore, #tpu.memory_space<semaphore_mem>>) src(%arg10 : memref<128x128xf32, #tpu.memory_space<vmem>>) dst(%dma_wait3A_456 : memref<128x128xf32, #tpu.memory_space<vmem_shared>>)
      tpu.yield
    }) : () -> ()
    %add3A_9 = arith.constant 384 : i32
    %add3A_10 = arith.addi %mul3A_0, %add3A_9 : i32
    "tpu.region"() ({
      %run_scoped3A = tpu.sem_alloc : memref<!tpu.dma_semaphore, #tpu.memory_space<semaphore_mem>>
      %dma_start3A_449 = arith.constant 0 : i32
      %dma_start3A_450 = tpu.memref_slice %arg12[%add3A_10, %dma_start3A_449] : memref<10240x128xf32, #tpu.memory_space<vmem_shared>> -> memref<128x128xf32, #tpu.memory_space<vmem_shared>>
      %dma_start3A_451 = arith.constant 0 : i32
      %dma_start3A_452 = tpu.memref_slice %arg12[%add3A_10, %dma_start3A_451] : memref<10240x128xf32, #tpu.memory_space<vmem_shared>> -> memref<128x128xf32, #tpu.memory_space<vmem_shared>>
      tpu.enqueue_dma source(%arg10 : memref<128x128xf32, #tpu.memory_space<vmem>>) target(%dma_start3A_452 : memref<128x128xf32, #tpu.memory_space<vmem_shared>>) target_semaphore(%run_scoped3A : memref<!tpu.dma_semaphore, #tpu.memory_space<semaphore_mem>>)
      %dma_wait3A_453 = arith.constant 0 : i32
      %dma_wait3A_454 = tpu.memref_slice %arg12[%add3A_10, %dma_wait3A_453] : memref<10240x128xf32, #tpu.memory_space<vmem_shared>> -> memref<128x128xf32, #tpu.memory_space<vmem_shared>>
      %dma_wait3A_455 = arith.constant 0 : i32
      %dma_wait3A_456 = tpu.memref_slice %arg12[%add3A_10, %dma_wait3A_455] : memref<10240x128xf32, #tpu.memory_space<vmem_shared>> -> memref<128x128xf32, #tpu.memory_space<vmem_shared>>
      tpu.wait_dma2 semaphore(%run_scoped3A : memref<!tpu.dma_semaphore, #tpu.memory_space<semaphore_mem>>) src(%arg10 : memref<128x128xf32, #tpu.memory_space<vmem>>) dst(%dma_wait3A_456 : memref<128x128xf32, #tpu.memory_space<vmem_shared>>)
      tpu.yield
    }) : () -> ()
    %add3A_11 = arith.constant 512 : i32
    %add3A_12 = arith.addi %mul3A_0, %add3A_11 : i32
    "tpu.region"() ({
      %run_scoped3A = tpu.sem_alloc : memref<!tpu.dma_semaphore, #tpu.memory_space<semaphore_mem>>
      %dma_start3A_449 = arith.constant 0 : i32
      %dma_start3A_450 = tpu.memref_slice %arg12[%add3A_12, %dma_start3A_449] : memref<10240x128xf32, #tpu.memory_space<vmem_shared>> -> memref<128x128xf32, #tpu.memory_space<vmem_shared>>
      %dma_start3A_451 = arith.constant 0 : i32
      %dma_start3A_452 = tpu.memref_slice %arg12[%add3A_12, %dma_start3A_451] : memref<10240x128xf32, #tpu.memory_space<vmem_shared>> -> memref<128x128xf32, #tpu.memory_space<vmem_shared>>
      tpu.enqueue_dma source(%arg10 : memref<128x128xf32, #tpu.memory_space<vmem>>) target(%dma_start3A_452 : memref<128x128xf32, #tpu.memory_space<vmem_shared>>) target_semaphore(%run_scoped3A : memref<!tpu.dma_semaphore, #tpu.memory_space<semaphore_mem>>)
      %dma_wait3A_453 = arith.constant 0 : i32
      %dma_wait3A_454 = tpu.memref_slice %arg12[%add3A_12, %dma_wait3A_453] : memref<10240x128xf32, #tpu.memory_space<vmem_shared>> -> memref<128x128xf32, #tpu.memory_space<vmem_shared>>
      %dma_wait3A_455 = arith.constant 0 : i32
      %dma_wait3A_456 = tpu.memref_slice %arg12[%add3A_12, %dma_wait3A_455] : memref<10240x128xf32, #tpu.memory_space<vmem_shared>> -> memref<128x128xf32, #tpu.memory_space<vmem_shared>>
      tpu.wait_dma2 semaphore(%run_scoped3A : memref<!tpu.dma_semaphore, #tpu.memory_space<semaphore_mem>>) src(%arg10 : memref<128x128xf32, #tpu.memory_space<vmem>>) dst(%dma_wait3A_456 : memref<128x128xf32, #tpu.memory_space<vmem_shared>>)
      tpu.yield
    }) : () -> ()
    %barrier3A = arith.constant 0 : index
    tpu.barrier barrier_id(%barrier3A)
    %mul3A_13 = arith.constant 80 : i32
    %mul3A_14 = arith.muli %add3A, %mul3A_13 : i32
    %add3A_15 = arith.constant 0 : i32
    %add3A_16 = arith.addi %mul3A_14, %add3A_15 : i32
    %dma_start3A = arith.constant 0 : i32
    %dma_start3A_17 = arith.constant 0 : i32
    %dma_start3A_18 = tpu.memref_slice %arg3[%add3A_16, %dma_start3A, %dma_start3A_17] : memref<2560x2x128xi32, #tpu.memory_space<hbm>> -> memref<1x2x128xi32, #tpu.memory_space<hbm>>
    %dma_start3A_19 = tpu.memref_squeeze %dma_start3A_18 : memref<1x2x128xi32, #tpu.memory_space<hbm>> -> memref<2x128xi32, #tpu.memory_space<hbm>>
    %dma_start3A_20 = arith.constant 0 : i32
    %dma_start3A_21 = arith.constant 0 : i32
    %dma_start3A_22 = tpu.memref_slice %arg3[%add3A_16, %dma_start3A_20, %dma_start3A_21] : memref<2560x2x128xi32, #tpu.memory_space<hbm>> -> memref<1x2x128xi32, #tpu.memory_space<hbm>>
    %dma_start3A_23 = tpu.memref_squeeze %dma_start3A_22 : memref<1x2x128xi32, #tpu.memory_space<hbm>> -> memref<2x128xi32, #tpu.memory_space<hbm>>
    tpu.enqueue_dma source(%dma_start3A_23 : memref<2x128xi32, #tpu.memory_space<hbm>>) target(%arg6 : memref<2x128xi32, #tpu.memory_space<vmem>>) target_semaphore(%arg17 : memref<!tpu.dma_semaphore, #tpu.memory_space<semaphore_mem>>)
    %add3A_24 = arith.constant 1 : i32
    %add3A_25 = arith.addi %mul3A_14, %add3A_24 : i32
    %dma_start3A_26 = arith.constant 0 : i32
    %dma_start3A_27 = arith.constant 0 : i32
    %dma_start3A_28 = tpu.memref_slice %arg3[%add3A_25, %dma_start3A_26, %dma_start3A_27] : memref<2560x2x128xi32, #tpu.memory_space<hbm>> -> memref<1x2x128xi32, #tpu.memory_space<hbm>>
    %dma_start3A_29 = tpu.memref_squeeze %dma_start3A_28 : memref<1x2x128xi32, #tpu.memory_space<hbm>> -> memref<2x128xi32, #tpu.memory_space<hbm>>
    %dma_start3A_30 = arith.constant 0 : i32
    %dma_start3A_31 = arith.constant 0 : i32
    %dma_start3A_32 = tpu.memref_slice %arg3[%add3A_25, %dma_start3A_30, %dma_start3A_31] : memref<2560x2x128xi32, #tpu.memory_space<hbm>> -> memref<1x2x128xi32, #tpu.memory_space<hbm>>
    %dma_start3A_33 = tpu.memref_squeeze %dma_start3A_32 : memref<1x2x128xi32, #tpu.memory_space<hbm>> -> memref<2x128xi32, #tpu.memory_space<hbm>>
    tpu.enqueue_dma source(%dma_start3A_33 : memref<2x128xi32, #tpu.memory_space<hbm>>) target(%arg7 : memref<2x128xi32, #tpu.memory_space<vmem>>) target_semaphore(%arg18 : memref<!tpu.dma_semaphore, #tpu.memory_space<semaphore_mem>>)
    %add3A_34 = arith.constant 2 : i32
    %add3A_35 = arith.addi %mul3A_14, %add3A_34 : i32
    %dma_start3A_36 = arith.constant 0 : i32
    %dma_start3A_37 = arith.constant 0 : i32
    %dma_start3A_38 = tpu.memref_slice %arg3[%add3A_35, %dma_start3A_36, %dma_start3A_37] : memref<2560x2x128xi32, #tpu.memory_space<hbm>> -> memref<1x2x128xi32, #tpu.memory_space<hbm>>
    %dma_start3A_39 = tpu.memref_squeeze %dma_start3A_38 : memref<1x2x128xi32, #tpu.memory_space<hbm>> -> memref<2x128xi32, #tpu.memory_space<hbm>>
    %dma_start3A_40 = arith.constant 0 : i32
    %dma_start3A_41 = arith.constant 0 : i32
    %dma_start3A_42 = tpu.memref_slice %arg3[%add3A_35, %dma_start3A_40, %dma_start3A_41] : memref<2560x2x128xi32, #tpu.memory_space<hbm>> -> memref<1x2x128xi32, #tpu.memory_space<hbm>>
    %dma_start3A_43 = tpu.memref_squeeze %dma_start3A_42 : memref<1x2x128xi32, #tpu.memory_space<hbm>> -> memref<2x128xi32, #tpu.memory_space<hbm>>
    tpu.enqueue_dma source(%dma_start3A_43 : memref<2x128xi32, #tpu.memory_space<hbm>>) target(%arg8 : memref<2x128xi32, #tpu.memory_space<vmem>>) target_semaphore(%arg19 : memref<!tpu.dma_semaphore, #tpu.memory_space<semaphore_mem>>)
    %add3A_44 = arith.constant 3 : i32
    %add3A_45 = arith.addi %mul3A_14, %add3A_44 : i32
    %dma_start3A_46 = arith.constant 0 : i32
    %dma_start3A_47 = arith.constant 0 : i32
    %dma_start3A_48 = tpu.memref_slice %arg3[%add3A_45, %dma_start3A_46, %dma_start3A_47] : memref<2560x2x128xi32, #tpu.memory_space<hbm>> -> memref<1x2x128xi32, #tpu.memory_space<hbm>>
    %dma_start3A_49 = tpu.memref_squeeze %dma_start3A_48 : memref<1x2x128xi32, #tpu.memory_space<hbm>> -> memref<2x128xi32, #tpu.memory_space<hbm>>
    %dma_start3A_50 = arith.constant 0 : i32
    %dma_start3A_51 = arith.constant 0 : i32
    %dma_start3A_52 = tpu.memref_slice %arg3[%add3A_45, %dma_start3A_50, %dma_start3A_51] : memref<2560x2x128xi32, #tpu.memory_space<hbm>> -> memref<1x2x128xi32, #tpu.memory_space<hbm>>
    %dma_start3A_53 = tpu.memref_squeeze %dma_start3A_52 : memref<1x2x128xi32, #tpu.memory_space<hbm>> -> memref<2x128xi32, #tpu.memory_space<hbm>>
    tpu.enqueue_dma source(%dma_start3A_53 : memref<2x128xi32, #tpu.memory_space<hbm>>) target(%arg9 : memref<2x128xi32, #tpu.memory_space<vmem>>) target_semaphore(%arg20 : memref<!tpu.dma_semaphore, #tpu.memory_space<semaphore_mem>>)
    %dma_wait3A = arith.constant 0 : i32
    %dma_wait3A_54 = arith.constant 0 : i32
    %dma_wait3A_55 = arith.constant 0 : i32
    %dma_wait3A_56 = tpu.memref_slice %arg3[%dma_wait3A, %dma_wait3A_54, %dma_wait3A_55] : memref<2560x2x128xi32, #tpu.memory_space<hbm>> -> memref<1x2x128xi32, #tpu.memory_space<hbm>>
    %dma_wait3A_57 = tpu.memref_squeeze %dma_wait3A_56 : memref<1x2x128xi32, #tpu.memory_space<hbm>> -> memref<2x128xi32, #tpu.memory_space<hbm>>
    %dma_wait3A_58 = arith.constant 0 : i32
    %dma_wait3A_59 = arith.constant 0 : i32
    %dma_wait3A_60 = tpu.memref_slice %arg3[%dma_wait3A, %dma_wait3A_58, %dma_wait3A_59] : memref<2560x2x128xi32, #tpu.memory_space<hbm>> -> memref<1x2x128xi32, #tpu.memory_space<hbm>>
    %dma_wait3A_61 = tpu.memref_squeeze %dma_wait3A_60 : memref<1x2x128xi32, #tpu.memory_space<hbm>> -> memref<2x128xi32, #tpu.memory_space<hbm>>
    tpu.wait_dma2 semaphore(%arg17 : memref<!tpu.dma_semaphore, #tpu.memory_space<semaphore_mem>>) src(%dma_wait3A_61 : memref<2x128xi32, #tpu.memory_space<hbm>>) dst(%arg6 : memref<2x128xi32, #tpu.memory_space<vmem>>)
    %dma_start3A_62 = arith.constant 0 : i32
    %dma_start3A_63 = arith.constant 0 : i32
    %dma_start3A_64 = tpu.memref_slice %arg6[%dma_start3A_62, %dma_start3A_63] : memref<2x128xi32, #tpu.memory_space<vmem>> -> memref<1x128xi32, #tpu.memory_space<vmem>>
    %dma_start3A_65 = tpu.memref_squeeze %dma_start3A_64 : memref<1x128xi32, #tpu.memory_space<vmem>> -> memref<128xi32, #tpu.memory_space<vmem>>
    %dma_start3A_66 = arith.constant 0 : i32
    %dma_start3A_67 = arith.constant 0 : i32
    %dma_start3A_68 = tpu.memref_slice %arg2[%dma_start3A_66, %dma_start3A_67] : memref<10240x128xf32, #tpu.memory_space<hbm>> -> memref<10240x128xf32, #tpu.memory_space<hbm>>
    tpu.enqueue_indirect_dma source(%dma_start3A_68 : memref<10240x128xf32, #tpu.memory_space<hbm>>) target(%arg10 : memref<128x128xf32, #tpu.memory_space<vmem>>) offsets(%dma_start3A_65 : memref<128xi32, #tpu.memory_space<vmem>>) semaphore(%arg13 : memref<!tpu.dma_semaphore, #tpu.memory_space<semaphore_mem>>)
    %dma_wait3A_69 = arith.constant 0 : i32
    %dma_wait3A_70 = arith.constant 0 : i32
    %dma_wait3A_71 = tpu.memref_slice %arg2[%dma_wait3A_69, %dma_wait3A_70] : memref<10240x128xf32, #tpu.memory_space<hbm>> -> memref<128x128xf32, #tpu.memory_space<hbm>>
    %dma_wait3A_72 = arith.constant 0 : i32
    %dma_wait3A_73 = arith.constant 0 : i32
    %dma_wait3A_74 = tpu.memref_slice %arg2[%dma_wait3A_72, %dma_wait3A_73] : memref<10240x128xf32, #tpu.memory_space<hbm>> -> memref<128x128xf32, #tpu.memory_space<hbm>>
    tpu.wait_dma2 semaphore(%arg13 : memref<!tpu.dma_semaphore, #tpu.memory_space<semaphore_mem>>) src(%dma_wait3A_74 : memref<128x128xf32, #tpu.memory_space<hbm>>) dst(%arg10 : memref<128x128xf32, #tpu.memory_space<vmem>>)
    %dma_start3A_75 = arith.constant 1 : i32
    %dma_start3A_76 = arith.constant 0 : i32
    %dma_start3A_77 = tpu.memref_slice %arg6[%dma_start3A_75, %dma_start3A_76] : memref<2x128xi32, #tpu.memory_space<vmem>> -> memref<1x128xi32, #tpu.memory_space<vmem>>
    %dma_start3A_78 = tpu.memref_squeeze %dma_start3A_77 : memref<1x128xi32, #tpu.memory_space<vmem>> -> memref<128xi32, #tpu.memory_space<vmem>>
    %dma_start3A_79 = arith.constant 0 : i32
    %dma_start3A_80 = arith.constant 0 : i32
    %dma_start3A_81 = tpu.memref_slice %arg12[%dma_start3A_79, %dma_start3A_80] : memref<10240x128xf32, #tpu.memory_space<vmem_shared>> -> memref<10240x128xf32, #tpu.memory_space<vmem_shared>>
    tpu.enqueue_indirect_dma source(%arg10 : memref<128x128xf32, #tpu.memory_space<vmem>>) target(%dma_start3A_81 : memref<10240x128xf32, #tpu.memory_space<vmem_shared>>) offsets(%dma_start3A_78 : memref<128xi32, #tpu.memory_space<vmem>>) semaphore(%arg15 : memref<!tpu.dma_semaphore, #tpu.memory_space<semaphore_mem>>) {add = true}
    %dma_wait3A_82 = arith.constant 0 : i32
    %dma_wait3A_83 = arith.constant 0 : i32
    %dma_wait3A_84 = arith.constant 0 : i32
    %dma_wait3A_85 = tpu.memref_slice %arg3[%dma_wait3A_82, %dma_wait3A_83, %dma_wait3A_84] : memref<2560x2x128xi32, #tpu.memory_space<hbm>> -> memref<1x2x128xi32, #tpu.memory_space<hbm>>
    %dma_wait3A_86 = tpu.memref_squeeze %dma_wait3A_85 : memref<1x2x128xi32, #tpu.memory_space<hbm>> -> memref<2x128xi32, #tpu.memory_space<hbm>>
    %dma_wait3A_87 = arith.constant 0 : i32
    %dma_wait3A_88 = arith.constant 0 : i32
    %dma_wait3A_89 = tpu.memref_slice %arg3[%dma_wait3A_82, %dma_wait3A_87, %dma_wait3A_88] : memref<2560x2x128xi32, #tpu.memory_space<hbm>> -> memref<1x2x128xi32, #tpu.memory_space<hbm>>
    %dma_wait3A_90 = tpu.memref_squeeze %dma_wait3A_89 : memref<1x2x128xi32, #tpu.memory_space<hbm>> -> memref<2x128xi32, #tpu.memory_space<hbm>>
    tpu.wait_dma2 semaphore(%arg18 : memref<!tpu.dma_semaphore, #tpu.memory_space<semaphore_mem>>) src(%dma_wait3A_90 : memref<2x128xi32, #tpu.memory_space<hbm>>) dst(%arg7 : memref<2x128xi32, #tpu.memory_space<vmem>>)
    %dma_start3A_91 = arith.constant 0 : i32
    %dma_start3A_92 = arith.constant 0 : i32
    %dma_start3A_93 = tpu.memref_slice %arg7[%dma_start3A_91, %dma_start3A_92] : memref<2x128xi32, #tpu.memory_space<vmem>> -> memref<1x128xi32, #tpu.memory_space<vmem>>
    %dma_start3A_94 = tpu.memref_squeeze %dma_start3A_93 : memref<1x128xi32, #tpu.memory_space<vmem>> -> memref<128xi32, #tpu.memory_space<vmem>>
    %dma_start3A_95 = arith.constant 0 : i32
    %dma_start3A_96 = arith.constant 0 : i32
    %dma_start3A_97 = tpu.memref_slice %arg2[%dma_start3A_95, %dma_start3A_96] : memref<10240x128xf32, #tpu.memory_space<hbm>> -> memref<10240x128xf32, #tpu.memory_space<hbm>>
    tpu.enqueue_indirect_dma source(%dma_start3A_97 : memref<10240x128xf32, #tpu.memory_space<hbm>>) target(%arg11 : memref<128x128xf32, #tpu.memory_space<vmem>>) offsets(%dma_start3A_94 : memref<128xi32, #tpu.memory_space<vmem>>) semaphore(%arg14 : memref<!tpu.dma_semaphore, #tpu.memory_space<semaphore_mem>>)
    %dma_wait3A_98 = arith.constant 0 : i32
    %dma_wait3A_99 = arith.constant 0 : i32
    %dma_wait3A_100 = tpu.memref_slice %arg2[%dma_wait3A_98, %dma_wait3A_99] : memref<10240x128xf32, #tpu.memory_space<hbm>> -> memref<128x128xf32, #tpu.memory_space<hbm>>
    %dma_wait3A_101 = arith.constant 0 : i32
    %dma_wait3A_102 = arith.constant 0 : i32
    %dma_wait3A_103 = tpu.memref_slice %arg2[%dma_wait3A_101, %dma_wait3A_102] : memref<10240x128xf32, #tpu.memory_space<hbm>> -> memref<128x128xf32, #tpu.memory_space<hbm>>
    tpu.wait_dma2 semaphore(%arg14 : memref<!tpu.dma_semaphore, #tpu.memory_space<semaphore_mem>>) src(%dma_wait3A_103 : memref<128x128xf32, #tpu.memory_space<hbm>>) dst(%arg11 : memref<128x128xf32, #tpu.memory_space<vmem>>)
    %dma_start3A_104 = arith.constant 1 : i32
    %dma_start3A_105 = arith.constant 0 : i32
    %dma_start3A_106 = tpu.memref_slice %arg7[%dma_start3A_104, %dma_start3A_105] : memref<2x128xi32, #tpu.memory_space<vmem>> -> memref<1x128xi32, #tpu.memory_space<vmem>>
    %dma_start3A_107 = tpu.memref_squeeze %dma_start3A_106 : memref<1x128xi32, #tpu.memory_space<vmem>> -> memref<128xi32, #tpu.memory_space<vmem>>
    %dma_start3A_108 = arith.constant 0 : i32
    %dma_start3A_109 = arith.constant 0 : i32
    %dma_start3A_110 = tpu.memref_slice %arg12[%dma_start3A_108, %dma_start3A_109] : memref<10240x128xf32, #tpu.memory_space<vmem_shared>> -> memref<10240x128xf32, #tpu.memory_space<vmem_shared>>
    tpu.enqueue_indirect_dma source(%arg11 : memref<128x128xf32, #tpu.memory_space<vmem>>) target(%dma_start3A_110 : memref<10240x128xf32, #tpu.memory_space<vmem_shared>>) offsets(%dma_start3A_107 : memref<128xi32, #tpu.memory_space<vmem>>) semaphore(%arg16 : memref<!tpu.dma_semaphore, #tpu.memory_space<semaphore_mem>>) {add = true}
    %dma_wait3A_111 = arith.constant 0 : i32
    %dma_wait3A_112 = arith.constant 0 : i32
    %dma_wait3A_113 = tpu.memref_slice %arg12[%dma_wait3A_111, %dma_wait3A_112] : memref<10240x128xf32, #tpu.memory_space<vmem_shared>> -> memref<128x128xf32, #tpu.memory_space<vmem_shared>>
    %dma_wait3A_114 = arith.constant 0 : i32
    %dma_wait3A_115 = arith.constant 0 : i32
    %dma_wait3A_116 = tpu.memref_slice %arg12[%dma_wait3A_114, %dma_wait3A_115] : memref<10240x128xf32, #tpu.memory_space<vmem_shared>> -> memref<128x128xf32, #tpu.memory_space<vmem_shared>>
    tpu.wait_dma2 semaphore(%arg15 : memref<!tpu.dma_semaphore, #tpu.memory_space<semaphore_mem>>) src(%arg10 : memref<128x128xf32, #tpu.memory_space<vmem>>) dst(%dma_wait3A_116 : memref<128x128xf32, #tpu.memory_space<vmem_shared>>)
    %add3A_117 = arith.constant 4 : i32
    %add3A_118 = arith.addi %mul3A_14, %add3A_117 : i32
    %dma_start3A_119 = arith.constant 0 : i32
    %dma_start3A_120 = arith.constant 0 : i32
    %dma_start3A_121 = tpu.memref_slice %arg3[%add3A_118, %dma_start3A_119, %dma_start3A_120] : memref<2560x2x128xi32, #tpu.memory_space<hbm>> -> memref<1x2x128xi32, #tpu.memory_space<hbm>>
    %dma_start3A_122 = tpu.memref_squeeze %dma_start3A_121 : memref<1x2x128xi32, #tpu.memory_space<hbm>> -> memref<2x128xi32, #tpu.memory_space<hbm>>
    %dma_start3A_123 = arith.constant 0 : i32
    %dma_start3A_124 = arith.constant 0 : i32
    %dma_start3A_125 = tpu.memref_slice %arg3[%add3A_118, %dma_start3A_123, %dma_start3A_124] : memref<2560x2x128xi32, #tpu.memory_space<hbm>> -> memref<1x2x128xi32, #tpu.memory_space<hbm>>
    %dma_start3A_126 = tpu.memref_squeeze %dma_start3A_125 : memref<1x2x128xi32, #tpu.memory_space<hbm>> -> memref<2x128xi32, #tpu.memory_space<hbm>>
    tpu.enqueue_dma source(%dma_start3A_126 : memref<2x128xi32, #tpu.memory_space<hbm>>) target(%arg6 : memref<2x128xi32, #tpu.memory_space<vmem>>) target_semaphore(%arg17 : memref<!tpu.dma_semaphore, #tpu.memory_space<semaphore_mem>>)
    %dma_wait3A_127 = arith.constant 0 : i32
    %dma_wait3A_128 = arith.constant 0 : i32
    %dma_wait3A_129 = arith.constant 0 : i32
    %dma_wait3A_130 = tpu.memref_slice %arg3[%dma_wait3A_127, %dma_wait3A_128, %dma_wait3A_129] : memref<2560x2x128xi32, #tpu.memory_space<hbm>> -> memref<1x2x128xi32, #tpu.memory_space<hbm>>
    %dma_wait3A_131 = tpu.memref_squeeze %dma_wait3A_130 : memref<1x2x128xi32, #tpu.memory_space<hbm>> -> memref<2x128xi32, #tpu.memory_space<hbm>>
    %dma_wait3A_132 = arith.constant 0 : i32
    %dma_wait3A_133 = arith.constant 0 : i32
    %dma_wait3A_134 = tpu.memref_slice %arg3[%dma_wait3A_127, %dma_wait3A_132, %dma_wait3A_133] : memref<2560x2x128xi32, #tpu.memory_space<hbm>> -> memref<1x2x128xi32, #tpu.memory_space<hbm>>
    %dma_wait3A_135 = tpu.memref_squeeze %dma_wait3A_134 : memref<1x2x128xi32, #tpu.memory_space<hbm>> -> memref<2x128xi32, #tpu.memory_space<hbm>>
    tpu.wait_dma2 semaphore(%arg19 : memref<!tpu.dma_semaphore, #tpu.memory_space<semaphore_mem>>) src(%dma_wait3A_135 : memref<2x128xi32, #tpu.memory_space<hbm>>) dst(%arg8 : memref<2x128xi32, #tpu.memory_space<vmem>>)
    %dma_start3A_136 = arith.constant 0 : i32
    %dma_start3A_137 = arith.constant 0 : i32
    %dma_start3A_138 = tpu.memref_slice %arg8[%dma_start3A_136, %dma_start3A_137] : memref<2x128xi32, #tpu.memory_space<vmem>> -> memref<1x128xi32, #tpu.memory_space<vmem>>
    %dma_start3A_139 = tpu.memref_squeeze %dma_start3A_138 : memref<1x128xi32, #tpu.memory_space<vmem>> -> memref<128xi32, #tpu.memory_space<vmem>>
    %dma_start3A_140 = arith.constant 0 : i32
    %dma_start3A_141 = arith.constant 0 : i32
    %dma_start3A_142 = tpu.memref_slice %arg2[%dma_start3A_140, %dma_start3A_141] : memref<10240x128xf32, #tpu.memory_space<hbm>> -> memref<10240x128xf32, #tpu.memory_space<hbm>>
    tpu.enqueue_indirect_dma source(%dma_start3A_142 : memref<10240x128xf32, #tpu.memory_space<hbm>>) target(%arg10 : memref<128x128xf32, #tpu.memory_space<vmem>>) offsets(%dma_start3A_139 : memref<128xi32, #tpu.memory_space<vmem>>) semaphore(%arg13 : memref<!tpu.dma_semaphore, #tpu.memory_space<semaphore_mem>>)
    %dma_wait3A_143 = arith.constant 0 : i32
    %dma_wait3A_144 = arith.constant 0 : i32
    %dma_wait3A_145 = tpu.memref_slice %arg2[%dma_wait3A_143, %dma_wait3A_144] : memref<10240x128xf32, #tpu.memory_space<hbm>> -> memref<128x128xf32, #tpu.memory_space<hbm>>
    %dma_wait3A_146 = arith.constant 0 : i32
    %dma_wait3A_147 = arith.constant 0 : i32
    %dma_wait3A_148 = tpu.memref_slice %arg2[%dma_wait3A_146, %dma_wait3A_147] : memref<10240x128xf32, #tpu.memory_space<hbm>> -> memref<128x128xf32, #tpu.memory_space<hbm>>
    tpu.wait_dma2 semaphore(%arg13 : memref<!tpu.dma_semaphore, #tpu.memory_space<semaphore_mem>>) src(%dma_wait3A_148 : memref<128x128xf32, #tpu.memory_space<hbm>>) dst(%arg10 : memref<128x128xf32, #tpu.memory_space<vmem>>)
    %dma_start3A_149 = arith.constant 1 : i32
    %dma_start3A_150 = arith.constant 0 : i32
    %dma_start3A_151 = tpu.memref_slice %arg8[%dma_start3A_149, %dma_start3A_150] : memref<2x128xi32, #tpu.memory_space<vmem>> -> memref<1x128xi32, #tpu.memory_space<vmem>>
    %dma_start3A_152 = tpu.memref_squeeze %dma_start3A_151 : memref<1x128xi32, #tpu.memory_space<vmem>> -> memref<128xi32, #tpu.memory_space<vmem>>
    %dma_start3A_153 = arith.constant 0 : i32
    %dma_start3A_154 = arith.constant 0 : i32
    %dma_start3A_155 = tpu.memref_slice %arg12[%dma_start3A_153, %dma_start3A_154] : memref<10240x128xf32, #tpu.memory_space<vmem_shared>> -> memref<10240x128xf32, #tpu.memory_space<vmem_shared>>
    tpu.enqueue_indirect_dma source(%arg10 : memref<128x128xf32, #tpu.memory_space<vmem>>) target(%dma_start3A_155 : memref<10240x128xf32, #tpu.memory_space<vmem_shared>>) offsets(%dma_start3A_152 : memref<128xi32, #tpu.memory_space<vmem>>) semaphore(%arg15 : memref<!tpu.dma_semaphore, #tpu.memory_space<semaphore_mem>>) {add = true}
    %dma_wait3A_156 = arith.constant 0 : i32
    %dma_wait3A_157 = arith.constant 0 : i32
    %dma_wait3A_158 = tpu.memref_slice %arg12[%dma_wait3A_156, %dma_wait3A_157] : memref<10240x128xf32, #tpu.memory_space<vmem_shared>> -> memref<128x128xf32, #tpu.memory_space<vmem_shared>>
    %dma_wait3A_159 = arith.constant 0 : i32
    %dma_wait3A_160 = arith.constant 0 : i32
    %dma_wait3A_161 = tpu.memref_slice %arg12[%dma_wait3A_159, %dma_wait3A_160] : memref<10240x128xf32, #tpu.memory_space<vmem_shared>> -> memref<128x128xf32, #tpu.memory_space<vmem_shared>>
    tpu.wait_dma2 semaphore(%arg16 : memref<!tpu.dma_semaphore, #tpu.memory_space<semaphore_mem>>) src(%arg11 : memref<128x128xf32, #tpu.memory_space<vmem>>) dst(%dma_wait3A_161 : memref<128x128xf32, #tpu.memory_space<vmem_shared>>)
    %add3A_162 = arith.constant 5 : i32
    %add3A_163 = arith.addi %mul3A_14, %add3A_162 : i32
    %dma_start3A_164 = arith.constant 0 : i32
    %dma_start3A_165 = arith.constant 0 : i32
    %dma_start3A_166 = tpu.memref_slice %arg3[%add3A_163, %dma_start3A_164, %dma_start3A_165] : memref<2560x2x128xi32, #tpu.memory_space<hbm>> -> memref<1x2x128xi32, #tpu.memory_space<hbm>>
    %dma_start3A_167 = tpu.memref_squeeze %dma_start3A_166 : memref<1x2x128xi32, #tpu.memory_space<hbm>> -> memref<2x128xi32, #tpu.memory_space<hbm>>
    %dma_start3A_168 = arith.constant 0 : i32
    %dma_start3A_169 = arith.constant 0 : i32
    %dma_start3A_170 = tpu.memref_slice %arg3[%add3A_163, %dma_start3A_168, %dma_start3A_169] : memref<2560x2x128xi32, #tpu.memory_space<hbm>> -> memref<1x2x128xi32, #tpu.memory_space<hbm>>
    %dma_start3A_171 = tpu.memref_squeeze %dma_start3A_170 : memref<1x2x128xi32, #tpu.memory_space<hbm>> -> memref<2x128xi32, #tpu.memory_space<hbm>>
    tpu.enqueue_dma source(%dma_start3A_171 : memref<2x128xi32, #tpu.memory_space<hbm>>) target(%arg7 : memref<2x128xi32, #tpu.memory_space<vmem>>) target_semaphore(%arg18 : memref<!tpu.dma_semaphore, #tpu.memory_space<semaphore_mem>>)
    %dma_wait3A_172 = arith.constant 0 : i32
    %dma_wait3A_173 = arith.constant 0 : i32
    %dma_wait3A_174 = arith.constant 0 : i32
    %dma_wait3A_175 = tpu.memref_slice %arg3[%dma_wait3A_172, %dma_wait3A_173, %dma_wait3A_174] : memref<2560x2x128xi32, #tpu.memory_space<hbm>> -> memref<1x2x128xi32, #tpu.memory_space<hbm>>
    %dma_wait3A_176 = tpu.memref_squeeze %dma_wait3A_175 : memref<1x2x128xi32, #tpu.memory_space<hbm>> -> memref<2x128xi32, #tpu.memory_space<hbm>>
    %dma_wait3A_177 = arith.constant 0 : i32
    %dma_wait3A_178 = arith.constant 0 : i32
    %dma_wait3A_179 = tpu.memref_slice %arg3[%dma_wait3A_172, %dma_wait3A_177, %dma_wait3A_178] : memref<2560x2x128xi32, #tpu.memory_space<hbm>> -> memref<1x2x128xi32, #tpu.memory_space<hbm>>
    %dma_wait3A_180 = tpu.memref_squeeze %dma_wait3A_179 : memref<1x2x128xi32, #tpu.memory_space<hbm>> -> memref<2x128xi32, #tpu.memory_space<hbm>>
    tpu.wait_dma2 semaphore(%arg20 : memref<!tpu.dma_semaphore, #tpu.memory_space<semaphore_mem>>) src(%dma_wait3A_180 : memref<2x128xi32, #tpu.memory_space<hbm>>) dst(%arg9 : memref<2x128xi32, #tpu.memory_space<vmem>>)
    %dma_start3A_181 = arith.constant 0 : i32
    %dma_start3A_182 = arith.constant 0 : i32
    %dma_start3A_183 = tpu.memref_slice %arg9[%dma_start3A_181, %dma_start3A_182] : memref<2x128xi32, #tpu.memory_space<vmem>> -> memref<1x128xi32, #tpu.memory_space<vmem>>
    %dma_start3A_184 = tpu.memref_squeeze %dma_start3A_183 : memref<1x128xi32, #tpu.memory_space<vmem>> -> memref<128xi32, #tpu.memory_space<vmem>>
    %dma_start3A_185 = arith.constant 0 : i32
    %dma_start3A_186 = arith.constant 0 : i32
    %dma_start3A_187 = tpu.memref_slice %arg2[%dma_start3A_185, %dma_start3A_186] : memref<10240x128xf32, #tpu.memory_space<hbm>> -> memref<10240x128xf32, #tpu.memory_space<hbm>>
    tpu.enqueue_indirect_dma source(%dma_start3A_187 : memref<10240x128xf32, #tpu.memory_space<hbm>>) target(%arg11 : memref<128x128xf32, #tpu.memory_space<vmem>>) offsets(%dma_start3A_184 : memref<128xi32, #tpu.memory_space<vmem>>) semaphore(%arg14 : memref<!tpu.dma_semaphore, #tpu.memory_space<semaphore_mem>>)
    %dma_wait3A_188 = arith.constant 0 : i32
    %dma_wait3A_189 = arith.constant 0 : i32
    %dma_wait3A_190 = tpu.memref_slice %arg2[%dma_wait3A_188, %dma_wait3A_189] : memref<10240x128xf32, #tpu.memory_space<hbm>> -> memref<128x128xf32, #tpu.memory_space<hbm>>
    %dma_wait3A_191 = arith.constant 0 : i32
    %dma_wait3A_192 = arith.constant 0 : i32
    %dma_wait3A_193 = tpu.memref_slice %arg2[%dma_wait3A_191, %dma_wait3A_192] : memref<10240x128xf32, #tpu.memory_space<hbm>> -> memref<128x128xf32, #tpu.memory_space<hbm>>
    tpu.wait_dma2 semaphore(%arg14 : memref<!tpu.dma_semaphore, #tpu.memory_space<semaphore_mem>>) src(%dma_wait3A_193 : memref<128x128xf32, #tpu.memory_space<hbm>>) dst(%arg11 : memref<128x128xf32, #tpu.memory_space<vmem>>)
    %dma_start3A_194 = arith.constant 1 : i32
    %dma_start3A_195 = arith.constant 0 : i32
    %dma_start3A_196 = tpu.memref_slice %arg9[%dma_start3A_194, %dma_start3A_195] : memref<2x128xi32, #tpu.memory_space<vmem>> -> memref<1x128xi32, #tpu.memory_space<vmem>>
    %dma_start3A_197 = tpu.memref_squeeze %dma_start3A_196 : memref<1x128xi32, #tpu.memory_space<vmem>> -> memref<128xi32, #tpu.memory_space<vmem>>
    %dma_start3A_198 = arith.constant 0 : i32
    %dma_start3A_199 = arith.constant 0 : i32
    %dma_start3A_200 = tpu.memref_slice %arg12[%dma_start3A_198, %dma_start3A_199] : memref<10240x128xf32, #tpu.memory_space<vmem_shared>> -> memref<10240x128xf32, #tpu.memory_space<vmem_shared>>
    tpu.enqueue_indirect_dma source(%arg11 : memref<128x128xf32, #tpu.memory_space<vmem>>) target(%dma_start3A_200 : memref<10240x128xf32, #tpu.memory_space<vmem_shared>>) offsets(%dma_start3A_197 : memref<128xi32, #tpu.memory_space<vmem>>) semaphore(%arg16 : memref<!tpu.dma_semaphore, #tpu.memory_space<semaphore_mem>>) {add = true}
    %dma_wait3A_201 = arith.constant 0 : i32
    %dma_wait3A_202 = arith.constant 0 : i32
    %dma_wait3A_203 = tpu.memref_slice %arg12[%dma_wait3A_201, %dma_wait3A_202] : memref<10240x128xf32, #tpu.memory_space<vmem_shared>> -> memref<128x128xf32, #tpu.memory_space<vmem_shared>>
    %dma_wait3A_204 = arith.constant 0 : i32
    %dma_wait3A_205 = arith.constant 0 : i32
    %dma_wait3A_206 = tpu.memref_slice %arg12[%dma_wait3A_204, %dma_wait3A_205] : memref<10240x128xf32, #tpu.memory_space<vmem_shared>> -> memref<128x128xf32, #tpu.memory_space<vmem_shared>>
    tpu.wait_dma2 semaphore(%arg15 : memref<!tpu.dma_semaphore, #tpu.memory_space<semaphore_mem>>) src(%arg10 : memref<128x128xf32, #tpu.memory_space<vmem>>) dst(%dma_wait3A_206 : memref<128x128xf32, #tpu.memory_space<vmem_shared>>)
    %add3A_207 = arith.constant 6 : i32
    %add3A_208 = arith.addi %mul3A_14, %add3A_207 : i32
    %dma_start3A_209 = arith.constant 0 : i32
    %dma_start3A_210 = arith.constant 0 : i32
    %dma_start3A_211 = tpu.memref_slice %arg3[%add3A_208, %dma_start3A_209, %dma_start3A_210] : memref<2560x2x128xi32, #tpu.memory_space<hbm>> -> memref<1x2x128xi32, #tpu.memory_space<hbm>>
    %dma_start3A_212 = tpu.memref_squeeze %dma_start3A_211 : memref<1x2x128xi32, #tpu.memory_space<hbm>> -> memref<2x128xi32, #tpu.memory_space<hbm>>
    %dma_start3A_213 = arith.constant 0 : i32
    %dma_start3A_214 = arith.constant 0 : i32
    %dma_start3A_215 = tpu.memref_slice %arg3[%add3A_208, %dma_start3A_213, %dma_start3A_214] : memref<2560x2x128xi32, #tpu.memory_space<hbm>> -> memref<1x2x128xi32, #tpu.memory_space<hbm>>
    %dma_start3A_216 = tpu.memref_squeeze %dma_start3A_215 : memref<1x2x128xi32, #tpu.memory_space<hbm>> -> memref<2x128xi32, #tpu.memory_space<hbm>>
    tpu.enqueue_dma source(%dma_start3A_216 : memref<2x128xi32, #tpu.memory_space<hbm>>) target(%arg8 : memref<2x128xi32, #tpu.memory_space<vmem>>) target_semaphore(%arg19 : memref<!tpu.dma_semaphore, #tpu.memory_space<semaphore_mem>>)
    %dma_wait3A_217 = arith.constant 0 : i32
    %dma_wait3A_218 = arith.constant 0 : i32
    %dma_wait3A_219 = arith.constant 0 : i32
    %dma_wait3A_220 = tpu.memref_slice %arg3[%dma_wait3A_217, %dma_wait3A_218, %dma_wait3A_219] : memref<2560x2x128xi32, #tpu.memory_space<hbm>> -> memref<1x2x128xi32, #tpu.memory_space<hbm>>
    %dma_wait3A_221 = tpu.memref_squeeze %dma_wait3A_220 : memref<1x2x128xi32, #tpu.memory_space<hbm>> -> memref<2x128xi32, #tpu.memory_space<hbm>>
    %dma_wait3A_222 = arith.constant 0 : i32
    %dma_wait3A_223 = arith.constant 0 : i32
    %dma_wait3A_224 = tpu.memref_slice %arg3[%dma_wait3A_217, %dma_wait3A_222, %dma_wait3A_223] : memref<2560x2x128xi32, #tpu.memory_space<hbm>> -> memref<1x2x128xi32, #tpu.memory_space<hbm>>
    %dma_wait3A_225 = tpu.memref_squeeze %dma_wait3A_224 : memref<1x2x128xi32, #tpu.memory_space<hbm>> -> memref<2x128xi32, #tpu.memory_space<hbm>>
    tpu.wait_dma2 semaphore(%arg17 : memref<!tpu.dma_semaphore, #tpu.memory_space<semaphore_mem>>) src(%dma_wait3A_225 : memref<2x128xi32, #tpu.memory_space<hbm>>) dst(%arg6 : memref<2x128xi32, #tpu.memory_space<vmem>>)
    %dma_start3A_226 = arith.constant 0 : i32
    %dma_start3A_227 = arith.constant 0 : i32
    %dma_start3A_228 = tpu.memref_slice %arg6[%dma_start3A_226, %dma_start3A_227] : memref<2x128xi32, #tpu.memory_space<vmem>> -> memref<1x128xi32, #tpu.memory_space<vmem>>
    %dma_start3A_229 = tpu.memref_squeeze %dma_start3A_228 : memref<1x128xi32, #tpu.memory_space<vmem>> -> memref<128xi32, #tpu.memory_space<vmem>>
    %dma_start3A_230 = arith.constant 0 : i32
    %dma_start3A_231 = arith.constant 0 : i32
    %dma_start3A_232 = tpu.memref_slice %arg2[%dma_start3A_230, %dma_start3A_231] : memref<10240x128xf32, #tpu.memory_space<hbm>> -> memref<10240x128xf32, #tpu.memory_space<hbm>>
    tpu.enqueue_indirect_dma source(%dma_start3A_232 : memref<10240x128xf32, #tpu.memory_space<hbm>>) target(%arg10 : memref<128x128xf32, #tpu.memory_space<vmem>>) offsets(%dma_start3A_229 : memref<128xi32, #tpu.memory_space<vmem>>) semaphore(%arg13 : memref<!tpu.dma_semaphore, #tpu.memory_space<semaphore_mem>>)
    %scan3A = arith.constant 0 : i32
    %scan3A_233 = arith.constant 1 : i32
    %scan3A_234 = arith.constant 18 : i32
    %scan3A_235 = arith.addi %scan3A_233, %scan3A_234 : i32
    %scan3A_236 = arith.constant 1 : i32
    scf.for %scan3A_449 = %scan3A_233 to %scan3A_235 step %scan3A_236  : i32 {
      %mul3A_450 = arith.constant 4 : i32
      %mul3A_451 = arith.muli %mul3A_450, %scan3A_449 : i32
      %add3A_452 = arith.constant 0 : i32
      %add3A_453 = arith.addi %mul3A_451, %add3A_452 : i32
      %dma_wait3A_454 = arith.constant 0 : i32
      %dma_wait3A_455 = arith.constant 0 : i32
      %dma_wait3A_456 = tpu.memref_slice %arg2[%dma_wait3A_454, %dma_wait3A_455] : memref<10240x128xf32, #tpu.memory_space<hbm>> -> memref<128x128xf32, #tpu.memory_space<hbm>>
      %dma_wait3A_457 = arith.constant 0 : i32
      %dma_wait3A_458 = arith.constant 0 : i32
      %dma_wait3A_459 = tpu.memref_slice %arg2[%dma_wait3A_457, %dma_wait3A_458] : memref<10240x128xf32, #tpu.memory_space<hbm>> -> memref<128x128xf32, #tpu.memory_space<hbm>>
      tpu.wait_dma2 semaphore(%arg13 : memref<!tpu.dma_semaphore, #tpu.memory_space<semaphore_mem>>) src(%dma_wait3A_459 : memref<128x128xf32, #tpu.memory_space<hbm>>) dst(%arg10 : memref<128x128xf32, #tpu.memory_space<vmem>>)
      %dma_start3A_460 = arith.constant 1 : i32
      %dma_start3A_461 = arith.constant 0 : i32
      %dma_start3A_462 = tpu.memref_slice %arg6[%dma_start3A_460, %dma_start3A_461] : memref<2x128xi32, #tpu.memory_space<vmem>> -> memref<1x128xi32, #tpu.memory_space<vmem>>
      %dma_start3A_463 = tpu.memref_squeeze %dma_start3A_462 : memref<1x128xi32, #tpu.memory_space<vmem>> -> memref<128xi32, #tpu.memory_space<vmem>>
      %dma_start3A_464 = arith.constant 0 : i32
      %dma_start3A_465 = arith.constant 0 : i32
      %dma_start3A_466 = tpu.memref_slice %arg12[%dma_start3A_464, %dma_start3A_465] : memref<10240x128xf32, #tpu.memory_space<vmem_shared>> -> memref<10240x128xf32, #tpu.memory_space<vmem_shared>>
      tpu.enqueue_indirect_dma source(%arg10 : memref<128x128xf32, #tpu.memory_space<vmem>>) target(%dma_start3A_466 : memref<10240x128xf32, #tpu.memory_space<vmem_shared>>) offsets(%dma_start3A_463 : memref<128xi32, #tpu.memory_space<vmem>>) semaphore(%arg15 : memref<!tpu.dma_semaphore, #tpu.memory_space<semaphore_mem>>) {add = true}
      %dma_wait3A_467 = arith.constant 0 : i32
      %dma_wait3A_468 = arith.constant 0 : i32
      %dma_wait3A_469 = tpu.memref_slice %arg12[%dma_wait3A_467, %dma_wait3A_468] : memref<10240x128xf32, #tpu.memory_space<vmem_shared>> -> memref<128x128xf32, #tpu.memory_space<vmem_shared>>
      %dma_wait3A_470 = arith.constant 0 : i32
      %dma_wait3A_471 = arith.constant 0 : i32
      %dma_wait3A_472 = tpu.memref_slice %arg12[%dma_wait3A_470, %dma_wait3A_471] : memref<10240x128xf32, #tpu.memory_space<vmem_shared>> -> memref<128x128xf32, #tpu.memory_space<vmem_shared>>
      tpu.wait_dma2 semaphore(%arg16 : memref<!tpu.dma_semaphore, #tpu.memory_space<semaphore_mem>>) src(%arg11 : memref<128x128xf32, #tpu.memory_space<vmem>>) dst(%dma_wait3A_472 : memref<128x128xf32, #tpu.memory_space<vmem_shared>>)
      %add3A_473 = arith.constant 3 : i32
      %add3A_474 = arith.addi %add3A_453, %add3A_473 : i32
      %add3A_475 = arith.addi %mul3A_14, %add3A_474 : i32
      %dma_start3A_476 = arith.constant 0 : i32
      %dma_start3A_477 = arith.constant 0 : i32
      %dma_start3A_478 = tpu.memref_slice %arg3[%add3A_475, %dma_start3A_476, %dma_start3A_477] : memref<2560x2x128xi32, #tpu.memory_space<hbm>> -> memref<1x2x128xi32, #tpu.memory_space<hbm>>
      %dma_start3A_479 = tpu.memref_squeeze %dma_start3A_478 : memref<1x2x128xi32, #tpu.memory_space<hbm>> -> memref<2x128xi32, #tpu.memory_space<hbm>>
      %dma_start3A_480 = arith.constant 0 : i32
      %dma_start3A_481 = arith.constant 0 : i32
      %dma_start3A_482 = tpu.memref_slice %arg3[%add3A_475, %dma_start3A_480, %dma_start3A_481] : memref<2560x2x128xi32, #tpu.memory_space<hbm>> -> memref<1x2x128xi32, #tpu.memory_space<hbm>>
      %dma_start3A_483 = tpu.memref_squeeze %dma_start3A_482 : memref<1x2x128xi32, #tpu.memory_space<hbm>> -> memref<2x128xi32, #tpu.memory_space<hbm>>
      tpu.enqueue_dma source(%dma_start3A_483 : memref<2x128xi32, #tpu.memory_space<hbm>>) target(%arg9 : memref<2x128xi32, #tpu.memory_space<vmem>>) target_semaphore(%arg20 : memref<!tpu.dma_semaphore, #tpu.memory_space<semaphore_mem>>)
      %dma_wait3A_484 = arith.constant 0 : i32
      %dma_wait3A_485 = arith.constant 0 : i32
      %dma_wait3A_486 = arith.constant 0 : i32
      %dma_wait3A_487 = tpu.memref_slice %arg3[%dma_wait3A_484, %dma_wait3A_485, %dma_wait3A_486] : memref<2560x2x128xi32, #tpu.memory_space<hbm>> -> memref<1x2x128xi32, #tpu.memory_space<hbm>>
      %dma_wait3A_488 = tpu.memref_squeeze %dma_wait3A_487 : memref<1x2x128xi32, #tpu.memory_space<hbm>> -> memref<2x128xi32, #tpu.memory_space<hbm>>
      %dma_wait3A_489 = arith.constant 0 : i32
      %dma_wait3A_490 = arith.constant 0 : i32
      %dma_wait3A_491 = tpu.memref_slice %arg3[%dma_wait3A_484, %dma_wait3A_489, %dma_wait3A_490] : memref<2560x2x128xi32, #tpu.memory_space<hbm>> -> memref<1x2x128xi32, #tpu.memory_space<hbm>>
      %dma_wait3A_492 = tpu.memref_squeeze %dma_wait3A_491 : memref<1x2x128xi32, #tpu.memory_space<hbm>> -> memref<2x128xi32, #tpu.memory_space<hbm>>
      tpu.wait_dma2 semaphore(%arg18 : memref<!tpu.dma_semaphore, #tpu.memory_space<semaphore_mem>>) src(%dma_wait3A_492 : memref<2x128xi32, #tpu.memory_space<hbm>>) dst(%arg7 : memref<2x128xi32, #tpu.memory_space<vmem>>)
      %dma_start3A_493 = arith.constant 0 : i32
      %dma_start3A_494 = arith.constant 0 : i32
      %dma_start3A_495 = tpu.memref_slice %arg7[%dma_start3A_493, %dma_start3A_494] : memref<2x128xi32, #tpu.memory_space<vmem>> -> memref<1x128xi32, #tpu.memory_space<vmem>>
      %dma_start3A_496 = tpu.memref_squeeze %dma_start3A_495 : memref<1x128xi32, #tpu.memory_space<vmem>> -> memref<128xi32, #tpu.memory_space<vmem>>
      %dma_start3A_497 = arith.constant 0 : i32
      %dma_start3A_498 = arith.constant 0 : i32
      %dma_start3A_499 = tpu.memref_slice %arg2[%dma_start3A_497, %dma_start3A_498] : memref<10240x128xf32, #tpu.memory_space<hbm>> -> memref<10240x128xf32, #tpu.memory_space<hbm>>
      tpu.enqueue_indirect_dma source(%dma_start3A_499 : memref<10240x128xf32, #tpu.memory_space<hbm>>) target(%arg11 : memref<128x128xf32, #tpu.memory_space<vmem>>) offsets(%dma_start3A_496 : memref<128xi32, #tpu.memory_space<vmem>>) semaphore(%arg14 : memref<!tpu.dma_semaphore, #tpu.memory_space<semaphore_mem>>)
      %mul3A_500 = arith.constant 4 : i32
      %mul3A_501 = arith.muli %mul3A_500, %scan3A_449 : i32
      %add3A_502 = arith.constant 1 : i32
      %add3A_503 = arith.addi %mul3A_501, %add3A_502 : i32
      %dma_wait3A_504 = arith.constant 0 : i32
      %dma_wait3A_505 = arith.constant 0 : i32
      %dma_wait3A_506 = tpu.memref_slice %arg2[%dma_wait3A_504, %dma_wait3A_505] : memref<10240x128xf32, #tpu.memory_space<hbm>> -> memref<128x128xf32, #tpu.memory_space<hbm>>
      %dma_wait3A_507 = arith.constant 0 : i32
      %dma_wait3A_508 = arith.constant 0 : i32
      %dma_wait3A_509 = tpu.memref_slice %arg2[%dma_wait3A_507, %dma_wait3A_508] : memref<10240x128xf32, #tpu.memory_space<hbm>> -> memref<128x128xf32, #tpu.memory_space<hbm>>
      tpu.wait_dma2 semaphore(%arg14 : memref<!tpu.dma_semaphore, #tpu.memory_space<semaphore_mem>>) src(%dma_wait3A_509 : memref<128x128xf32, #tpu.memory_space<hbm>>) dst(%arg11 : memref<128x128xf32, #tpu.memory_space<vmem>>)
      %dma_start3A_510 = arith.constant 1 : i32
      %dma_start3A_511 = arith.constant 0 : i32
      %dma_start3A_512 = tpu.memref_slice %arg7[%dma_start3A_510, %dma_start3A_511] : memref<2x128xi32, #tpu.memory_space<vmem>> -> memref<1x128xi32, #tpu.memory_space<vmem>>
      %dma_start3A_513 = tpu.memref_squeeze %dma_start3A_512 : memref<1x128xi32, #tpu.memory_space<vmem>> -> memref<128xi32, #tpu.memory_space<vmem>>
      %dma_start3A_514 = arith.constant 0 : i32
      %dma_start3A_515 = arith.constant 0 : i32
      %dma_start3A_516 = tpu.memref_slice %arg12[%dma_start3A_514, %dma_start3A_515] : memref<10240x128xf32, #tpu.memory_space<vmem_shared>> -> memref<10240x128xf32, #tpu.memory_space<vmem_shared>>
      tpu.enqueue_indirect_dma source(%arg11 : memref<128x128xf32, #tpu.memory_space<vmem>>) target(%dma_start3A_516 : memref<10240x128xf32, #tpu.memory_space<vmem_shared>>) offsets(%dma_start3A_513 : memref<128xi32, #tpu.memory_space<vmem>>) semaphore(%arg16 : memref<!tpu.dma_semaphore, #tpu.memory_space<semaphore_mem>>) {add = true}
      %dma_wait3A_517 = arith.constant 0 : i32
      %dma_wait3A_518 = arith.constant 0 : i32
      %dma_wait3A_519 = tpu.memref_slice %arg12[%dma_wait3A_517, %dma_wait3A_518] : memref<10240x128xf32, #tpu.memory_space<vmem_shared>> -> memref<128x128xf32, #tpu.memory_space<vmem_shared>>
      %dma_wait3A_520 = arith.constant 0 : i32
      %dma_wait3A_521 = arith.constant 0 : i32
      %dma_wait3A_522 = tpu.memref_slice %arg12[%dma_wait3A_520, %dma_wait3A_521] : memref<10240x128xf32, #tpu.memory_space<vmem_shared>> -> memref<128x128xf32, #tpu.memory_space<vmem_shared>>
      tpu.wait_dma2 semaphore(%arg15 : memref<!tpu.dma_semaphore, #tpu.memory_space<semaphore_mem>>) src(%arg10 : memref<128x128xf32, #tpu.memory_space<vmem>>) dst(%dma_wait3A_522 : memref<128x128xf32, #tpu.memory_space<vmem_shared>>)
      %add3A_523 = arith.constant 3 : i32
      %add3A_524 = arith.addi %add3A_503, %add3A_523 : i32
      %add3A_525 = arith.addi %mul3A_14, %add3A_524 : i32
      %dma_start3A_526 = arith.constant 0 : i32
      %dma_start3A_527 = arith.constant 0 : i32
      %dma_start3A_528 = tpu.memref_slice %arg3[%add3A_525, %dma_start3A_526, %dma_start3A_527] : memref<2560x2x128xi32, #tpu.memory_space<hbm>> -> memref<1x2x128xi32, #tpu.memory_space<hbm>>
      %dma_start3A_529 = tpu.memref_squeeze %dma_start3A_528 : memref<1x2x128xi32, #tpu.memory_space<hbm>> -> memref<2x128xi32, #tpu.memory_space<hbm>>
      %dma_start3A_530 = arith.constant 0 : i32
      %dma_start3A_531 = arith.constant 0 : i32
      %dma_start3A_532 = tpu.memref_slice %arg3[%add3A_525, %dma_start3A_530, %dma_start3A_531] : memref<2560x2x128xi32, #tpu.memory_space<hbm>> -> memref<1x2x128xi32, #tpu.memory_space<hbm>>
      %dma_start3A_533 = tpu.memref_squeeze %dma_start3A_532 : memref<1x2x128xi32, #tpu.memory_space<hbm>> -> memref<2x128xi32, #tpu.memory_space<hbm>>
      tpu.enqueue_dma source(%dma_start3A_533 : memref<2x128xi32, #tpu.memory_space<hbm>>) target(%arg6 : memref<2x128xi32, #tpu.memory_space<vmem>>) target_semaphore(%arg17 : memref<!tpu.dma_semaphore, #tpu.memory_space<semaphore_mem>>)
      %dma_wait3A_534 = arith.constant 0 : i32
      %dma_wait3A_535 = arith.constant 0 : i32
      %dma_wait3A_536 = arith.constant 0 : i32
      %dma_wait3A_537 = tpu.memref_slice %arg3[%dma_wait3A_534, %dma_wait3A_535, %dma_wait3A_536] : memref<2560x2x128xi32, #tpu.memory_space<hbm>> -> memref<1x2x128xi32, #tpu.memory_space<hbm>>
      %dma_wait3A_538 = tpu.memref_squeeze %dma_wait3A_537 : memref<1x2x128xi32, #tpu.memory_space<hbm>> -> memref<2x128xi32, #tpu.memory_space<hbm>>
      %dma_wait3A_539 = arith.constant 0 : i32
      %dma_wait3A_540 = arith.constant 0 : i32
      %dma_wait3A_541 = tpu.memref_slice %arg3[%dma_wait3A_534, %dma_wait3A_539, %dma_wait3A_540] : memref<2560x2x128xi32, #tpu.memory_space<hbm>> -> memref<1x2x128xi32, #tpu.memory_space<hbm>>
      %dma_wait3A_542 = tpu.memref_squeeze %dma_wait3A_541 : memref<1x2x128xi32, #tpu.memory_space<hbm>> -> memref<2x128xi32, #tpu.memory_space<hbm>>
      tpu.wait_dma2 semaphore(%arg19 : memref<!tpu.dma_semaphore, #tpu.memory_space<semaphore_mem>>) src(%dma_wait3A_542 : memref<2x128xi32, #tpu.memory_space<hbm>>) dst(%arg8 : memref<2x128xi32, #tpu.memory_space<vmem>>)
      %dma_start3A_543 = arith.constant 0 : i32
      %dma_start3A_544 = arith.constant 0 : i32
      %dma_start3A_545 = tpu.memref_slice %arg8[%dma_start3A_543, %dma_start3A_544] : memref<2x128xi32, #tpu.memory_space<vmem>> -> memref<1x128xi32, #tpu.memory_space<vmem>>
      %dma_start3A_546 = tpu.memref_squeeze %dma_start3A_545 : memref<1x128xi32, #tpu.memory_space<vmem>> -> memref<128xi32, #tpu.memory_space<vmem>>
      %dma_start3A_547 = arith.constant 0 : i32
      %dma_start3A_548 = arith.constant 0 : i32
      %dma_start3A_549 = tpu.memref_slice %arg2[%dma_start3A_547, %dma_start3A_548] : memref<10240x128xf32, #tpu.memory_space<hbm>> -> memref<10240x128xf32, #tpu.memory_space<hbm>>
      tpu.enqueue_indirect_dma source(%dma_start3A_549 : memref<10240x128xf32, #tpu.memory_space<hbm>>) target(%arg10 : memref<128x128xf32, #tpu.memory_space<vmem>>) offsets(%dma_start3A_546 : memref<128xi32, #tpu.memory_space<vmem>>) semaphore(%arg13 : memref<!tpu.dma_semaphore, #tpu.memory_space<semaphore_mem>>)
      %mul3A_550 = arith.constant 4 : i32
      %mul3A_551 = arith.muli %mul3A_550, %scan3A_449 : i32
      %add3A_552 = arith.constant 2 : i32
      %add3A_553 = arith.addi %mul3A_551, %add3A_552 : i32
      %dma_wait3A_554 = arith.constant 0 : i32
      %dma_wait3A_555 = arith.constant 0 : i32
      %dma_wait3A_556 = tpu.memref_slice %arg2[%dma_wait3A_554, %dma_wait3A_555] : memref<10240x128xf32, #tpu.memory_space<hbm>> -> memref<128x128xf32, #tpu.memory_space<hbm>>
      %dma_wait3A_557 = arith.constant 0 : i32
      %dma_wait3A_558 = arith.constant 0 : i32
      %dma_wait3A_559 = tpu.memref_slice %arg2[%dma_wait3A_557, %dma_wait3A_558] : memref<10240x128xf32, #tpu.memory_space<hbm>> -> memref<128x128xf32, #tpu.memory_space<hbm>>
      tpu.wait_dma2 semaphore(%arg13 : memref<!tpu.dma_semaphore, #tpu.memory_space<semaphore_mem>>) src(%dma_wait3A_559 : memref<128x128xf32, #tpu.memory_space<hbm>>) dst(%arg10 : memref<128x128xf32, #tpu.memory_space<vmem>>)
      %dma_start3A_560 = arith.constant 1 : i32
      %dma_start3A_561 = arith.constant 0 : i32
      %dma_start3A_562 = tpu.memref_slice %arg8[%dma_start3A_560, %dma_start3A_561] : memref<2x128xi32, #tpu.memory_space<vmem>> -> memref<1x128xi32, #tpu.memory_space<vmem>>
      %dma_start3A_563 = tpu.memref_squeeze %dma_start3A_562 : memref<1x128xi32, #tpu.memory_space<vmem>> -> memref<128xi32, #tpu.memory_space<vmem>>
      %dma_start3A_564 = arith.constant 0 : i32
      %dma_start3A_565 = arith.constant 0 : i32
      %dma_start3A_566 = tpu.memref_slice %arg12[%dma_start3A_564, %dma_start3A_565] : memref<10240x128xf32, #tpu.memory_space<vmem_shared>> -> memref<10240x128xf32, #tpu.memory_space<vmem_shared>>
      tpu.enqueue_indirect_dma source(%arg10 : memref<128x128xf32, #tpu.memory_space<vmem>>) target(%dma_start3A_566 : memref<10240x128xf32, #tpu.memory_space<vmem_shared>>) offsets(%dma_start3A_563 : memref<128xi32, #tpu.memory_space<vmem>>) semaphore(%arg15 : memref<!tpu.dma_semaphore, #tpu.memory_space<semaphore_mem>>) {add = true}
      %dma_wait3A_567 = arith.constant 0 : i32
      %dma_wait3A_568 = arith.constant 0 : i32
      %dma_wait3A_569 = tpu.memref_slice %arg12[%dma_wait3A_567, %dma_wait3A_568] : memref<10240x128xf32, #tpu.memory_space<vmem_shared>> -> memref<128x128xf32, #tpu.memory_space<vmem_shared>>
      %dma_wait3A_570 = arith.constant 0 : i32
      %dma_wait3A_571 = arith.constant 0 : i32
      %dma_wait3A_572 = tpu.memref_slice %arg12[%dma_wait3A_570, %dma_wait3A_571] : memref<10240x128xf32, #tpu.memory_space<vmem_shared>> -> memref<128x128xf32, #tpu.memory_space<vmem_shared>>
      tpu.wait_dma2 semaphore(%arg16 : memref<!tpu.dma_semaphore, #tpu.memory_space<semaphore_mem>>) src(%arg11 : memref<128x128xf32, #tpu.memory_space<vmem>>) dst(%dma_wait3A_572 : memref<128x128xf32, #tpu.memory_space<vmem_shared>>)
      %add3A_573 = arith.constant 3 : i32
      %add3A_574 = arith.addi %add3A_553, %add3A_573 : i32
      %add3A_575 = arith.addi %mul3A_14, %add3A_574 : i32
      %dma_start3A_576 = arith.constant 0 : i32
      %dma_start3A_577 = arith.constant 0 : i32
      %dma_start3A_578 = tpu.memref_slice %arg3[%add3A_575, %dma_start3A_576, %dma_start3A_577] : memref<2560x2x128xi32, #tpu.memory_space<hbm>> -> memref<1x2x128xi32, #tpu.memory_space<hbm>>
      %dma_start3A_579 = tpu.memref_squeeze %dma_start3A_578 : memref<1x2x128xi32, #tpu.memory_space<hbm>> -> memref<2x128xi32, #tpu.memory_space<hbm>>
      %dma_start3A_580 = arith.constant 0 : i32
      %dma_start3A_581 = arith.constant 0 : i32
      %dma_start3A_582 = tpu.memref_slice %arg3[%add3A_575, %dma_start3A_580, %dma_start3A_581] : memref<2560x2x128xi32, #tpu.memory_space<hbm>> -> memref<1x2x128xi32, #tpu.memory_space<hbm>>
      %dma_start3A_583 = tpu.memref_squeeze %dma_start3A_582 : memref<1x2x128xi32, #tpu.memory_space<hbm>> -> memref<2x128xi32, #tpu.memory_space<hbm>>
      tpu.enqueue_dma source(%dma_start3A_583 : memref<2x128xi32, #tpu.memory_space<hbm>>) target(%arg7 : memref<2x128xi32, #tpu.memory_space<vmem>>) target_semaphore(%arg18 : memref<!tpu.dma_semaphore, #tpu.memory_space<semaphore_mem>>)
      %dma_wait3A_584 = arith.constant 0 : i32
      %dma_wait3A_585 = arith.constant 0 : i32
      %dma_wait3A_586 = arith.constant 0 : i32
      %dma_wait3A_587 = tpu.memref_slice %arg3[%dma_wait3A_584, %dma_wait3A_585, %dma_wait3A_586] : memref<2560x2x128xi32, #tpu.memory_space<hbm>> -> memref<1x2x128xi32, #tpu.memory_space<hbm>>
      %dma_wait3A_588 = tpu.memref_squeeze %dma_wait3A_587 : memref<1x2x128xi32, #tpu.memory_space<hbm>> -> memref<2x128xi32, #tpu.memory_space<hbm>>
      %dma_wait3A_589 = arith.constant 0 : i32
      %dma_wait3A_590 = arith.constant 0 : i32
      %dma_wait3A_591 = tpu.memref_slice %arg3[%dma_wait3A_584, %dma_wait3A_589, %dma_wait3A_590] : memref<2560x2x128xi32, #tpu.memory_space<hbm>> -> memref<1x2x128xi32, #tpu.memory_space<hbm>>
      %dma_wait3A_592 = tpu.memref_squeeze %dma_wait3A_591 : memref<1x2x128xi32, #tpu.memory_space<hbm>> -> memref<2x128xi32, #tpu.memory_space<hbm>>
      tpu.wait_dma2 semaphore(%arg20 : memref<!tpu.dma_semaphore, #tpu.memory_space<semaphore_mem>>) src(%dma_wait3A_592 : memref<2x128xi32, #tpu.memory_space<hbm>>) dst(%arg9 : memref<2x128xi32, #tpu.memory_space<vmem>>)
      %dma_start3A_593 = arith.constant 0 : i32
      %dma_start3A_594 = arith.constant 0 : i32
      %dma_start3A_595 = tpu.memref_slice %arg9[%dma_start3A_593, %dma_start3A_594] : memref<2x128xi32, #tpu.memory_space<vmem>> -> memref<1x128xi32, #tpu.memory_space<vmem>>
      %dma_start3A_596 = tpu.memref_squeeze %dma_start3A_595 : memref<1x128xi32, #tpu.memory_space<vmem>> -> memref<128xi32, #tpu.memory_space<vmem>>
      %dma_start3A_597 = arith.constant 0 : i32
      %dma_start3A_598 = arith.constant 0 : i32
      %dma_start3A_599 = tpu.memref_slice %arg2[%dma_start3A_597, %dma_start3A_598] : memref<10240x128xf32, #tpu.memory_space<hbm>> -> memref<10240x128xf32, #tpu.memory_space<hbm>>
      tpu.enqueue_indirect_dma source(%dma_start3A_599 : memref<10240x128xf32, #tpu.memory_space<hbm>>) target(%arg11 : memref<128x128xf32, #tpu.memory_space<vmem>>) offsets(%dma_start3A_596 : memref<128xi32, #tpu.memory_space<vmem>>) semaphore(%arg14 : memref<!tpu.dma_semaphore, #tpu.memory_space<semaphore_mem>>)
      %mul3A_600 = arith.constant 4 : i32
      %mul3A_601 = arith.muli %mul3A_600, %scan3A_449 : i32
      %add3A_602 = arith.constant 3 : i32
      %add3A_603 = arith.addi %mul3A_601, %add3A_602 : i32
      %dma_wait3A_604 = arith.constant 0 : i32
      %dma_wait3A_605 = arith.constant 0 : i32
      %dma_wait3A_606 = tpu.memref_slice %arg2[%dma_wait3A_604, %dma_wait3A_605] : memref<10240x128xf32, #tpu.memory_space<hbm>> -> memref<128x128xf32, #tpu.memory_space<hbm>>
      %dma_wait3A_607 = arith.constant 0 : i32
      %dma_wait3A_608 = arith.constant 0 : i32
      %dma_wait3A_609 = tpu.memref_slice %arg2[%dma_wait3A_607, %dma_wait3A_608] : memref<10240x128xf32, #tpu.memory_space<hbm>> -> memref<128x128xf32, #tpu.memory_space<hbm>>
      tpu.wait_dma2 semaphore(%arg14 : memref<!tpu.dma_semaphore, #tpu.memory_space<semaphore_mem>>) src(%dma_wait3A_609 : memref<128x128xf32, #tpu.memory_space<hbm>>) dst(%arg11 : memref<128x128xf32, #tpu.memory_space<vmem>>)
      %dma_start3A_610 = arith.constant 1 : i32
      %dma_start3A_611 = arith.constant 0 : i32
      %dma_start3A_612 = tpu.memref_slice %arg9[%dma_start3A_610, %dma_start3A_611] : memref<2x128xi32, #tpu.memory_space<vmem>> -> memref<1x128xi32, #tpu.memory_space<vmem>>
      %dma_start3A_613 = tpu.memref_squeeze %dma_start3A_612 : memref<1x128xi32, #tpu.memory_space<vmem>> -> memref<128xi32, #tpu.memory_space<vmem>>
      %dma_start3A_614 = arith.constant 0 : i32
      %dma_start3A_615 = arith.constant 0 : i32
      %dma_start3A_616 = tpu.memref_slice %arg12[%dma_start3A_614, %dma_start3A_615] : memref<10240x128xf32, #tpu.memory_space<vmem_shared>> -> memref<10240x128xf32, #tpu.memory_space<vmem_shared>>
      tpu.enqueue_indirect_dma source(%arg11 : memref<128x128xf32, #tpu.memory_space<vmem>>) target(%dma_start3A_616 : memref<10240x128xf32, #tpu.memory_space<vmem_shared>>) offsets(%dma_start3A_613 : memref<128xi32, #tpu.memory_space<vmem>>) semaphore(%arg16 : memref<!tpu.dma_semaphore, #tpu.memory_space<semaphore_mem>>) {add = true}
      %dma_wait3A_617 = arith.constant 0 : i32
      %dma_wait3A_618 = arith.constant 0 : i32
      %dma_wait3A_619 = tpu.memref_slice %arg12[%dma_wait3A_617, %dma_wait3A_618] : memref<10240x128xf32, #tpu.memory_space<vmem_shared>> -> memref<128x128xf32, #tpu.memory_space<vmem_shared>>
      %dma_wait3A_620 = arith.constant 0 : i32
      %dma_wait3A_621 = arith.constant 0 : i32
      %dma_wait3A_622 = tpu.memref_slice %arg12[%dma_wait3A_620, %dma_wait3A_621] : memref<10240x128xf32, #tpu.memory_space<vmem_shared>> -> memref<128x128xf32, #tpu.memory_space<vmem_shared>>
      tpu.wait_dma2 semaphore(%arg15 : memref<!tpu.dma_semaphore, #tpu.memory_space<semaphore_mem>>) src(%arg10 : memref<128x128xf32, #tpu.memory_space<vmem>>) dst(%dma_wait3A_622 : memref<128x128xf32, #tpu.memory_space<vmem_shared>>)
      %add3A_623 = arith.constant 3 : i32
      %add3A_624 = arith.addi %add3A_603, %add3A_623 : i32
      %add3A_625 = arith.addi %mul3A_14, %add3A_624 : i32
      %dma_start3A_626 = arith.constant 0 : i32
      %dma_start3A_627 = arith.constant 0 : i32
      %dma_start3A_628 = tpu.memref_slice %arg3[%add3A_625, %dma_start3A_626, %dma_start3A_627] : memref<2560x2x128xi32, #tpu.memory_space<hbm>> -> memref<1x2x128xi32, #tpu.memory_space<hbm>>
      %dma_start3A_629 = tpu.memref_squeeze %dma_start3A_628 : memref<1x2x128xi32, #tpu.memory_space<hbm>> -> memref<2x128xi32, #tpu.memory_space<hbm>>
      %dma_start3A_630 = arith.constant 0 : i32
      %dma_start3A_631 = arith.constant 0 : i32
      %dma_start3A_632 = tpu.memref_slice %arg3[%add3A_625, %dma_start3A_630, %dma_start3A_631] : memref<2560x2x128xi32, #tpu.memory_space<hbm>> -> memref<1x2x128xi32, #tpu.memory_space<hbm>>
      %dma_start3A_633 = tpu.memref_squeeze %dma_start3A_632 : memref<1x2x128xi32, #tpu.memory_space<hbm>> -> memref<2x128xi32, #tpu.memory_space<hbm>>
      tpu.enqueue_dma source(%dma_start3A_633 : memref<2x128xi32, #tpu.memory_space<hbm>>) target(%arg8 : memref<2x128xi32, #tpu.memory_space<vmem>>) target_semaphore(%arg19 : memref<!tpu.dma_semaphore, #tpu.memory_space<semaphore_mem>>)
      %dma_wait3A_634 = arith.constant 0 : i32
      %dma_wait3A_635 = arith.constant 0 : i32
      %dma_wait3A_636 = arith.constant 0 : i32
      %dma_wait3A_637 = tpu.memref_slice %arg3[%dma_wait3A_634, %dma_wait3A_635, %dma_wait3A_636] : memref<2560x2x128xi32, #tpu.memory_space<hbm>> -> memref<1x2x128xi32, #tpu.memory_space<hbm>>
      %dma_wait3A_638 = tpu.memref_squeeze %dma_wait3A_637 : memref<1x2x128xi32, #tpu.memory_space<hbm>> -> memref<2x128xi32, #tpu.memory_space<hbm>>
      %dma_wait3A_639 = arith.constant 0 : i32
      %dma_wait3A_640 = arith.constant 0 : i32
      %dma_wait3A_641 = tpu.memref_slice %arg3[%dma_wait3A_634, %dma_wait3A_639, %dma_wait3A_640] : memref<2560x2x128xi32, #tpu.memory_space<hbm>> -> memref<1x2x128xi32, #tpu.memory_space<hbm>>
      %dma_wait3A_642 = tpu.memref_squeeze %dma_wait3A_641 : memref<1x2x128xi32, #tpu.memory_space<hbm>> -> memref<2x128xi32, #tpu.memory_space<hbm>>
      tpu.wait_dma2 semaphore(%arg17 : memref<!tpu.dma_semaphore, #tpu.memory_space<semaphore_mem>>) src(%dma_wait3A_642 : memref<2x128xi32, #tpu.memory_space<hbm>>) dst(%arg6 : memref<2x128xi32, #tpu.memory_space<vmem>>)
      %dma_start3A_643 = arith.constant 0 : i32
      %dma_start3A_644 = arith.constant 0 : i32
      %dma_start3A_645 = tpu.memref_slice %arg6[%dma_start3A_643, %dma_start3A_644] : memref<2x128xi32, #tpu.memory_space<vmem>> -> memref<1x128xi32, #tpu.memory_space<vmem>>
      %dma_start3A_646 = tpu.memref_squeeze %dma_start3A_645 : memref<1x128xi32, #tpu.memory_space<vmem>> -> memref<128xi32, #tpu.memory_space<vmem>>
      %dma_start3A_647 = arith.constant 0 : i32
      %dma_start3A_648 = arith.constant 0 : i32
      %dma_start3A_649 = tpu.memref_slice %arg2[%dma_start3A_647, %dma_start3A_648] : memref<10240x128xf32, #tpu.memory_space<hbm>> -> memref<10240x128xf32, #tpu.memory_space<hbm>>
      tpu.enqueue_indirect_dma source(%dma_start3A_649 : memref<10240x128xf32, #tpu.memory_space<hbm>>) target(%arg10 : memref<128x128xf32, #tpu.memory_space<vmem>>) offsets(%dma_start3A_646 : memref<128xi32, #tpu.memory_space<vmem>>) semaphore(%arg13 : memref<!tpu.dma_semaphore, #tpu.memory_space<semaphore_mem>>)
    }
    %scan3A_237 = arith.constant 18 : i32
    %dma_wait3A_238 = arith.constant 0 : i32
    %dma_wait3A_239 = arith.constant 0 : i32
    %dma_wait3A_240 = tpu.memref_slice %arg2[%dma_wait3A_238, %dma_wait3A_239] : memref<10240x128xf32, #tpu.memory_space<hbm>> -> memref<128x128xf32, #tpu.memory_space<hbm>>
    %dma_wait3A_241 = arith.constant 0 : i32
    %dma_wait3A_242 = arith.constant 0 : i32
    %dma_wait3A_243 = tpu.memref_slice %arg2[%dma_wait3A_241, %dma_wait3A_242] : memref<10240x128xf32, #tpu.memory_space<hbm>> -> memref<128x128xf32, #tpu.memory_space<hbm>>
    tpu.wait_dma2 semaphore(%arg13 : memref<!tpu.dma_semaphore, #tpu.memory_space<semaphore_mem>>) src(%dma_wait3A_243 : memref<128x128xf32, #tpu.memory_space<hbm>>) dst(%arg10 : memref<128x128xf32, #tpu.memory_space<vmem>>)
    %dma_start3A_244 = arith.constant 1 : i32
    %dma_start3A_245 = arith.constant 0 : i32
    %dma_start3A_246 = tpu.memref_slice %arg6[%dma_start3A_244, %dma_start3A_245] : memref<2x128xi32, #tpu.memory_space<vmem>> -> memref<1x128xi32, #tpu.memory_space<vmem>>
    %dma_start3A_247 = tpu.memref_squeeze %dma_start3A_246 : memref<1x128xi32, #tpu.memory_space<vmem>> -> memref<128xi32, #tpu.memory_space<vmem>>
    %dma_start3A_248 = arith.constant 0 : i32
    %dma_start3A_249 = arith.constant 0 : i32
    %dma_start3A_250 = tpu.memref_slice %arg12[%dma_start3A_248, %dma_start3A_249] : memref<10240x128xf32, #tpu.memory_space<vmem_shared>> -> memref<10240x128xf32, #tpu.memory_space<vmem_shared>>
    tpu.enqueue_indirect_dma source(%arg10 : memref<128x128xf32, #tpu.memory_space<vmem>>) target(%dma_start3A_250 : memref<10240x128xf32, #tpu.memory_space<vmem_shared>>) offsets(%dma_start3A_247 : memref<128xi32, #tpu.memory_space<vmem>>) semaphore(%arg15 : memref<!tpu.dma_semaphore, #tpu.memory_space<semaphore_mem>>) {add = true}
    %dma_wait3A_251 = arith.constant 0 : i32
    %dma_wait3A_252 = arith.constant 0 : i32
    %dma_wait3A_253 = tpu.memref_slice %arg12[%dma_wait3A_251, %dma_wait3A_252] : memref<10240x128xf32, #tpu.memory_space<vmem_shared>> -> memref<128x128xf32, #tpu.memory_space<vmem_shared>>
    %dma_wait3A_254 = arith.constant 0 : i32
    %dma_wait3A_255 = arith.constant 0 : i32
    %dma_wait3A_256 = tpu.memref_slice %arg12[%dma_wait3A_254, %dma_wait3A_255] : memref<10240x128xf32, #tpu.memory_space<vmem_shared>> -> memref<128x128xf32, #tpu.memory_space<vmem_shared>>
    tpu.wait_dma2 semaphore(%arg16 : memref<!tpu.dma_semaphore, #tpu.memory_space<semaphore_mem>>) src(%arg11 : memref<128x128xf32, #tpu.memory_space<vmem>>) dst(%dma_wait3A_256 : memref<128x128xf32, #tpu.memory_space<vmem_shared>>)
    %add3A_257 = arith.constant 79 : i32
    %add3A_258 = arith.addi %mul3A_14, %add3A_257 : i32
    %dma_start3A_259 = arith.constant 0 : i32
    %dma_start3A_260 = arith.constant 0 : i32
    %dma_start3A_261 = tpu.memref_slice %arg3[%add3A_258, %dma_start3A_259, %dma_start3A_260] : memref<2560x2x128xi32, #tpu.memory_space<hbm>> -> memref<1x2x128xi32, #tpu.memory_space<hbm>>
    %dma_start3A_262 = tpu.memref_squeeze %dma_start3A_261 : memref<1x2x128xi32, #tpu.memory_space<hbm>> -> memref<2x128xi32, #tpu.memory_space<hbm>>
    %dma_start3A_263 = arith.constant 0 : i32
    %dma_start3A_264 = arith.constant 0 : i32
    %dma_start3A_265 = tpu.memref_slice %arg3[%add3A_258, %dma_start3A_263, %dma_start3A_264] : memref<2560x2x128xi32, #tpu.memory_space<hbm>> -> memref<1x2x128xi32, #tpu.memory_space<hbm>>
    %dma_start3A_266 = tpu.memref_squeeze %dma_start3A_265 : memref<1x2x128xi32, #tpu.memory_space<hbm>> -> memref<2x128xi32, #tpu.memory_space<hbm>>
    tpu.enqueue_dma source(%dma_start3A_266 : memref<2x128xi32, #tpu.memory_space<hbm>>) target(%arg9 : memref<2x128xi32, #tpu.memory_space<vmem>>) target_semaphore(%arg20 : memref<!tpu.dma_semaphore, #tpu.memory_space<semaphore_mem>>)
    %dma_wait3A_267 = arith.constant 0 : i32
    %dma_wait3A_268 = arith.constant 0 : i32
    %dma_wait3A_269 = arith.constant 0 : i32
    %dma_wait3A_270 = tpu.memref_slice %arg3[%dma_wait3A_267, %dma_wait3A_268, %dma_wait3A_269] : memref<2560x2x128xi32, #tpu.memory_space<hbm>> -> memref<1x2x128xi32, #tpu.memory_space<hbm>>
    %dma_wait3A_271 = tpu.memref_squeeze %dma_wait3A_270 : memref<1x2x128xi32, #tpu.memory_space<hbm>> -> memref<2x128xi32, #tpu.memory_space<hbm>>
    %dma_wait3A_272 = arith.constant 0 : i32
    %dma_wait3A_273 = arith.constant 0 : i32
    %dma_wait3A_274 = tpu.memref_slice %arg3[%dma_wait3A_267, %dma_wait3A_272, %dma_wait3A_273] : memref<2560x2x128xi32, #tpu.memory_space<hbm>> -> memref<1x2x128xi32, #tpu.memory_space<hbm>>
    %dma_wait3A_275 = tpu.memref_squeeze %dma_wait3A_274 : memref<1x2x128xi32, #tpu.memory_space<hbm>> -> memref<2x128xi32, #tpu.memory_space<hbm>>
    tpu.wait_dma2 semaphore(%arg18 : memref<!tpu.dma_semaphore, #tpu.memory_space<semaphore_mem>>) src(%dma_wait3A_275 : memref<2x128xi32, #tpu.memory_space<hbm>>) dst(%arg7 : memref<2x128xi32, #tpu.memory_space<vmem>>)
    %dma_start3A_276 = arith.constant 0 : i32
    %dma_start3A_277 = arith.constant 0 : i32
    %dma_start3A_278 = tpu.memref_slice %arg7[%dma_start3A_276, %dma_start3A_277] : memref<2x128xi32, #tpu.memory_space<vmem>> -> memref<1x128xi32, #tpu.memory_space<vmem>>
    %dma_start3A_279 = tpu.memref_squeeze %dma_start3A_278 : memref<1x128xi32, #tpu.memory_space<vmem>> -> memref<128xi32, #tpu.memory_space<vmem>>
    %dma_start3A_280 = arith.constant 0 : i32
    %dma_start3A_281 = arith.constant 0 : i32
    %dma_start3A_282 = tpu.memref_slice %arg2[%dma_start3A_280, %dma_start3A_281] : memref<10240x128xf32, #tpu.memory_space<hbm>> -> memref<10240x128xf32, #tpu.memory_space<hbm>>
    tpu.enqueue_indirect_dma source(%dma_start3A_282 : memref<10240x128xf32, #tpu.memory_space<hbm>>) target(%arg11 : memref<128x128xf32, #tpu.memory_space<vmem>>) offsets(%dma_start3A_279 : memref<128xi32, #tpu.memory_space<vmem>>) semaphore(%arg14 : memref<!tpu.dma_semaphore, #tpu.memory_space<semaphore_mem>>)
    %dma_wait3A_283 = arith.constant 0 : i32
    %dma_wait3A_284 = arith.constant 0 : i32
    %dma_wait3A_285 = tpu.memref_slice %arg2[%dma_wait3A_283, %dma_wait3A_284] : memref<10240x128xf32, #tpu.memory_space<hbm>> -> memref<128x128xf32, #tpu.memory_space<hbm>>
    %dma_wait3A_286 = arith.constant 0 : i32
    %dma_wait3A_287 = arith.constant 0 : i32
    %dma_wait3A_288 = tpu.memref_slice %arg2[%dma_wait3A_286, %dma_wait3A_287] : memref<10240x128xf32, #tpu.memory_space<hbm>> -> memref<128x128xf32, #tpu.memory_space<hbm>>
    tpu.wait_dma2 semaphore(%arg14 : memref<!tpu.dma_semaphore, #tpu.memory_space<semaphore_mem>>) src(%dma_wait3A_288 : memref<128x128xf32, #tpu.memory_space<hbm>>) dst(%arg11 : memref<128x128xf32, #tpu.memory_space<vmem>>)
    %dma_start3A_289 = arith.constant 1 : i32
    %dma_start3A_290 = arith.constant 0 : i32
    %dma_start3A_291 = tpu.memref_slice %arg7[%dma_start3A_289, %dma_start3A_290] : memref<2x128xi32, #tpu.memory_space<vmem>> -> memref<1x128xi32, #tpu.memory_space<vmem>>
    %dma_start3A_292 = tpu.memref_squeeze %dma_start3A_291 : memref<1x128xi32, #tpu.memory_space<vmem>> -> memref<128xi32, #tpu.memory_space<vmem>>
    %dma_start3A_293 = arith.constant 0 : i32
    %dma_start3A_294 = arith.constant 0 : i32
    %dma_start3A_295 = tpu.memref_slice %arg12[%dma_start3A_293, %dma_start3A_294] : memref<10240x128xf32, #tpu.memory_space<vmem_shared>> -> memref<10240x128xf32, #tpu.memory_space<vmem_shared>>
    tpu.enqueue_indirect_dma source(%arg11 : memref<128x128xf32, #tpu.memory_space<vmem>>) target(%dma_start3A_295 : memref<10240x128xf32, #tpu.memory_space<vmem_shared>>) offsets(%dma_start3A_292 : memref<128xi32, #tpu.memory_space<vmem>>) semaphore(%arg16 : memref<!tpu.dma_semaphore, #tpu.memory_space<semaphore_mem>>) {add = true}
    %dma_wait3A_296 = arith.constant 0 : i32
    %dma_wait3A_297 = arith.constant 0 : i32
    %dma_wait3A_298 = tpu.memref_slice %arg12[%dma_wait3A_296, %dma_wait3A_297] : memref<10240x128xf32, #tpu.memory_space<vmem_shared>> -> memref<128x128xf32, #tpu.memory_space<vmem_shared>>
    %dma_wait3A_299 = arith.constant 0 : i32
    %dma_wait3A_300 = arith.constant 0 : i32
    %dma_wait3A_301 = tpu.memref_slice %arg12[%dma_wait3A_299, %dma_wait3A_300] : memref<10240x128xf32, #tpu.memory_space<vmem_shared>> -> memref<128x128xf32, #tpu.memory_space<vmem_shared>>
    tpu.wait_dma2 semaphore(%arg15 : memref<!tpu.dma_semaphore, #tpu.memory_space<semaphore_mem>>) src(%arg10 : memref<128x128xf32, #tpu.memory_space<vmem>>) dst(%dma_wait3A_301 : memref<128x128xf32, #tpu.memory_space<vmem_shared>>)
    %dma_wait3A_302 = arith.constant 0 : i32
    %dma_wait3A_303 = arith.constant 0 : i32
    %dma_wait3A_304 = arith.constant 0 : i32
    %dma_wait3A_305 = tpu.memref_slice %arg3[%dma_wait3A_302, %dma_wait3A_303, %dma_wait3A_304] : memref<2560x2x128xi32, #tpu.memory_space<hbm>> -> memref<1x2x128xi32, #tpu.memory_space<hbm>>
    %dma_wait3A_306 = tpu.memref_squeeze %dma_wait3A_305 : memref<1x2x128xi32, #tpu.memory_space<hbm>> -> memref<2x128xi32, #tpu.memory_space<hbm>>
    %dma_wait3A_307 = arith.constant 0 : i32
    %dma_wait3A_308 = arith.constant 0 : i32
    %dma_wait3A_309 = tpu.memref_slice %arg3[%dma_wait3A_302, %dma_wait3A_307, %dma_wait3A_308] : memref<2560x2x128xi32, #tpu.memory_space<hbm>> -> memref<1x2x128xi32, #tpu.memory_space<hbm>>
    %dma_wait3A_310 = tpu.memref_squeeze %dma_wait3A_309 : memref<1x2x128xi32, #tpu.memory_space<hbm>> -> memref<2x128xi32, #tpu.memory_space<hbm>>
    tpu.wait_dma2 semaphore(%arg19 : memref<!tpu.dma_semaphore, #tpu.memory_space<semaphore_mem>>) src(%dma_wait3A_310 : memref<2x128xi32, #tpu.memory_space<hbm>>) dst(%arg8 : memref<2x128xi32, #tpu.memory_space<vmem>>)
    %dma_start3A_311 = arith.constant 0 : i32
    %dma_start3A_312 = arith.constant 0 : i32
    %dma_start3A_313 = tpu.memref_slice %arg8[%dma_start3A_311, %dma_start3A_312] : memref<2x128xi32, #tpu.memory_space<vmem>> -> memref<1x128xi32, #tpu.memory_space<vmem>>
    %dma_start3A_314 = tpu.memref_squeeze %dma_start3A_313 : memref<1x128xi32, #tpu.memory_space<vmem>> -> memref<128xi32, #tpu.memory_space<vmem>>
    %dma_start3A_315 = arith.constant 0 : i32
    %dma_start3A_316 = arith.constant 0 : i32
    %dma_start3A_317 = tpu.memref_slice %arg2[%dma_start3A_315, %dma_start3A_316] : memref<10240x128xf32, #tpu.memory_space<hbm>> -> memref<10240x128xf32, #tpu.memory_space<hbm>>
    tpu.enqueue_indirect_dma source(%dma_start3A_317 : memref<10240x128xf32, #tpu.memory_space<hbm>>) target(%arg10 : memref<128x128xf32, #tpu.memory_space<vmem>>) offsets(%dma_start3A_314 : memref<128xi32, #tpu.memory_space<vmem>>) semaphore(%arg13 : memref<!tpu.dma_semaphore, #tpu.memory_space<semaphore_mem>>)
    %dma_wait3A_318 = arith.constant 0 : i32
    %dma_wait3A_319 = arith.constant 0 : i32
    %dma_wait3A_320 = tpu.memref_slice %arg2[%dma_wait3A_318, %dma_wait3A_319] : memref<10240x128xf32, #tpu.memory_space<hbm>> -> memref<128x128xf32, #tpu.memory_space<hbm>>
    %dma_wait3A_321 = arith.constant 0 : i32
    %dma_wait3A_322 = arith.constant 0 : i32
    %dma_wait3A_323 = tpu.memref_slice %arg2[%dma_wait3A_321, %dma_wait3A_322] : memref<10240x128xf32, #tpu.memory_space<hbm>> -> memref<128x128xf32, #tpu.memory_space<hbm>>
    tpu.wait_dma2 semaphore(%arg13 : memref<!tpu.dma_semaphore, #tpu.memory_space<semaphore_mem>>) src(%dma_wait3A_323 : memref<128x128xf32, #tpu.memory_space<hbm>>) dst(%arg10 : memref<128x128xf32, #tpu.memory_space<vmem>>)
    %dma_start3A_324 = arith.constant 1 : i32
    %dma_start3A_325 = arith.constant 0 : i32
    %dma_start3A_326 = tpu.memref_slice %arg8[%dma_start3A_324, %dma_start3A_325] : memref<2x128xi32, #tpu.memory_space<vmem>> -> memref<1x128xi32, #tpu.memory_space<vmem>>
    %dma_start3A_327 = tpu.memref_squeeze %dma_start3A_326 : memref<1x128xi32, #tpu.memory_space<vmem>> -> memref<128xi32, #tpu.memory_space<vmem>>
    %dma_start3A_328 = arith.constant 0 : i32
    %dma_start3A_329 = arith.constant 0 : i32
    %dma_start3A_330 = tpu.memref_slice %arg12[%dma_start3A_328, %dma_start3A_329] : memref<10240x128xf32, #tpu.memory_space<vmem_shared>> -> memref<10240x128xf32, #tpu.memory_space<vmem_shared>>
    tpu.enqueue_indirect_dma source(%arg10 : memref<128x128xf32, #tpu.memory_space<vmem>>) target(%dma_start3A_330 : memref<10240x128xf32, #tpu.memory_space<vmem_shared>>) offsets(%dma_start3A_327 : memref<128xi32, #tpu.memory_space<vmem>>) semaphore(%arg15 : memref<!tpu.dma_semaphore, #tpu.memory_space<semaphore_mem>>) {add = true}
    %dma_wait3A_331 = arith.constant 0 : i32
    %dma_wait3A_332 = arith.constant 0 : i32
    %dma_wait3A_333 = tpu.memref_slice %arg12[%dma_wait3A_331, %dma_wait3A_332] : memref<10240x128xf32, #tpu.memory_space<vmem_shared>> -> memref<128x128xf32, #tpu.memory_space<vmem_shared>>
    %dma_wait3A_334 = arith.constant 0 : i32
    %dma_wait3A_335 = arith.constant 0 : i32
    %dma_wait3A_336 = tpu.memref_slice %arg12[%dma_wait3A_334, %dma_wait3A_335] : memref<10240x128xf32, #tpu.memory_space<vmem_shared>> -> memref<128x128xf32, #tpu.memory_space<vmem_shared>>
    tpu.wait_dma2 semaphore(%arg16 : memref<!tpu.dma_semaphore, #tpu.memory_space<semaphore_mem>>) src(%arg11 : memref<128x128xf32, #tpu.memory_space<vmem>>) dst(%dma_wait3A_336 : memref<128x128xf32, #tpu.memory_space<vmem_shared>>)
    %dma_wait3A_337 = arith.constant 0 : i32
    %dma_wait3A_338 = arith.constant 0 : i32
    %dma_wait3A_339 = arith.constant 0 : i32
    %dma_wait3A_340 = tpu.memref_slice %arg3[%dma_wait3A_337, %dma_wait3A_338, %dma_wait3A_339] : memref<2560x2x128xi32, #tpu.memory_space<hbm>> -> memref<1x2x128xi32, #tpu.memory_space<hbm>>
    %dma_wait3A_341 = tpu.memref_squeeze %dma_wait3A_340 : memref<1x2x128xi32, #tpu.memory_space<hbm>> -> memref<2x128xi32, #tpu.memory_space<hbm>>
    %dma_wait3A_342 = arith.constant 0 : i32
    %dma_wait3A_343 = arith.constant 0 : i32
    %dma_wait3A_344 = tpu.memref_slice %arg3[%dma_wait3A_337, %dma_wait3A_342, %dma_wait3A_343] : memref<2560x2x128xi32, #tpu.memory_space<hbm>> -> memref<1x2x128xi32, #tpu.memory_space<hbm>>
    %dma_wait3A_345 = tpu.memref_squeeze %dma_wait3A_344 : memref<1x2x128xi32, #tpu.memory_space<hbm>> -> memref<2x128xi32, #tpu.memory_space<hbm>>
    tpu.wait_dma2 semaphore(%arg20 : memref<!tpu.dma_semaphore, #tpu.memory_space<semaphore_mem>>) src(%dma_wait3A_345 : memref<2x128xi32, #tpu.memory_space<hbm>>) dst(%arg9 : memref<2x128xi32, #tpu.memory_space<vmem>>)
    %dma_start3A_346 = arith.constant 0 : i32
    %dma_start3A_347 = arith.constant 0 : i32
    %dma_start3A_348 = tpu.memref_slice %arg9[%dma_start3A_346, %dma_start3A_347] : memref<2x128xi32, #tpu.memory_space<vmem>> -> memref<1x128xi32, #tpu.memory_space<vmem>>
    %dma_start3A_349 = tpu.memref_squeeze %dma_start3A_348 : memref<1x128xi32, #tpu.memory_space<vmem>> -> memref<128xi32, #tpu.memory_space<vmem>>
    %dma_start3A_350 = arith.constant 0 : i32
    %dma_start3A_351 = arith.constant 0 : i32
    %dma_start3A_352 = tpu.memref_slice %arg2[%dma_start3A_350, %dma_start3A_351] : memref<10240x128xf32, #tpu.memory_space<hbm>> -> memref<10240x128xf32, #tpu.memory_space<hbm>>
    tpu.enqueue_indirect_dma source(%dma_start3A_352 : memref<10240x128xf32, #tpu.memory_space<hbm>>) target(%arg11 : memref<128x128xf32, #tpu.memory_space<vmem>>) offsets(%dma_start3A_349 : memref<128xi32, #tpu.memory_space<vmem>>) semaphore(%arg14 : memref<!tpu.dma_semaphore, #tpu.memory_space<semaphore_mem>>)
    %dma_wait3A_353 = arith.constant 0 : i32
    %dma_wait3A_354 = arith.constant 0 : i32
    %dma_wait3A_355 = tpu.memref_slice %arg2[%dma_wait3A_353, %dma_wait3A_354] : memref<10240x128xf32, #tpu.memory_space<hbm>> -> memref<128x128xf32, #tpu.memory_space<hbm>>
    %dma_wait3A_356 = arith.constant 0 : i32
    %dma_wait3A_357 = arith.constant 0 : i32
    %dma_wait3A_358 = tpu.memref_slice %arg2[%dma_wait3A_356, %dma_wait3A_357] : memref<10240x128xf32, #tpu.memory_space<hbm>> -> memref<128x128xf32, #tpu.memory_space<hbm>>
    tpu.wait_dma2 semaphore(%arg14 : memref<!tpu.dma_semaphore, #tpu.memory_space<semaphore_mem>>) src(%dma_wait3A_358 : memref<128x128xf32, #tpu.memory_space<hbm>>) dst(%arg11 : memref<128x128xf32, #tpu.memory_space<vmem>>)
    %dma_start3A_359 = arith.constant 1 : i32
    %dma_start3A_360 = arith.constant 0 : i32
    %dma_start3A_361 = tpu.memref_slice %arg9[%dma_start3A_359, %dma_start3A_360] : memref<2x128xi32, #tpu.memory_space<vmem>> -> memref<1x128xi32, #tpu.memory_space<vmem>>
    %dma_start3A_362 = tpu.memref_squeeze %dma_start3A_361 : memref<1x128xi32, #tpu.memory_space<vmem>> -> memref<128xi32, #tpu.memory_space<vmem>>
    %dma_start3A_363 = arith.constant 0 : i32
    %dma_start3A_364 = arith.constant 0 : i32
    %dma_start3A_365 = tpu.memref_slice %arg12[%dma_start3A_363, %dma_start3A_364] : memref<10240x128xf32, #tpu.memory_space<vmem_shared>> -> memref<10240x128xf32, #tpu.memory_space<vmem_shared>>
    tpu.enqueue_indirect_dma source(%arg11 : memref<128x128xf32, #tpu.memory_space<vmem>>) target(%dma_start3A_365 : memref<10240x128xf32, #tpu.memory_space<vmem_shared>>) offsets(%dma_start3A_362 : memref<128xi32, #tpu.memory_space<vmem>>) semaphore(%arg16 : memref<!tpu.dma_semaphore, #tpu.memory_space<semaphore_mem>>) {add = true}
    %dma_wait3A_366 = arith.constant 0 : i32
    %dma_wait3A_367 = arith.constant 0 : i32
    %dma_wait3A_368 = tpu.memref_slice %arg12[%dma_wait3A_366, %dma_wait3A_367] : memref<10240x128xf32, #tpu.memory_space<vmem_shared>> -> memref<128x128xf32, #tpu.memory_space<vmem_shared>>
    %dma_wait3A_369 = arith.constant 0 : i32
    %dma_wait3A_370 = arith.constant 0 : i32
    %dma_wait3A_371 = tpu.memref_slice %arg12[%dma_wait3A_369, %dma_wait3A_370] : memref<10240x128xf32, #tpu.memory_space<vmem_shared>> -> memref<128x128xf32, #tpu.memory_space<vmem_shared>>
    tpu.wait_dma2 semaphore(%arg15 : memref<!tpu.dma_semaphore, #tpu.memory_space<semaphore_mem>>) src(%arg10 : memref<128x128xf32, #tpu.memory_space<vmem>>) dst(%dma_wait3A_371 : memref<128x128xf32, #tpu.memory_space<vmem_shared>>)
    %dma_wait3A_372 = arith.constant 0 : i32
    %dma_wait3A_373 = arith.constant 0 : i32
    %dma_wait3A_374 = tpu.memref_slice %arg12[%dma_wait3A_372, %dma_wait3A_373] : memref<10240x128xf32, #tpu.memory_space<vmem_shared>> -> memref<128x128xf32, #tpu.memory_space<vmem_shared>>
    %dma_wait3A_375 = arith.constant 0 : i32
    %dma_wait3A_376 = arith.constant 0 : i32
    %dma_wait3A_377 = tpu.memref_slice %arg12[%dma_wait3A_375, %dma_wait3A_376] : memref<10240x128xf32, #tpu.memory_space<vmem_shared>> -> memref<128x128xf32, #tpu.memory_space<vmem_shared>>
    tpu.wait_dma2 semaphore(%arg16 : memref<!tpu.dma_semaphore, #tpu.memory_space<semaphore_mem>>) src(%arg11 : memref<128x128xf32, #tpu.memory_space<vmem>>) dst(%dma_wait3A_377 : memref<128x128xf32, #tpu.memory_space<vmem_shared>>)
    %barrier3A_378 = arith.constant 0 : index
    tpu.barrier barrier_id(%barrier3A_378)
    %add3A_379 = arith.constant 0 : i32
    %add3A_380 = arith.addi %mul3A_0, %add3A_379 : i32
    "tpu.region"() ({
      %run_scoped3A = tpu.sem_alloc : memref<!tpu.dma_semaphore, #tpu.memory_space<semaphore_mem>>
      %dma_start3A_449 = arith.constant 0 : i32
      %dma_start3A_450 = tpu.memref_slice %arg12[%add3A_380, %dma_start3A_449] : memref<10240x128xf32, #tpu.memory_space<vmem_shared>> -> memref<128x128xf32, #tpu.memory_space<vmem_shared>>
      %dma_start3A_451 = arith.constant 0 : i32
      %dma_start3A_452 = tpu.memref_slice %arg12[%add3A_380, %dma_start3A_451] : memref<10240x128xf32, #tpu.memory_space<vmem_shared>> -> memref<128x128xf32, #tpu.memory_space<vmem_shared>>
      tpu.enqueue_dma source(%dma_start3A_452 : memref<128x128xf32, #tpu.memory_space<vmem_shared>>) target(%arg10 : memref<128x128xf32, #tpu.memory_space<vmem>>) target_semaphore(%run_scoped3A : memref<!tpu.dma_semaphore, #tpu.memory_space<semaphore_mem>>)
      %dma_wait3A_453 = arith.constant 0 : i32
      %dma_wait3A_454 = tpu.memref_slice %arg12[%add3A_380, %dma_wait3A_453] : memref<10240x128xf32, #tpu.memory_space<vmem_shared>> -> memref<128x128xf32, #tpu.memory_space<vmem_shared>>
      %dma_wait3A_455 = arith.constant 0 : i32
      %dma_wait3A_456 = tpu.memref_slice %arg12[%add3A_380, %dma_wait3A_455] : memref<10240x128xf32, #tpu.memory_space<vmem_shared>> -> memref<128x128xf32, #tpu.memory_space<vmem_shared>>
      tpu.wait_dma2 semaphore(%run_scoped3A : memref<!tpu.dma_semaphore, #tpu.memory_space<semaphore_mem>>) src(%dma_wait3A_456 : memref<128x128xf32, #tpu.memory_space<vmem_shared>>) dst(%arg10 : memref<128x128xf32, #tpu.memory_space<vmem>>)
      tpu.yield
    }) : () -> ()
    %dma_start3A_381 = arith.constant 0 : i32
    %dma_start3A_382 = tpu.memref_slice %arg5[%arg0, %add3A_380, %dma_start3A_381] : memref<2x10240x128xf32, #tpu.memory_space<hbm>> -> memref<1x128x128xf32, #tpu.memory_space<hbm>>
    %dma_start3A_383 = tpu.memref_squeeze %dma_start3A_382 : memref<1x128x128xf32, #tpu.memory_space<hbm>> -> memref<128x128xf32, #tpu.memory_space<hbm>>
    %dma_start3A_384 = arith.constant 0 : i32
    %dma_start3A_385 = tpu.memref_slice %arg5[%arg0, %add3A_380, %dma_start3A_384] : memref<2x10240x128xf32, #tpu.memory_space<hbm>> -> memref<1x128x128xf32, #tpu.memory_space<hbm>>
    %dma_start3A_386 = tpu.memref_squeeze %dma_start3A_385 : memref<1x128x128xf32, #tpu.memory_space<hbm>> -> memref<128x128xf32, #tpu.memory_space<hbm>>
    tpu.enqueue_dma source(%arg10 : memref<128x128xf32, #tpu.memory_space<vmem>>) target(%dma_start3A_386 : memref<128x128xf32, #tpu.memory_space<hbm>>) target_semaphore(%arg15 : memref<!tpu.dma_semaphore, #tpu.memory_space<semaphore_mem>>)
    %add3A_387 = arith.constant 128 : i32
    %add3A_388 = arith.addi %mul3A_0, %add3A_387 : i32
    "tpu.region"() ({
      %run_scoped3A = tpu.sem_alloc : memref<!tpu.dma_semaphore, #tpu.memory_space<semaphore_mem>>
      %dma_start3A_449 = arith.constant 0 : i32
      %dma_start3A_450 = tpu.memref_slice %arg12[%add3A_388, %dma_start3A_449] : memref<10240x128xf32, #tpu.memory_space<vmem_shared>> -> memref<128x128xf32, #tpu.memory_space<vmem_shared>>
      %dma_start3A_451 = arith.constant 0 : i32
      %dma_start3A_452 = tpu.memref_slice %arg12[%add3A_388, %dma_start3A_451] : memref<10240x128xf32, #tpu.memory_space<vmem_shared>> -> memref<128x128xf32, #tpu.memory_space<vmem_shared>>
      tpu.enqueue_dma source(%dma_start3A_452 : memref<128x128xf32, #tpu.memory_space<vmem_shared>>) target(%arg11 : memref<128x128xf32, #tpu.memory_space<vmem>>) target_semaphore(%run_scoped3A : memref<!tpu.dma_semaphore, #tpu.memory_space<semaphore_mem>>)
      %dma_wait3A_453 = arith.constant 0 : i32
      %dma_wait3A_454 = tpu.memref_slice %arg12[%add3A_388, %dma_wait3A_453] : memref<10240x128xf32, #tpu.memory_space<vmem_shared>> -> memref<128x128xf32, #tpu.memory_space<vmem_shared>>
      %dma_wait3A_455 = arith.constant 0 : i32
      %dma_wait3A_456 = tpu.memref_slice %arg12[%add3A_388, %dma_wait3A_455] : memref<10240x128xf32, #tpu.memory_space<vmem_shared>> -> memref<128x128xf32, #tpu.memory_space<vmem_shared>>
      tpu.wait_dma2 semaphore(%run_scoped3A : memref<!tpu.dma_semaphore, #tpu.memory_space<semaphore_mem>>) src(%dma_wait3A_456 : memref<128x128xf32, #tpu.memory_space<vmem_shared>>) dst(%arg11 : memref<128x128xf32, #tpu.memory_space<vmem>>)
      tpu.yield
    }) : () -> ()
    %dma_start3A_389 = arith.constant 0 : i32
    %dma_start3A_390 = tpu.memref_slice %arg5[%arg0, %add3A_388, %dma_start3A_389] : memref<2x10240x128xf32, #tpu.memory_space<hbm>> -> memref<1x128x128xf32, #tpu.memory_space<hbm>>
    %dma_start3A_391 = tpu.memref_squeeze %dma_start3A_390 : memref<1x128x128xf32, #tpu.memory_space<hbm>> -> memref<128x128xf32, #tpu.memory_space<hbm>>
    %dma_start3A_392 = arith.constant 0 : i32
    %dma_start3A_393 = tpu.memref_slice %arg5[%arg0, %add3A_388, %dma_start3A_392] : memref<2x10240x128xf32, #tpu.memory_space<hbm>> -> memref<1x128x128xf32, #tpu.memory_space<hbm>>
    %dma_start3A_394 = tpu.memref_squeeze %dma_start3A_393 : memref<1x128x128xf32, #tpu.memory_space<hbm>> -> memref<128x128xf32, #tpu.memory_space<hbm>>
    tpu.enqueue_dma source(%arg11 : memref<128x128xf32, #tpu.memory_space<vmem>>) target(%dma_start3A_394 : memref<128x128xf32, #tpu.memory_space<hbm>>) target_semaphore(%arg16 : memref<!tpu.dma_semaphore, #tpu.memory_space<semaphore_mem>>)
    %add3A_395 = arith.constant 256 : i32
    %add3A_396 = arith.addi %mul3A_0, %add3A_395 : i32
    %dma_wait3A_397 = arith.constant 0 : i32
    %dma_wait3A_398 = tpu.memref_slice %arg5[%arg0, %mul3A_0, %dma_wait3A_397] : memref<2x10240x128xf32, #tpu.memory_space<hbm>> -> memref<1x128x128xf32, #tpu.memory_space<hbm>>
    %dma_wait3A_399 = tpu.memref_squeeze %dma_wait3A_398 : memref<1x128x128xf32, #tpu.memory_space<hbm>> -> memref<128x128xf32, #tpu.memory_space<hbm>>
    %dma_wait3A_400 = arith.constant 0 : i32
    %dma_wait3A_401 = tpu.memref_slice %arg5[%arg0, %mul3A_0, %dma_wait3A_400] : memref<2x10240x128xf32, #tpu.memory_space<hbm>> -> memref<1x128x128xf32, #tpu.memory_space<hbm>>
    %dma_wait3A_402 = tpu.memref_squeeze %dma_wait3A_401 : memref<1x128x128xf32, #tpu.memory_space<hbm>> -> memref<128x128xf32, #tpu.memory_space<hbm>>
    tpu.wait_dma2 semaphore(%arg15 : memref<!tpu.dma_semaphore, #tpu.memory_space<semaphore_mem>>) src(%arg10 : memref<128x128xf32, #tpu.memory_space<vmem>>) dst(%dma_wait3A_402 : memref<128x128xf32, #tpu.memory_space<hbm>>)
    "tpu.region"() ({
      %run_scoped3A = tpu.sem_alloc : memref<!tpu.dma_semaphore, #tpu.memory_space<semaphore_mem>>
      %dma_start3A_449 = arith.constant 0 : i32
      %dma_start3A_450 = tpu.memref_slice %arg12[%add3A_396, %dma_start3A_449] : memref<10240x128xf32, #tpu.memory_space<vmem_shared>> -> memref<128x128xf32, #tpu.memory_space<vmem_shared>>
      %dma_start3A_451 = arith.constant 0 : i32
      %dma_start3A_452 = tpu.memref_slice %arg12[%add3A_396, %dma_start3A_451] : memref<10240x128xf32, #tpu.memory_space<vmem_shared>> -> memref<128x128xf32, #tpu.memory_space<vmem_shared>>
      tpu.enqueue_dma source(%dma_start3A_452 : memref<128x128xf32, #tpu.memory_space<vmem_shared>>) target(%arg10 : memref<128x128xf32, #tpu.memory_space<vmem>>) target_semaphore(%run_scoped3A : memref<!tpu.dma_semaphore, #tpu.memory_space<semaphore_mem>>)
      %dma_wait3A_453 = arith.constant 0 : i32
      %dma_wait3A_454 = tpu.memref_slice %arg12[%add3A_396, %dma_wait3A_453] : memref<10240x128xf32, #tpu.memory_space<vmem_shared>> -> memref<128x128xf32, #tpu.memory_space<vmem_shared>>
      %dma_wait3A_455 = arith.constant 0 : i32
      %dma_wait3A_456 = tpu.memref_slice %arg12[%add3A_396, %dma_wait3A_455] : memref<10240x128xf32, #tpu.memory_space<vmem_shared>> -> memref<128x128xf32, #tpu.memory_space<vmem_shared>>
      tpu.wait_dma2 semaphore(%run_scoped3A : memref<!tpu.dma_semaphore, #tpu.memory_space<semaphore_mem>>) src(%dma_wait3A_456 : memref<128x128xf32, #tpu.memory_space<vmem_shared>>) dst(%arg10 : memref<128x128xf32, #tpu.memory_space<vmem>>)
      tpu.yield
    }) : () -> ()
    %dma_start3A_403 = arith.constant 0 : i32
    %dma_start3A_404 = tpu.memref_slice %arg5[%arg0, %add3A_396, %dma_start3A_403] : memref<2x10240x128xf32, #tpu.memory_space<hbm>> -> memref<1x128x128xf32, #tpu.memory_space<hbm>>
    %dma_start3A_405 = tpu.memref_squeeze %dma_start3A_404 : memref<1x128x128xf32, #tpu.memory_space<hbm>> -> memref<128x128xf32, #tpu.memory_space<hbm>>
    %dma_start3A_406 = arith.constant 0 : i32
    %dma_start3A_407 = tpu.memref_slice %arg5[%arg0, %add3A_396, %dma_start3A_406] : memref<2x10240x128xf32, #tpu.memory_space<hbm>> -> memref<1x128x128xf32, #tpu.memory_space<hbm>>
    %dma_start3A_408 = tpu.memref_squeeze %dma_start3A_407 : memref<1x128x128xf32, #tpu.memory_space<hbm>> -> memref<128x128xf32, #tpu.memory_space<hbm>>
    tpu.enqueue_dma source(%arg10 : memref<128x128xf32, #tpu.memory_space<vmem>>) target(%dma_start3A_408 : memref<128x128xf32, #tpu.memory_space<hbm>>) target_semaphore(%arg15 : memref<!tpu.dma_semaphore, #tpu.memory_space<semaphore_mem>>)
    %add3A_409 = arith.constant 384 : i32
    %add3A_410 = arith.addi %mul3A_0, %add3A_409 : i32
    %dma_wait3A_411 = arith.constant 0 : i32
    %dma_wait3A_412 = tpu.memref_slice %arg5[%arg0, %mul3A_0, %dma_wait3A_411] : memref<2x10240x128xf32, #tpu.memory_space<hbm>> -> memref<1x128x128xf32, #tpu.memory_space<hbm>>
    %dma_wait3A_413 = tpu.memref_squeeze %dma_wait3A_412 : memref<1x128x128xf32, #tpu.memory_space<hbm>> -> memref<128x128xf32, #tpu.memory_space<hbm>>
    %dma_wait3A_414 = arith.constant 0 : i32
    %dma_wait3A_415 = tpu.memref_slice %arg5[%arg0, %mul3A_0, %dma_wait3A_414] : memref<2x10240x128xf32, #tpu.memory_space<hbm>> -> memref<1x128x128xf32, #tpu.memory_space<hbm>>
    %dma_wait3A_416 = tpu.memref_squeeze %dma_wait3A_415 : memref<1x128x128xf32, #tpu.memory_space<hbm>> -> memref<128x128xf32, #tpu.memory_space<hbm>>
    tpu.wait_dma2 semaphore(%arg16 : memref<!tpu.dma_semaphore, #tpu.memory_space<semaphore_mem>>) src(%arg11 : memref<128x128xf32, #tpu.memory_space<vmem>>) dst(%dma_wait3A_416 : memref<128x128xf32, #tpu.memory_space<hbm>>)
    "tpu.region"() ({
      %run_scoped3A = tpu.sem_alloc : memref<!tpu.dma_semaphore, #tpu.memory_space<semaphore_mem>>
      %dma_start3A_449 = arith.constant 0 : i32
      %dma_start3A_450 = tpu.memref_slice %arg12[%add3A_410, %dma_start3A_449] : memref<10240x128xf32, #tpu.memory_space<vmem_shared>> -> memref<128x128xf32, #tpu.memory_space<vmem_shared>>
      %dma_start3A_451 = arith.constant 0 : i32
      %dma_start3A_452 = tpu.memref_slice %arg12[%add3A_410, %dma_start3A_451] : memref<10240x128xf32, #tpu.memory_space<vmem_shared>> -> memref<128x128xf32, #tpu.memory_space<vmem_shared>>
      tpu.enqueue_dma source(%dma_start3A_452 : memref<128x128xf32, #tpu.memory_space<vmem_shared>>) target(%arg11 : memref<128x128xf32, #tpu.memory_space<vmem>>) target_semaphore(%run_scoped3A : memref<!tpu.dma_semaphore, #tpu.memory_space<semaphore_mem>>)
      %dma_wait3A_453 = arith.constant 0 : i32
      %dma_wait3A_454 = tpu.memref_slice %arg12[%add3A_410, %dma_wait3A_453] : memref<10240x128xf32, #tpu.memory_space<vmem_shared>> -> memref<128x128xf32, #tpu.memory_space<vmem_shared>>
      %dma_wait3A_455 = arith.constant 0 : i32
      %dma_wait3A_456 = tpu.memref_slice %arg12[%add3A_410, %dma_wait3A_455] : memref<10240x128xf32, #tpu.memory_space<vmem_shared>> -> memref<128x128xf32, #tpu.memory_space<vmem_shared>>
      tpu.wait_dma2 semaphore(%run_scoped3A : memref<!tpu.dma_semaphore, #tpu.memory_space<semaphore_mem>>) src(%dma_wait3A_456 : memref<128x128xf32, #tpu.memory_space<vmem_shared>>) dst(%arg11 : memref<128x128xf32, #tpu.memory_space<vmem>>)
      tpu.yield
    }) : () -> ()
    %dma_start3A_417 = arith.constant 0 : i32
    %dma_start3A_418 = tpu.memref_slice %arg5[%arg0, %add3A_410, %dma_start3A_417] : memref<2x10240x128xf32, #tpu.memory_space<hbm>> -> memref<1x128x128xf32, #tpu.memory_space<hbm>>
    %dma_start3A_419 = tpu.memref_squeeze %dma_start3A_418 : memref<1x128x128xf32, #tpu.memory_space<hbm>> -> memref<128x128xf32, #tpu.memory_space<hbm>>
    %dma_start3A_420 = arith.constant 0 : i32
    %dma_start3A_421 = tpu.memref_slice %arg5[%arg0, %add3A_410, %dma_start3A_420] : memref<2x10240x128xf32, #tpu.memory_space<hbm>> -> memref<1x128x128xf32, #tpu.memory_space<hbm>>
    %dma_start3A_422 = tpu.memref_squeeze %dma_start3A_421 : memref<1x128x128xf32, #tpu.memory_space<hbm>> -> memref<128x128xf32, #tpu.memory_space<hbm>>
    tpu.enqueue_dma source(%arg11 : memref<128x128xf32, #tpu.memory_space<vmem>>) target(%dma_start3A_422 : memref<128x128xf32, #tpu.memory_space<hbm>>) target_semaphore(%arg16 : memref<!tpu.dma_semaphore, #tpu.memory_space<semaphore_mem>>)
    %add3A_423 = arith.constant 512 : i32
    %add3A_424 = arith.addi %mul3A_0, %add3A_423 : i32
    %dma_wait3A_425 = arith.constant 0 : i32
    %dma_wait3A_426 = tpu.memref_slice %arg5[%arg0, %mul3A_0, %dma_wait3A_425] : memref<2x10240x128xf32, #tpu.memory_space<hbm>> -> memref<1x128x128xf32, #tpu.memory_space<hbm>>
    %dma_wait3A_427 = tpu.memref_squeeze %dma_wait3A_426 : memref<1x128x128xf32, #tpu.memory_space<hbm>> -> memref<128x128xf32, #tpu.memory_space<hbm>>
    %dma_wait3A_428 = arith.constant 0 : i32
    %dma_wait3A_429 = tpu.memref_slice %arg5[%arg0, %mul3A_0, %dma_wait3A_428] : memref<2x10240x128xf32, #tpu.memory_space<hbm>> -> memref<1x128x128xf32, #tpu.memory_space<hbm>>
    %dma_wait3A_430 = tpu.memref_squeeze %dma_wait3A_429 : memref<1x128x128xf32, #tpu.memory_space<hbm>> -> memref<128x128xf32, #tpu.memory_space<hbm>>
    tpu.wait_dma2 semaphore(%arg15 : memref<!tpu.dma_semaphore, #tpu.memory_space<semaphore_mem>>) src(%arg10 : memref<128x128xf32, #tpu.memory_space<vmem>>) dst(%dma_wait3A_430 : memref<128x128xf32, #tpu.memory_space<hbm>>)
    "tpu.region"() ({
      %run_scoped3A = tpu.sem_alloc : memref<!tpu.dma_semaphore, #tpu.memory_space<semaphore_mem>>
      %dma_start3A_449 = arith.constant 0 : i32
      %dma_start3A_450 = tpu.memref_slice %arg12[%add3A_424, %dma_start3A_449] : memref<10240x128xf32, #tpu.memory_space<vmem_shared>> -> memref<128x128xf32, #tpu.memory_space<vmem_shared>>
      %dma_start3A_451 = arith.constant 0 : i32
      %dma_start3A_452 = tpu.memref_slice %arg12[%add3A_424, %dma_start3A_451] : memref<10240x128xf32, #tpu.memory_space<vmem_shared>> -> memref<128x128xf32, #tpu.memory_space<vmem_shared>>
      tpu.enqueue_dma source(%dma_start3A_452 : memref<128x128xf32, #tpu.memory_space<vmem_shared>>) target(%arg10 : memref<128x128xf32, #tpu.memory_space<vmem>>) target_semaphore(%run_scoped3A : memref<!tpu.dma_semaphore, #tpu.memory_space<semaphore_mem>>)
      %dma_wait3A_453 = arith.constant 0 : i32
      %dma_wait3A_454 = tpu.memref_slice %arg12[%add3A_424, %dma_wait3A_453] : memref<10240x128xf32, #tpu.memory_space<vmem_shared>> -> memref<128x128xf32, #tpu.memory_space<vmem_shared>>
      %dma_wait3A_455 = arith.constant 0 : i32
      %dma_wait3A_456 = tpu.memref_slice %arg12[%add3A_424, %dma_wait3A_455] : memref<10240x128xf32, #tpu.memory_space<vmem_shared>> -> memref<128x128xf32, #tpu.memory_space<vmem_shared>>
      tpu.wait_dma2 semaphore(%run_scoped3A : memref<!tpu.dma_semaphore, #tpu.memory_space<semaphore_mem>>) src(%dma_wait3A_456 : memref<128x128xf32, #tpu.memory_space<vmem_shared>>) dst(%arg10 : memref<128x128xf32, #tpu.memory_space<vmem>>)
      tpu.yield
    }) : () -> ()
    %dma_start3A_431 = arith.constant 0 : i32
    %dma_start3A_432 = tpu.memref_slice %arg5[%arg0, %add3A_424, %dma_start3A_431] : memref<2x10240x128xf32, #tpu.memory_space<hbm>> -> memref<1x128x128xf32, #tpu.memory_space<hbm>>
    %dma_start3A_433 = tpu.memref_squeeze %dma_start3A_432 : memref<1x128x128xf32, #tpu.memory_space<hbm>> -> memref<128x128xf32, #tpu.memory_space<hbm>>
    %dma_start3A_434 = arith.constant 0 : i32
    %dma_start3A_435 = tpu.memref_slice %arg5[%arg0, %add3A_424, %dma_start3A_434] : memref<2x10240x128xf32, #tpu.memory_space<hbm>> -> memref<1x128x128xf32, #tpu.memory_space<hbm>>
    %dma_start3A_436 = tpu.memref_squeeze %dma_start3A_435 : memref<1x128x128xf32, #tpu.memory_space<hbm>> -> memref<128x128xf32, #tpu.memory_space<hbm>>
    tpu.enqueue_dma source(%arg10 : memref<128x128xf32, #tpu.memory_space<vmem>>) target(%dma_start3A_436 : memref<128x128xf32, #tpu.memory_space<hbm>>) target_semaphore(%arg15 : memref<!tpu.dma_semaphore, #tpu.memory_space<semaphore_mem>>)
    %dma_wait3A_437 = arith.constant 0 : i32
    %dma_wait3A_438 = tpu.memref_slice %arg5[%arg0, %mul3A_0, %dma_wait3A_437] : memref<2x10240x128xf32, #tpu.memory_space<hbm>> -> memref<1x128x128xf32, #tpu.memory_space<hbm>>
    %dma_wait3A_439 = tpu.memref_squeeze %dma_wait3A_438 : memref<1x128x128xf32, #tpu.memory_space<hbm>> -> memref<128x128xf32, #tpu.memory_space<hbm>>
    %dma_wait3A_440 = arith.constant 0 : i32
    %dma_wait3A_441 = tpu.memref_slice %arg5[%arg0, %mul3A_0, %dma_wait3A_440] : memref<2x10240x128xf32, #tpu.memory_space<hbm>> -> memref<1x128x128xf32, #tpu.memory_space<hbm>>
    %dma_wait3A_442 = tpu.memref_squeeze %dma_wait3A_441 : memref<1x128x128xf32, #tpu.memory_space<hbm>> -> memref<128x128xf32, #tpu.memory_space<hbm>>
    tpu.wait_dma2 semaphore(%arg15 : memref<!tpu.dma_semaphore, #tpu.memory_space<semaphore_mem>>) src(%arg10 : memref<128x128xf32, #tpu.memory_space<vmem>>) dst(%dma_wait3A_442 : memref<128x128xf32, #tpu.memory_space<hbm>>)
    %dma_wait3A_443 = arith.constant 0 : i32
    %dma_wait3A_444 = tpu.memref_slice %arg5[%arg0, %mul3A_0, %dma_wait3A_443] : memref<2x10240x128xf32, #tpu.memory_space<hbm>> -> memref<1x128x128xf32, #tpu.memory_space<hbm>>
    %dma_wait3A_445 = tpu.memref_squeeze %dma_wait3A_444 : memref<1x128x128xf32, #tpu.memory_space<hbm>> -> memref<128x128xf32, #tpu.memory_space<hbm>>
    %dma_wait3A_446 = arith.constant 0 : i32
    %dma_wait3A_447 = tpu.memref_slice %arg5[%arg0, %mul3A_0, %dma_wait3A_446] : memref<2x10240x128xf32, #tpu.memory_space<hbm>> -> memref<1x128x128xf32, #tpu.memory_space<hbm>>
    %dma_wait3A_448 = tpu.memref_squeeze %dma_wait3A_447 : memref<1x128x128xf32, #tpu.memory_space<hbm>> -> memref<128x128xf32, #tpu.memory_space<hbm>>
    tpu.wait_dma2 semaphore(%arg16 : memref<!tpu.dma_semaphore, #tpu.memory_space<semaphore_mem>>) src(%arg11 : memref<128x128xf32, #tpu.memory_space<vmem>>) dst(%dma_wait3A_448 : memref<128x128xf32, #tpu.memory_space<hbm>>)
    return
  }
}

#map = affine_map<(d0, d1) -> (0, 0)>
#map1 = affine_map<(d0, d1) -> (0, 0, 0)>
module attributes {stable_mosaic.version = 14 : i64} {
  func.func @body(%arg0: i32, %arg1: i32, %arg2: memref<10240x128xf32, #tpu.memory_space<hbm>>, %arg3: memref<2560x2x128xi32, #tpu.memory_space<hbm>>, %arg4: memref<128x128xf32, #tpu.memory_space<hbm>>, %arg5: memref<2x10240x128xf32, #tpu.memory_space<hbm>>, %arg6: memref<32x10240xf32, #tpu.memory_space<hbm>>, %arg7: memref<2x128xi32, #tpu.memory_space<vmem>>, %arg8: memref<2x128xi32, #tpu.memory_space<vmem>>, %arg9: memref<2x128xi32, #tpu.memory_space<vmem>>, %arg10: memref<2x128xi32, #tpu.memory_space<vmem>>, %arg11: memref<128x128xf32, #tpu.memory_space<vmem>>, %arg12: memref<128x128xf32, #tpu.memory_space<vmem>>, %arg13: memref<10240x128xf32, #tpu.memory_space<vmem_shared>>, %arg14: memref<10240xf32, #tpu.memory_space<vmem>>, %arg15: memref<!tpu.dma_semaphore, #tpu.memory_space<semaphore_mem>>, %arg16: memref<!tpu.dma_semaphore, #tpu.memory_space<semaphore_mem>>, %arg17: memref<!tpu.dma_semaphore, #tpu.memory_space<semaphore_mem>>, %arg18: memref<!tpu.dma_semaphore, #tpu.memory_space<semaphore_mem>>, %arg19: memref<!tpu.dma_semaphore, #tpu.memory_space<semaphore_mem>>, %arg20: memref<!tpu.dma_semaphore, #tpu.memory_space<semaphore_mem>>, %arg21: memref<!tpu.dma_semaphore, #tpu.memory_space<semaphore_mem>>, %arg22: memref<!tpu.dma_semaphore, #tpu.memory_space<semaphore_mem>>) attributes {dimension_semantics = [#tpu.dimension_semantics<core_parallel>, #tpu.dimension_semantics<subcore_parallel>], iteration_bounds = array<i64: 2, 16>, scalar_prefetch = 0 : i64, scratch_operands = 16 : i64, tpu.core_type = #tpu.core_type<sc_vector_subcore>, window_params = [{transform_indices = #map}, {transform_indices = #map1}, {transform_indices = #map}, {transform_indices = #map1}, {transform_indices = #map}]} {
    %mul3A = arith.constant 640 : i32
    %mul3A_0 = arith.muli %arg1, %mul3A : i32
    %mul3A_1 = arith.constant 16 : i32
    %mul3A_2 = arith.muli %arg0, %mul3A_1 : i32
    %add3A = arith.addi %mul3A_2, %arg1 : i32
    "tpu.region"() ({
      %run_scoped3A = tpu.sem_alloc : memref<!tpu.dma_semaphore, #tpu.memory_space<semaphore_mem>>
      tpu.enqueue_dma source(%arg4 : memref<128x128xf32, #tpu.memory_space<hbm>>) target(%arg11 : memref<128x128xf32, #tpu.memory_space<vmem>>) target_semaphore(%run_scoped3A : memref<!tpu.dma_semaphore, #tpu.memory_space<semaphore_mem>>)
      tpu.wait_dma2 semaphore(%run_scoped3A : memref<!tpu.dma_semaphore, #tpu.memory_space<semaphore_mem>>) src(%arg4 : memref<128x128xf32, #tpu.memory_space<hbm>>) dst(%arg11 : memref<128x128xf32, #tpu.memory_space<vmem>>)
      tpu.yield
    }) : () -> ()
    %add3A_3 = arith.constant 0 : i32
    %add3A_4 = arith.addi %mul3A_0, %add3A_3 : i32
    "tpu.region"() ({
      %run_scoped3A = tpu.sem_alloc : memref<!tpu.dma_semaphore, #tpu.memory_space<semaphore_mem>>
      %dma_start3A_713 = arith.constant 0 : i32
      %dma_start3A_714 = tpu.memref_slice %arg13[%add3A_4, %dma_start3A_713] : memref<10240x128xf32, #tpu.memory_space<vmem_shared>> -> memref<128x128xf32, #tpu.memory_space<vmem_shared>>
      %dma_start3A_715 = arith.constant 0 : i32
      %dma_start3A_716 = tpu.memref_slice %arg13[%add3A_4, %dma_start3A_715] : memref<10240x128xf32, #tpu.memory_space<vmem_shared>> -> memref<128x128xf32, #tpu.memory_space<vmem_shared>>
      tpu.enqueue_dma source(%arg11 : memref<128x128xf32, #tpu.memory_space<vmem>>) target(%dma_start3A_716 : memref<128x128xf32, #tpu.memory_space<vmem_shared>>) target_semaphore(%run_scoped3A : memref<!tpu.dma_semaphore, #tpu.memory_space<semaphore_mem>>)
      %dma_wait3A_717 = arith.constant 0 : i32
      %dma_wait3A_718 = tpu.memref_slice %arg13[%add3A_4, %dma_wait3A_717] : memref<10240x128xf32, #tpu.memory_space<vmem_shared>> -> memref<128x128xf32, #tpu.memory_space<vmem_shared>>
      %dma_wait3A_719 = arith.constant 0 : i32
      %dma_wait3A_720 = tpu.memref_slice %arg13[%add3A_4, %dma_wait3A_719] : memref<10240x128xf32, #tpu.memory_space<vmem_shared>> -> memref<128x128xf32, #tpu.memory_space<vmem_shared>>
      tpu.wait_dma2 semaphore(%run_scoped3A : memref<!tpu.dma_semaphore, #tpu.memory_space<semaphore_mem>>) src(%arg11 : memref<128x128xf32, #tpu.memory_space<vmem>>) dst(%dma_wait3A_720 : memref<128x128xf32, #tpu.memory_space<vmem_shared>>)
      tpu.yield
    }) : () -> ()
    %add3A_5 = arith.constant 128 : i32
    %add3A_6 = arith.addi %mul3A_0, %add3A_5 : i32
    "tpu.region"() ({
      %run_scoped3A = tpu.sem_alloc : memref<!tpu.dma_semaphore, #tpu.memory_space<semaphore_mem>>
      %dma_start3A_713 = arith.constant 0 : i32
      %dma_start3A_714 = tpu.memref_slice %arg13[%add3A_6, %dma_start3A_713] : memref<10240x128xf32, #tpu.memory_space<vmem_shared>> -> memref<128x128xf32, #tpu.memory_space<vmem_shared>>
      %dma_start3A_715 = arith.constant 0 : i32
      %dma_start3A_716 = tpu.memref_slice %arg13[%add3A_6, %dma_start3A_715] : memref<10240x128xf32, #tpu.memory_space<vmem_shared>> -> memref<128x128xf32, #tpu.memory_space<vmem_shared>>
      tpu.enqueue_dma source(%arg11 : memref<128x128xf32, #tpu.memory_space<vmem>>) target(%dma_start3A_716 : memref<128x128xf32, #tpu.memory_space<vmem_shared>>) target_semaphore(%run_scoped3A : memref<!tpu.dma_semaphore, #tpu.memory_space<semaphore_mem>>)
      %dma_wait3A_717 = arith.constant 0 : i32
      %dma_wait3A_718 = tpu.memref_slice %arg13[%add3A_6, %dma_wait3A_717] : memref<10240x128xf32, #tpu.memory_space<vmem_shared>> -> memref<128x128xf32, #tpu.memory_space<vmem_shared>>
      %dma_wait3A_719 = arith.constant 0 : i32
      %dma_wait3A_720 = tpu.memref_slice %arg13[%add3A_6, %dma_wait3A_719] : memref<10240x128xf32, #tpu.memory_space<vmem_shared>> -> memref<128x128xf32, #tpu.memory_space<vmem_shared>>
      tpu.wait_dma2 semaphore(%run_scoped3A : memref<!tpu.dma_semaphore, #tpu.memory_space<semaphore_mem>>) src(%arg11 : memref<128x128xf32, #tpu.memory_space<vmem>>) dst(%dma_wait3A_720 : memref<128x128xf32, #tpu.memory_space<vmem_shared>>)
      tpu.yield
    }) : () -> ()
    %add3A_7 = arith.constant 256 : i32
    %add3A_8 = arith.addi %mul3A_0, %add3A_7 : i32
    "tpu.region"() ({
      %run_scoped3A = tpu.sem_alloc : memref<!tpu.dma_semaphore, #tpu.memory_space<semaphore_mem>>
      %dma_start3A_713 = arith.constant 0 : i32
      %dma_start3A_714 = tpu.memref_slice %arg13[%add3A_8, %dma_start3A_713] : memref<10240x128xf32, #tpu.memory_space<vmem_shared>> -> memref<128x128xf32, #tpu.memory_space<vmem_shared>>
      %dma_start3A_715 = arith.constant 0 : i32
      %dma_start3A_716 = tpu.memref_slice %arg13[%add3A_8, %dma_start3A_715] : memref<10240x128xf32, #tpu.memory_space<vmem_shared>> -> memref<128x128xf32, #tpu.memory_space<vmem_shared>>
      tpu.enqueue_dma source(%arg11 : memref<128x128xf32, #tpu.memory_space<vmem>>) target(%dma_start3A_716 : memref<128x128xf32, #tpu.memory_space<vmem_shared>>) target_semaphore(%run_scoped3A : memref<!tpu.dma_semaphore, #tpu.memory_space<semaphore_mem>>)
      %dma_wait3A_717 = arith.constant 0 : i32
      %dma_wait3A_718 = tpu.memref_slice %arg13[%add3A_8, %dma_wait3A_717] : memref<10240x128xf32, #tpu.memory_space<vmem_shared>> -> memref<128x128xf32, #tpu.memory_space<vmem_shared>>
      %dma_wait3A_719 = arith.constant 0 : i32
      %dma_wait3A_720 = tpu.memref_slice %arg13[%add3A_8, %dma_wait3A_719] : memref<10240x128xf32, #tpu.memory_space<vmem_shared>> -> memref<128x128xf32, #tpu.memory_space<vmem_shared>>
      tpu.wait_dma2 semaphore(%run_scoped3A : memref<!tpu.dma_semaphore, #tpu.memory_space<semaphore_mem>>) src(%arg11 : memref<128x128xf32, #tpu.memory_space<vmem>>) dst(%dma_wait3A_720 : memref<128x128xf32, #tpu.memory_space<vmem_shared>>)
      tpu.yield
    }) : () -> ()
    %add3A_9 = arith.constant 384 : i32
    %add3A_10 = arith.addi %mul3A_0, %add3A_9 : i32
    "tpu.region"() ({
      %run_scoped3A = tpu.sem_alloc : memref<!tpu.dma_semaphore, #tpu.memory_space<semaphore_mem>>
      %dma_start3A_713 = arith.constant 0 : i32
      %dma_start3A_714 = tpu.memref_slice %arg13[%add3A_10, %dma_start3A_713] : memref<10240x128xf32, #tpu.memory_space<vmem_shared>> -> memref<128x128xf32, #tpu.memory_space<vmem_shared>>
      %dma_start3A_715 = arith.constant 0 : i32
      %dma_start3A_716 = tpu.memref_slice %arg13[%add3A_10, %dma_start3A_715] : memref<10240x128xf32, #tpu.memory_space<vmem_shared>> -> memref<128x128xf32, #tpu.memory_space<vmem_shared>>
      tpu.enqueue_dma source(%arg11 : memref<128x128xf32, #tpu.memory_space<vmem>>) target(%dma_start3A_716 : memref<128x128xf32, #tpu.memory_space<vmem_shared>>) target_semaphore(%run_scoped3A : memref<!tpu.dma_semaphore, #tpu.memory_space<semaphore_mem>>)
      %dma_wait3A_717 = arith.constant 0 : i32
      %dma_wait3A_718 = tpu.memref_slice %arg13[%add3A_10, %dma_wait3A_717] : memref<10240x128xf32, #tpu.memory_space<vmem_shared>> -> memref<128x128xf32, #tpu.memory_space<vmem_shared>>
      %dma_wait3A_719 = arith.constant 0 : i32
      %dma_wait3A_720 = tpu.memref_slice %arg13[%add3A_10, %dma_wait3A_719] : memref<10240x128xf32, #tpu.memory_space<vmem_shared>> -> memref<128x128xf32, #tpu.memory_space<vmem_shared>>
      tpu.wait_dma2 semaphore(%run_scoped3A : memref<!tpu.dma_semaphore, #tpu.memory_space<semaphore_mem>>) src(%arg11 : memref<128x128xf32, #tpu.memory_space<vmem>>) dst(%dma_wait3A_720 : memref<128x128xf32, #tpu.memory_space<vmem_shared>>)
      tpu.yield
    }) : () -> ()
    %add3A_11 = arith.constant 512 : i32
    %add3A_12 = arith.addi %mul3A_0, %add3A_11 : i32
    "tpu.region"() ({
      %run_scoped3A = tpu.sem_alloc : memref<!tpu.dma_semaphore, #tpu.memory_space<semaphore_mem>>
      %dma_start3A_713 = arith.constant 0 : i32
      %dma_start3A_714 = tpu.memref_slice %arg13[%add3A_12, %dma_start3A_713] : memref<10240x128xf32, #tpu.memory_space<vmem_shared>> -> memref<128x128xf32, #tpu.memory_space<vmem_shared>>
      %dma_start3A_715 = arith.constant 0 : i32
      %dma_start3A_716 = tpu.memref_slice %arg13[%add3A_12, %dma_start3A_715] : memref<10240x128xf32, #tpu.memory_space<vmem_shared>> -> memref<128x128xf32, #tpu.memory_space<vmem_shared>>
      tpu.enqueue_dma source(%arg11 : memref<128x128xf32, #tpu.memory_space<vmem>>) target(%dma_start3A_716 : memref<128x128xf32, #tpu.memory_space<vmem_shared>>) target_semaphore(%run_scoped3A : memref<!tpu.dma_semaphore, #tpu.memory_space<semaphore_mem>>)
      %dma_wait3A_717 = arith.constant 0 : i32
      %dma_wait3A_718 = tpu.memref_slice %arg13[%add3A_12, %dma_wait3A_717] : memref<10240x128xf32, #tpu.memory_space<vmem_shared>> -> memref<128x128xf32, #tpu.memory_space<vmem_shared>>
      %dma_wait3A_719 = arith.constant 0 : i32
      %dma_wait3A_720 = tpu.memref_slice %arg13[%add3A_12, %dma_wait3A_719] : memref<10240x128xf32, #tpu.memory_space<vmem_shared>> -> memref<128x128xf32, #tpu.memory_space<vmem_shared>>
      tpu.wait_dma2 semaphore(%run_scoped3A : memref<!tpu.dma_semaphore, #tpu.memory_space<semaphore_mem>>) src(%arg11 : memref<128x128xf32, #tpu.memory_space<vmem>>) dst(%dma_wait3A_720 : memref<128x128xf32, #tpu.memory_space<vmem_shared>>)
      tpu.yield
    }) : () -> ()
    %broadcast_in_dim3A = arith.constant 0.000000e+00 : f32
    %broadcast_in_dim3A_13 = vector.broadcast %broadcast_in_dim3A : f32 to vector<16xf32>
    %scan3A = arith.constant 0 : i32
    %scan3A_14 = arith.constant 0 : i32
    %scan3A_15 = arith.constant 640 : i32
    %scan3A_16 = arith.addi %scan3A_14, %scan3A_15 : i32
    %scan3A_17 = arith.constant 1 : i32
    scf.for %scan3A_713 = %scan3A_14 to %scan3A_16 step %scan3A_17  : i32 {
      %mul3A_714 = arith.constant 16 : i32
      %mul3A_715 = arith.muli %scan3A_713, %mul3A_714 : i32
      %swap3A = arith.index_cast %mul3A_715 : i32 to index
      %swap3A_716 = tpu.vector_load %arg14[%swap3A] {strides = array<i32>} : memref<10240xf32, #tpu.memory_space<vmem>>, vector<16xf32>,
      tpu.vector_store %arg14[%swap3A], %broadcast_in_dim3A_13 {strides = array<i32>} : memref<10240xf32, #tpu.memory_space<vmem>>, vector<16xf32>,
    }
    %scan3A_18 = arith.constant 640 : i32
    %barrier3A = arith.constant 0 : index
    tpu.barrier barrier_id(%barrier3A)
    %broadcast_in_dim3A_19 = arith.constant 1.000000e+00 : f32
    %broadcast_in_dim3A_20 = vector.broadcast %broadcast_in_dim3A_19 : f32 to vector<16xf32>
    %mul3A_21 = arith.constant 80 : i32
    %mul3A_22 = arith.muli %add3A, %mul3A_21 : i32
    %add3A_23 = arith.constant 0 : i32
    %add3A_24 = arith.addi %mul3A_22, %add3A_23 : i32
    %dma_start3A = arith.constant 0 : i32
    %dma_start3A_25 = arith.constant 0 : i32
    %dma_start3A_26 = tpu.memref_slice %arg3[%add3A_24, %dma_start3A, %dma_start3A_25] : memref<2560x2x128xi32, #tpu.memory_space<hbm>> -> memref<1x2x128xi32, #tpu.memory_space<hbm>>
    %dma_start3A_27 = tpu.memref_squeeze %dma_start3A_26 : memref<1x2x128xi32, #tpu.memory_space<hbm>> -> memref<2x128xi32, #tpu.memory_space<hbm>>
    %dma_start3A_28 = arith.constant 0 : i32
    %dma_start3A_29 = arith.constant 0 : i32
    %dma_start3A_30 = tpu.memref_slice %arg3[%add3A_24, %dma_start3A_28, %dma_start3A_29] : memref<2560x2x128xi32, #tpu.memory_space<hbm>> -> memref<1x2x128xi32, #tpu.memory_space<hbm>>
    %dma_start3A_31 = tpu.memref_squeeze %dma_start3A_30 : memref<1x2x128xi32, #tpu.memory_space<hbm>> -> memref<2x128xi32, #tpu.memory_space<hbm>>
    tpu.enqueue_dma source(%dma_start3A_31 : memref<2x128xi32, #tpu.memory_space<hbm>>) target(%arg7 : memref<2x128xi32, #tpu.memory_space<vmem>>) target_semaphore(%arg19 : memref<!tpu.dma_semaphore, #tpu.memory_space<semaphore_mem>>)
    %add3A_32 = arith.constant 1 : i32
    %add3A_33 = arith.addi %mul3A_22, %add3A_32 : i32
    %dma_start3A_34 = arith.constant 0 : i32
    %dma_start3A_35 = arith.constant 0 : i32
    %dma_start3A_36 = tpu.memref_slice %arg3[%add3A_33, %dma_start3A_34, %dma_start3A_35] : memref<2560x2x128xi32, #tpu.memory_space<hbm>> -> memref<1x2x128xi32, #tpu.memory_space<hbm>>
    %dma_start3A_37 = tpu.memref_squeeze %dma_start3A_36 : memref<1x2x128xi32, #tpu.memory_space<hbm>> -> memref<2x128xi32, #tpu.memory_space<hbm>>
    %dma_start3A_38 = arith.constant 0 : i32
    %dma_start3A_39 = arith.constant 0 : i32
    %dma_start3A_40 = tpu.memref_slice %arg3[%add3A_33, %dma_start3A_38, %dma_start3A_39] : memref<2560x2x128xi32, #tpu.memory_space<hbm>> -> memref<1x2x128xi32, #tpu.memory_space<hbm>>
    %dma_start3A_41 = tpu.memref_squeeze %dma_start3A_40 : memref<1x2x128xi32, #tpu.memory_space<hbm>> -> memref<2x128xi32, #tpu.memory_space<hbm>>
    tpu.enqueue_dma source(%dma_start3A_41 : memref<2x128xi32, #tpu.memory_space<hbm>>) target(%arg8 : memref<2x128xi32, #tpu.memory_space<vmem>>) target_semaphore(%arg20 : memref<!tpu.dma_semaphore, #tpu.memory_space<semaphore_mem>>)
    %add3A_42 = arith.constant 2 : i32
    %add3A_43 = arith.addi %mul3A_22, %add3A_42 : i32
    %dma_start3A_44 = arith.constant 0 : i32
    %dma_start3A_45 = arith.constant 0 : i32
    %dma_start3A_46 = tpu.memref_slice %arg3[%add3A_43, %dma_start3A_44, %dma_start3A_45] : memref<2560x2x128xi32, #tpu.memory_space<hbm>> -> memref<1x2x128xi32, #tpu.memory_space<hbm>>
    %dma_start3A_47 = tpu.memref_squeeze %dma_start3A_46 : memref<1x2x128xi32, #tpu.memory_space<hbm>> -> memref<2x128xi32, #tpu.memory_space<hbm>>
    %dma_start3A_48 = arith.constant 0 : i32
    %dma_start3A_49 = arith.constant 0 : i32
    %dma_start3A_50 = tpu.memref_slice %arg3[%add3A_43, %dma_start3A_48, %dma_start3A_49] : memref<2560x2x128xi32, #tpu.memory_space<hbm>> -> memref<1x2x128xi32, #tpu.memory_space<hbm>>
    %dma_start3A_51 = tpu.memref_squeeze %dma_start3A_50 : memref<1x2x128xi32, #tpu.memory_space<hbm>> -> memref<2x128xi32, #tpu.memory_space<hbm>>
    tpu.enqueue_dma source(%dma_start3A_51 : memref<2x128xi32, #tpu.memory_space<hbm>>) target(%arg9 : memref<2x128xi32, #tpu.memory_space<vmem>>) target_semaphore(%arg21 : memref<!tpu.dma_semaphore, #tpu.memory_space<semaphore_mem>>)
    %add3A_52 = arith.constant 3 : i32
    %add3A_53 = arith.addi %mul3A_22, %add3A_52 : i32
    %dma_start3A_54 = arith.constant 0 : i32
    %dma_start3A_55 = arith.constant 0 : i32
    %dma_start3A_56 = tpu.memref_slice %arg3[%add3A_53, %dma_start3A_54, %dma_start3A_55] : memref<2560x2x128xi32, #tpu.memory_space<hbm>> -> memref<1x2x128xi32, #tpu.memory_space<hbm>>
    %dma_start3A_57 = tpu.memref_squeeze %dma_start3A_56 : memref<1x2x128xi32, #tpu.memory_space<hbm>> -> memref<2x128xi32, #tpu.memory_space<hbm>>
    %dma_start3A_58 = arith.constant 0 : i32
    %dma_start3A_59 = arith.constant 0 : i32
    %dma_start3A_60 = tpu.memref_slice %arg3[%add3A_53, %dma_start3A_58, %dma_start3A_59] : memref<2560x2x128xi32, #tpu.memory_space<hbm>> -> memref<1x2x128xi32, #tpu.memory_space<hbm>>
    %dma_start3A_61 = tpu.memref_squeeze %dma_start3A_60 : memref<1x2x128xi32, #tpu.memory_space<hbm>> -> memref<2x128xi32, #tpu.memory_space<hbm>>
    tpu.enqueue_dma source(%dma_start3A_61 : memref<2x128xi32, #tpu.memory_space<hbm>>) target(%arg10 : memref<2x128xi32, #tpu.memory_space<vmem>>) target_semaphore(%arg22 : memref<!tpu.dma_semaphore, #tpu.memory_space<semaphore_mem>>)
    %dma_wait3A = arith.constant 0 : i32
    %dma_wait3A_62 = arith.constant 0 : i32
    %dma_wait3A_63 = arith.constant 0 : i32
    %dma_wait3A_64 = tpu.memref_slice %arg3[%dma_wait3A, %dma_wait3A_62, %dma_wait3A_63] : memref<2560x2x128xi32, #tpu.memory_space<hbm>> -> memref<1x2x128xi32, #tpu.memory_space<hbm>>
    %dma_wait3A_65 = tpu.memref_squeeze %dma_wait3A_64 : memref<1x2x128xi32, #tpu.memory_space<hbm>> -> memref<2x128xi32, #tpu.memory_space<hbm>>
    %dma_wait3A_66 = arith.constant 0 : i32
    %dma_wait3A_67 = arith.constant 0 : i32
    %dma_wait3A_68 = tpu.memref_slice %arg3[%dma_wait3A, %dma_wait3A_66, %dma_wait3A_67] : memref<2560x2x128xi32, #tpu.memory_space<hbm>> -> memref<1x2x128xi32, #tpu.memory_space<hbm>>
    %dma_wait3A_69 = tpu.memref_squeeze %dma_wait3A_68 : memref<1x2x128xi32, #tpu.memory_space<hbm>> -> memref<2x128xi32, #tpu.memory_space<hbm>>
    tpu.wait_dma2 semaphore(%arg19 : memref<!tpu.dma_semaphore, #tpu.memory_space<semaphore_mem>>) src(%dma_wait3A_69 : memref<2x128xi32, #tpu.memory_space<hbm>>) dst(%arg7 : memref<2x128xi32, #tpu.memory_space<vmem>>)
    %dma_start3A_70 = arith.constant 0 : i32
    %dma_start3A_71 = arith.constant 0 : i32
    %dma_start3A_72 = tpu.memref_slice %arg7[%dma_start3A_70, %dma_start3A_71] : memref<2x128xi32, #tpu.memory_space<vmem>> -> memref<1x128xi32, #tpu.memory_space<vmem>>
    %dma_start3A_73 = tpu.memref_squeeze %dma_start3A_72 : memref<1x128xi32, #tpu.memory_space<vmem>> -> memref<128xi32, #tpu.memory_space<vmem>>
    %dma_start3A_74 = arith.constant 0 : i32
    %dma_start3A_75 = arith.constant 0 : i32
    %dma_start3A_76 = tpu.memref_slice %arg2[%dma_start3A_74, %dma_start3A_75] : memref<10240x128xf32, #tpu.memory_space<hbm>> -> memref<10240x128xf32, #tpu.memory_space<hbm>>
    tpu.enqueue_indirect_dma source(%dma_start3A_76 : memref<10240x128xf32, #tpu.memory_space<hbm>>) target(%arg11 : memref<128x128xf32, #tpu.memory_space<vmem>>) offsets(%dma_start3A_73 : memref<128xi32, #tpu.memory_space<vmem>>) semaphore(%arg15 : memref<!tpu.dma_semaphore, #tpu.memory_space<semaphore_mem>>)
    %dma_wait3A_77 = arith.constant 0 : i32
    %dma_wait3A_78 = arith.constant 0 : i32
    %dma_wait3A_79 = tpu.memref_slice %arg2[%dma_wait3A_77, %dma_wait3A_78] : memref<10240x128xf32, #tpu.memory_space<hbm>> -> memref<128x128xf32, #tpu.memory_space<hbm>>
    %dma_wait3A_80 = arith.constant 0 : i32
    %dma_wait3A_81 = arith.constant 0 : i32
    %dma_wait3A_82 = tpu.memref_slice %arg2[%dma_wait3A_80, %dma_wait3A_81] : memref<10240x128xf32, #tpu.memory_space<hbm>> -> memref<128x128xf32, #tpu.memory_space<hbm>>
    tpu.wait_dma2 semaphore(%arg15 : memref<!tpu.dma_semaphore, #tpu.memory_space<semaphore_mem>>) src(%dma_wait3A_82 : memref<128x128xf32, #tpu.memory_space<hbm>>) dst(%arg11 : memref<128x128xf32, #tpu.memory_space<vmem>>)
    %dma_start3A_83 = arith.constant 1 : i32
    %dma_start3A_84 = arith.constant 0 : i32
    %dma_start3A_85 = tpu.memref_slice %arg7[%dma_start3A_83, %dma_start3A_84] : memref<2x128xi32, #tpu.memory_space<vmem>> -> memref<1x128xi32, #tpu.memory_space<vmem>>
    %dma_start3A_86 = tpu.memref_squeeze %dma_start3A_85 : memref<1x128xi32, #tpu.memory_space<vmem>> -> memref<128xi32, #tpu.memory_space<vmem>>
    %dma_start3A_87 = arith.constant 0 : i32
    %dma_start3A_88 = arith.constant 0 : i32
    %dma_start3A_89 = tpu.memref_slice %arg13[%dma_start3A_87, %dma_start3A_88] : memref<10240x128xf32, #tpu.memory_space<vmem_shared>> -> memref<10240x128xf32, #tpu.memory_space<vmem_shared>>
    tpu.enqueue_indirect_dma source(%arg11 : memref<128x128xf32, #tpu.memory_space<vmem>>) target(%dma_start3A_89 : memref<10240x128xf32, #tpu.memory_space<vmem_shared>>) offsets(%dma_start3A_86 : memref<128xi32, #tpu.memory_space<vmem>>) semaphore(%arg17 : memref<!tpu.dma_semaphore, #tpu.memory_space<semaphore_mem>>) {add = true}
    %get3A = arith.constant 1 : i32
    %get3A_90 = arith.index_cast %get3A : i32 to index
    %get3A_91 = arith.constant 0 : index
    %get3A_92 = tpu.vector_load %arg7[%get3A_90, %get3A_91] {strides = array<i32>} : memref<2x128xi32, #tpu.memory_space<vmem>>, vector<16xi32>,
    tpu.vector_store_idx %arg14[%get3A_92], %broadcast_in_dim3A_20 {add = true} : memref<10240xf32, #tpu.memory_space<vmem>>[vector<16xi32>], vector<16xf32>,
    %get3A_93 = arith.constant 1 : i32
    %get3A_94 = arith.index_cast %get3A_93 : i32 to index
    %get3A_95 = arith.constant 16 : index
    %get3A_96 = tpu.vector_load %arg7[%get3A_94, %get3A_95] {strides = array<i32>} : memref<2x128xi32, #tpu.memory_space<vmem>>, vector<16xi32>,
    tpu.vector_store_idx %arg14[%get3A_96], %broadcast_in_dim3A_20 {add = true} : memref<10240xf32, #tpu.memory_space<vmem>>[vector<16xi32>], vector<16xf32>,
    %get3A_97 = arith.constant 1 : i32
    %get3A_98 = arith.index_cast %get3A_97 : i32 to index
    %get3A_99 = arith.constant 32 : index
    %get3A_100 = tpu.vector_load %arg7[%get3A_98, %get3A_99] {strides = array<i32>} : memref<2x128xi32, #tpu.memory_space<vmem>>, vector<16xi32>,
    tpu.vector_store_idx %arg14[%get3A_100], %broadcast_in_dim3A_20 {add = true} : memref<10240xf32, #tpu.memory_space<vmem>>[vector<16xi32>], vector<16xf32>,
    %get3A_101 = arith.constant 1 : i32
    %get3A_102 = arith.index_cast %get3A_101 : i32 to index
    %get3A_103 = arith.constant 48 : index
    %get3A_104 = tpu.vector_load %arg7[%get3A_102, %get3A_103] {strides = array<i32>} : memref<2x128xi32, #tpu.memory_space<vmem>>, vector<16xi32>,
    tpu.vector_store_idx %arg14[%get3A_104], %broadcast_in_dim3A_20 {add = true} : memref<10240xf32, #tpu.memory_space<vmem>>[vector<16xi32>], vector<16xf32>,
    %get3A_105 = arith.constant 1 : i32
    %get3A_106 = arith.index_cast %get3A_105 : i32 to index
    %get3A_107 = arith.constant 64 : index
    %get3A_108 = tpu.vector_load %arg7[%get3A_106, %get3A_107] {strides = array<i32>} : memref<2x128xi32, #tpu.memory_space<vmem>>, vector<16xi32>,
    tpu.vector_store_idx %arg14[%get3A_108], %broadcast_in_dim3A_20 {add = true} : memref<10240xf32, #tpu.memory_space<vmem>>[vector<16xi32>], vector<16xf32>,
    %get3A_109 = arith.constant 1 : i32
    %get3A_110 = arith.index_cast %get3A_109 : i32 to index
    %get3A_111 = arith.constant 80 : index
    %get3A_112 = tpu.vector_load %arg7[%get3A_110, %get3A_111] {strides = array<i32>} : memref<2x128xi32, #tpu.memory_space<vmem>>, vector<16xi32>,
    tpu.vector_store_idx %arg14[%get3A_112], %broadcast_in_dim3A_20 {add = true} : memref<10240xf32, #tpu.memory_space<vmem>>[vector<16xi32>], vector<16xf32>,
    %get3A_113 = arith.constant 1 : i32
    %get3A_114 = arith.index_cast %get3A_113 : i32 to index
    %get3A_115 = arith.constant 96 : index
    %get3A_116 = tpu.vector_load %arg7[%get3A_114, %get3A_115] {strides = array<i32>} : memref<2x128xi32, #tpu.memory_space<vmem>>, vector<16xi32>,
    tpu.vector_store_idx %arg14[%get3A_116], %broadcast_in_dim3A_20 {add = true} : memref<10240xf32, #tpu.memory_space<vmem>>[vector<16xi32>], vector<16xf32>,
    %get3A_117 = arith.constant 1 : i32
    %get3A_118 = arith.index_cast %get3A_117 : i32 to index
    %get3A_119 = arith.constant 112 : index
    %get3A_120 = tpu.vector_load %arg7[%get3A_118, %get3A_119] {strides = array<i32>} : memref<2x128xi32, #tpu.memory_space<vmem>>, vector<16xi32>,
    tpu.vector_store_idx %arg14[%get3A_120], %broadcast_in_dim3A_20 {add = true} : memref<10240xf32, #tpu.memory_space<vmem>>[vector<16xi32>], vector<16xf32>,
    %dma_wait3A_121 = arith.constant 0 : i32
    %dma_wait3A_122 = arith.constant 0 : i32
    %dma_wait3A_123 = arith.constant 0 : i32
    %dma_wait3A_124 = tpu.memref_slice %arg3[%dma_wait3A_121, %dma_wait3A_122, %dma_wait3A_123] : memref<2560x2x128xi32, #tpu.memory_space<hbm>> -> memref<1x2x128xi32, #tpu.memory_space<hbm>>
    %dma_wait3A_125 = tpu.memref_squeeze %dma_wait3A_124 : memref<1x2x128xi32, #tpu.memory_space<hbm>> -> memref<2x128xi32, #tpu.memory_space<hbm>>
    %dma_wait3A_126 = arith.constant 0 : i32
    %dma_wait3A_127 = arith.constant 0 : i32
    %dma_wait3A_128 = tpu.memref_slice %arg3[%dma_wait3A_121, %dma_wait3A_126, %dma_wait3A_127] : memref<2560x2x128xi32, #tpu.memory_space<hbm>> -> memref<1x2x128xi32, #tpu.memory_space<hbm>>
    %dma_wait3A_129 = tpu.memref_squeeze %dma_wait3A_128 : memref<1x2x128xi32, #tpu.memory_space<hbm>> -> memref<2x128xi32, #tpu.memory_space<hbm>>
    tpu.wait_dma2 semaphore(%arg20 : memref<!tpu.dma_semaphore, #tpu.memory_space<semaphore_mem>>) src(%dma_wait3A_129 : memref<2x128xi32, #tpu.memory_space<hbm>>) dst(%arg8 : memref<2x128xi32, #tpu.memory_space<vmem>>)
    %dma_start3A_130 = arith.constant 0 : i32
    %dma_start3A_131 = arith.constant 0 : i32
    %dma_start3A_132 = tpu.memref_slice %arg8[%dma_start3A_130, %dma_start3A_131] : memref<2x128xi32, #tpu.memory_space<vmem>> -> memref<1x128xi32, #tpu.memory_space<vmem>>
    %dma_start3A_133 = tpu.memref_squeeze %dma_start3A_132 : memref<1x128xi32, #tpu.memory_space<vmem>> -> memref<128xi32, #tpu.memory_space<vmem>>
    %dma_start3A_134 = arith.constant 0 : i32
    %dma_start3A_135 = arith.constant 0 : i32
    %dma_start3A_136 = tpu.memref_slice %arg2[%dma_start3A_134, %dma_start3A_135] : memref<10240x128xf32, #tpu.memory_space<hbm>> -> memref<10240x128xf32, #tpu.memory_space<hbm>>
    tpu.enqueue_indirect_dma source(%dma_start3A_136 : memref<10240x128xf32, #tpu.memory_space<hbm>>) target(%arg12 : memref<128x128xf32, #tpu.memory_space<vmem>>) offsets(%dma_start3A_133 : memref<128xi32, #tpu.memory_space<vmem>>) semaphore(%arg16 : memref<!tpu.dma_semaphore, #tpu.memory_space<semaphore_mem>>)
    %dma_wait3A_137 = arith.constant 0 : i32
    %dma_wait3A_138 = arith.constant 0 : i32
    %dma_wait3A_139 = tpu.memref_slice %arg2[%dma_wait3A_137, %dma_wait3A_138] : memref<10240x128xf32, #tpu.memory_space<hbm>> -> memref<128x128xf32, #tpu.memory_space<hbm>>
    %dma_wait3A_140 = arith.constant 0 : i32
    %dma_wait3A_141 = arith.constant 0 : i32
    %dma_wait3A_142 = tpu.memref_slice %arg2[%dma_wait3A_140, %dma_wait3A_141] : memref<10240x128xf32, #tpu.memory_space<hbm>> -> memref<128x128xf32, #tpu.memory_space<hbm>>
    tpu.wait_dma2 semaphore(%arg16 : memref<!tpu.dma_semaphore, #tpu.memory_space<semaphore_mem>>) src(%dma_wait3A_142 : memref<128x128xf32, #tpu.memory_space<hbm>>) dst(%arg12 : memref<128x128xf32, #tpu.memory_space<vmem>>)
    %dma_start3A_143 = arith.constant 1 : i32
    %dma_start3A_144 = arith.constant 0 : i32
    %dma_start3A_145 = tpu.memref_slice %arg8[%dma_start3A_143, %dma_start3A_144] : memref<2x128xi32, #tpu.memory_space<vmem>> -> memref<1x128xi32, #tpu.memory_space<vmem>>
    %dma_start3A_146 = tpu.memref_squeeze %dma_start3A_145 : memref<1x128xi32, #tpu.memory_space<vmem>> -> memref<128xi32, #tpu.memory_space<vmem>>
    %dma_start3A_147 = arith.constant 0 : i32
    %dma_start3A_148 = arith.constant 0 : i32
    %dma_start3A_149 = tpu.memref_slice %arg13[%dma_start3A_147, %dma_start3A_148] : memref<10240x128xf32, #tpu.memory_space<vmem_shared>> -> memref<10240x128xf32, #tpu.memory_space<vmem_shared>>
    tpu.enqueue_indirect_dma source(%arg12 : memref<128x128xf32, #tpu.memory_space<vmem>>) target(%dma_start3A_149 : memref<10240x128xf32, #tpu.memory_space<vmem_shared>>) offsets(%dma_start3A_146 : memref<128xi32, #tpu.memory_space<vmem>>) semaphore(%arg18 : memref<!tpu.dma_semaphore, #tpu.memory_space<semaphore_mem>>) {add = true}
    %get3A_150 = arith.constant 1 : i32
    %get3A_151 = arith.index_cast %get3A_150 : i32 to index
    %get3A_152 = arith.constant 0 : index
    %get3A_153 = tpu.vector_load %arg8[%get3A_151, %get3A_152] {strides = array<i32>} : memref<2x128xi32, #tpu.memory_space<vmem>>, vector<16xi32>,
    tpu.vector_store_idx %arg14[%get3A_153], %broadcast_in_dim3A_20 {add = true} : memref<10240xf32, #tpu.memory_space<vmem>>[vector<16xi32>], vector<16xf32>,
    %get3A_154 = arith.constant 1 : i32
    %get3A_155 = arith.index_cast %get3A_154 : i32 to index
    %get3A_156 = arith.constant 16 : index
    %get3A_157 = tpu.vector_load %arg8[%get3A_155, %get3A_156] {strides = array<i32>} : memref<2x128xi32, #tpu.memory_space<vmem>>, vector<16xi32>,
    tpu.vector_store_idx %arg14[%get3A_157], %broadcast_in_dim3A_20 {add = true} : memref<10240xf32, #tpu.memory_space<vmem>>[vector<16xi32>], vector<16xf32>,
    %get3A_158 = arith.constant 1 : i32
    %get3A_159 = arith.index_cast %get3A_158 : i32 to index
    %get3A_160 = arith.constant 32 : index
    %get3A_161 = tpu.vector_load %arg8[%get3A_159, %get3A_160] {strides = array<i32>} : memref<2x128xi32, #tpu.memory_space<vmem>>, vector<16xi32>,
    tpu.vector_store_idx %arg14[%get3A_161], %broadcast_in_dim3A_20 {add = true} : memref<10240xf32, #tpu.memory_space<vmem>>[vector<16xi32>], vector<16xf32>,
    %get3A_162 = arith.constant 1 : i32
    %get3A_163 = arith.index_cast %get3A_162 : i32 to index
    %get3A_164 = arith.constant 48 : index
    %get3A_165 = tpu.vector_load %arg8[%get3A_163, %get3A_164] {strides = array<i32>} : memref<2x128xi32, #tpu.memory_space<vmem>>, vector<16xi32>,
    tpu.vector_store_idx %arg14[%get3A_165], %broadcast_in_dim3A_20 {add = true} : memref<10240xf32, #tpu.memory_space<vmem>>[vector<16xi32>], vector<16xf32>,
    %get3A_166 = arith.constant 1 : i32
    %get3A_167 = arith.index_cast %get3A_166 : i32 to index
    %get3A_168 = arith.constant 64 : index
    %get3A_169 = tpu.vector_load %arg8[%get3A_167, %get3A_168] {strides = array<i32>} : memref<2x128xi32, #tpu.memory_space<vmem>>, vector<16xi32>,
    tpu.vector_store_idx %arg14[%get3A_169], %broadcast_in_dim3A_20 {add = true} : memref<10240xf32, #tpu.memory_space<vmem>>[vector<16xi32>], vector<16xf32>,
    %get3A_170 = arith.constant 1 : i32
    %get3A_171 = arith.index_cast %get3A_170 : i32 to index
    %get3A_172 = arith.constant 80 : index
    %get3A_173 = tpu.vector_load %arg8[%get3A_171, %get3A_172] {strides = array<i32>} : memref<2x128xi32, #tpu.memory_space<vmem>>, vector<16xi32>,
    tpu.vector_store_idx %arg14[%get3A_173], %broadcast_in_dim3A_20 {add = true} : memref<10240xf32, #tpu.memory_space<vmem>>[vector<16xi32>], vector<16xf32>,
    %get3A_174 = arith.constant 1 : i32
    %get3A_175 = arith.index_cast %get3A_174 : i32 to index
    %get3A_176 = arith.constant 96 : index
    %get3A_177 = tpu.vector_load %arg8[%get3A_175, %get3A_176] {strides = array<i32>} : memref<2x128xi32, #tpu.memory_space<vmem>>, vector<16xi32>,
    tpu.vector_store_idx %arg14[%get3A_177], %broadcast_in_dim3A_20 {add = true} : memref<10240xf32, #tpu.memory_space<vmem>>[vector<16xi32>], vector<16xf32>,
    %get3A_178 = arith.constant 1 : i32
    %get3A_179 = arith.index_cast %get3A_178 : i32 to index
    %get3A_180 = arith.constant 112 : index
    %get3A_181 = tpu.vector_load %arg8[%get3A_179, %get3A_180] {strides = array<i32>} : memref<2x128xi32, #tpu.memory_space<vmem>>, vector<16xi32>,
    tpu.vector_store_idx %arg14[%get3A_181], %broadcast_in_dim3A_20 {add = true} : memref<10240xf32, #tpu.memory_space<vmem>>[vector<16xi32>], vector<16xf32>,
    %dma_wait3A_182 = arith.constant 0 : i32
    %dma_wait3A_183 = arith.constant 0 : i32
    %dma_wait3A_184 = tpu.memref_slice %arg13[%dma_wait3A_182, %dma_wait3A_183] : memref<10240x128xf32, #tpu.memory_space<vmem_shared>> -> memref<128x128xf32, #tpu.memory_space<vmem_shared>>
    %dma_wait3A_185 = arith.constant 0 : i32
    %dma_wait3A_186 = arith.constant 0 : i32
    %dma_wait3A_187 = tpu.memref_slice %arg13[%dma_wait3A_185, %dma_wait3A_186] : memref<10240x128xf32, #tpu.memory_space<vmem_shared>> -> memref<128x128xf32, #tpu.memory_space<vmem_shared>>
    tpu.wait_dma2 semaphore(%arg17 : memref<!tpu.dma_semaphore, #tpu.memory_space<semaphore_mem>>) src(%arg11 : memref<128x128xf32, #tpu.memory_space<vmem>>) dst(%dma_wait3A_187 : memref<128x128xf32, #tpu.memory_space<vmem_shared>>)
    %add3A_188 = arith.constant 4 : i32
    %add3A_189 = arith.addi %mul3A_22, %add3A_188 : i32
    %dma_start3A_190 = arith.constant 0 : i32
    %dma_start3A_191 = arith.constant 0 : i32
    %dma_start3A_192 = tpu.memref_slice %arg3[%add3A_189, %dma_start3A_190, %dma_start3A_191] : memref<2560x2x128xi32, #tpu.memory_space<hbm>> -> memref<1x2x128xi32, #tpu.memory_space<hbm>>
    %dma_start3A_193 = tpu.memref_squeeze %dma_start3A_192 : memref<1x2x128xi32, #tpu.memory_space<hbm>> -> memref<2x128xi32, #tpu.memory_space<hbm>>
    %dma_start3A_194 = arith.constant 0 : i32
    %dma_start3A_195 = arith.constant 0 : i32
    %dma_start3A_196 = tpu.memref_slice %arg3[%add3A_189, %dma_start3A_194, %dma_start3A_195] : memref<2560x2x128xi32, #tpu.memory_space<hbm>> -> memref<1x2x128xi32, #tpu.memory_space<hbm>>
    %dma_start3A_197 = tpu.memref_squeeze %dma_start3A_196 : memref<1x2x128xi32, #tpu.memory_space<hbm>> -> memref<2x128xi32, #tpu.memory_space<hbm>>
    tpu.enqueue_dma source(%dma_start3A_197 : memref<2x128xi32, #tpu.memory_space<hbm>>) target(%arg7 : memref<2x128xi32, #tpu.memory_space<vmem>>) target_semaphore(%arg19 : memref<!tpu.dma_semaphore, #tpu.memory_space<semaphore_mem>>)
    %dma_wait3A_198 = arith.constant 0 : i32
    %dma_wait3A_199 = arith.constant 0 : i32
    %dma_wait3A_200 = arith.constant 0 : i32
    %dma_wait3A_201 = tpu.memref_slice %arg3[%dma_wait3A_198, %dma_wait3A_199, %dma_wait3A_200] : memref<2560x2x128xi32, #tpu.memory_space<hbm>> -> memref<1x2x128xi32, #tpu.memory_space<hbm>>
    %dma_wait3A_202 = tpu.memref_squeeze %dma_wait3A_201 : memref<1x2x128xi32, #tpu.memory_space<hbm>> -> memref<2x128xi32, #tpu.memory_space<hbm>>
    %dma_wait3A_203 = arith.constant 0 : i32
    %dma_wait3A_204 = arith.constant 0 : i32
    %dma_wait3A_205 = tpu.memref_slice %arg3[%dma_wait3A_198, %dma_wait3A_203, %dma_wait3A_204] : memref<2560x2x128xi32, #tpu.memory_space<hbm>> -> memref<1x2x128xi32, #tpu.memory_space<hbm>>
    %dma_wait3A_206 = tpu.memref_squeeze %dma_wait3A_205 : memref<1x2x128xi32, #tpu.memory_space<hbm>> -> memref<2x128xi32, #tpu.memory_space<hbm>>
    tpu.wait_dma2 semaphore(%arg21 : memref<!tpu.dma_semaphore, #tpu.memory_space<semaphore_mem>>) src(%dma_wait3A_206 : memref<2x128xi32, #tpu.memory_space<hbm>>) dst(%arg9 : memref<2x128xi32, #tpu.memory_space<vmem>>)
    %dma_start3A_207 = arith.constant 0 : i32
    %dma_start3A_208 = arith.constant 0 : i32
    %dma_start3A_209 = tpu.memref_slice %arg9[%dma_start3A_207, %dma_start3A_208] : memref<2x128xi32, #tpu.memory_space<vmem>> -> memref<1x128xi32, #tpu.memory_space<vmem>>
    %dma_start3A_210 = tpu.memref_squeeze %dma_start3A_209 : memref<1x128xi32, #tpu.memory_space<vmem>> -> memref<128xi32, #tpu.memory_space<vmem>>
    %dma_start3A_211 = arith.constant 0 : i32
    %dma_start3A_212 = arith.constant 0 : i32
    %dma_start3A_213 = tpu.memref_slice %arg2[%dma_start3A_211, %dma_start3A_212] : memref<10240x128xf32, #tpu.memory_space<hbm>> -> memref<10240x128xf32, #tpu.memory_space<hbm>>
    tpu.enqueue_indirect_dma source(%dma_start3A_213 : memref<10240x128xf32, #tpu.memory_space<hbm>>) target(%arg11 : memref<128x128xf32, #tpu.memory_space<vmem>>) offsets(%dma_start3A_210 : memref<128xi32, #tpu.memory_space<vmem>>) semaphore(%arg15 : memref<!tpu.dma_semaphore, #tpu.memory_space<semaphore_mem>>)
    %dma_wait3A_214 = arith.constant 0 : i32
    %dma_wait3A_215 = arith.constant 0 : i32
    %dma_wait3A_216 = tpu.memref_slice %arg2[%dma_wait3A_214, %dma_wait3A_215] : memref<10240x128xf32, #tpu.memory_space<hbm>> -> memref<128x128xf32, #tpu.memory_space<hbm>>
    %dma_wait3A_217 = arith.constant 0 : i32
    %dma_wait3A_218 = arith.constant 0 : i32
    %dma_wait3A_219 = tpu.memref_slice %arg2[%dma_wait3A_217, %dma_wait3A_218] : memref<10240x128xf32, #tpu.memory_space<hbm>> -> memref<128x128xf32, #tpu.memory_space<hbm>>
    tpu.wait_dma2 semaphore(%arg15 : memref<!tpu.dma_semaphore, #tpu.memory_space<semaphore_mem>>) src(%dma_wait3A_219 : memref<128x128xf32, #tpu.memory_space<hbm>>) dst(%arg11 : memref<128x128xf32, #tpu.memory_space<vmem>>)
    %dma_start3A_220 = arith.constant 1 : i32
    %dma_start3A_221 = arith.constant 0 : i32
    %dma_start3A_222 = tpu.memref_slice %arg9[%dma_start3A_220, %dma_start3A_221] : memref<2x128xi32, #tpu.memory_space<vmem>> -> memref<1x128xi32, #tpu.memory_space<vmem>>
    %dma_start3A_223 = tpu.memref_squeeze %dma_start3A_222 : memref<1x128xi32, #tpu.memory_space<vmem>> -> memref<128xi32, #tpu.memory_space<vmem>>
    %dma_start3A_224 = arith.constant 0 : i32
    %dma_start3A_225 = arith.constant 0 : i32
    %dma_start3A_226 = tpu.memref_slice %arg13[%dma_start3A_224, %dma_start3A_225] : memref<10240x128xf32, #tpu.memory_space<vmem_shared>> -> memref<10240x128xf32, #tpu.memory_space<vmem_shared>>
    tpu.enqueue_indirect_dma source(%arg11 : memref<128x128xf32, #tpu.memory_space<vmem>>) target(%dma_start3A_226 : memref<10240x128xf32, #tpu.memory_space<vmem_shared>>) offsets(%dma_start3A_223 : memref<128xi32, #tpu.memory_space<vmem>>) semaphore(%arg17 : memref<!tpu.dma_semaphore, #tpu.memory_space<semaphore_mem>>) {add = true}
    %get3A_227 = arith.constant 1 : i32
    %get3A_228 = arith.index_cast %get3A_227 : i32 to index
    %get3A_229 = arith.constant 0 : index
    %get3A_230 = tpu.vector_load %arg9[%get3A_228, %get3A_229] {strides = array<i32>} : memref<2x128xi32, #tpu.memory_space<vmem>>, vector<16xi32>,
    tpu.vector_store_idx %arg14[%get3A_230], %broadcast_in_dim3A_20 {add = true} : memref<10240xf32, #tpu.memory_space<vmem>>[vector<16xi32>], vector<16xf32>,
    %get3A_231 = arith.constant 1 : i32
    %get3A_232 = arith.index_cast %get3A_231 : i32 to index
    %get3A_233 = arith.constant 16 : index
    %get3A_234 = tpu.vector_load %arg9[%get3A_232, %get3A_233] {strides = array<i32>} : memref<2x128xi32, #tpu.memory_space<vmem>>, vector<16xi32>,
    tpu.vector_store_idx %arg14[%get3A_234], %broadcast_in_dim3A_20 {add = true} : memref<10240xf32, #tpu.memory_space<vmem>>[vector<16xi32>], vector<16xf32>,
    %get3A_235 = arith.constant 1 : i32
    %get3A_236 = arith.index_cast %get3A_235 : i32 to index
    %get3A_237 = arith.constant 32 : index
    %get3A_238 = tpu.vector_load %arg9[%get3A_236, %get3A_237] {strides = array<i32>} : memref<2x128xi32, #tpu.memory_space<vmem>>, vector<16xi32>,
    tpu.vector_store_idx %arg14[%get3A_238], %broadcast_in_dim3A_20 {add = true} : memref<10240xf32, #tpu.memory_space<vmem>>[vector<16xi32>], vector<16xf32>,
    %get3A_239 = arith.constant 1 : i32
    %get3A_240 = arith.index_cast %get3A_239 : i32 to index
    %get3A_241 = arith.constant 48 : index
    %get3A_242 = tpu.vector_load %arg9[%get3A_240, %get3A_241] {strides = array<i32>} : memref<2x128xi32, #tpu.memory_space<vmem>>, vector<16xi32>,
    tpu.vector_store_idx %arg14[%get3A_242], %broadcast_in_dim3A_20 {add = true} : memref<10240xf32, #tpu.memory_space<vmem>>[vector<16xi32>], vector<16xf32>,
    %get3A_243 = arith.constant 1 : i32
    %get3A_244 = arith.index_cast %get3A_243 : i32 to index
    %get3A_245 = arith.constant 64 : index
    %get3A_246 = tpu.vector_load %arg9[%get3A_244, %get3A_245] {strides = array<i32>} : memref<2x128xi32, #tpu.memory_space<vmem>>, vector<16xi32>,
    tpu.vector_store_idx %arg14[%get3A_246], %broadcast_in_dim3A_20 {add = true} : memref<10240xf32, #tpu.memory_space<vmem>>[vector<16xi32>], vector<16xf32>,
    %get3A_247 = arith.constant 1 : i32
    %get3A_248 = arith.index_cast %get3A_247 : i32 to index
    %get3A_249 = arith.constant 80 : index
    %get3A_250 = tpu.vector_load %arg9[%get3A_248, %get3A_249] {strides = array<i32>} : memref<2x128xi32, #tpu.memory_space<vmem>>, vector<16xi32>,
    tpu.vector_store_idx %arg14[%get3A_250], %broadcast_in_dim3A_20 {add = true} : memref<10240xf32, #tpu.memory_space<vmem>>[vector<16xi32>], vector<16xf32>,
    %get3A_251 = arith.constant 1 : i32
    %get3A_252 = arith.index_cast %get3A_251 : i32 to index
    %get3A_253 = arith.constant 96 : index
    %get3A_254 = tpu.vector_load %arg9[%get3A_252, %get3A_253] {strides = array<i32>} : memref<2x128xi32, #tpu.memory_space<vmem>>, vector<16xi32>,
    tpu.vector_store_idx %arg14[%get3A_254], %broadcast_in_dim3A_20 {add = true} : memref<10240xf32, #tpu.memory_space<vmem>>[vector<16xi32>], vector<16xf32>,
    %get3A_255 = arith.constant 1 : i32
    %get3A_256 = arith.index_cast %get3A_255 : i32 to index
    %get3A_257 = arith.constant 112 : index
    %get3A_258 = tpu.vector_load %arg9[%get3A_256, %get3A_257] {strides = array<i32>} : memref<2x128xi32, #tpu.memory_space<vmem>>, vector<16xi32>,
    tpu.vector_store_idx %arg14[%get3A_258], %broadcast_in_dim3A_20 {add = true} : memref<10240xf32, #tpu.memory_space<vmem>>[vector<16xi32>], vector<16xf32>,
    %dma_wait3A_259 = arith.constant 0 : i32
    %dma_wait3A_260 = arith.constant 0 : i32
    %dma_wait3A_261 = tpu.memref_slice %arg13[%dma_wait3A_259, %dma_wait3A_260] : memref<10240x128xf32, #tpu.memory_space<vmem_shared>> -> memref<128x128xf32, #tpu.memory_space<vmem_shared>>
    %dma_wait3A_262 = arith.constant 0 : i32
    %dma_wait3A_263 = arith.constant 0 : i32
    %dma_wait3A_264 = tpu.memref_slice %arg13[%dma_wait3A_262, %dma_wait3A_263] : memref<10240x128xf32, #tpu.memory_space<vmem_shared>> -> memref<128x128xf32, #tpu.memory_space<vmem_shared>>
    tpu.wait_dma2 semaphore(%arg18 : memref<!tpu.dma_semaphore, #tpu.memory_space<semaphore_mem>>) src(%arg12 : memref<128x128xf32, #tpu.memory_space<vmem>>) dst(%dma_wait3A_264 : memref<128x128xf32, #tpu.memory_space<vmem_shared>>)
    %add3A_265 = arith.constant 5 : i32
    %add3A_266 = arith.addi %mul3A_22, %add3A_265 : i32
    %dma_start3A_267 = arith.constant 0 : i32
    %dma_start3A_268 = arith.constant 0 : i32
    %dma_start3A_269 = tpu.memref_slice %arg3[%add3A_266, %dma_start3A_267, %dma_start3A_268] : memref<2560x2x128xi32, #tpu.memory_space<hbm>> -> memref<1x2x128xi32, #tpu.memory_space<hbm>>
    %dma_start3A_270 = tpu.memref_squeeze %dma_start3A_269 : memref<1x2x128xi32, #tpu.memory_space<hbm>> -> memref<2x128xi32, #tpu.memory_space<hbm>>
    %dma_start3A_271 = arith.constant 0 : i32
    %dma_start3A_272 = arith.constant 0 : i32
    %dma_start3A_273 = tpu.memref_slice %arg3[%add3A_266, %dma_start3A_271, %dma_start3A_272] : memref<2560x2x128xi32, #tpu.memory_space<hbm>> -> memref<1x2x128xi32, #tpu.memory_space<hbm>>
    %dma_start3A_274 = tpu.memref_squeeze %dma_start3A_273 : memref<1x2x128xi32, #tpu.memory_space<hbm>> -> memref<2x128xi32, #tpu.memory_space<hbm>>
    tpu.enqueue_dma source(%dma_start3A_274 : memref<2x128xi32, #tpu.memory_space<hbm>>) target(%arg8 : memref<2x128xi32, #tpu.memory_space<vmem>>) target_semaphore(%arg20 : memref<!tpu.dma_semaphore, #tpu.memory_space<semaphore_mem>>)
    %dma_wait3A_275 = arith.constant 0 : i32
    %dma_wait3A_276 = arith.constant 0 : i32
    %dma_wait3A_277 = arith.constant 0 : i32
    %dma_wait3A_278 = tpu.memref_slice %arg3[%dma_wait3A_275, %dma_wait3A_276, %dma_wait3A_277] : memref<2560x2x128xi32, #tpu.memory_space<hbm>> -> memref<1x2x128xi32, #tpu.memory_space<hbm>>
    %dma_wait3A_279 = tpu.memref_squeeze %dma_wait3A_278 : memref<1x2x128xi32, #tpu.memory_space<hbm>> -> memref<2x128xi32, #tpu.memory_space<hbm>>
    %dma_wait3A_280 = arith.constant 0 : i32
    %dma_wait3A_281 = arith.constant 0 : i32
    %dma_wait3A_282 = tpu.memref_slice %arg3[%dma_wait3A_275, %dma_wait3A_280, %dma_wait3A_281] : memref<2560x2x128xi32, #tpu.memory_space<hbm>> -> memref<1x2x128xi32, #tpu.memory_space<hbm>>
    %dma_wait3A_283 = tpu.memref_squeeze %dma_wait3A_282 : memref<1x2x128xi32, #tpu.memory_space<hbm>> -> memref<2x128xi32, #tpu.memory_space<hbm>>
    tpu.wait_dma2 semaphore(%arg22 : memref<!tpu.dma_semaphore, #tpu.memory_space<semaphore_mem>>) src(%dma_wait3A_283 : memref<2x128xi32, #tpu.memory_space<hbm>>) dst(%arg10 : memref<2x128xi32, #tpu.memory_space<vmem>>)
    %dma_start3A_284 = arith.constant 0 : i32
    %dma_start3A_285 = arith.constant 0 : i32
    %dma_start3A_286 = tpu.memref_slice %arg10[%dma_start3A_284, %dma_start3A_285] : memref<2x128xi32, #tpu.memory_space<vmem>> -> memref<1x128xi32, #tpu.memory_space<vmem>>
    %dma_start3A_287 = tpu.memref_squeeze %dma_start3A_286 : memref<1x128xi32, #tpu.memory_space<vmem>> -> memref<128xi32, #tpu.memory_space<vmem>>
    %dma_start3A_288 = arith.constant 0 : i32
    %dma_start3A_289 = arith.constant 0 : i32
    %dma_start3A_290 = tpu.memref_slice %arg2[%dma_start3A_288, %dma_start3A_289] : memref<10240x128xf32, #tpu.memory_space<hbm>> -> memref<10240x128xf32, #tpu.memory_space<hbm>>
    tpu.enqueue_indirect_dma source(%dma_start3A_290 : memref<10240x128xf32, #tpu.memory_space<hbm>>) target(%arg12 : memref<128x128xf32, #tpu.memory_space<vmem>>) offsets(%dma_start3A_287 : memref<128xi32, #tpu.memory_space<vmem>>) semaphore(%arg16 : memref<!tpu.dma_semaphore, #tpu.memory_space<semaphore_mem>>)
    %dma_wait3A_291 = arith.constant 0 : i32
    %dma_wait3A_292 = arith.constant 0 : i32
    %dma_wait3A_293 = tpu.memref_slice %arg2[%dma_wait3A_291, %dma_wait3A_292] : memref<10240x128xf32, #tpu.memory_space<hbm>> -> memref<128x128xf32, #tpu.memory_space<hbm>>
    %dma_wait3A_294 = arith.constant 0 : i32
    %dma_wait3A_295 = arith.constant 0 : i32
    %dma_wait3A_296 = tpu.memref_slice %arg2[%dma_wait3A_294, %dma_wait3A_295] : memref<10240x128xf32, #tpu.memory_space<hbm>> -> memref<128x128xf32, #tpu.memory_space<hbm>>
    tpu.wait_dma2 semaphore(%arg16 : memref<!tpu.dma_semaphore, #tpu.memory_space<semaphore_mem>>) src(%dma_wait3A_296 : memref<128x128xf32, #tpu.memory_space<hbm>>) dst(%arg12 : memref<128x128xf32, #tpu.memory_space<vmem>>)
    %dma_start3A_297 = arith.constant 1 : i32
    %dma_start3A_298 = arith.constant 0 : i32
    %dma_start3A_299 = tpu.memref_slice %arg10[%dma_start3A_297, %dma_start3A_298] : memref<2x128xi32, #tpu.memory_space<vmem>> -> memref<1x128xi32, #tpu.memory_space<vmem>>
    %dma_start3A_300 = tpu.memref_squeeze %dma_start3A_299 : memref<1x128xi32, #tpu.memory_space<vmem>> -> memref<128xi32, #tpu.memory_space<vmem>>
    %dma_start3A_301 = arith.constant 0 : i32
    %dma_start3A_302 = arith.constant 0 : i32
    %dma_start3A_303 = tpu.memref_slice %arg13[%dma_start3A_301, %dma_start3A_302] : memref<10240x128xf32, #tpu.memory_space<vmem_shared>> -> memref<10240x128xf32, #tpu.memory_space<vmem_shared>>
    tpu.enqueue_indirect_dma source(%arg12 : memref<128x128xf32, #tpu.memory_space<vmem>>) target(%dma_start3A_303 : memref<10240x128xf32, #tpu.memory_space<vmem_shared>>) offsets(%dma_start3A_300 : memref<128xi32, #tpu.memory_space<vmem>>) semaphore(%arg18 : memref<!tpu.dma_semaphore, #tpu.memory_space<semaphore_mem>>) {add = true}
    %get3A_304 = arith.constant 1 : i32
    %get3A_305 = arith.index_cast %get3A_304 : i32 to index
    %get3A_306 = arith.constant 0 : index
    %get3A_307 = tpu.vector_load %arg10[%get3A_305, %get3A_306] {strides = array<i32>} : memref<2x128xi32, #tpu.memory_space<vmem>>, vector<16xi32>,
    tpu.vector_store_idx %arg14[%get3A_307], %broadcast_in_dim3A_20 {add = true} : memref<10240xf32, #tpu.memory_space<vmem>>[vector<16xi32>], vector<16xf32>,
    %get3A_308 = arith.constant 1 : i32
    %get3A_309 = arith.index_cast %get3A_308 : i32 to index
    %get3A_310 = arith.constant 16 : index
    %get3A_311 = tpu.vector_load %arg10[%get3A_309, %get3A_310] {strides = array<i32>} : memref<2x128xi32, #tpu.memory_space<vmem>>, vector<16xi32>,
    tpu.vector_store_idx %arg14[%get3A_311], %broadcast_in_dim3A_20 {add = true} : memref<10240xf32, #tpu.memory_space<vmem>>[vector<16xi32>], vector<16xf32>,
    %get3A_312 = arith.constant 1 : i32
    %get3A_313 = arith.index_cast %get3A_312 : i32 to index
    %get3A_314 = arith.constant 32 : index
    %get3A_315 = tpu.vector_load %arg10[%get3A_313, %get3A_314] {strides = array<i32>} : memref<2x128xi32, #tpu.memory_space<vmem>>, vector<16xi32>,
    tpu.vector_store_idx %arg14[%get3A_315], %broadcast_in_dim3A_20 {add = true} : memref<10240xf32, #tpu.memory_space<vmem>>[vector<16xi32>], vector<16xf32>,
    %get3A_316 = arith.constant 1 : i32
    %get3A_317 = arith.index_cast %get3A_316 : i32 to index
    %get3A_318 = arith.constant 48 : index
    %get3A_319 = tpu.vector_load %arg10[%get3A_317, %get3A_318] {strides = array<i32>} : memref<2x128xi32, #tpu.memory_space<vmem>>, vector<16xi32>,
    tpu.vector_store_idx %arg14[%get3A_319], %broadcast_in_dim3A_20 {add = true} : memref<10240xf32, #tpu.memory_space<vmem>>[vector<16xi32>], vector<16xf32>,
    %get3A_320 = arith.constant 1 : i32
    %get3A_321 = arith.index_cast %get3A_320 : i32 to index
    %get3A_322 = arith.constant 64 : index
    %get3A_323 = tpu.vector_load %arg10[%get3A_321, %get3A_322] {strides = array<i32>} : memref<2x128xi32, #tpu.memory_space<vmem>>, vector<16xi32>,
    tpu.vector_store_idx %arg14[%get3A_323], %broadcast_in_dim3A_20 {add = true} : memref<10240xf32, #tpu.memory_space<vmem>>[vector<16xi32>], vector<16xf32>,
    %get3A_324 = arith.constant 1 : i32
    %get3A_325 = arith.index_cast %get3A_324 : i32 to index
    %get3A_326 = arith.constant 80 : index
    %get3A_327 = tpu.vector_load %arg10[%get3A_325, %get3A_326] {strides = array<i32>} : memref<2x128xi32, #tpu.memory_space<vmem>>, vector<16xi32>,
    tpu.vector_store_idx %arg14[%get3A_327], %broadcast_in_dim3A_20 {add = true} : memref<10240xf32, #tpu.memory_space<vmem>>[vector<16xi32>], vector<16xf32>,
    %get3A_328 = arith.constant 1 : i32
    %get3A_329 = arith.index_cast %get3A_328 : i32 to index
    %get3A_330 = arith.constant 96 : index
    %get3A_331 = tpu.vector_load %arg10[%get3A_329, %get3A_330] {strides = array<i32>} : memref<2x128xi32, #tpu.memory_space<vmem>>, vector<16xi32>,
    tpu.vector_store_idx %arg14[%get3A_331], %broadcast_in_dim3A_20 {add = true} : memref<10240xf32, #tpu.memory_space<vmem>>[vector<16xi32>], vector<16xf32>,
    %get3A_332 = arith.constant 1 : i32
    %get3A_333 = arith.index_cast %get3A_332 : i32 to index
    %get3A_334 = arith.constant 112 : index
    %get3A_335 = tpu.vector_load %arg10[%get3A_333, %get3A_334] {strides = array<i32>} : memref<2x128xi32, #tpu.memory_space<vmem>>, vector<16xi32>,
    tpu.vector_store_idx %arg14[%get3A_335], %broadcast_in_dim3A_20 {add = true} : memref<10240xf32, #tpu.memory_space<vmem>>[vector<16xi32>], vector<16xf32>,
    %dma_wait3A_336 = arith.constant 0 : i32
    %dma_wait3A_337 = arith.constant 0 : i32
    %dma_wait3A_338 = tpu.memref_slice %arg13[%dma_wait3A_336, %dma_wait3A_337] : memref<10240x128xf32, #tpu.memory_space<vmem_shared>> -> memref<128x128xf32, #tpu.memory_space<vmem_shared>>
    %dma_wait3A_339 = arith.constant 0 : i32
    %dma_wait3A_340 = arith.constant 0 : i32
    %dma_wait3A_341 = tpu.memref_slice %arg13[%dma_wait3A_339, %dma_wait3A_340] : memref<10240x128xf32, #tpu.memory_space<vmem_shared>> -> memref<128x128xf32, #tpu.memory_space<vmem_shared>>
    tpu.wait_dma2 semaphore(%arg17 : memref<!tpu.dma_semaphore, #tpu.memory_space<semaphore_mem>>) src(%arg11 : memref<128x128xf32, #tpu.memory_space<vmem>>) dst(%dma_wait3A_341 : memref<128x128xf32, #tpu.memory_space<vmem_shared>>)
    %add3A_342 = arith.constant 6 : i32
    %add3A_343 = arith.addi %mul3A_22, %add3A_342 : i32
    %dma_start3A_344 = arith.constant 0 : i32
    %dma_start3A_345 = arith.constant 0 : i32
    %dma_start3A_346 = tpu.memref_slice %arg3[%add3A_343, %dma_start3A_344, %dma_start3A_345] : memref<2560x2x128xi32, #tpu.memory_space<hbm>> -> memref<1x2x128xi32, #tpu.memory_space<hbm>>
    %dma_start3A_347 = tpu.memref_squeeze %dma_start3A_346 : memref<1x2x128xi32, #tpu.memory_space<hbm>> -> memref<2x128xi32, #tpu.memory_space<hbm>>
    %dma_start3A_348 = arith.constant 0 : i32
    %dma_start3A_349 = arith.constant 0 : i32
    %dma_start3A_350 = tpu.memref_slice %arg3[%add3A_343, %dma_start3A_348, %dma_start3A_349] : memref<2560x2x128xi32, #tpu.memory_space<hbm>> -> memref<1x2x128xi32, #tpu.memory_space<hbm>>
    %dma_start3A_351 = tpu.memref_squeeze %dma_start3A_350 : memref<1x2x128xi32, #tpu.memory_space<hbm>> -> memref<2x128xi32, #tpu.memory_space<hbm>>
    tpu.enqueue_dma source(%dma_start3A_351 : memref<2x128xi32, #tpu.memory_space<hbm>>) target(%arg9 : memref<2x128xi32, #tpu.memory_space<vmem>>) target_semaphore(%arg21 : memref<!tpu.dma_semaphore, #tpu.memory_space<semaphore_mem>>)
    %dma_wait3A_352 = arith.constant 0 : i32
    %dma_wait3A_353 = arith.constant 0 : i32
    %dma_wait3A_354 = arith.constant 0 : i32
    %dma_wait3A_355 = tpu.memref_slice %arg3[%dma_wait3A_352, %dma_wait3A_353, %dma_wait3A_354] : memref<2560x2x128xi32, #tpu.memory_space<hbm>> -> memref<1x2x128xi32, #tpu.memory_space<hbm>>
    %dma_wait3A_356 = tpu.memref_squeeze %dma_wait3A_355 : memref<1x2x128xi32, #tpu.memory_space<hbm>> -> memref<2x128xi32, #tpu.memory_space<hbm>>
    %dma_wait3A_357 = arith.constant 0 : i32
    %dma_wait3A_358 = arith.constant 0 : i32
    %dma_wait3A_359 = tpu.memref_slice %arg3[%dma_wait3A_352, %dma_wait3A_357, %dma_wait3A_358] : memref<2560x2x128xi32, #tpu.memory_space<hbm>> -> memref<1x2x128xi32, #tpu.memory_space<hbm>>
    %dma_wait3A_360 = tpu.memref_squeeze %dma_wait3A_359 : memref<1x2x128xi32, #tpu.memory_space<hbm>> -> memref<2x128xi32, #tpu.memory_space<hbm>>
    tpu.wait_dma2 semaphore(%arg19 : memref<!tpu.dma_semaphore, #tpu.memory_space<semaphore_mem>>) src(%dma_wait3A_360 : memref<2x128xi32, #tpu.memory_space<hbm>>) dst(%arg7 : memref<2x128xi32, #tpu.memory_space<vmem>>)
    %dma_start3A_361 = arith.constant 0 : i32
    %dma_start3A_362 = arith.constant 0 : i32
    %dma_start3A_363 = tpu.memref_slice %arg7[%dma_start3A_361, %dma_start3A_362] : memref<2x128xi32, #tpu.memory_space<vmem>> -> memref<1x128xi32, #tpu.memory_space<vmem>>
    %dma_start3A_364 = tpu.memref_squeeze %dma_start3A_363 : memref<1x128xi32, #tpu.memory_space<vmem>> -> memref<128xi32, #tpu.memory_space<vmem>>
    %dma_start3A_365 = arith.constant 0 : i32
    %dma_start3A_366 = arith.constant 0 : i32
    %dma_start3A_367 = tpu.memref_slice %arg2[%dma_start3A_365, %dma_start3A_366] : memref<10240x128xf32, #tpu.memory_space<hbm>> -> memref<10240x128xf32, #tpu.memory_space<hbm>>
    tpu.enqueue_indirect_dma source(%dma_start3A_367 : memref<10240x128xf32, #tpu.memory_space<hbm>>) target(%arg11 : memref<128x128xf32, #tpu.memory_space<vmem>>) offsets(%dma_start3A_364 : memref<128xi32, #tpu.memory_space<vmem>>) semaphore(%arg15 : memref<!tpu.dma_semaphore, #tpu.memory_space<semaphore_mem>>)
    %scan3A_368 = arith.constant 0 : i32
    %scan3A_369 = arith.constant 1 : i32
    %scan3A_370 = arith.constant 18 : i32
    %scan3A_371 = arith.addi %scan3A_369, %scan3A_370 : i32
    %scan3A_372 = arith.constant 1 : i32
    scf.for %scan3A_713 = %scan3A_369 to %scan3A_371 step %scan3A_372  : i32 {
      %mul3A_714 = arith.constant 4 : i32
      %mul3A_715 = arith.muli %mul3A_714, %scan3A_713 : i32
      %add3A_716 = arith.constant 0 : i32
      %add3A_717 = arith.addi %mul3A_715, %add3A_716 : i32
      %dma_wait3A_718 = arith.constant 0 : i32
      %dma_wait3A_719 = arith.constant 0 : i32
      %dma_wait3A_720 = tpu.memref_slice %arg2[%dma_wait3A_718, %dma_wait3A_719] : memref<10240x128xf32, #tpu.memory_space<hbm>> -> memref<128x128xf32, #tpu.memory_space<hbm>>
      %dma_wait3A_721 = arith.constant 0 : i32
      %dma_wait3A_722 = arith.constant 0 : i32
      %dma_wait3A_723 = tpu.memref_slice %arg2[%dma_wait3A_721, %dma_wait3A_722] : memref<10240x128xf32, #tpu.memory_space<hbm>> -> memref<128x128xf32, #tpu.memory_space<hbm>>
      tpu.wait_dma2 semaphore(%arg15 : memref<!tpu.dma_semaphore, #tpu.memory_space<semaphore_mem>>) src(%dma_wait3A_723 : memref<128x128xf32, #tpu.memory_space<hbm>>) dst(%arg11 : memref<128x128xf32, #tpu.memory_space<vmem>>)
      %dma_start3A_724 = arith.constant 1 : i32
      %dma_start3A_725 = arith.constant 0 : i32
      %dma_start3A_726 = tpu.memref_slice %arg7[%dma_start3A_724, %dma_start3A_725] : memref<2x128xi32, #tpu.memory_space<vmem>> -> memref<1x128xi32, #tpu.memory_space<vmem>>
      %dma_start3A_727 = tpu.memref_squeeze %dma_start3A_726 : memref<1x128xi32, #tpu.memory_space<vmem>> -> memref<128xi32, #tpu.memory_space<vmem>>
      %dma_start3A_728 = arith.constant 0 : i32
      %dma_start3A_729 = arith.constant 0 : i32
      %dma_start3A_730 = tpu.memref_slice %arg13[%dma_start3A_728, %dma_start3A_729] : memref<10240x128xf32, #tpu.memory_space<vmem_shared>> -> memref<10240x128xf32, #tpu.memory_space<vmem_shared>>
      tpu.enqueue_indirect_dma source(%arg11 : memref<128x128xf32, #tpu.memory_space<vmem>>) target(%dma_start3A_730 : memref<10240x128xf32, #tpu.memory_space<vmem_shared>>) offsets(%dma_start3A_727 : memref<128xi32, #tpu.memory_space<vmem>>) semaphore(%arg17 : memref<!tpu.dma_semaphore, #tpu.memory_space<semaphore_mem>>) {add = true}
      %get3A_731 = arith.constant 1 : i32
      %get3A_732 = arith.index_cast %get3A_731 : i32 to index
      %get3A_733 = arith.constant 0 : index
      %get3A_734 = tpu.vector_load %arg7[%get3A_732, %get3A_733] {strides = array<i32>} : memref<2x128xi32, #tpu.memory_space<vmem>>, vector<16xi32>,
      tpu.vector_store_idx %arg14[%get3A_734], %broadcast_in_dim3A_20 {add = true} : memref<10240xf32, #tpu.memory_space<vmem>>[vector<16xi32>], vector<16xf32>,
      %get3A_735 = arith.constant 1 : i32
      %get3A_736 = arith.index_cast %get3A_735 : i32 to index
      %get3A_737 = arith.constant 16 : index
      %get3A_738 = tpu.vector_load %arg7[%get3A_736, %get3A_737] {strides = array<i32>} : memref<2x128xi32, #tpu.memory_space<vmem>>, vector<16xi32>,
      tpu.vector_store_idx %arg14[%get3A_738], %broadcast_in_dim3A_20 {add = true} : memref<10240xf32, #tpu.memory_space<vmem>>[vector<16xi32>], vector<16xf32>,
      %get3A_739 = arith.constant 1 : i32
      %get3A_740 = arith.index_cast %get3A_739 : i32 to index
      %get3A_741 = arith.constant 32 : index
      %get3A_742 = tpu.vector_load %arg7[%get3A_740, %get3A_741] {strides = array<i32>} : memref<2x128xi32, #tpu.memory_space<vmem>>, vector<16xi32>,
      tpu.vector_store_idx %arg14[%get3A_742], %broadcast_in_dim3A_20 {add = true} : memref<10240xf32, #tpu.memory_space<vmem>>[vector<16xi32>], vector<16xf32>,
      %get3A_743 = arith.constant 1 : i32
      %get3A_744 = arith.index_cast %get3A_743 : i32 to index
      %get3A_745 = arith.constant 48 : index
      %get3A_746 = tpu.vector_load %arg7[%get3A_744, %get3A_745] {strides = array<i32>} : memref<2x128xi32, #tpu.memory_space<vmem>>, vector<16xi32>,
      tpu.vector_store_idx %arg14[%get3A_746], %broadcast_in_dim3A_20 {add = true} : memref<10240xf32, #tpu.memory_space<vmem>>[vector<16xi32>], vector<16xf32>,
      %get3A_747 = arith.constant 1 : i32
      %get3A_748 = arith.index_cast %get3A_747 : i32 to index
      %get3A_749 = arith.constant 64 : index
      %get3A_750 = tpu.vector_load %arg7[%get3A_748, %get3A_749] {strides = array<i32>} : memref<2x128xi32, #tpu.memory_space<vmem>>, vector<16xi32>,
      tpu.vector_store_idx %arg14[%get3A_750], %broadcast_in_dim3A_20 {add = true} : memref<10240xf32, #tpu.memory_space<vmem>>[vector<16xi32>], vector<16xf32>,
      %get3A_751 = arith.constant 1 : i32
      %get3A_752 = arith.index_cast %get3A_751 : i32 to index
      %get3A_753 = arith.constant 80 : index
      %get3A_754 = tpu.vector_load %arg7[%get3A_752, %get3A_753] {strides = array<i32>} : memref<2x128xi32, #tpu.memory_space<vmem>>, vector<16xi32>,
      tpu.vector_store_idx %arg14[%get3A_754], %broadcast_in_dim3A_20 {add = true} : memref<10240xf32, #tpu.memory_space<vmem>>[vector<16xi32>], vector<16xf32>,
      %get3A_755 = arith.constant 1 : i32
      %get3A_756 = arith.index_cast %get3A_755 : i32 to index
      %get3A_757 = arith.constant 96 : index
      %get3A_758 = tpu.vector_load %arg7[%get3A_756, %get3A_757] {strides = array<i32>} : memref<2x128xi32, #tpu.memory_space<vmem>>, vector<16xi32>,
      tpu.vector_store_idx %arg14[%get3A_758], %broadcast_in_dim3A_20 {add = true} : memref<10240xf32, #tpu.memory_space<vmem>>[vector<16xi32>], vector<16xf32>,
      %get3A_759 = arith.constant 1 : i32
      %get3A_760 = arith.index_cast %get3A_759 : i32 to index
      %get3A_761 = arith.constant 112 : index
      %get3A_762 = tpu.vector_load %arg7[%get3A_760, %get3A_761] {strides = array<i32>} : memref<2x128xi32, #tpu.memory_space<vmem>>, vector<16xi32>,
      tpu.vector_store_idx %arg14[%get3A_762], %broadcast_in_dim3A_20 {add = true} : memref<10240xf32, #tpu.memory_space<vmem>>[vector<16xi32>], vector<16xf32>,
      %dma_wait3A_763 = arith.constant 0 : i32
      %dma_wait3A_764 = arith.constant 0 : i32
      %dma_wait3A_765 = tpu.memref_slice %arg13[%dma_wait3A_763, %dma_wait3A_764] : memref<10240x128xf32, #tpu.memory_space<vmem_shared>> -> memref<128x128xf32, #tpu.memory_space<vmem_shared>>
      %dma_wait3A_766 = arith.constant 0 : i32
      %dma_wait3A_767 = arith.constant 0 : i32
      %dma_wait3A_768 = tpu.memref_slice %arg13[%dma_wait3A_766, %dma_wait3A_767] : memref<10240x128xf32, #tpu.memory_space<vmem_shared>> -> memref<128x128xf32, #tpu.memory_space<vmem_shared>>
      tpu.wait_dma2 semaphore(%arg18 : memref<!tpu.dma_semaphore, #tpu.memory_space<semaphore_mem>>) src(%arg12 : memref<128x128xf32, #tpu.memory_space<vmem>>) dst(%dma_wait3A_768 : memref<128x128xf32, #tpu.memory_space<vmem_shared>>)
      %add3A_769 = arith.constant 3 : i32
      %add3A_770 = arith.addi %add3A_717, %add3A_769 : i32
      %add3A_771 = arith.addi %mul3A_22, %add3A_770 : i32
      %dma_start3A_772 = arith.constant 0 : i32
      %dma_start3A_773 = arith.constant 0 : i32
      %dma_start3A_774 = tpu.memref_slice %arg3[%add3A_771, %dma_start3A_772, %dma_start3A_773] : memref<2560x2x128xi32, #tpu.memory_space<hbm>> -> memref<1x2x128xi32, #tpu.memory_space<hbm>>
      %dma_start3A_775 = tpu.memref_squeeze %dma_start3A_774 : memref<1x2x128xi32, #tpu.memory_space<hbm>> -> memref<2x128xi32, #tpu.memory_space<hbm>>
      %dma_start3A_776 = arith.constant 0 : i32
      %dma_start3A_777 = arith.constant 0 : i32
      %dma_start3A_778 = tpu.memref_slice %arg3[%add3A_771, %dma_start3A_776, %dma_start3A_777] : memref<2560x2x128xi32, #tpu.memory_space<hbm>> -> memref<1x2x128xi32, #tpu.memory_space<hbm>>
      %dma_start3A_779 = tpu.memref_squeeze %dma_start3A_778 : memref<1x2x128xi32, #tpu.memory_space<hbm>> -> memref<2x128xi32, #tpu.memory_space<hbm>>
      tpu.enqueue_dma source(%dma_start3A_779 : memref<2x128xi32, #tpu.memory_space<hbm>>) target(%arg10 : memref<2x128xi32, #tpu.memory_space<vmem>>) target_semaphore(%arg22 : memref<!tpu.dma_semaphore, #tpu.memory_space<semaphore_mem>>)
      %dma_wait3A_780 = arith.constant 0 : i32
      %dma_wait3A_781 = arith.constant 0 : i32
      %dma_wait3A_782 = arith.constant 0 : i32
      %dma_wait3A_783 = tpu.memref_slice %arg3[%dma_wait3A_780, %dma_wait3A_781, %dma_wait3A_782] : memref<2560x2x128xi32, #tpu.memory_space<hbm>> -> memref<1x2x128xi32, #tpu.memory_space<hbm>>
      %dma_wait3A_784 = tpu.memref_squeeze %dma_wait3A_783 : memref<1x2x128xi32, #tpu.memory_space<hbm>> -> memref<2x128xi32, #tpu.memory_space<hbm>>
      %dma_wait3A_785 = arith.constant 0 : i32
      %dma_wait3A_786 = arith.constant 0 : i32
      %dma_wait3A_787 = tpu.memref_slice %arg3[%dma_wait3A_780, %dma_wait3A_785, %dma_wait3A_786] : memref<2560x2x128xi32, #tpu.memory_space<hbm>> -> memref<1x2x128xi32, #tpu.memory_space<hbm>>
      %dma_wait3A_788 = tpu.memref_squeeze %dma_wait3A_787 : memref<1x2x128xi32, #tpu.memory_space<hbm>> -> memref<2x128xi32, #tpu.memory_space<hbm>>
      tpu.wait_dma2 semaphore(%arg20 : memref<!tpu.dma_semaphore, #tpu.memory_space<semaphore_mem>>) src(%dma_wait3A_788 : memref<2x128xi32, #tpu.memory_space<hbm>>) dst(%arg8 : memref<2x128xi32, #tpu.memory_space<vmem>>)
      %dma_start3A_789 = arith.constant 0 : i32
      %dma_start3A_790 = arith.constant 0 : i32
      %dma_start3A_791 = tpu.memref_slice %arg8[%dma_start3A_789, %dma_start3A_790] : memref<2x128xi32, #tpu.memory_space<vmem>> -> memref<1x128xi32, #tpu.memory_space<vmem>>
      %dma_start3A_792 = tpu.memref_squeeze %dma_start3A_791 : memref<1x128xi32, #tpu.memory_space<vmem>> -> memref<128xi32, #tpu.memory_space<vmem>>
      %dma_start3A_793 = arith.constant 0 : i32
      %dma_start3A_794 = arith.constant 0 : i32
      %dma_start3A_795 = tpu.memref_slice %arg2[%dma_start3A_793, %dma_start3A_794] : memref<10240x128xf32, #tpu.memory_space<hbm>> -> memref<10240x128xf32, #tpu.memory_space<hbm>>
      tpu.enqueue_indirect_dma source(%dma_start3A_795 : memref<10240x128xf32, #tpu.memory_space<hbm>>) target(%arg12 : memref<128x128xf32, #tpu.memory_space<vmem>>) offsets(%dma_start3A_792 : memref<128xi32, #tpu.memory_space<vmem>>) semaphore(%arg16 : memref<!tpu.dma_semaphore, #tpu.memory_space<semaphore_mem>>)
      %mul3A_796 = arith.constant 4 : i32
      %mul3A_797 = arith.muli %mul3A_796, %scan3A_713 : i32
      %add3A_798 = arith.constant 1 : i32
      %add3A_799 = arith.addi %mul3A_797, %add3A_798 : i32
      %dma_wait3A_800 = arith.constant 0 : i32
      %dma_wait3A_801 = arith.constant 0 : i32
      %dma_wait3A_802 = tpu.memref_slice %arg2[%dma_wait3A_800, %dma_wait3A_801] : memref<10240x128xf32, #tpu.memory_space<hbm>> -> memref<128x128xf32, #tpu.memory_space<hbm>>
      %dma_wait3A_803 = arith.constant 0 : i32
      %dma_wait3A_804 = arith.constant 0 : i32
      %dma_wait3A_805 = tpu.memref_slice %arg2[%dma_wait3A_803, %dma_wait3A_804] : memref<10240x128xf32, #tpu.memory_space<hbm>> -> memref<128x128xf32, #tpu.memory_space<hbm>>
      tpu.wait_dma2 semaphore(%arg16 : memref<!tpu.dma_semaphore, #tpu.memory_space<semaphore_mem>>) src(%dma_wait3A_805 : memref<128x128xf32, #tpu.memory_space<hbm>>) dst(%arg12 : memref<128x128xf32, #tpu.memory_space<vmem>>)
      %dma_start3A_806 = arith.constant 1 : i32
      %dma_start3A_807 = arith.constant 0 : i32
      %dma_start3A_808 = tpu.memref_slice %arg8[%dma_start3A_806, %dma_start3A_807] : memref<2x128xi32, #tpu.memory_space<vmem>> -> memref<1x128xi32, #tpu.memory_space<vmem>>
      %dma_start3A_809 = tpu.memref_squeeze %dma_start3A_808 : memref<1x128xi32, #tpu.memory_space<vmem>> -> memref<128xi32, #tpu.memory_space<vmem>>
      %dma_start3A_810 = arith.constant 0 : i32
      %dma_start3A_811 = arith.constant 0 : i32
      %dma_start3A_812 = tpu.memref_slice %arg13[%dma_start3A_810, %dma_start3A_811] : memref<10240x128xf32, #tpu.memory_space<vmem_shared>> -> memref<10240x128xf32, #tpu.memory_space<vmem_shared>>
      tpu.enqueue_indirect_dma source(%arg12 : memref<128x128xf32, #tpu.memory_space<vmem>>) target(%dma_start3A_812 : memref<10240x128xf32, #tpu.memory_space<vmem_shared>>) offsets(%dma_start3A_809 : memref<128xi32, #tpu.memory_space<vmem>>) semaphore(%arg18 : memref<!tpu.dma_semaphore, #tpu.memory_space<semaphore_mem>>) {add = true}
      %get3A_813 = arith.constant 1 : i32
      %get3A_814 = arith.index_cast %get3A_813 : i32 to index
      %get3A_815 = arith.constant 0 : index
      %get3A_816 = tpu.vector_load %arg8[%get3A_814, %get3A_815] {strides = array<i32>} : memref<2x128xi32, #tpu.memory_space<vmem>>, vector<16xi32>,
      tpu.vector_store_idx %arg14[%get3A_816], %broadcast_in_dim3A_20 {add = true} : memref<10240xf32, #tpu.memory_space<vmem>>[vector<16xi32>], vector<16xf32>,
      %get3A_817 = arith.constant 1 : i32
      %get3A_818 = arith.index_cast %get3A_817 : i32 to index
      %get3A_819 = arith.constant 16 : index
      %get3A_820 = tpu.vector_load %arg8[%get3A_818, %get3A_819] {strides = array<i32>} : memref<2x128xi32, #tpu.memory_space<vmem>>, vector<16xi32>,
      tpu.vector_store_idx %arg14[%get3A_820], %broadcast_in_dim3A_20 {add = true} : memref<10240xf32, #tpu.memory_space<vmem>>[vector<16xi32>], vector<16xf32>,
      %get3A_821 = arith.constant 1 : i32
      %get3A_822 = arith.index_cast %get3A_821 : i32 to index
      %get3A_823 = arith.constant 32 : index
      %get3A_824 = tpu.vector_load %arg8[%get3A_822, %get3A_823] {strides = array<i32>} : memref<2x128xi32, #tpu.memory_space<vmem>>, vector<16xi32>,
      tpu.vector_store_idx %arg14[%get3A_824], %broadcast_in_dim3A_20 {add = true} : memref<10240xf32, #tpu.memory_space<vmem>>[vector<16xi32>], vector<16xf32>,
      %get3A_825 = arith.constant 1 : i32
      %get3A_826 = arith.index_cast %get3A_825 : i32 to index
      %get3A_827 = arith.constant 48 : index
      %get3A_828 = tpu.vector_load %arg8[%get3A_826, %get3A_827] {strides = array<i32>} : memref<2x128xi32, #tpu.memory_space<vmem>>, vector<16xi32>,
      tpu.vector_store_idx %arg14[%get3A_828], %broadcast_in_dim3A_20 {add = true} : memref<10240xf32, #tpu.memory_space<vmem>>[vector<16xi32>], vector<16xf32>,
      %get3A_829 = arith.constant 1 : i32
      %get3A_830 = arith.index_cast %get3A_829 : i32 to index
      %get3A_831 = arith.constant 64 : index
      %get3A_832 = tpu.vector_load %arg8[%get3A_830, %get3A_831] {strides = array<i32>} : memref<2x128xi32, #tpu.memory_space<vmem>>, vector<16xi32>,
      tpu.vector_store_idx %arg14[%get3A_832], %broadcast_in_dim3A_20 {add = true} : memref<10240xf32, #tpu.memory_space<vmem>>[vector<16xi32>], vector<16xf32>,
      %get3A_833 = arith.constant 1 : i32
      %get3A_834 = arith.index_cast %get3A_833 : i32 to index
      %get3A_835 = arith.constant 80 : index
      %get3A_836 = tpu.vector_load %arg8[%get3A_834, %get3A_835] {strides = array<i32>} : memref<2x128xi32, #tpu.memory_space<vmem>>, vector<16xi32>,
      tpu.vector_store_idx %arg14[%get3A_836], %broadcast_in_dim3A_20 {add = true} : memref<10240xf32, #tpu.memory_space<vmem>>[vector<16xi32>], vector<16xf32>,
      %get3A_837 = arith.constant 1 : i32
      %get3A_838 = arith.index_cast %get3A_837 : i32 to index
      %get3A_839 = arith.constant 96 : index
      %get3A_840 = tpu.vector_load %arg8[%get3A_838, %get3A_839] {strides = array<i32>} : memref<2x128xi32, #tpu.memory_space<vmem>>, vector<16xi32>,
      tpu.vector_store_idx %arg14[%get3A_840], %broadcast_in_dim3A_20 {add = true} : memref<10240xf32, #tpu.memory_space<vmem>>[vector<16xi32>], vector<16xf32>,
      %get3A_841 = arith.constant 1 : i32
      %get3A_842 = arith.index_cast %get3A_841 : i32 to index
      %get3A_843 = arith.constant 112 : index
      %get3A_844 = tpu.vector_load %arg8[%get3A_842, %get3A_843] {strides = array<i32>} : memref<2x128xi32, #tpu.memory_space<vmem>>, vector<16xi32>,
      tpu.vector_store_idx %arg14[%get3A_844], %broadcast_in_dim3A_20 {add = true} : memref<10240xf32, #tpu.memory_space<vmem>>[vector<16xi32>], vector<16xf32>,
      %dma_wait3A_845 = arith.constant 0 : i32
      %dma_wait3A_846 = arith.constant 0 : i32
      %dma_wait3A_847 = tpu.memref_slice %arg13[%dma_wait3A_845, %dma_wait3A_846] : memref<10240x128xf32, #tpu.memory_space<vmem_shared>> -> memref<128x128xf32, #tpu.memory_space<vmem_shared>>
      %dma_wait3A_848 = arith.constant 0 : i32
      %dma_wait3A_849 = arith.constant 0 : i32
      %dma_wait3A_850 = tpu.memref_slice %arg13[%dma_wait3A_848, %dma_wait3A_849] : memref<10240x128xf32, #tpu.memory_space<vmem_shared>> -> memref<128x128xf32, #tpu.memory_space<vmem_shared>>
      tpu.wait_dma2 semaphore(%arg17 : memref<!tpu.dma_semaphore, #tpu.memory_space<semaphore_mem>>) src(%arg11 : memref<128x128xf32, #tpu.memory_space<vmem>>) dst(%dma_wait3A_850 : memref<128x128xf32, #tpu.memory_space<vmem_shared>>)
      %add3A_851 = arith.constant 3 : i32
      %add3A_852 = arith.addi %add3A_799, %add3A_851 : i32
      %add3A_853 = arith.addi %mul3A_22, %add3A_852 : i32
      %dma_start3A_854 = arith.constant 0 : i32
      %dma_start3A_855 = arith.constant 0 : i32
      %dma_start3A_856 = tpu.memref_slice %arg3[%add3A_853, %dma_start3A_854, %dma_start3A_855] : memref<2560x2x128xi32, #tpu.memory_space<hbm>> -> memref<1x2x128xi32, #tpu.memory_space<hbm>>
      %dma_start3A_857 = tpu.memref_squeeze %dma_start3A_856 : memref<1x2x128xi32, #tpu.memory_space<hbm>> -> memref<2x128xi32, #tpu.memory_space<hbm>>
      %dma_start3A_858 = arith.constant 0 : i32
      %dma_start3A_859 = arith.constant 0 : i32
      %dma_start3A_860 = tpu.memref_slice %arg3[%add3A_853, %dma_start3A_858, %dma_start3A_859] : memref<2560x2x128xi32, #tpu.memory_space<hbm>> -> memref<1x2x128xi32, #tpu.memory_space<hbm>>
      %dma_start3A_861 = tpu.memref_squeeze %dma_start3A_860 : memref<1x2x128xi32, #tpu.memory_space<hbm>> -> memref<2x128xi32, #tpu.memory_space<hbm>>
      tpu.enqueue_dma source(%dma_start3A_861 : memref<2x128xi32, #tpu.memory_space<hbm>>) target(%arg7 : memref<2x128xi32, #tpu.memory_space<vmem>>) target_semaphore(%arg19 : memref<!tpu.dma_semaphore, #tpu.memory_space<semaphore_mem>>)
      %dma_wait3A_862 = arith.constant 0 : i32
      %dma_wait3A_863 = arith.constant 0 : i32
      %dma_wait3A_864 = arith.constant 0 : i32
      %dma_wait3A_865 = tpu.memref_slice %arg3[%dma_wait3A_862, %dma_wait3A_863, %dma_wait3A_864] : memref<2560x2x128xi32, #tpu.memory_space<hbm>> -> memref<1x2x128xi32, #tpu.memory_space<hbm>>
      %dma_wait3A_866 = tpu.memref_squeeze %dma_wait3A_865 : memref<1x2x128xi32, #tpu.memory_space<hbm>> -> memref<2x128xi32, #tpu.memory_space<hbm>>
      %dma_wait3A_867 = arith.constant 0 : i32
      %dma_wait3A_868 = arith.constant 0 : i32
      %dma_wait3A_869 = tpu.memref_slice %arg3[%dma_wait3A_862, %dma_wait3A_867, %dma_wait3A_868] : memref<2560x2x128xi32, #tpu.memory_space<hbm>> -> memref<1x2x128xi32, #tpu.memory_space<hbm>>
      %dma_wait3A_870 = tpu.memref_squeeze %dma_wait3A_869 : memref<1x2x128xi32, #tpu.memory_space<hbm>> -> memref<2x128xi32, #tpu.memory_space<hbm>>
      tpu.wait_dma2 semaphore(%arg21 : memref<!tpu.dma_semaphore, #tpu.memory_space<semaphore_mem>>) src(%dma_wait3A_870 : memref<2x128xi32, #tpu.memory_space<hbm>>) dst(%arg9 : memref<2x128xi32, #tpu.memory_space<vmem>>)
      %dma_start3A_871 = arith.constant 0 : i32
      %dma_start3A_872 = arith.constant 0 : i32
      %dma_start3A_873 = tpu.memref_slice %arg9[%dma_start3A_871, %dma_start3A_872] : memref<2x128xi32, #tpu.memory_space<vmem>> -> memref<1x128xi32, #tpu.memory_space<vmem>>
      %dma_start3A_874 = tpu.memref_squeeze %dma_start3A_873 : memref<1x128xi32, #tpu.memory_space<vmem>> -> memref<128xi32, #tpu.memory_space<vmem>>
      %dma_start3A_875 = arith.constant 0 : i32
      %dma_start3A_876 = arith.constant 0 : i32
      %dma_start3A_877 = tpu.memref_slice %arg2[%dma_start3A_875, %dma_start3A_876] : memref<10240x128xf32, #tpu.memory_space<hbm>> -> memref<10240x128xf32, #tpu.memory_space<hbm>>
      tpu.enqueue_indirect_dma source(%dma_start3A_877 : memref<10240x128xf32, #tpu.memory_space<hbm>>) target(%arg11 : memref<128x128xf32, #tpu.memory_space<vmem>>) offsets(%dma_start3A_874 : memref<128xi32, #tpu.memory_space<vmem>>) semaphore(%arg15 : memref<!tpu.dma_semaphore, #tpu.memory_space<semaphore_mem>>)
      %mul3A_878 = arith.constant 4 : i32
      %mul3A_879 = arith.muli %mul3A_878, %scan3A_713 : i32
      %add3A_880 = arith.constant 2 : i32
      %add3A_881 = arith.addi %mul3A_879, %add3A_880 : i32
      %dma_wait3A_882 = arith.constant 0 : i32
      %dma_wait3A_883 = arith.constant 0 : i32
      %dma_wait3A_884 = tpu.memref_slice %arg2[%dma_wait3A_882, %dma_wait3A_883] : memref<10240x128xf32, #tpu.memory_space<hbm>> -> memref<128x128xf32, #tpu.memory_space<hbm>>
      %dma_wait3A_885 = arith.constant 0 : i32
      %dma_wait3A_886 = arith.constant 0 : i32
      %dma_wait3A_887 = tpu.memref_slice %arg2[%dma_wait3A_885, %dma_wait3A_886] : memref<10240x128xf32, #tpu.memory_space<hbm>> -> memref<128x128xf32, #tpu.memory_space<hbm>>
      tpu.wait_dma2 semaphore(%arg15 : memref<!tpu.dma_semaphore, #tpu.memory_space<semaphore_mem>>) src(%dma_wait3A_887 : memref<128x128xf32, #tpu.memory_space<hbm>>) dst(%arg11 : memref<128x128xf32, #tpu.memory_space<vmem>>)
      %dma_start3A_888 = arith.constant 1 : i32
      %dma_start3A_889 = arith.constant 0 : i32
      %dma_start3A_890 = tpu.memref_slice %arg9[%dma_start3A_888, %dma_start3A_889] : memref<2x128xi32, #tpu.memory_space<vmem>> -> memref<1x128xi32, #tpu.memory_space<vmem>>
      %dma_start3A_891 = tpu.memref_squeeze %dma_start3A_890 : memref<1x128xi32, #tpu.memory_space<vmem>> -> memref<128xi32, #tpu.memory_space<vmem>>
      %dma_start3A_892 = arith.constant 0 : i32
      %dma_start3A_893 = arith.constant 0 : i32
      %dma_start3A_894 = tpu.memref_slice %arg13[%dma_start3A_892, %dma_start3A_893] : memref<10240x128xf32, #tpu.memory_space<vmem_shared>> -> memref<10240x128xf32, #tpu.memory_space<vmem_shared>>
      tpu.enqueue_indirect_dma source(%arg11 : memref<128x128xf32, #tpu.memory_space<vmem>>) target(%dma_start3A_894 : memref<10240x128xf32, #tpu.memory_space<vmem_shared>>) offsets(%dma_start3A_891 : memref<128xi32, #tpu.memory_space<vmem>>) semaphore(%arg17 : memref<!tpu.dma_semaphore, #tpu.memory_space<semaphore_mem>>) {add = true}
      %get3A_895 = arith.constant 1 : i32
      %get3A_896 = arith.index_cast %get3A_895 : i32 to index
      %get3A_897 = arith.constant 0 : index
      %get3A_898 = tpu.vector_load %arg9[%get3A_896, %get3A_897] {strides = array<i32>} : memref<2x128xi32, #tpu.memory_space<vmem>>, vector<16xi32>,
      tpu.vector_store_idx %arg14[%get3A_898], %broadcast_in_dim3A_20 {add = true} : memref<10240xf32, #tpu.memory_space<vmem>>[vector<16xi32>], vector<16xf32>,
      %get3A_899 = arith.constant 1 : i32
      %get3A_900 = arith.index_cast %get3A_899 : i32 to index
      %get3A_901 = arith.constant 16 : index
      %get3A_902 = tpu.vector_load %arg9[%get3A_900, %get3A_901] {strides = array<i32>} : memref<2x128xi32, #tpu.memory_space<vmem>>, vector<16xi32>,
      tpu.vector_store_idx %arg14[%get3A_902], %broadcast_in_dim3A_20 {add = true} : memref<10240xf32, #tpu.memory_space<vmem>>[vector<16xi32>], vector<16xf32>,
      %get3A_903 = arith.constant 1 : i32
      %get3A_904 = arith.index_cast %get3A_903 : i32 to index
      %get3A_905 = arith.constant 32 : index
      %get3A_906 = tpu.vector_load %arg9[%get3A_904, %get3A_905] {strides = array<i32>} : memref<2x128xi32, #tpu.memory_space<vmem>>, vector<16xi32>,
      tpu.vector_store_idx %arg14[%get3A_906], %broadcast_in_dim3A_20 {add = true} : memref<10240xf32, #tpu.memory_space<vmem>>[vector<16xi32>], vector<16xf32>,
      %get3A_907 = arith.constant 1 : i32
      %get3A_908 = arith.index_cast %get3A_907 : i32 to index
      %get3A_909 = arith.constant 48 : index
      %get3A_910 = tpu.vector_load %arg9[%get3A_908, %get3A_909] {strides = array<i32>} : memref<2x128xi32, #tpu.memory_space<vmem>>, vector<16xi32>,
      tpu.vector_store_idx %arg14[%get3A_910], %broadcast_in_dim3A_20 {add = true} : memref<10240xf32, #tpu.memory_space<vmem>>[vector<16xi32>], vector<16xf32>,
      %get3A_911 = arith.constant 1 : i32
      %get3A_912 = arith.index_cast %get3A_911 : i32 to index
      %get3A_913 = arith.constant 64 : index
      %get3A_914 = tpu.vector_load %arg9[%get3A_912, %get3A_913] {strides = array<i32>} : memref<2x128xi32, #tpu.memory_space<vmem>>, vector<16xi32>,
      tpu.vector_store_idx %arg14[%get3A_914], %broadcast_in_dim3A_20 {add = true} : memref<10240xf32, #tpu.memory_space<vmem>>[vector<16xi32>], vector<16xf32>,
      %get3A_915 = arith.constant 1 : i32
      %get3A_916 = arith.index_cast %get3A_915 : i32 to index
      %get3A_917 = arith.constant 80 : index
      %get3A_918 = tpu.vector_load %arg9[%get3A_916, %get3A_917] {strides = array<i32>} : memref<2x128xi32, #tpu.memory_space<vmem>>, vector<16xi32>,
      tpu.vector_store_idx %arg14[%get3A_918], %broadcast_in_dim3A_20 {add = true} : memref<10240xf32, #tpu.memory_space<vmem>>[vector<16xi32>], vector<16xf32>,
      %get3A_919 = arith.constant 1 : i32
      %get3A_920 = arith.index_cast %get3A_919 : i32 to index
      %get3A_921 = arith.constant 96 : index
      %get3A_922 = tpu.vector_load %arg9[%get3A_920, %get3A_921] {strides = array<i32>} : memref<2x128xi32, #tpu.memory_space<vmem>>, vector<16xi32>,
      tpu.vector_store_idx %arg14[%get3A_922], %broadcast_in_dim3A_20 {add = true} : memref<10240xf32, #tpu.memory_space<vmem>>[vector<16xi32>], vector<16xf32>,
      %get3A_923 = arith.constant 1 : i32
      %get3A_924 = arith.index_cast %get3A_923 : i32 to index
      %get3A_925 = arith.constant 112 : index
      %get3A_926 = tpu.vector_load %arg9[%get3A_924, %get3A_925] {strides = array<i32>} : memref<2x128xi32, #tpu.memory_space<vmem>>, vector<16xi32>,
      tpu.vector_store_idx %arg14[%get3A_926], %broadcast_in_dim3A_20 {add = true} : memref<10240xf32, #tpu.memory_space<vmem>>[vector<16xi32>], vector<16xf32>,
      %dma_wait3A_927 = arith.constant 0 : i32
      %dma_wait3A_928 = arith.constant 0 : i32
      %dma_wait3A_929 = tpu.memref_slice %arg13[%dma_wait3A_927, %dma_wait3A_928] : memref<10240x128xf32, #tpu.memory_space<vmem_shared>> -> memref<128x128xf32, #tpu.memory_space<vmem_shared>>
      %dma_wait3A_930 = arith.constant 0 : i32
      %dma_wait3A_931 = arith.constant 0 : i32
      %dma_wait3A_932 = tpu.memref_slice %arg13[%dma_wait3A_930, %dma_wait3A_931] : memref<10240x128xf32, #tpu.memory_space<vmem_shared>> -> memref<128x128xf32, #tpu.memory_space<vmem_shared>>
      tpu.wait_dma2 semaphore(%arg18 : memref<!tpu.dma_semaphore, #tpu.memory_space<semaphore_mem>>) src(%arg12 : memref<128x128xf32, #tpu.memory_space<vmem>>) dst(%dma_wait3A_932 : memref<128x128xf32, #tpu.memory_space<vmem_shared>>)
      %add3A_933 = arith.constant 3 : i32
      %add3A_934 = arith.addi %add3A_881, %add3A_933 : i32
      %add3A_935 = arith.addi %mul3A_22, %add3A_934 : i32
      %dma_start3A_936 = arith.constant 0 : i32
      %dma_start3A_937 = arith.constant 0 : i32
      %dma_start3A_938 = tpu.memref_slice %arg3[%add3A_935, %dma_start3A_936, %dma_start3A_937] : memref<2560x2x128xi32, #tpu.memory_space<hbm>> -> memref<1x2x128xi32, #tpu.memory_space<hbm>>
      %dma_start3A_939 = tpu.memref_squeeze %dma_start3A_938 : memref<1x2x128xi32, #tpu.memory_space<hbm>> -> memref<2x128xi32, #tpu.memory_space<hbm>>
      %dma_start3A_940 = arith.constant 0 : i32
      %dma_start3A_941 = arith.constant 0 : i32
      %dma_start3A_942 = tpu.memref_slice %arg3[%add3A_935, %dma_start3A_940, %dma_start3A_941] : memref<2560x2x128xi32, #tpu.memory_space<hbm>> -> memref<1x2x128xi32, #tpu.memory_space<hbm>>
      %dma_start3A_943 = tpu.memref_squeeze %dma_start3A_942 : memref<1x2x128xi32, #tpu.memory_space<hbm>> -> memref<2x128xi32, #tpu.memory_space<hbm>>
      tpu.enqueue_dma source(%dma_start3A_943 : memref<2x128xi32, #tpu.memory_space<hbm>>) target(%arg8 : memref<2x128xi32, #tpu.memory_space<vmem>>) target_semaphore(%arg20 : memref<!tpu.dma_semaphore, #tpu.memory_space<semaphore_mem>>)
      %dma_wait3A_944 = arith.constant 0 : i32
      %dma_wait3A_945 = arith.constant 0 : i32
      %dma_wait3A_946 = arith.constant 0 : i32
      %dma_wait3A_947 = tpu.memref_slice %arg3[%dma_wait3A_944, %dma_wait3A_945, %dma_wait3A_946] : memref<2560x2x128xi32, #tpu.memory_space<hbm>> -> memref<1x2x128xi32, #tpu.memory_space<hbm>>
      %dma_wait3A_948 = tpu.memref_squeeze %dma_wait3A_947 : memref<1x2x128xi32, #tpu.memory_space<hbm>> -> memref<2x128xi32, #tpu.memory_space<hbm>>
      %dma_wait3A_949 = arith.constant 0 : i32
      %dma_wait3A_950 = arith.constant 0 : i32
      %dma_wait3A_951 = tpu.memref_slice %arg3[%dma_wait3A_944, %dma_wait3A_949, %dma_wait3A_950] : memref<2560x2x128xi32, #tpu.memory_space<hbm>> -> memref<1x2x128xi32, #tpu.memory_space<hbm>>
      %dma_wait3A_952 = tpu.memref_squeeze %dma_wait3A_951 : memref<1x2x128xi32, #tpu.memory_space<hbm>> -> memref<2x128xi32, #tpu.memory_space<hbm>>
      tpu.wait_dma2 semaphore(%arg22 : memref<!tpu.dma_semaphore, #tpu.memory_space<semaphore_mem>>) src(%dma_wait3A_952 : memref<2x128xi32, #tpu.memory_space<hbm>>) dst(%arg10 : memref<2x128xi32, #tpu.memory_space<vmem>>)
      %dma_start3A_953 = arith.constant 0 : i32
      %dma_start3A_954 = arith.constant 0 : i32
      %dma_start3A_955 = tpu.memref_slice %arg10[%dma_start3A_953, %dma_start3A_954] : memref<2x128xi32, #tpu.memory_space<vmem>> -> memref<1x128xi32, #tpu.memory_space<vmem>>
      %dma_start3A_956 = tpu.memref_squeeze %dma_start3A_955 : memref<1x128xi32, #tpu.memory_space<vmem>> -> memref<128xi32, #tpu.memory_space<vmem>>
      %dma_start3A_957 = arith.constant 0 : i32
      %dma_start3A_958 = arith.constant 0 : i32
      %dma_start3A_959 = tpu.memref_slice %arg2[%dma_start3A_957, %dma_start3A_958] : memref<10240x128xf32, #tpu.memory_space<hbm>> -> memref<10240x128xf32, #tpu.memory_space<hbm>>
      tpu.enqueue_indirect_dma source(%dma_start3A_959 : memref<10240x128xf32, #tpu.memory_space<hbm>>) target(%arg12 : memref<128x128xf32, #tpu.memory_space<vmem>>) offsets(%dma_start3A_956 : memref<128xi32, #tpu.memory_space<vmem>>) semaphore(%arg16 : memref<!tpu.dma_semaphore, #tpu.memory_space<semaphore_mem>>)
      %mul3A_960 = arith.constant 4 : i32
      %mul3A_961 = arith.muli %mul3A_960, %scan3A_713 : i32
      %add3A_962 = arith.constant 3 : i32
      %add3A_963 = arith.addi %mul3A_961, %add3A_962 : i32
      %dma_wait3A_964 = arith.constant 0 : i32
      %dma_wait3A_965 = arith.constant 0 : i32
      %dma_wait3A_966 = tpu.memref_slice %arg2[%dma_wait3A_964, %dma_wait3A_965] : memref<10240x128xf32, #tpu.memory_space<hbm>> -> memref<128x128xf32, #tpu.memory_space<hbm>>
      %dma_wait3A_967 = arith.constant 0 : i32
      %dma_wait3A_968 = arith.constant 0 : i32
      %dma_wait3A_969 = tpu.memref_slice %arg2[%dma_wait3A_967, %dma_wait3A_968] : memref<10240x128xf32, #tpu.memory_space<hbm>> -> memref<128x128xf32, #tpu.memory_space<hbm>>
      tpu.wait_dma2 semaphore(%arg16 : memref<!tpu.dma_semaphore, #tpu.memory_space<semaphore_mem>>) src(%dma_wait3A_969 : memref<128x128xf32, #tpu.memory_space<hbm>>) dst(%arg12 : memref<128x128xf32, #tpu.memory_space<vmem>>)
      %dma_start3A_970 = arith.constant 1 : i32
      %dma_start3A_971 = arith.constant 0 : i32
      %dma_start3A_972 = tpu.memref_slice %arg10[%dma_start3A_970, %dma_start3A_971] : memref<2x128xi32, #tpu.memory_space<vmem>> -> memref<1x128xi32, #tpu.memory_space<vmem>>
      %dma_start3A_973 = tpu.memref_squeeze %dma_start3A_972 : memref<1x128xi32, #tpu.memory_space<vmem>> -> memref<128xi32, #tpu.memory_space<vmem>>
      %dma_start3A_974 = arith.constant 0 : i32
      %dma_start3A_975 = arith.constant 0 : i32
      %dma_start3A_976 = tpu.memref_slice %arg13[%dma_start3A_974, %dma_start3A_975] : memref<10240x128xf32, #tpu.memory_space<vmem_shared>> -> memref<10240x128xf32, #tpu.memory_space<vmem_shared>>
      tpu.enqueue_indirect_dma source(%arg12 : memref<128x128xf32, #tpu.memory_space<vmem>>) target(%dma_start3A_976 : memref<10240x128xf32, #tpu.memory_space<vmem_shared>>) offsets(%dma_start3A_973 : memref<128xi32, #tpu.memory_space<vmem>>) semaphore(%arg18 : memref<!tpu.dma_semaphore, #tpu.memory_space<semaphore_mem>>) {add = true}
      %get3A_977 = arith.constant 1 : i32
      %get3A_978 = arith.index_cast %get3A_977 : i32 to index
      %get3A_979 = arith.constant 0 : index
      %get3A_980 = tpu.vector_load %arg10[%get3A_978, %get3A_979] {strides = array<i32>} : memref<2x128xi32, #tpu.memory_space<vmem>>, vector<16xi32>,
      tpu.vector_store_idx %arg14[%get3A_980], %broadcast_in_dim3A_20 {add = true} : memref<10240xf32, #tpu.memory_space<vmem>>[vector<16xi32>], vector<16xf32>,
      %get3A_981 = arith.constant 1 : i32
      %get3A_982 = arith.index_cast %get3A_981 : i32 to index
      %get3A_983 = arith.constant 16 : index
      %get3A_984 = tpu.vector_load %arg10[%get3A_982, %get3A_983] {strides = array<i32>} : memref<2x128xi32, #tpu.memory_space<vmem>>, vector<16xi32>,
      tpu.vector_store_idx %arg14[%get3A_984], %broadcast_in_dim3A_20 {add = true} : memref<10240xf32, #tpu.memory_space<vmem>>[vector<16xi32>], vector<16xf32>,
      %get3A_985 = arith.constant 1 : i32
      %get3A_986 = arith.index_cast %get3A_985 : i32 to index
      %get3A_987 = arith.constant 32 : index
      %get3A_988 = tpu.vector_load %arg10[%get3A_986, %get3A_987] {strides = array<i32>} : memref<2x128xi32, #tpu.memory_space<vmem>>, vector<16xi32>,
      tpu.vector_store_idx %arg14[%get3A_988], %broadcast_in_dim3A_20 {add = true} : memref<10240xf32, #tpu.memory_space<vmem>>[vector<16xi32>], vector<16xf32>,
      %get3A_989 = arith.constant 1 : i32
      %get3A_990 = arith.index_cast %get3A_989 : i32 to index
      %get3A_991 = arith.constant 48 : index
      %get3A_992 = tpu.vector_load %arg10[%get3A_990, %get3A_991] {strides = array<i32>} : memref<2x128xi32, #tpu.memory_space<vmem>>, vector<16xi32>,
      tpu.vector_store_idx %arg14[%get3A_992], %broadcast_in_dim3A_20 {add = true} : memref<10240xf32, #tpu.memory_space<vmem>>[vector<16xi32>], vector<16xf32>,
      %get3A_993 = arith.constant 1 : i32
      %get3A_994 = arith.index_cast %get3A_993 : i32 to index
      %get3A_995 = arith.constant 64 : index
      %get3A_996 = tpu.vector_load %arg10[%get3A_994, %get3A_995] {strides = array<i32>} : memref<2x128xi32, #tpu.memory_space<vmem>>, vector<16xi32>,
      tpu.vector_store_idx %arg14[%get3A_996], %broadcast_in_dim3A_20 {add = true} : memref<10240xf32, #tpu.memory_space<vmem>>[vector<16xi32>], vector<16xf32>,
      %get3A_997 = arith.constant 1 : i32
      %get3A_998 = arith.index_cast %get3A_997 : i32 to index
      %get3A_999 = arith.constant 80 : index
      %get3A_1000 = tpu.vector_load %arg10[%get3A_998, %get3A_999] {strides = array<i32>} : memref<2x128xi32, #tpu.memory_space<vmem>>, vector<16xi32>,
      tpu.vector_store_idx %arg14[%get3A_1000], %broadcast_in_dim3A_20 {add = true} : memref<10240xf32, #tpu.memory_space<vmem>>[vector<16xi32>], vector<16xf32>,
      %get3A_1001 = arith.constant 1 : i32
      %get3A_1002 = arith.index_cast %get3A_1001 : i32 to index
      %get3A_1003 = arith.constant 96 : index
      %get3A_1004 = tpu.vector_load %arg10[%get3A_1002, %get3A_1003] {strides = array<i32>} : memref<2x128xi32, #tpu.memory_space<vmem>>, vector<16xi32>,
      tpu.vector_store_idx %arg14[%get3A_1004], %broadcast_in_dim3A_20 {add = true} : memref<10240xf32, #tpu.memory_space<vmem>>[vector<16xi32>], vector<16xf32>,
      %get3A_1005 = arith.constant 1 : i32
      %get3A_1006 = arith.index_cast %get3A_1005 : i32 to index
      %get3A_1007 = arith.constant 112 : index
      %get3A_1008 = tpu.vector_load %arg10[%get3A_1006, %get3A_1007] {strides = array<i32>} : memref<2x128xi32, #tpu.memory_space<vmem>>, vector<16xi32>,
      tpu.vector_store_idx %arg14[%get3A_1008], %broadcast_in_dim3A_20 {add = true} : memref<10240xf32, #tpu.memory_space<vmem>>[vector<16xi32>], vector<16xf32>,
      %dma_wait3A_1009 = arith.constant 0 : i32
      %dma_wait3A_1010 = arith.constant 0 : i32
      %dma_wait3A_1011 = tpu.memref_slice %arg13[%dma_wait3A_1009, %dma_wait3A_1010] : memref<10240x128xf32, #tpu.memory_space<vmem_shared>> -> memref<128x128xf32, #tpu.memory_space<vmem_shared>>
      %dma_wait3A_1012 = arith.constant 0 : i32
      %dma_wait3A_1013 = arith.constant 0 : i32
      %dma_wait3A_1014 = tpu.memref_slice %arg13[%dma_wait3A_1012, %dma_wait3A_1013] : memref<10240x128xf32, #tpu.memory_space<vmem_shared>> -> memref<128x128xf32, #tpu.memory_space<vmem_shared>>
      tpu.wait_dma2 semaphore(%arg17 : memref<!tpu.dma_semaphore, #tpu.memory_space<semaphore_mem>>) src(%arg11 : memref<128x128xf32, #tpu.memory_space<vmem>>) dst(%dma_wait3A_1014 : memref<128x128xf32, #tpu.memory_space<vmem_shared>>)
      %add3A_1015 = arith.constant 3 : i32
      %add3A_1016 = arith.addi %add3A_963, %add3A_1015 : i32
      %add3A_1017 = arith.addi %mul3A_22, %add3A_1016 : i32
      %dma_start3A_1018 = arith.constant 0 : i32
      %dma_start3A_1019 = arith.constant 0 : i32
      %dma_start3A_1020 = tpu.memref_slice %arg3[%add3A_1017, %dma_start3A_1018, %dma_start3A_1019] : memref<2560x2x128xi32, #tpu.memory_space<hbm>> -> memref<1x2x128xi32, #tpu.memory_space<hbm>>
      %dma_start3A_1021 = tpu.memref_squeeze %dma_start3A_1020 : memref<1x2x128xi32, #tpu.memory_space<hbm>> -> memref<2x128xi32, #tpu.memory_space<hbm>>
      %dma_start3A_1022 = arith.constant 0 : i32
      %dma_start3A_1023 = arith.constant 0 : i32
      %dma_start3A_1024 = tpu.memref_slice %arg3[%add3A_1017, %dma_start3A_1022, %dma_start3A_1023] : memref<2560x2x128xi32, #tpu.memory_space<hbm>> -> memref<1x2x128xi32, #tpu.memory_space<hbm>>
      %dma_start3A_1025 = tpu.memref_squeeze %dma_start3A_1024 : memref<1x2x128xi32, #tpu.memory_space<hbm>> -> memref<2x128xi32, #tpu.memory_space<hbm>>
      tpu.enqueue_dma source(%dma_start3A_1025 : memref<2x128xi32, #tpu.memory_space<hbm>>) target(%arg9 : memref<2x128xi32, #tpu.memory_space<vmem>>) target_semaphore(%arg21 : memref<!tpu.dma_semaphore, #tpu.memory_space<semaphore_mem>>)
      %dma_wait3A_1026 = arith.constant 0 : i32
      %dma_wait3A_1027 = arith.constant 0 : i32
      %dma_wait3A_1028 = arith.constant 0 : i32
      %dma_wait3A_1029 = tpu.memref_slice %arg3[%dma_wait3A_1026, %dma_wait3A_1027, %dma_wait3A_1028] : memref<2560x2x128xi32, #tpu.memory_space<hbm>> -> memref<1x2x128xi32, #tpu.memory_space<hbm>>
      %dma_wait3A_1030 = tpu.memref_squeeze %dma_wait3A_1029 : memref<1x2x128xi32, #tpu.memory_space<hbm>> -> memref<2x128xi32, #tpu.memory_space<hbm>>
      %dma_wait3A_1031 = arith.constant 0 : i32
      %dma_wait3A_1032 = arith.constant 0 : i32
      %dma_wait3A_1033 = tpu.memref_slice %arg3[%dma_wait3A_1026, %dma_wait3A_1031, %dma_wait3A_1032] : memref<2560x2x128xi32, #tpu.memory_space<hbm>> -> memref<1x2x128xi32, #tpu.memory_space<hbm>>
      %dma_wait3A_1034 = tpu.memref_squeeze %dma_wait3A_1033 : memref<1x2x128xi32, #tpu.memory_space<hbm>> -> memref<2x128xi32, #tpu.memory_space<hbm>>
      tpu.wait_dma2 semaphore(%arg19 : memref<!tpu.dma_semaphore, #tpu.memory_space<semaphore_mem>>) src(%dma_wait3A_1034 : memref<2x128xi32, #tpu.memory_space<hbm>>) dst(%arg7 : memref<2x128xi32, #tpu.memory_space<vmem>>)
      %dma_start3A_1035 = arith.constant 0 : i32
      %dma_start3A_1036 = arith.constant 0 : i32
      %dma_start3A_1037 = tpu.memref_slice %arg7[%dma_start3A_1035, %dma_start3A_1036] : memref<2x128xi32, #tpu.memory_space<vmem>> -> memref<1x128xi32, #tpu.memory_space<vmem>>
      %dma_start3A_1038 = tpu.memref_squeeze %dma_start3A_1037 : memref<1x128xi32, #tpu.memory_space<vmem>> -> memref<128xi32, #tpu.memory_space<vmem>>
      %dma_start3A_1039 = arith.constant 0 : i32
      %dma_start3A_1040 = arith.constant 0 : i32
      %dma_start3A_1041 = tpu.memref_slice %arg2[%dma_start3A_1039, %dma_start3A_1040] : memref<10240x128xf32, #tpu.memory_space<hbm>> -> memref<10240x128xf32, #tpu.memory_space<hbm>>
      tpu.enqueue_indirect_dma source(%dma_start3A_1041 : memref<10240x128xf32, #tpu.memory_space<hbm>>) target(%arg11 : memref<128x128xf32, #tpu.memory_space<vmem>>) offsets(%dma_start3A_1038 : memref<128xi32, #tpu.memory_space<vmem>>) semaphore(%arg15 : memref<!tpu.dma_semaphore, #tpu.memory_space<semaphore_mem>>)
    }
    %scan3A_373 = arith.constant 18 : i32
    %dma_wait3A_374 = arith.constant 0 : i32
    %dma_wait3A_375 = arith.constant 0 : i32
    %dma_wait3A_376 = tpu.memref_slice %arg2[%dma_wait3A_374, %dma_wait3A_375] : memref<10240x128xf32, #tpu.memory_space<hbm>> -> memref<128x128xf32, #tpu.memory_space<hbm>>
    %dma_wait3A_377 = arith.constant 0 : i32
    %dma_wait3A_378 = arith.constant 0 : i32
    %dma_wait3A_379 = tpu.memref_slice %arg2[%dma_wait3A_377, %dma_wait3A_378] : memref<10240x128xf32, #tpu.memory_space<hbm>> -> memref<128x128xf32, #tpu.memory_space<hbm>>
    tpu.wait_dma2 semaphore(%arg15 : memref<!tpu.dma_semaphore, #tpu.memory_space<semaphore_mem>>) src(%dma_wait3A_379 : memref<128x128xf32, #tpu.memory_space<hbm>>) dst(%arg11 : memref<128x128xf32, #tpu.memory_space<vmem>>)
    %dma_start3A_380 = arith.constant 1 : i32
    %dma_start3A_381 = arith.constant 0 : i32
    %dma_start3A_382 = tpu.memref_slice %arg7[%dma_start3A_380, %dma_start3A_381] : memref<2x128xi32, #tpu.memory_space<vmem>> -> memref<1x128xi32, #tpu.memory_space<vmem>>
    %dma_start3A_383 = tpu.memref_squeeze %dma_start3A_382 : memref<1x128xi32, #tpu.memory_space<vmem>> -> memref<128xi32, #tpu.memory_space<vmem>>
    %dma_start3A_384 = arith.constant 0 : i32
    %dma_start3A_385 = arith.constant 0 : i32
    %dma_start3A_386 = tpu.memref_slice %arg13[%dma_start3A_384, %dma_start3A_385] : memref<10240x128xf32, #tpu.memory_space<vmem_shared>> -> memref<10240x128xf32, #tpu.memory_space<vmem_shared>>
    tpu.enqueue_indirect_dma source(%arg11 : memref<128x128xf32, #tpu.memory_space<vmem>>) target(%dma_start3A_386 : memref<10240x128xf32, #tpu.memory_space<vmem_shared>>) offsets(%dma_start3A_383 : memref<128xi32, #tpu.memory_space<vmem>>) semaphore(%arg17 : memref<!tpu.dma_semaphore, #tpu.memory_space<semaphore_mem>>) {add = true}
    %get3A_387 = arith.constant 1 : i32
    %get3A_388 = arith.index_cast %get3A_387 : i32 to index
    %get3A_389 = arith.constant 0 : index
    %get3A_390 = tpu.vector_load %arg7[%get3A_388, %get3A_389] {strides = array<i32>} : memref<2x128xi32, #tpu.memory_space<vmem>>, vector<16xi32>,
    tpu.vector_store_idx %arg14[%get3A_390], %broadcast_in_dim3A_20 {add = true} : memref<10240xf32, #tpu.memory_space<vmem>>[vector<16xi32>], vector<16xf32>,
    %get3A_391 = arith.constant 1 : i32
    %get3A_392 = arith.index_cast %get3A_391 : i32 to index
    %get3A_393 = arith.constant 16 : index
    %get3A_394 = tpu.vector_load %arg7[%get3A_392, %get3A_393] {strides = array<i32>} : memref<2x128xi32, #tpu.memory_space<vmem>>, vector<16xi32>,
    tpu.vector_store_idx %arg14[%get3A_394], %broadcast_in_dim3A_20 {add = true} : memref<10240xf32, #tpu.memory_space<vmem>>[vector<16xi32>], vector<16xf32>,
    %get3A_395 = arith.constant 1 : i32
    %get3A_396 = arith.index_cast %get3A_395 : i32 to index
    %get3A_397 = arith.constant 32 : index
    %get3A_398 = tpu.vector_load %arg7[%get3A_396, %get3A_397] {strides = array<i32>} : memref<2x128xi32, #tpu.memory_space<vmem>>, vector<16xi32>,
    tpu.vector_store_idx %arg14[%get3A_398], %broadcast_in_dim3A_20 {add = true} : memref<10240xf32, #tpu.memory_space<vmem>>[vector<16xi32>], vector<16xf32>,
    %get3A_399 = arith.constant 1 : i32
    %get3A_400 = arith.index_cast %get3A_399 : i32 to index
    %get3A_401 = arith.constant 48 : index
    %get3A_402 = tpu.vector_load %arg7[%get3A_400, %get3A_401] {strides = array<i32>} : memref<2x128xi32, #tpu.memory_space<vmem>>, vector<16xi32>,
    tpu.vector_store_idx %arg14[%get3A_402], %broadcast_in_dim3A_20 {add = true} : memref<10240xf32, #tpu.memory_space<vmem>>[vector<16xi32>], vector<16xf32>,
    %get3A_403 = arith.constant 1 : i32
    %get3A_404 = arith.index_cast %get3A_403 : i32 to index
    %get3A_405 = arith.constant 64 : index
    %get3A_406 = tpu.vector_load %arg7[%get3A_404, %get3A_405] {strides = array<i32>} : memref<2x128xi32, #tpu.memory_space<vmem>>, vector<16xi32>,
    tpu.vector_store_idx %arg14[%get3A_406], %broadcast_in_dim3A_20 {add = true} : memref<10240xf32, #tpu.memory_space<vmem>>[vector<16xi32>], vector<16xf32>,
    %get3A_407 = arith.constant 1 : i32
    %get3A_408 = arith.index_cast %get3A_407 : i32 to index
    %get3A_409 = arith.constant 80 : index
    %get3A_410 = tpu.vector_load %arg7[%get3A_408, %get3A_409] {strides = array<i32>} : memref<2x128xi32, #tpu.memory_space<vmem>>, vector<16xi32>,
    tpu.vector_store_idx %arg14[%get3A_410], %broadcast_in_dim3A_20 {add = true} : memref<10240xf32, #tpu.memory_space<vmem>>[vector<16xi32>], vector<16xf32>,
    %get3A_411 = arith.constant 1 : i32
    %get3A_412 = arith.index_cast %get3A_411 : i32 to index
    %get3A_413 = arith.constant 96 : index
    %get3A_414 = tpu.vector_load %arg7[%get3A_412, %get3A_413] {strides = array<i32>} : memref<2x128xi32, #tpu.memory_space<vmem>>, vector<16xi32>,
    tpu.vector_store_idx %arg14[%get3A_414], %broadcast_in_dim3A_20 {add = true} : memref<10240xf32, #tpu.memory_space<vmem>>[vector<16xi32>], vector<16xf32>,
    %get3A_415 = arith.constant 1 : i32
    %get3A_416 = arith.index_cast %get3A_415 : i32 to index
    %get3A_417 = arith.constant 112 : index
    %get3A_418 = tpu.vector_load %arg7[%get3A_416, %get3A_417] {strides = array<i32>} : memref<2x128xi32, #tpu.memory_space<vmem>>, vector<16xi32>,
    tpu.vector_store_idx %arg14[%get3A_418], %broadcast_in_dim3A_20 {add = true} : memref<10240xf32, #tpu.memory_space<vmem>>[vector<16xi32>], vector<16xf32>,
    %dma_wait3A_419 = arith.constant 0 : i32
    %dma_wait3A_420 = arith.constant 0 : i32
    %dma_wait3A_421 = tpu.memref_slice %arg13[%dma_wait3A_419, %dma_wait3A_420] : memref<10240x128xf32, #tpu.memory_space<vmem_shared>> -> memref<128x128xf32, #tpu.memory_space<vmem_shared>>
    %dma_wait3A_422 = arith.constant 0 : i32
    %dma_wait3A_423 = arith.constant 0 : i32
    %dma_wait3A_424 = tpu.memref_slice %arg13[%dma_wait3A_422, %dma_wait3A_423] : memref<10240x128xf32, #tpu.memory_space<vmem_shared>> -> memref<128x128xf32, #tpu.memory_space<vmem_shared>>
    tpu.wait_dma2 semaphore(%arg18 : memref<!tpu.dma_semaphore, #tpu.memory_space<semaphore_mem>>) src(%arg12 : memref<128x128xf32, #tpu.memory_space<vmem>>) dst(%dma_wait3A_424 : memref<128x128xf32, #tpu.memory_space<vmem_shared>>)
    %add3A_425 = arith.constant 79 : i32
    %add3A_426 = arith.addi %mul3A_22, %add3A_425 : i32
    %dma_start3A_427 = arith.constant 0 : i32
    %dma_start3A_428 = arith.constant 0 : i32
    %dma_start3A_429 = tpu.memref_slice %arg3[%add3A_426, %dma_start3A_427, %dma_start3A_428] : memref<2560x2x128xi32, #tpu.memory_space<hbm>> -> memref<1x2x128xi32, #tpu.memory_space<hbm>>
    %dma_start3A_430 = tpu.memref_squeeze %dma_start3A_429 : memref<1x2x128xi32, #tpu.memory_space<hbm>> -> memref<2x128xi32, #tpu.memory_space<hbm>>
    %dma_start3A_431 = arith.constant 0 : i32
    %dma_start3A_432 = arith.constant 0 : i32
    %dma_start3A_433 = tpu.memref_slice %arg3[%add3A_426, %dma_start3A_431, %dma_start3A_432] : memref<2560x2x128xi32, #tpu.memory_space<hbm>> -> memref<1x2x128xi32, #tpu.memory_space<hbm>>
    %dma_start3A_434 = tpu.memref_squeeze %dma_start3A_433 : memref<1x2x128xi32, #tpu.memory_space<hbm>> -> memref<2x128xi32, #tpu.memory_space<hbm>>
    tpu.enqueue_dma source(%dma_start3A_434 : memref<2x128xi32, #tpu.memory_space<hbm>>) target(%arg10 : memref<2x128xi32, #tpu.memory_space<vmem>>) target_semaphore(%arg22 : memref<!tpu.dma_semaphore, #tpu.memory_space<semaphore_mem>>)
    %dma_wait3A_435 = arith.constant 0 : i32
    %dma_wait3A_436 = arith.constant 0 : i32
    %dma_wait3A_437 = arith.constant 0 : i32
    %dma_wait3A_438 = tpu.memref_slice %arg3[%dma_wait3A_435, %dma_wait3A_436, %dma_wait3A_437] : memref<2560x2x128xi32, #tpu.memory_space<hbm>> -> memref<1x2x128xi32, #tpu.memory_space<hbm>>
    %dma_wait3A_439 = tpu.memref_squeeze %dma_wait3A_438 : memref<1x2x128xi32, #tpu.memory_space<hbm>> -> memref<2x128xi32, #tpu.memory_space<hbm>>
    %dma_wait3A_440 = arith.constant 0 : i32
    %dma_wait3A_441 = arith.constant 0 : i32
    %dma_wait3A_442 = tpu.memref_slice %arg3[%dma_wait3A_435, %dma_wait3A_440, %dma_wait3A_441] : memref<2560x2x128xi32, #tpu.memory_space<hbm>> -> memref<1x2x128xi32, #tpu.memory_space<hbm>>
    %dma_wait3A_443 = tpu.memref_squeeze %dma_wait3A_442 : memref<1x2x128xi32, #tpu.memory_space<hbm>> -> memref<2x128xi32, #tpu.memory_space<hbm>>
    tpu.wait_dma2 semaphore(%arg20 : memref<!tpu.dma_semaphore, #tpu.memory_space<semaphore_mem>>) src(%dma_wait3A_443 : memref<2x128xi32, #tpu.memory_space<hbm>>) dst(%arg8 : memref<2x128xi32, #tpu.memory_space<vmem>>)
    %dma_start3A_444 = arith.constant 0 : i32
    %dma_start3A_445 = arith.constant 0 : i32
    %dma_start3A_446 = tpu.memref_slice %arg8[%dma_start3A_444, %dma_start3A_445] : memref<2x128xi32, #tpu.memory_space<vmem>> -> memref<1x128xi32, #tpu.memory_space<vmem>>
    %dma_start3A_447 = tpu.memref_squeeze %dma_start3A_446 : memref<1x128xi32, #tpu.memory_space<vmem>> -> memref<128xi32, #tpu.memory_space<vmem>>
    %dma_start3A_448 = arith.constant 0 : i32
    %dma_start3A_449 = arith.constant 0 : i32
    %dma_start3A_450 = tpu.memref_slice %arg2[%dma_start3A_448, %dma_start3A_449] : memref<10240x128xf32, #tpu.memory_space<hbm>> -> memref<10240x128xf32, #tpu.memory_space<hbm>>
    tpu.enqueue_indirect_dma source(%dma_start3A_450 : memref<10240x128xf32, #tpu.memory_space<hbm>>) target(%arg12 : memref<128x128xf32, #tpu.memory_space<vmem>>) offsets(%dma_start3A_447 : memref<128xi32, #tpu.memory_space<vmem>>) semaphore(%arg16 : memref<!tpu.dma_semaphore, #tpu.memory_space<semaphore_mem>>)
    %dma_wait3A_451 = arith.constant 0 : i32
    %dma_wait3A_452 = arith.constant 0 : i32
    %dma_wait3A_453 = tpu.memref_slice %arg2[%dma_wait3A_451, %dma_wait3A_452] : memref<10240x128xf32, #tpu.memory_space<hbm>> -> memref<128x128xf32, #tpu.memory_space<hbm>>
    %dma_wait3A_454 = arith.constant 0 : i32
    %dma_wait3A_455 = arith.constant 0 : i32
    %dma_wait3A_456 = tpu.memref_slice %arg2[%dma_wait3A_454, %dma_wait3A_455] : memref<10240x128xf32, #tpu.memory_space<hbm>> -> memref<128x128xf32, #tpu.memory_space<hbm>>
    tpu.wait_dma2 semaphore(%arg16 : memref<!tpu.dma_semaphore, #tpu.memory_space<semaphore_mem>>) src(%dma_wait3A_456 : memref<128x128xf32, #tpu.memory_space<hbm>>) dst(%arg12 : memref<128x128xf32, #tpu.memory_space<vmem>>)
    %dma_start3A_457 = arith.constant 1 : i32
    %dma_start3A_458 = arith.constant 0 : i32
    %dma_start3A_459 = tpu.memref_slice %arg8[%dma_start3A_457, %dma_start3A_458] : memref<2x128xi32, #tpu.memory_space<vmem>> -> memref<1x128xi32, #tpu.memory_space<vmem>>
    %dma_start3A_460 = tpu.memref_squeeze %dma_start3A_459 : memref<1x128xi32, #tpu.memory_space<vmem>> -> memref<128xi32, #tpu.memory_space<vmem>>
    %dma_start3A_461 = arith.constant 0 : i32
    %dma_start3A_462 = arith.constant 0 : i32
    %dma_start3A_463 = tpu.memref_slice %arg13[%dma_start3A_461, %dma_start3A_462] : memref<10240x128xf32, #tpu.memory_space<vmem_shared>> -> memref<10240x128xf32, #tpu.memory_space<vmem_shared>>
    tpu.enqueue_indirect_dma source(%arg12 : memref<128x128xf32, #tpu.memory_space<vmem>>) target(%dma_start3A_463 : memref<10240x128xf32, #tpu.memory_space<vmem_shared>>) offsets(%dma_start3A_460 : memref<128xi32, #tpu.memory_space<vmem>>) semaphore(%arg18 : memref<!tpu.dma_semaphore, #tpu.memory_space<semaphore_mem>>) {add = true}
    %get3A_464 = arith.constant 1 : i32
    %get3A_465 = arith.index_cast %get3A_464 : i32 to index
    %get3A_466 = arith.constant 0 : index
    %get3A_467 = tpu.vector_load %arg8[%get3A_465, %get3A_466] {strides = array<i32>} : memref<2x128xi32, #tpu.memory_space<vmem>>, vector<16xi32>,
    tpu.vector_store_idx %arg14[%get3A_467], %broadcast_in_dim3A_20 {add = true} : memref<10240xf32, #tpu.memory_space<vmem>>[vector<16xi32>], vector<16xf32>,
    %get3A_468 = arith.constant 1 : i32
    %get3A_469 = arith.index_cast %get3A_468 : i32 to index
    %get3A_470 = arith.constant 16 : index
    %get3A_471 = tpu.vector_load %arg8[%get3A_469, %get3A_470] {strides = array<i32>} : memref<2x128xi32, #tpu.memory_space<vmem>>, vector<16xi32>,
    tpu.vector_store_idx %arg14[%get3A_471], %broadcast_in_dim3A_20 {add = true} : memref<10240xf32, #tpu.memory_space<vmem>>[vector<16xi32>], vector<16xf32>,
    %get3A_472 = arith.constant 1 : i32
    %get3A_473 = arith.index_cast %get3A_472 : i32 to index
    %get3A_474 = arith.constant 32 : index
    %get3A_475 = tpu.vector_load %arg8[%get3A_473, %get3A_474] {strides = array<i32>} : memref<2x128xi32, #tpu.memory_space<vmem>>, vector<16xi32>,
    tpu.vector_store_idx %arg14[%get3A_475], %broadcast_in_dim3A_20 {add = true} : memref<10240xf32, #tpu.memory_space<vmem>>[vector<16xi32>], vector<16xf32>,
    %get3A_476 = arith.constant 1 : i32
    %get3A_477 = arith.index_cast %get3A_476 : i32 to index
    %get3A_478 = arith.constant 48 : index
    %get3A_479 = tpu.vector_load %arg8[%get3A_477, %get3A_478] {strides = array<i32>} : memref<2x128xi32, #tpu.memory_space<vmem>>, vector<16xi32>,
    tpu.vector_store_idx %arg14[%get3A_479], %broadcast_in_dim3A_20 {add = true} : memref<10240xf32, #tpu.memory_space<vmem>>[vector<16xi32>], vector<16xf32>,
    %get3A_480 = arith.constant 1 : i32
    %get3A_481 = arith.index_cast %get3A_480 : i32 to index
    %get3A_482 = arith.constant 64 : index
    %get3A_483 = tpu.vector_load %arg8[%get3A_481, %get3A_482] {strides = array<i32>} : memref<2x128xi32, #tpu.memory_space<vmem>>, vector<16xi32>,
    tpu.vector_store_idx %arg14[%get3A_483], %broadcast_in_dim3A_20 {add = true} : memref<10240xf32, #tpu.memory_space<vmem>>[vector<16xi32>], vector<16xf32>,
    %get3A_484 = arith.constant 1 : i32
    %get3A_485 = arith.index_cast %get3A_484 : i32 to index
    %get3A_486 = arith.constant 80 : index
    %get3A_487 = tpu.vector_load %arg8[%get3A_485, %get3A_486] {strides = array<i32>} : memref<2x128xi32, #tpu.memory_space<vmem>>, vector<16xi32>,
    tpu.vector_store_idx %arg14[%get3A_487], %broadcast_in_dim3A_20 {add = true} : memref<10240xf32, #tpu.memory_space<vmem>>[vector<16xi32>], vector<16xf32>,
    %get3A_488 = arith.constant 1 : i32
    %get3A_489 = arith.index_cast %get3A_488 : i32 to index
    %get3A_490 = arith.constant 96 : index
    %get3A_491 = tpu.vector_load %arg8[%get3A_489, %get3A_490] {strides = array<i32>} : memref<2x128xi32, #tpu.memory_space<vmem>>, vector<16xi32>,
    tpu.vector_store_idx %arg14[%get3A_491], %broadcast_in_dim3A_20 {add = true} : memref<10240xf32, #tpu.memory_space<vmem>>[vector<16xi32>], vector<16xf32>,
    %get3A_492 = arith.constant 1 : i32
    %get3A_493 = arith.index_cast %get3A_492 : i32 to index
    %get3A_494 = arith.constant 112 : index
    %get3A_495 = tpu.vector_load %arg8[%get3A_493, %get3A_494] {strides = array<i32>} : memref<2x128xi32, #tpu.memory_space<vmem>>, vector<16xi32>,
    tpu.vector_store_idx %arg14[%get3A_495], %broadcast_in_dim3A_20 {add = true} : memref<10240xf32, #tpu.memory_space<vmem>>[vector<16xi32>], vector<16xf32>,
    %dma_wait3A_496 = arith.constant 0 : i32
    %dma_wait3A_497 = arith.constant 0 : i32
    %dma_wait3A_498 = tpu.memref_slice %arg13[%dma_wait3A_496, %dma_wait3A_497] : memref<10240x128xf32, #tpu.memory_space<vmem_shared>> -> memref<128x128xf32, #tpu.memory_space<vmem_shared>>
    %dma_wait3A_499 = arith.constant 0 : i32
    %dma_wait3A_500 = arith.constant 0 : i32
    %dma_wait3A_501 = tpu.memref_slice %arg13[%dma_wait3A_499, %dma_wait3A_500] : memref<10240x128xf32, #tpu.memory_space<vmem_shared>> -> memref<128x128xf32, #tpu.memory_space<vmem_shared>>
    tpu.wait_dma2 semaphore(%arg17 : memref<!tpu.dma_semaphore, #tpu.memory_space<semaphore_mem>>) src(%arg11 : memref<128x128xf32, #tpu.memory_space<vmem>>) dst(%dma_wait3A_501 : memref<128x128xf32, #tpu.memory_space<vmem_shared>>)
    %dma_wait3A_502 = arith.constant 0 : i32
    %dma_wait3A_503 = arith.constant 0 : i32
    %dma_wait3A_504 = arith.constant 0 : i32
    %dma_wait3A_505 = tpu.memref_slice %arg3[%dma_wait3A_502, %dma_wait3A_503, %dma_wait3A_504] : memref<2560x2x128xi32, #tpu.memory_space<hbm>> -> memref<1x2x128xi32, #tpu.memory_space<hbm>>
    %dma_wait3A_506 = tpu.memref_squeeze %dma_wait3A_505 : memref<1x2x128xi32, #tpu.memory_space<hbm>> -> memref<2x128xi32, #tpu.memory_space<hbm>>
    %dma_wait3A_507 = arith.constant 0 : i32
    %dma_wait3A_508 = arith.constant 0 : i32
    %dma_wait3A_509 = tpu.memref_slice %arg3[%dma_wait3A_502, %dma_wait3A_507, %dma_wait3A_508] : memref<2560x2x128xi32, #tpu.memory_space<hbm>> -> memref<1x2x128xi32, #tpu.memory_space<hbm>>
    %dma_wait3A_510 = tpu.memref_squeeze %dma_wait3A_509 : memref<1x2x128xi32, #tpu.memory_space<hbm>> -> memref<2x128xi32, #tpu.memory_space<hbm>>
    tpu.wait_dma2 semaphore(%arg21 : memref<!tpu.dma_semaphore, #tpu.memory_space<semaphore_mem>>) src(%dma_wait3A_510 : memref<2x128xi32, #tpu.memory_space<hbm>>) dst(%arg9 : memref<2x128xi32, #tpu.memory_space<vmem>>)
    %dma_start3A_511 = arith.constant 0 : i32
    %dma_start3A_512 = arith.constant 0 : i32
    %dma_start3A_513 = tpu.memref_slice %arg9[%dma_start3A_511, %dma_start3A_512] : memref<2x128xi32, #tpu.memory_space<vmem>> -> memref<1x128xi32, #tpu.memory_space<vmem>>
    %dma_start3A_514 = tpu.memref_squeeze %dma_start3A_513 : memref<1x128xi32, #tpu.memory_space<vmem>> -> memref<128xi32, #tpu.memory_space<vmem>>
    %dma_start3A_515 = arith.constant 0 : i32
    %dma_start3A_516 = arith.constant 0 : i32
    %dma_start3A_517 = tpu.memref_slice %arg2[%dma_start3A_515, %dma_start3A_516] : memref<10240x128xf32, #tpu.memory_space<hbm>> -> memref<10240x128xf32, #tpu.memory_space<hbm>>
    tpu.enqueue_indirect_dma source(%dma_start3A_517 : memref<10240x128xf32, #tpu.memory_space<hbm>>) target(%arg11 : memref<128x128xf32, #tpu.memory_space<vmem>>) offsets(%dma_start3A_514 : memref<128xi32, #tpu.memory_space<vmem>>) semaphore(%arg15 : memref<!tpu.dma_semaphore, #tpu.memory_space<semaphore_mem>>)
    %dma_wait3A_518 = arith.constant 0 : i32
    %dma_wait3A_519 = arith.constant 0 : i32
    %dma_wait3A_520 = tpu.memref_slice %arg2[%dma_wait3A_518, %dma_wait3A_519] : memref<10240x128xf32, #tpu.memory_space<hbm>> -> memref<128x128xf32, #tpu.memory_space<hbm>>
    %dma_wait3A_521 = arith.constant 0 : i32
    %dma_wait3A_522 = arith.constant 0 : i32
    %dma_wait3A_523 = tpu.memref_slice %arg2[%dma_wait3A_521, %dma_wait3A_522] : memref<10240x128xf32, #tpu.memory_space<hbm>> -> memref<128x128xf32, #tpu.memory_space<hbm>>
    tpu.wait_dma2 semaphore(%arg15 : memref<!tpu.dma_semaphore, #tpu.memory_space<semaphore_mem>>) src(%dma_wait3A_523 : memref<128x128xf32, #tpu.memory_space<hbm>>) dst(%arg11 : memref<128x128xf32, #tpu.memory_space<vmem>>)
    %dma_start3A_524 = arith.constant 1 : i32
    %dma_start3A_525 = arith.constant 0 : i32
    %dma_start3A_526 = tpu.memref_slice %arg9[%dma_start3A_524, %dma_start3A_525] : memref<2x128xi32, #tpu.memory_space<vmem>> -> memref<1x128xi32, #tpu.memory_space<vmem>>
    %dma_start3A_527 = tpu.memref_squeeze %dma_start3A_526 : memref<1x128xi32, #tpu.memory_space<vmem>> -> memref<128xi32, #tpu.memory_space<vmem>>
    %dma_start3A_528 = arith.constant 0 : i32
    %dma_start3A_529 = arith.constant 0 : i32
    %dma_start3A_530 = tpu.memref_slice %arg13[%dma_start3A_528, %dma_start3A_529] : memref<10240x128xf32, #tpu.memory_space<vmem_shared>> -> memref<10240x128xf32, #tpu.memory_space<vmem_shared>>
    tpu.enqueue_indirect_dma source(%arg11 : memref<128x128xf32, #tpu.memory_space<vmem>>) target(%dma_start3A_530 : memref<10240x128xf32, #tpu.memory_space<vmem_shared>>) offsets(%dma_start3A_527 : memref<128xi32, #tpu.memory_space<vmem>>) semaphore(%arg17 : memref<!tpu.dma_semaphore, #tpu.memory_space<semaphore_mem>>) {add = true}
    %get3A_531 = arith.constant 1 : i32
    %get3A_532 = arith.index_cast %get3A_531 : i32 to index
    %get3A_533 = arith.constant 0 : index
    %get3A_534 = tpu.vector_load %arg9[%get3A_532, %get3A_533] {strides = array<i32>} : memref<2x128xi32, #tpu.memory_space<vmem>>, vector<16xi32>,
    tpu.vector_store_idx %arg14[%get3A_534], %broadcast_in_dim3A_20 {add = true} : memref<10240xf32, #tpu.memory_space<vmem>>[vector<16xi32>], vector<16xf32>,
    %get3A_535 = arith.constant 1 : i32
    %get3A_536 = arith.index_cast %get3A_535 : i32 to index
    %get3A_537 = arith.constant 16 : index
    %get3A_538 = tpu.vector_load %arg9[%get3A_536, %get3A_537] {strides = array<i32>} : memref<2x128xi32, #tpu.memory_space<vmem>>, vector<16xi32>,
    tpu.vector_store_idx %arg14[%get3A_538], %broadcast_in_dim3A_20 {add = true} : memref<10240xf32, #tpu.memory_space<vmem>>[vector<16xi32>], vector<16xf32>,
    %get3A_539 = arith.constant 1 : i32
    %get3A_540 = arith.index_cast %get3A_539 : i32 to index
    %get3A_541 = arith.constant 32 : index
    %get3A_542 = tpu.vector_load %arg9[%get3A_540, %get3A_541] {strides = array<i32>} : memref<2x128xi32, #tpu.memory_space<vmem>>, vector<16xi32>,
    tpu.vector_store_idx %arg14[%get3A_542], %broadcast_in_dim3A_20 {add = true} : memref<10240xf32, #tpu.memory_space<vmem>>[vector<16xi32>], vector<16xf32>,
    %get3A_543 = arith.constant 1 : i32
    %get3A_544 = arith.index_cast %get3A_543 : i32 to index
    %get3A_545 = arith.constant 48 : index
    %get3A_546 = tpu.vector_load %arg9[%get3A_544, %get3A_545] {strides = array<i32>} : memref<2x128xi32, #tpu.memory_space<vmem>>, vector<16xi32>,
    tpu.vector_store_idx %arg14[%get3A_546], %broadcast_in_dim3A_20 {add = true} : memref<10240xf32, #tpu.memory_space<vmem>>[vector<16xi32>], vector<16xf32>,
    %get3A_547 = arith.constant 1 : i32
    %get3A_548 = arith.index_cast %get3A_547 : i32 to index
    %get3A_549 = arith.constant 64 : index
    %get3A_550 = tpu.vector_load %arg9[%get3A_548, %get3A_549] {strides = array<i32>} : memref<2x128xi32, #tpu.memory_space<vmem>>, vector<16xi32>,
    tpu.vector_store_idx %arg14[%get3A_550], %broadcast_in_dim3A_20 {add = true} : memref<10240xf32, #tpu.memory_space<vmem>>[vector<16xi32>], vector<16xf32>,
    %get3A_551 = arith.constant 1 : i32
    %get3A_552 = arith.index_cast %get3A_551 : i32 to index
    %get3A_553 = arith.constant 80 : index
    %get3A_554 = tpu.vector_load %arg9[%get3A_552, %get3A_553] {strides = array<i32>} : memref<2x128xi32, #tpu.memory_space<vmem>>, vector<16xi32>,
    tpu.vector_store_idx %arg14[%get3A_554], %broadcast_in_dim3A_20 {add = true} : memref<10240xf32, #tpu.memory_space<vmem>>[vector<16xi32>], vector<16xf32>,
    %get3A_555 = arith.constant 1 : i32
    %get3A_556 = arith.index_cast %get3A_555 : i32 to index
    %get3A_557 = arith.constant 96 : index
    %get3A_558 = tpu.vector_load %arg9[%get3A_556, %get3A_557] {strides = array<i32>} : memref<2x128xi32, #tpu.memory_space<vmem>>, vector<16xi32>,
    tpu.vector_store_idx %arg14[%get3A_558], %broadcast_in_dim3A_20 {add = true} : memref<10240xf32, #tpu.memory_space<vmem>>[vector<16xi32>], vector<16xf32>,
    %get3A_559 = arith.constant 1 : i32
    %get3A_560 = arith.index_cast %get3A_559 : i32 to index
    %get3A_561 = arith.constant 112 : index
    %get3A_562 = tpu.vector_load %arg9[%get3A_560, %get3A_561] {strides = array<i32>} : memref<2x128xi32, #tpu.memory_space<vmem>>, vector<16xi32>,
    tpu.vector_store_idx %arg14[%get3A_562], %broadcast_in_dim3A_20 {add = true} : memref<10240xf32, #tpu.memory_space<vmem>>[vector<16xi32>], vector<16xf32>,
    %dma_wait3A_563 = arith.constant 0 : i32
    %dma_wait3A_564 = arith.constant 0 : i32
    %dma_wait3A_565 = tpu.memref_slice %arg13[%dma_wait3A_563, %dma_wait3A_564] : memref<10240x128xf32, #tpu.memory_space<vmem_shared>> -> memref<128x128xf32, #tpu.memory_space<vmem_shared>>
    %dma_wait3A_566 = arith.constant 0 : i32
    %dma_wait3A_567 = arith.constant 0 : i32
    %dma_wait3A_568 = tpu.memref_slice %arg13[%dma_wait3A_566, %dma_wait3A_567] : memref<10240x128xf32, #tpu.memory_space<vmem_shared>> -> memref<128x128xf32, #tpu.memory_space<vmem_shared>>
    tpu.wait_dma2 semaphore(%arg18 : memref<!tpu.dma_semaphore, #tpu.memory_space<semaphore_mem>>) src(%arg12 : memref<128x128xf32, #tpu.memory_space<vmem>>) dst(%dma_wait3A_568 : memref<128x128xf32, #tpu.memory_space<vmem_shared>>)
    %dma_wait3A_569 = arith.constant 0 : i32
    %dma_wait3A_570 = arith.constant 0 : i32
    %dma_wait3A_571 = arith.constant 0 : i32
    %dma_wait3A_572 = tpu.memref_slice %arg3[%dma_wait3A_569, %dma_wait3A_570, %dma_wait3A_571] : memref<2560x2x128xi32, #tpu.memory_space<hbm>> -> memref<1x2x128xi32, #tpu.memory_space<hbm>>
    %dma_wait3A_573 = tpu.memref_squeeze %dma_wait3A_572 : memref<1x2x128xi32, #tpu.memory_space<hbm>> -> memref<2x128xi32, #tpu.memory_space<hbm>>
    %dma_wait3A_574 = arith.constant 0 : i32
    %dma_wait3A_575 = arith.constant 0 : i32
    %dma_wait3A_576 = tpu.memref_slice %arg3[%dma_wait3A_569, %dma_wait3A_574, %dma_wait3A_575] : memref<2560x2x128xi32, #tpu.memory_space<hbm>> -> memref<1x2x128xi32, #tpu.memory_space<hbm>>
    %dma_wait3A_577 = tpu.memref_squeeze %dma_wait3A_576 : memref<1x2x128xi32, #tpu.memory_space<hbm>> -> memref<2x128xi32, #tpu.memory_space<hbm>>
    tpu.wait_dma2 semaphore(%arg22 : memref<!tpu.dma_semaphore, #tpu.memory_space<semaphore_mem>>) src(%dma_wait3A_577 : memref<2x128xi32, #tpu.memory_space<hbm>>) dst(%arg10 : memref<2x128xi32, #tpu.memory_space<vmem>>)
    %dma_start3A_578 = arith.constant 0 : i32
    %dma_start3A_579 = arith.constant 0 : i32
    %dma_start3A_580 = tpu.memref_slice %arg10[%dma_start3A_578, %dma_start3A_579] : memref<2x128xi32, #tpu.memory_space<vmem>> -> memref<1x128xi32, #tpu.memory_space<vmem>>
    %dma_start3A_581 = tpu.memref_squeeze %dma_start3A_580 : memref<1x128xi32, #tpu.memory_space<vmem>> -> memref<128xi32, #tpu.memory_space<vmem>>
    %dma_start3A_582 = arith.constant 0 : i32
    %dma_start3A_583 = arith.constant 0 : i32
    %dma_start3A_584 = tpu.memref_slice %arg2[%dma_start3A_582, %dma_start3A_583] : memref<10240x128xf32, #tpu.memory_space<hbm>> -> memref<10240x128xf32, #tpu.memory_space<hbm>>
    tpu.enqueue_indirect_dma source(%dma_start3A_584 : memref<10240x128xf32, #tpu.memory_space<hbm>>) target(%arg12 : memref<128x128xf32, #tpu.memory_space<vmem>>) offsets(%dma_start3A_581 : memref<128xi32, #tpu.memory_space<vmem>>) semaphore(%arg16 : memref<!tpu.dma_semaphore, #tpu.memory_space<semaphore_mem>>)
    %dma_wait3A_585 = arith.constant 0 : i32
    %dma_wait3A_586 = arith.constant 0 : i32
    %dma_wait3A_587 = tpu.memref_slice %arg2[%dma_wait3A_585, %dma_wait3A_586] : memref<10240x128xf32, #tpu.memory_space<hbm>> -> memref<128x128xf32, #tpu.memory_space<hbm>>
    %dma_wait3A_588 = arith.constant 0 : i32
    %dma_wait3A_589 = arith.constant 0 : i32
    %dma_wait3A_590 = tpu.memref_slice %arg2[%dma_wait3A_588, %dma_wait3A_589] : memref<10240x128xf32, #tpu.memory_space<hbm>> -> memref<128x128xf32, #tpu.memory_space<hbm>>
    tpu.wait_dma2 semaphore(%arg16 : memref<!tpu.dma_semaphore, #tpu.memory_space<semaphore_mem>>) src(%dma_wait3A_590 : memref<128x128xf32, #tpu.memory_space<hbm>>) dst(%arg12 : memref<128x128xf32, #tpu.memory_space<vmem>>)
    %dma_start3A_591 = arith.constant 1 : i32
    %dma_start3A_592 = arith.constant 0 : i32
    %dma_start3A_593 = tpu.memref_slice %arg10[%dma_start3A_591, %dma_start3A_592] : memref<2x128xi32, #tpu.memory_space<vmem>> -> memref<1x128xi32, #tpu.memory_space<vmem>>
    %dma_start3A_594 = tpu.memref_squeeze %dma_start3A_593 : memref<1x128xi32, #tpu.memory_space<vmem>> -> memref<128xi32, #tpu.memory_space<vmem>>
    %dma_start3A_595 = arith.constant 0 : i32
    %dma_start3A_596 = arith.constant 0 : i32
    %dma_start3A_597 = tpu.memref_slice %arg13[%dma_start3A_595, %dma_start3A_596] : memref<10240x128xf32, #tpu.memory_space<vmem_shared>> -> memref<10240x128xf32, #tpu.memory_space<vmem_shared>>
    tpu.enqueue_indirect_dma source(%arg12 : memref<128x128xf32, #tpu.memory_space<vmem>>) target(%dma_start3A_597 : memref<10240x128xf32, #tpu.memory_space<vmem_shared>>) offsets(%dma_start3A_594 : memref<128xi32, #tpu.memory_space<vmem>>) semaphore(%arg18 : memref<!tpu.dma_semaphore, #tpu.memory_space<semaphore_mem>>) {add = true}
    %get3A_598 = arith.constant 1 : i32
    %get3A_599 = arith.index_cast %get3A_598 : i32 to index
    %get3A_600 = arith.constant 0 : index
    %get3A_601 = tpu.vector_load %arg10[%get3A_599, %get3A_600] {strides = array<i32>} : memref<2x128xi32, #tpu.memory_space<vmem>>, vector<16xi32>,
    tpu.vector_store_idx %arg14[%get3A_601], %broadcast_in_dim3A_20 {add = true} : memref<10240xf32, #tpu.memory_space<vmem>>[vector<16xi32>], vector<16xf32>,
    %get3A_602 = arith.constant 1 : i32
    %get3A_603 = arith.index_cast %get3A_602 : i32 to index
    %get3A_604 = arith.constant 16 : index
    %get3A_605 = tpu.vector_load %arg10[%get3A_603, %get3A_604] {strides = array<i32>} : memref<2x128xi32, #tpu.memory_space<vmem>>, vector<16xi32>,
    tpu.vector_store_idx %arg14[%get3A_605], %broadcast_in_dim3A_20 {add = true} : memref<10240xf32, #tpu.memory_space<vmem>>[vector<16xi32>], vector<16xf32>,
    %get3A_606 = arith.constant 1 : i32
    %get3A_607 = arith.index_cast %get3A_606 : i32 to index
    %get3A_608 = arith.constant 32 : index
    %get3A_609 = tpu.vector_load %arg10[%get3A_607, %get3A_608] {strides = array<i32>} : memref<2x128xi32, #tpu.memory_space<vmem>>, vector<16xi32>,
    tpu.vector_store_idx %arg14[%get3A_609], %broadcast_in_dim3A_20 {add = true} : memref<10240xf32, #tpu.memory_space<vmem>>[vector<16xi32>], vector<16xf32>,
    %get3A_610 = arith.constant 1 : i32
    %get3A_611 = arith.index_cast %get3A_610 : i32 to index
    %get3A_612 = arith.constant 48 : index
    %get3A_613 = tpu.vector_load %arg10[%get3A_611, %get3A_612] {strides = array<i32>} : memref<2x128xi32, #tpu.memory_space<vmem>>, vector<16xi32>,
    tpu.vector_store_idx %arg14[%get3A_613], %broadcast_in_dim3A_20 {add = true} : memref<10240xf32, #tpu.memory_space<vmem>>[vector<16xi32>], vector<16xf32>,
    %get3A_614 = arith.constant 1 : i32
    %get3A_615 = arith.index_cast %get3A_614 : i32 to index
    %get3A_616 = arith.constant 64 : index
    %get3A_617 = tpu.vector_load %arg10[%get3A_615, %get3A_616] {strides = array<i32>} : memref<2x128xi32, #tpu.memory_space<vmem>>, vector<16xi32>,
    tpu.vector_store_idx %arg14[%get3A_617], %broadcast_in_dim3A_20 {add = true} : memref<10240xf32, #tpu.memory_space<vmem>>[vector<16xi32>], vector<16xf32>,
    %get3A_618 = arith.constant 1 : i32
    %get3A_619 = arith.index_cast %get3A_618 : i32 to index
    %get3A_620 = arith.constant 80 : index
    %get3A_621 = tpu.vector_load %arg10[%get3A_619, %get3A_620] {strides = array<i32>} : memref<2x128xi32, #tpu.memory_space<vmem>>, vector<16xi32>,
    tpu.vector_store_idx %arg14[%get3A_621], %broadcast_in_dim3A_20 {add = true} : memref<10240xf32, #tpu.memory_space<vmem>>[vector<16xi32>], vector<16xf32>,
    %get3A_622 = arith.constant 1 : i32
    %get3A_623 = arith.index_cast %get3A_622 : i32 to index
    %get3A_624 = arith.constant 96 : index
    %get3A_625 = tpu.vector_load %arg10[%get3A_623, %get3A_624] {strides = array<i32>} : memref<2x128xi32, #tpu.memory_space<vmem>>, vector<16xi32>,
    tpu.vector_store_idx %arg14[%get3A_625], %broadcast_in_dim3A_20 {add = true} : memref<10240xf32, #tpu.memory_space<vmem>>[vector<16xi32>], vector<16xf32>,
    %get3A_626 = arith.constant 1 : i32
    %get3A_627 = arith.index_cast %get3A_626 : i32 to index
    %get3A_628 = arith.constant 112 : index
    %get3A_629 = tpu.vector_load %arg10[%get3A_627, %get3A_628] {strides = array<i32>} : memref<2x128xi32, #tpu.memory_space<vmem>>, vector<16xi32>,
    tpu.vector_store_idx %arg14[%get3A_629], %broadcast_in_dim3A_20 {add = true} : memref<10240xf32, #tpu.memory_space<vmem>>[vector<16xi32>], vector<16xf32>,
    %dma_wait3A_630 = arith.constant 0 : i32
    %dma_wait3A_631 = arith.constant 0 : i32
    %dma_wait3A_632 = tpu.memref_slice %arg13[%dma_wait3A_630, %dma_wait3A_631] : memref<10240x128xf32, #tpu.memory_space<vmem_shared>> -> memref<128x128xf32, #tpu.memory_space<vmem_shared>>
    %dma_wait3A_633 = arith.constant 0 : i32
    %dma_wait3A_634 = arith.constant 0 : i32
    %dma_wait3A_635 = tpu.memref_slice %arg13[%dma_wait3A_633, %dma_wait3A_634] : memref<10240x128xf32, #tpu.memory_space<vmem_shared>> -> memref<128x128xf32, #tpu.memory_space<vmem_shared>>
    tpu.wait_dma2 semaphore(%arg17 : memref<!tpu.dma_semaphore, #tpu.memory_space<semaphore_mem>>) src(%arg11 : memref<128x128xf32, #tpu.memory_space<vmem>>) dst(%dma_wait3A_635 : memref<128x128xf32, #tpu.memory_space<vmem_shared>>)
    %dma_wait3A_636 = arith.constant 0 : i32
    %dma_wait3A_637 = arith.constant 0 : i32
    %dma_wait3A_638 = tpu.memref_slice %arg13[%dma_wait3A_636, %dma_wait3A_637] : memref<10240x128xf32, #tpu.memory_space<vmem_shared>> -> memref<128x128xf32, #tpu.memory_space<vmem_shared>>
    %dma_wait3A_639 = arith.constant 0 : i32
    %dma_wait3A_640 = arith.constant 0 : i32
    %dma_wait3A_641 = tpu.memref_slice %arg13[%dma_wait3A_639, %dma_wait3A_640] : memref<10240x128xf32, #tpu.memory_space<vmem_shared>> -> memref<128x128xf32, #tpu.memory_space<vmem_shared>>
    tpu.wait_dma2 semaphore(%arg18 : memref<!tpu.dma_semaphore, #tpu.memory_space<semaphore_mem>>) src(%arg12 : memref<128x128xf32, #tpu.memory_space<vmem>>) dst(%dma_wait3A_641 : memref<128x128xf32, #tpu.memory_space<vmem_shared>>)
    %barrier3A_642 = arith.constant 0 : index
    tpu.barrier barrier_id(%barrier3A_642)
    %add3A_643 = arith.constant 0 : i32
    %add3A_644 = arith.addi %mul3A_0, %add3A_643 : i32
    "tpu.region"() ({
      %run_scoped3A = tpu.sem_alloc : memref<!tpu.dma_semaphore, #tpu.memory_space<semaphore_mem>>
      %dma_start3A_713 = arith.constant 0 : i32
      %dma_start3A_714 = tpu.memref_slice %arg13[%add3A_644, %dma_start3A_713] : memref<10240x128xf32, #tpu.memory_space<vmem_shared>> -> memref<128x128xf32, #tpu.memory_space<vmem_shared>>
      %dma_start3A_715 = arith.constant 0 : i32
      %dma_start3A_716 = tpu.memref_slice %arg13[%add3A_644, %dma_start3A_715] : memref<10240x128xf32, #tpu.memory_space<vmem_shared>> -> memref<128x128xf32, #tpu.memory_space<vmem_shared>>
      tpu.enqueue_dma source(%dma_start3A_716 : memref<128x128xf32, #tpu.memory_space<vmem_shared>>) target(%arg11 : memref<128x128xf32, #tpu.memory_space<vmem>>) target_semaphore(%run_scoped3A : memref<!tpu.dma_semaphore, #tpu.memory_space<semaphore_mem>>)
      %dma_wait3A_717 = arith.constant 0 : i32
      %dma_wait3A_718 = tpu.memref_slice %arg13[%add3A_644, %dma_wait3A_717] : memref<10240x128xf32, #tpu.memory_space<vmem_shared>> -> memref<128x128xf32, #tpu.memory_space<vmem_shared>>
      %dma_wait3A_719 = arith.constant 0 : i32
      %dma_wait3A_720 = tpu.memref_slice %arg13[%add3A_644, %dma_wait3A_719] : memref<10240x128xf32, #tpu.memory_space<vmem_shared>> -> memref<128x128xf32, #tpu.memory_space<vmem_shared>>
      tpu.wait_dma2 semaphore(%run_scoped3A : memref<!tpu.dma_semaphore, #tpu.memory_space<semaphore_mem>>) src(%dma_wait3A_720 : memref<128x128xf32, #tpu.memory_space<vmem_shared>>) dst(%arg11 : memref<128x128xf32, #tpu.memory_space<vmem>>)
      tpu.yield
    }) : () -> ()
    %dma_start3A_645 = arith.constant 0 : i32
    %dma_start3A_646 = tpu.memref_slice %arg5[%arg0, %add3A_644, %dma_start3A_645] : memref<2x10240x128xf32, #tpu.memory_space<hbm>> -> memref<1x128x128xf32, #tpu.memory_space<hbm>>
    %dma_start3A_647 = tpu.memref_squeeze %dma_start3A_646 : memref<1x128x128xf32, #tpu.memory_space<hbm>> -> memref<128x128xf32, #tpu.memory_space<hbm>>
    %dma_start3A_648 = arith.constant 0 : i32
    %dma_start3A_649 = tpu.memref_slice %arg5[%arg0, %add3A_644, %dma_start3A_648] : memref<2x10240x128xf32, #tpu.memory_space<hbm>> -> memref<1x128x128xf32, #tpu.memory_space<hbm>>
    %dma_start3A_650 = tpu.memref_squeeze %dma_start3A_649 : memref<1x128x128xf32, #tpu.memory_space<hbm>> -> memref<128x128xf32, #tpu.memory_space<hbm>>
    tpu.enqueue_dma source(%arg11 : memref<128x128xf32, #tpu.memory_space<vmem>>) target(%dma_start3A_650 : memref<128x128xf32, #tpu.memory_space<hbm>>) target_semaphore(%arg17 : memref<!tpu.dma_semaphore, #tpu.memory_space<semaphore_mem>>)
    %add3A_651 = arith.constant 128 : i32
    %add3A_652 = arith.addi %mul3A_0, %add3A_651 : i32
    "tpu.region"() ({
      %run_scoped3A = tpu.sem_alloc : memref<!tpu.dma_semaphore, #tpu.memory_space<semaphore_mem>>
      %dma_start3A_713 = arith.constant 0 : i32
      %dma_start3A_714 = tpu.memref_slice %arg13[%add3A_652, %dma_start3A_713] : memref<10240x128xf32, #tpu.memory_space<vmem_shared>> -> memref<128x128xf32, #tpu.memory_space<vmem_shared>>
      %dma_start3A_715 = arith.constant 0 : i32
      %dma_start3A_716 = tpu.memref_slice %arg13[%add3A_652, %dma_start3A_715] : memref<10240x128xf32, #tpu.memory_space<vmem_shared>> -> memref<128x128xf32, #tpu.memory_space<vmem_shared>>
      tpu.enqueue_dma source(%dma_start3A_716 : memref<128x128xf32, #tpu.memory_space<vmem_shared>>) target(%arg12 : memref<128x128xf32, #tpu.memory_space<vmem>>) target_semaphore(%run_scoped3A : memref<!tpu.dma_semaphore, #tpu.memory_space<semaphore_mem>>)
      %dma_wait3A_717 = arith.constant 0 : i32
      %dma_wait3A_718 = tpu.memref_slice %arg13[%add3A_652, %dma_wait3A_717] : memref<10240x128xf32, #tpu.memory_space<vmem_shared>> -> memref<128x128xf32, #tpu.memory_space<vmem_shared>>
      %dma_wait3A_719 = arith.constant 0 : i32
      %dma_wait3A_720 = tpu.memref_slice %arg13[%add3A_652, %dma_wait3A_719] : memref<10240x128xf32, #tpu.memory_space<vmem_shared>> -> memref<128x128xf32, #tpu.memory_space<vmem_shared>>
      tpu.wait_dma2 semaphore(%run_scoped3A : memref<!tpu.dma_semaphore, #tpu.memory_space<semaphore_mem>>) src(%dma_wait3A_720 : memref<128x128xf32, #tpu.memory_space<vmem_shared>>) dst(%arg12 : memref<128x128xf32, #tpu.memory_space<vmem>>)
      tpu.yield
    }) : () -> ()
    %dma_start3A_653 = arith.constant 0 : i32
    %dma_start3A_654 = tpu.memref_slice %arg5[%arg0, %add3A_652, %dma_start3A_653] : memref<2x10240x128xf32, #tpu.memory_space<hbm>> -> memref<1x128x128xf32, #tpu.memory_space<hbm>>
    %dma_start3A_655 = tpu.memref_squeeze %dma_start3A_654 : memref<1x128x128xf32, #tpu.memory_space<hbm>> -> memref<128x128xf32, #tpu.memory_space<hbm>>
    %dma_start3A_656 = arith.constant 0 : i32
    %dma_start3A_657 = tpu.memref_slice %arg5[%arg0, %add3A_652, %dma_start3A_656] : memref<2x10240x128xf32, #tpu.memory_space<hbm>> -> memref<1x128x128xf32, #tpu.memory_space<hbm>>
    %dma_start3A_658 = tpu.memref_squeeze %dma_start3A_657 : memref<1x128x128xf32, #tpu.memory_space<hbm>> -> memref<128x128xf32, #tpu.memory_space<hbm>>
    tpu.enqueue_dma source(%arg12 : memref<128x128xf32, #tpu.memory_space<vmem>>) target(%dma_start3A_658 : memref<128x128xf32, #tpu.memory_space<hbm>>) target_semaphore(%arg18 : memref<!tpu.dma_semaphore, #tpu.memory_space<semaphore_mem>>)
    %add3A_659 = arith.constant 256 : i32
    %add3A_660 = arith.addi %mul3A_0, %add3A_659 : i32
    %dma_wait3A_661 = arith.constant 0 : i32
    %dma_wait3A_662 = tpu.memref_slice %arg5[%arg0, %mul3A_0, %dma_wait3A_661] : memref<2x10240x128xf32, #tpu.memory_space<hbm>> -> memref<1x128x128xf32, #tpu.memory_space<hbm>>
    %dma_wait3A_663 = tpu.memref_squeeze %dma_wait3A_662 : memref<1x128x128xf32, #tpu.memory_space<hbm>> -> memref<128x128xf32, #tpu.memory_space<hbm>>
    %dma_wait3A_664 = arith.constant 0 : i32
    %dma_wait3A_665 = tpu.memref_slice %arg5[%arg0, %mul3A_0, %dma_wait3A_664] : memref<2x10240x128xf32, #tpu.memory_space<hbm>> -> memref<1x128x128xf32, #tpu.memory_space<hbm>>
    %dma_wait3A_666 = tpu.memref_squeeze %dma_wait3A_665 : memref<1x128x128xf32, #tpu.memory_space<hbm>> -> memref<128x128xf32, #tpu.memory_space<hbm>>
    tpu.wait_dma2 semaphore(%arg17 : memref<!tpu.dma_semaphore, #tpu.memory_space<semaphore_mem>>) src(%arg11 : memref<128x128xf32, #tpu.memory_space<vmem>>) dst(%dma_wait3A_666 : memref<128x128xf32, #tpu.memory_space<hbm>>)
    "tpu.region"() ({
      %run_scoped3A = tpu.sem_alloc : memref<!tpu.dma_semaphore, #tpu.memory_space<semaphore_mem>>
      %dma_start3A_713 = arith.constant 0 : i32
      %dma_start3A_714 = tpu.memref_slice %arg13[%add3A_660, %dma_start3A_713] : memref<10240x128xf32, #tpu.memory_space<vmem_shared>> -> memref<128x128xf32, #tpu.memory_space<vmem_shared>>
      %dma_start3A_715 = arith.constant 0 : i32
      %dma_start3A_716 = tpu.memref_slice %arg13[%add3A_660, %dma_start3A_715] : memref<10240x128xf32, #tpu.memory_space<vmem_shared>> -> memref<128x128xf32, #tpu.memory_space<vmem_shared>>
      tpu.enqueue_dma source(%dma_start3A_716 : memref<128x128xf32, #tpu.memory_space<vmem_shared>>) target(%arg11 : memref<128x128xf32, #tpu.memory_space<vmem>>) target_semaphore(%run_scoped3A : memref<!tpu.dma_semaphore, #tpu.memory_space<semaphore_mem>>)
      %dma_wait3A_717 = arith.constant 0 : i32
      %dma_wait3A_718 = tpu.memref_slice %arg13[%add3A_660, %dma_wait3A_717] : memref<10240x128xf32, #tpu.memory_space<vmem_shared>> -> memref<128x128xf32, #tpu.memory_space<vmem_shared>>
      %dma_wait3A_719 = arith.constant 0 : i32
      %dma_wait3A_720 = tpu.memref_slice %arg13[%add3A_660, %dma_wait3A_719] : memref<10240x128xf32, #tpu.memory_space<vmem_shared>> -> memref<128x128xf32, #tpu.memory_space<vmem_shared>>
      tpu.wait_dma2 semaphore(%run_scoped3A : memref<!tpu.dma_semaphore, #tpu.memory_space<semaphore_mem>>) src(%dma_wait3A_720 : memref<128x128xf32, #tpu.memory_space<vmem_shared>>) dst(%arg11 : memref<128x128xf32, #tpu.memory_space<vmem>>)
      tpu.yield
    }) : () -> ()
    %dma_start3A_667 = arith.constant 0 : i32
    %dma_start3A_668 = tpu.memref_slice %arg5[%arg0, %add3A_660, %dma_start3A_667] : memref<2x10240x128xf32, #tpu.memory_space<hbm>> -> memref<1x128x128xf32, #tpu.memory_space<hbm>>
    %dma_start3A_669 = tpu.memref_squeeze %dma_start3A_668 : memref<1x128x128xf32, #tpu.memory_space<hbm>> -> memref<128x128xf32, #tpu.memory_space<hbm>>
    %dma_start3A_670 = arith.constant 0 : i32
    %dma_start3A_671 = tpu.memref_slice %arg5[%arg0, %add3A_660, %dma_start3A_670] : memref<2x10240x128xf32, #tpu.memory_space<hbm>> -> memref<1x128x128xf32, #tpu.memory_space<hbm>>
    %dma_start3A_672 = tpu.memref_squeeze %dma_start3A_671 : memref<1x128x128xf32, #tpu.memory_space<hbm>> -> memref<128x128xf32, #tpu.memory_space<hbm>>
    tpu.enqueue_dma source(%arg11 : memref<128x128xf32, #tpu.memory_space<vmem>>) target(%dma_start3A_672 : memref<128x128xf32, #tpu.memory_space<hbm>>) target_semaphore(%arg17 : memref<!tpu.dma_semaphore, #tpu.memory_space<semaphore_mem>>)
    %add3A_673 = arith.constant 384 : i32
    %add3A_674 = arith.addi %mul3A_0, %add3A_673 : i32
    %dma_wait3A_675 = arith.constant 0 : i32
    %dma_wait3A_676 = tpu.memref_slice %arg5[%arg0, %mul3A_0, %dma_wait3A_675] : memref<2x10240x128xf32, #tpu.memory_space<hbm>> -> memref<1x128x128xf32, #tpu.memory_space<hbm>>
    %dma_wait3A_677 = tpu.memref_squeeze %dma_wait3A_676 : memref<1x128x128xf32, #tpu.memory_space<hbm>> -> memref<128x128xf32, #tpu.memory_space<hbm>>
    %dma_wait3A_678 = arith.constant 0 : i32
    %dma_wait3A_679 = tpu.memref_slice %arg5[%arg0, %mul3A_0, %dma_wait3A_678] : memref<2x10240x128xf32, #tpu.memory_space<hbm>> -> memref<1x128x128xf32, #tpu.memory_space<hbm>>
    %dma_wait3A_680 = tpu.memref_squeeze %dma_wait3A_679 : memref<1x128x128xf32, #tpu.memory_space<hbm>> -> memref<128x128xf32, #tpu.memory_space<hbm>>
    tpu.wait_dma2 semaphore(%arg18 : memref<!tpu.dma_semaphore, #tpu.memory_space<semaphore_mem>>) src(%arg12 : memref<128x128xf32, #tpu.memory_space<vmem>>) dst(%dma_wait3A_680 : memref<128x128xf32, #tpu.memory_space<hbm>>)
    "tpu.region"() ({
      %run_scoped3A = tpu.sem_alloc : memref<!tpu.dma_semaphore, #tpu.memory_space<semaphore_mem>>
      %dma_start3A_713 = arith.constant 0 : i32
      %dma_start3A_714 = tpu.memref_slice %arg13[%add3A_674, %dma_start3A_713] : memref<10240x128xf32, #tpu.memory_space<vmem_shared>> -> memref<128x128xf32, #tpu.memory_space<vmem_shared>>
      %dma_start3A_715 = arith.constant 0 : i32
      %dma_start3A_716 = tpu.memref_slice %arg13[%add3A_674, %dma_start3A_715] : memref<10240x128xf32, #tpu.memory_space<vmem_shared>> -> memref<128x128xf32, #tpu.memory_space<vmem_shared>>
      tpu.enqueue_dma source(%dma_start3A_716 : memref<128x128xf32, #tpu.memory_space<vmem_shared>>) target(%arg12 : memref<128x128xf32, #tpu.memory_space<vmem>>) target_semaphore(%run_scoped3A : memref<!tpu.dma_semaphore, #tpu.memory_space<semaphore_mem>>)
      %dma_wait3A_717 = arith.constant 0 : i32
      %dma_wait3A_718 = tpu.memref_slice %arg13[%add3A_674, %dma_wait3A_717] : memref<10240x128xf32, #tpu.memory_space<vmem_shared>> -> memref<128x128xf32, #tpu.memory_space<vmem_shared>>
      %dma_wait3A_719 = arith.constant 0 : i32
      %dma_wait3A_720 = tpu.memref_slice %arg13[%add3A_674, %dma_wait3A_719] : memref<10240x128xf32, #tpu.memory_space<vmem_shared>> -> memref<128x128xf32, #tpu.memory_space<vmem_shared>>
      tpu.wait_dma2 semaphore(%run_scoped3A : memref<!tpu.dma_semaphore, #tpu.memory_space<semaphore_mem>>) src(%dma_wait3A_720 : memref<128x128xf32, #tpu.memory_space<vmem_shared>>) dst(%arg12 : memref<128x128xf32, #tpu.memory_space<vmem>>)
      tpu.yield
    }) : () -> ()
    %dma_start3A_681 = arith.constant 0 : i32
    %dma_start3A_682 = tpu.memref_slice %arg5[%arg0, %add3A_674, %dma_start3A_681] : memref<2x10240x128xf32, #tpu.memory_space<hbm>> -> memref<1x128x128xf32, #tpu.memory_space<hbm>>
    %dma_start3A_683 = tpu.memref_squeeze %dma_start3A_682 : memref<1x128x128xf32, #tpu.memory_space<hbm>> -> memref<128x128xf32, #tpu.memory_space<hbm>>
    %dma_start3A_684 = arith.constant 0 : i32
    %dma_start3A_685 = tpu.memref_slice %arg5[%arg0, %add3A_674, %dma_start3A_684] : memref<2x10240x128xf32, #tpu.memory_space<hbm>> -> memref<1x128x128xf32, #tpu.memory_space<hbm>>
    %dma_start3A_686 = tpu.memref_squeeze %dma_start3A_685 : memref<1x128x128xf32, #tpu.memory_space<hbm>> -> memref<128x128xf32, #tpu.memory_space<hbm>>
    tpu.enqueue_dma source(%arg12 : memref<128x128xf32, #tpu.memory_space<vmem>>) target(%dma_start3A_686 : memref<128x128xf32, #tpu.memory_space<hbm>>) target_semaphore(%arg18 : memref<!tpu.dma_semaphore, #tpu.memory_space<semaphore_mem>>)
    %add3A_687 = arith.constant 512 : i32
    %add3A_688 = arith.addi %mul3A_0, %add3A_687 : i32
    %dma_wait3A_689 = arith.constant 0 : i32
    %dma_wait3A_690 = tpu.memref_slice %arg5[%arg0, %mul3A_0, %dma_wait3A_689] : memref<2x10240x128xf32, #tpu.memory_space<hbm>> -> memref<1x128x128xf32, #tpu.memory_space<hbm>>
    %dma_wait3A_691 = tpu.memref_squeeze %dma_wait3A_690 : memref<1x128x128xf32, #tpu.memory_space<hbm>> -> memref<128x128xf32, #tpu.memory_space<hbm>>
    %dma_wait3A_692 = arith.constant 0 : i32
    %dma_wait3A_693 = tpu.memref_slice %arg5[%arg0, %mul3A_0, %dma_wait3A_692] : memref<2x10240x128xf32, #tpu.memory_space<hbm>> -> memref<1x128x128xf32, #tpu.memory_space<hbm>>
    %dma_wait3A_694 = tpu.memref_squeeze %dma_wait3A_693 : memref<1x128x128xf32, #tpu.memory_space<hbm>> -> memref<128x128xf32, #tpu.memory_space<hbm>>
    tpu.wait_dma2 semaphore(%arg17 : memref<!tpu.dma_semaphore, #tpu.memory_space<semaphore_mem>>) src(%arg11 : memref<128x128xf32, #tpu.memory_space<vmem>>) dst(%dma_wait3A_694 : memref<128x128xf32, #tpu.memory_space<hbm>>)
    "tpu.region"() ({
      %run_scoped3A = tpu.sem_alloc : memref<!tpu.dma_semaphore, #tpu.memory_space<semaphore_mem>>
      %dma_start3A_713 = arith.constant 0 : i32
      %dma_start3A_714 = tpu.memref_slice %arg13[%add3A_688, %dma_start3A_713] : memref<10240x128xf32, #tpu.memory_space<vmem_shared>> -> memref<128x128xf32, #tpu.memory_space<vmem_shared>>
      %dma_start3A_715 = arith.constant 0 : i32
      %dma_start3A_716 = tpu.memref_slice %arg13[%add3A_688, %dma_start3A_715] : memref<10240x128xf32, #tpu.memory_space<vmem_shared>> -> memref<128x128xf32, #tpu.memory_space<vmem_shared>>
      tpu.enqueue_dma source(%dma_start3A_716 : memref<128x128xf32, #tpu.memory_space<vmem_shared>>) target(%arg11 : memref<128x128xf32, #tpu.memory_space<vmem>>) target_semaphore(%run_scoped3A : memref<!tpu.dma_semaphore, #tpu.memory_space<semaphore_mem>>)
      %dma_wait3A_717 = arith.constant 0 : i32
      %dma_wait3A_718 = tpu.memref_slice %arg13[%add3A_688, %dma_wait3A_717] : memref<10240x128xf32, #tpu.memory_space<vmem_shared>> -> memref<128x128xf32, #tpu.memory_space<vmem_shared>>
      %dma_wait3A_719 = arith.constant 0 : i32
      %dma_wait3A_720 = tpu.memref_slice %arg13[%add3A_688, %dma_wait3A_719] : memref<10240x128xf32, #tpu.memory_space<vmem_shared>> -> memref<128x128xf32, #tpu.memory_space<vmem_shared>>
      tpu.wait_dma2 semaphore(%run_scoped3A : memref<!tpu.dma_semaphore, #tpu.memory_space<semaphore_mem>>) src(%dma_wait3A_720 : memref<128x128xf32, #tpu.memory_space<vmem_shared>>) dst(%arg11 : memref<128x128xf32, #tpu.memory_space<vmem>>)
      tpu.yield
    }) : () -> ()
    %dma_start3A_695 = arith.constant 0 : i32
    %dma_start3A_696 = tpu.memref_slice %arg5[%arg0, %add3A_688, %dma_start3A_695] : memref<2x10240x128xf32, #tpu.memory_space<hbm>> -> memref<1x128x128xf32, #tpu.memory_space<hbm>>
    %dma_start3A_697 = tpu.memref_squeeze %dma_start3A_696 : memref<1x128x128xf32, #tpu.memory_space<hbm>> -> memref<128x128xf32, #tpu.memory_space<hbm>>
    %dma_start3A_698 = arith.constant 0 : i32
    %dma_start3A_699 = tpu.memref_slice %arg5[%arg0, %add3A_688, %dma_start3A_698] : memref<2x10240x128xf32, #tpu.memory_space<hbm>> -> memref<1x128x128xf32, #tpu.memory_space<hbm>>
    %dma_start3A_700 = tpu.memref_squeeze %dma_start3A_699 : memref<1x128x128xf32, #tpu.memory_space<hbm>> -> memref<128x128xf32, #tpu.memory_space<hbm>>
    tpu.enqueue_dma source(%arg11 : memref<128x128xf32, #tpu.memory_space<vmem>>) target(%dma_start3A_700 : memref<128x128xf32, #tpu.memory_space<hbm>>) target_semaphore(%arg17 : memref<!tpu.dma_semaphore, #tpu.memory_space<semaphore_mem>>)
    %dma_wait3A_701 = arith.constant 0 : i32
    %dma_wait3A_702 = tpu.memref_slice %arg5[%arg0, %mul3A_0, %dma_wait3A_701] : memref<2x10240x128xf32, #tpu.memory_space<hbm>> -> memref<1x128x128xf32, #tpu.memory_space<hbm>>
    %dma_wait3A_703 = tpu.memref_squeeze %dma_wait3A_702 : memref<1x128x128xf32, #tpu.memory_space<hbm>> -> memref<128x128xf32, #tpu.memory_space<hbm>>
    %dma_wait3A_704 = arith.constant 0 : i32
    %dma_wait3A_705 = tpu.memref_slice %arg5[%arg0, %mul3A_0, %dma_wait3A_704] : memref<2x10240x128xf32, #tpu.memory_space<hbm>> -> memref<1x128x128xf32, #tpu.memory_space<hbm>>
    %dma_wait3A_706 = tpu.memref_squeeze %dma_wait3A_705 : memref<1x128x128xf32, #tpu.memory_space<hbm>> -> memref<128x128xf32, #tpu.memory_space<hbm>>
    tpu.wait_dma2 semaphore(%arg17 : memref<!tpu.dma_semaphore, #tpu.memory_space<semaphore_mem>>) src(%arg11 : memref<128x128xf32, #tpu.memory_space<vmem>>) dst(%dma_wait3A_706 : memref<128x128xf32, #tpu.memory_space<hbm>>)
    %dma_wait3A_707 = arith.constant 0 : i32
    %dma_wait3A_708 = tpu.memref_slice %arg5[%arg0, %mul3A_0, %dma_wait3A_707] : memref<2x10240x128xf32, #tpu.memory_space<hbm>> -> memref<1x128x128xf32, #tpu.memory_space<hbm>>
    %dma_wait3A_709 = tpu.memref_squeeze %dma_wait3A_708 : memref<1x128x128xf32, #tpu.memory_space<hbm>> -> memref<128x128xf32, #tpu.memory_space<hbm>>
    %dma_wait3A_710 = arith.constant 0 : i32
    %dma_wait3A_711 = tpu.memref_slice %arg5[%arg0, %mul3A_0, %dma_wait3A_710] : memref<2x10240x128xf32, #tpu.memory_space<hbm>> -> memref<1x128x128xf32, #tpu.memory_space<hbm>>
    %dma_wait3A_712 = tpu.memref_squeeze %dma_wait3A_711 : memref<1x128x128xf32, #tpu.memory_space<hbm>> -> memref<128x128xf32, #tpu.memory_space<hbm>>
    tpu.wait_dma2 semaphore(%arg18 : memref<!tpu.dma_semaphore, #tpu.memory_space<semaphore_mem>>) src(%arg12 : memref<128x128xf32, #tpu.memory_space<vmem>>) dst(%dma_wait3A_712 : memref<128x128xf32, #tpu.memory_space<hbm>>)
    "tpu.region"() ({
      %run_scoped3A = tpu.sem_alloc : memref<!tpu.dma_semaphore, #tpu.memory_space<semaphore_mem>>
      %dma_start3A_713 = arith.constant 0 : i32
      %dma_start3A_714 = tpu.memref_slice %arg6[%add3A, %dma_start3A_713] : memref<32x10240xf32, #tpu.memory_space<hbm>> -> memref<1x10240xf32, #tpu.memory_space<hbm>>
      %dma_start3A_715 = tpu.memref_squeeze %dma_start3A_714 : memref<1x10240xf32, #tpu.memory_space<hbm>> -> memref<10240xf32, #tpu.memory_space<hbm>>
      %dma_start3A_716 = arith.constant 0 : i32
      %dma_start3A_717 = tpu.memref_slice %arg6[%add3A, %dma_start3A_716] : memref<32x10240xf32, #tpu.memory_space<hbm>> -> memref<1x10240xf32, #tpu.memory_space<hbm>>
      %dma_start3A_718 = tpu.memref_squeeze %dma_start3A_717 : memref<1x10240xf32, #tpu.memory_space<hbm>> -> memref<10240xf32, #tpu.memory_space<hbm>>
      tpu.enqueue_dma source(%arg14 : memref<10240xf32, #tpu.memory_space<vmem>>) target(%dma_start3A_718 : memref<10240xf32, #tpu.memory_space<hbm>>) target_semaphore(%run_scoped3A : memref<!tpu.dma_semaphore, #tpu.memory_space<semaphore_mem>>)
      %dma_wait3A_719 = arith.constant 0 : i32
      %dma_wait3A_720 = tpu.memref_slice %arg6[%add3A, %dma_wait3A_719] : memref<32x10240xf32, #tpu.memory_space<hbm>> -> memref<1x10240xf32, #tpu.memory_space<hbm>>
      %dma_wait3A_721 = tpu.memref_squeeze %dma_wait3A_720 : memref<1x10240xf32, #tpu.memory_space<hbm>> -> memref<10240xf32, #tpu.memory_space<hbm>>
      %dma_wait3A_722 = arith.constant 0 : i32
      %dma_wait3A_723 = tpu.memref_slice %arg6[%add3A, %dma_wait3A_722] : memref<32x10240xf32, #tpu.memory_space<hbm>> -> memref<1x10240xf32, #tpu.memory_space<hbm>>
      %dma_wait3A_724 = tpu.memref_squeeze %dma_wait3A_723 : memref<1x10240xf32, #tpu.memory_space<hbm>> -> memref<10240xf32, #tpu.memory_space<hbm>>
      tpu.wait_dma2 semaphore(%run_scoped3A : memref<!tpu.dma_semaphore, #tpu.memory_space<semaphore_mem>>) src(%arg14 : memref<10240xf32, #tpu.memory_space<vmem>>) dst(%dma_wait3A_724 : memref<10240xf32, #tpu.memory_space<hbm>>)
      tpu.yield
    }) : () -> ()
    return
  }
}

module attributes {stable_mosaic.version = 14 : i64} {
  func.func @_emb_body(%arg0: i32, %arg1: memref<512x128xf32, #tpu.memory_space<vmem>>, %arg2: memref<128x128xf32, #tpu.memory_space<vmem>>, %arg3: memref<1x128xf32, #tpu.memory_space<vmem>>, %arg4: memref<512x128xf32, #tpu.memory_space<vmem>>) attributes {dimension_semantics = [#tpu.dimension_semantics<arbitrary>], iteration_bounds = array<i64: 20>, scalar_prefetch = 0 : i64, scratch_operands = 0 : i64, tpu.core_type = #tpu.core_type<tc>, window_params = [{transform_indices = @transform_0, window_bounds = array<i64: 512, 128>}, {pipeline_mode = #tpu.pipeline_mode<synchronous>, transform_indices = @transform_1, window_bounds = array<i64: 128, 128>}, {pipeline_mode = #tpu.pipeline_mode<synchronous>, transform_indices = @transform_2, window_bounds = array<i64: 1, 128>}, {transform_indices = @transform_3, window_bounds = array<i64: 512, 128>}]} {
    %get3A = arith.constant 0 : index
    %get3A_0 = arith.constant 0 : index
    %get3A_1 = vector.load %arg1[%get3A, %get3A_0] : memref<512x128xf32, #tpu.memory_space<vmem>>, vector<512x128xf32>
    %get3A_2 = arith.constant 0 : index
    %get3A_3 = arith.constant 0 : index
    %get3A_4 = vector.load %arg2[%get3A_2, %get3A_3] : memref<128x128xf32, #tpu.memory_space<vmem>>, vector<128x128xf32>
    %dot_general3A = arith.constant dense<0.000000e+00> : vector<512x128xf32>
    %dot_general3A_5 = tpu.matmul %get3A_1, %get3A_4, %dot_general3A {dimension_numbers = #tpu.dot_dimension_numbers<[1], [0], [0], [1], [0, 0, 1, 1], [], []>, transpose_lhs_hint = false} : vector<512x128xf32>, vector<128x128xf32>, vector<512x128xf32> -> vector<512x128xf32>
    %get3A_6 = arith.constant 0 : index
    %get3A_7 = arith.constant 0 : index
    %get3A_8 = vector.load %arg3[%get3A_6, %get3A_7] : memref<1x128xf32, #tpu.memory_space<vmem>>, vector<1x128xf32>
    %add3A = vector.broadcast %get3A_8 : vector<1x128xf32> to vector<512x128xf32>
    %add3A_9 = arith.addf %dot_general3A_5, %add3A : vector<512x128xf32>
    %max3A = arith.constant 0.000000e+00 : f32
    %max3A_10 = vector.broadcast %max3A : f32 to vector<512x128xf32>
    %max3A_11 = arith.maximumf %add3A_9, %max3A_10 : vector<512x128xf32>
    %swap3A = arith.constant 0 : index
    %swap3A_12 = arith.constant 0 : index
    %swap3A_13 = vector.load %arg4[%swap3A, %swap3A_12] : memref<512x128xf32, #tpu.memory_space<vmem>>, vector<512x128xf32>
    tpu.vector_store %arg4[%swap3A, %swap3A_12], %max3A_11 {strides = array<i32>} : memref<512x128xf32, #tpu.memory_space<vmem>>, vector<512x128xf32>,
    return
  }
  func.func @transform_0(%arg0: i32) -> (i32, i32) {
    %c0_i32 = arith.constant 0 : i32
    %c0_i32_0 = arith.constant 0 : i32
    return %arg0, %c0_i32 : i32, i32
  }
  func.func @transform_1(%arg0: i32) -> (i32, i32) {
    %c0_i32 = arith.constant 0 : i32
    %c0_i32_0 = arith.constant 0 : i32
    %c0_i32_1 = arith.constant 0 : i32
    return %c0_i32, %c0_i32_0 : i32, i32
  }
  func.func @transform_2(%arg0: i32) -> (i32, i32) {
    %c0_i32 = arith.constant 0 : i32
    %c0_i32_0 = arith.constant 0 : i32
    %c0_i32_1 = arith.constant 0 : i32
    return %c0_i32, %c0_i32_0 : i32, i32
  }
  func.func @transform_3(%arg0: i32) -> (i32, i32) {
    %c0_i32 = arith.constant 0 : i32
    %c0_i32_0 = arith.constant 0 : i32
    return %arg0, %c0_i32 : i32, i32
  }
}

module attributes {stable_mosaic.version = 14 : i64} {
  func.func @_conv_mm0_body(%arg0: i32, %arg1: memref<2x512x128xf32, #tpu.memory_space<vmem>>, %arg2: memref<32x512xf32, #tpu.memory_space<vmem>>, %arg3: memref<128x128xf32, #tpu.memory_space<vmem>>, %arg4: memref<1x128xf32, #tpu.memory_space<vmem>>, %arg5: memref<512x128xf32, #tpu.memory_space<vmem>>, %arg6: memref<2x128xf32, #tpu.memory_space<vmem>>, %arg7: memref<512x1xf32, #tpu.memory_space<vmem>>) attributes {dimension_semantics = [#tpu.dimension_semantics<arbitrary>], iteration_bounds = array<i64: 20>, scalar_prefetch = 0 : i64, scratch_operands = 0 : i64, tpu.core_type = #tpu.core_type<tc>, window_params = [{transform_indices = @transform_0, window_bounds = array<i64: 2, 512, 128>}, {transform_indices = @transform_1, window_bounds = array<i64: 32, 512>}, {pipeline_mode = #tpu.pipeline_mode<synchronous>, transform_indices = @transform_2, window_bounds = array<i64: 128, 128>}, {pipeline_mode = #tpu.pipeline_mode<synchronous>, transform_indices = @transform_3, window_bounds = array<i64: 1, 128>}, {transform_indices = @transform_4, window_bounds = array<i64: 512, 128>}, {pipeline_mode = #tpu.pipeline_mode<synchronous>, transform_indices = @transform_5, window_bounds = array<i64: 2, 128>}, {transform_indices = @transform_6, window_bounds = array<i64: 512, 1>}]} {
    %get3A = arith.constant 0 : index
    %get3A_0 = arith.constant 0 : index
    %get3A_1 = vector.load %arg2[%get3A, %get3A_0] : memref<32x512xf32, #tpu.memory_space<vmem>>, vector<32x512xf32>
    %reduce_sum3A = arith.constant dense<0.000000e+00> : vector<512xf32>
    %reduce_sum3A_2 = vector.multi_reduction <add>, %get3A_1, %reduce_sum3A [0] : vector<32x512xf32> to vector<512xf32>
    %reshape3A = vector.shape_cast %reduce_sum3A_2 : vector<512xf32> to vector<512x1xf32>
    %swap3A = arith.constant 0 : index
    %swap3A_3 = arith.constant 0 : index
    %swap3A_4 = vector.load %arg7[%swap3A, %swap3A_3] : memref<512x1xf32, #tpu.memory_space<vmem>>, vector<512x1xf32>
    tpu.vector_store %arg7[%swap3A, %swap3A_3], %reshape3A {strides = array<i32>} : memref<512x1xf32, #tpu.memory_space<vmem>>, vector<512x1xf32>,
    %get3A_5 = arith.constant 0 : index
    %get3A_6 = arith.constant 0 : index
    %get3A_7 = arith.constant 0 : index
    %get3A_8 = vector.load %arg1[%get3A_5, %get3A_6, %get3A_7] : memref<2x512x128xf32, #tpu.memory_space<vmem>>, vector<1x512x128xf32>
    %get3A_9 = vector.shape_cast %get3A_8 : vector<1x512x128xf32> to vector<512x128xf32>
    %get3A_10 = arith.constant 1 : index
    %get3A_11 = arith.constant 0 : index
    %get3A_12 = arith.constant 0 : index
    %get3A_13 = vector.load %arg1[%get3A_10, %get3A_11, %get3A_12] : memref<2x512x128xf32, #tpu.memory_space<vmem>>, vector<1x512x128xf32>
    %get3A_14 = vector.shape_cast %get3A_13 : vector<1x512x128xf32> to vector<512x128xf32>
    %add3A = arith.addf %get3A_9, %get3A_14 : vector<512x128xf32>
    %max3A = arith.constant 1.000000e+00 : f32
    %max3A_15 = vector.broadcast %max3A : f32 to vector<512x1xf32>
    %max3A_16 = arith.maximumf %reshape3A, %max3A_15 : vector<512x1xf32>
    %div3A = vector.broadcast %max3A_16 : vector<512x1xf32> to vector<512x128xf32>
    %div3A_17 = arith.divf %add3A, %div3A : vector<512x128xf32>
    %get3A_18 = arith.constant 0 : index
    %get3A_19 = arith.constant 0 : index
    %get3A_20 = vector.load %arg3[%get3A_18, %get3A_19] : memref<128x128xf32, #tpu.memory_space<vmem>>, vector<128x128xf32>
    %dot_general3A = arith.constant dense<0.000000e+00> : vector<512x128xf32>
    %dot_general3A_21 = tpu.matmul %div3A_17, %get3A_20, %dot_general3A {dimension_numbers = #tpu.dot_dimension_numbers<[1], [0], [0], [1], [0, 0, 1, 1], [], []>, transpose_lhs_hint = false} : vector<512x128xf32>, vector<128x128xf32>, vector<512x128xf32> -> vector<512x128xf32>
    %get3A_22 = arith.constant 0 : index
    %get3A_23 = arith.constant 0 : index
    %get3A_24 = vector.load %arg4[%get3A_22, %get3A_23] : memref<1x128xf32, #tpu.memory_space<vmem>>, vector<1x128xf32>
    %add3A_25 = vector.broadcast %get3A_24 : vector<1x128xf32> to vector<512x128xf32>
    %add3A_26 = arith.addf %dot_general3A_21, %add3A_25 : vector<512x128xf32>
    %swap3A_27 = arith.constant 0 : index
    %swap3A_28 = arith.constant 0 : index
    %swap3A_29 = vector.load %arg5[%swap3A_27, %swap3A_28] : memref<512x128xf32, #tpu.memory_space<vmem>>, vector<512x128xf32>
    tpu.vector_store %arg5[%swap3A_27, %swap3A_28], %add3A_26 {strides = array<i32>} : memref<512x128xf32, #tpu.memory_space<vmem>>, vector<512x128xf32>,
    %mul3A = arith.constant 512 : i32
    %mul3A_30 = arith.muli %arg0, %mul3A : i32
    %iota3A = tpu.iota {dimensions = array<i32: 0>} : vector<512x1xi32>
    %add3A_31 = vector.broadcast %mul3A_30 : i32 to vector<512x1xi32>
    %add3A_32 = arith.addi %add3A_31, %iota3A : vector<512x1xi32>
    %lt3A = arith.constant 10000 : i32
    %lt3A_33 = vector.broadcast %lt3A : i32 to vector<512x1xi32>
    %lt3A_34 = arith.cmpi slt, %add3A_32, %lt3A_33 : vector<512x1xi32>
    %jit3A = arith.constant 0.000000e+00 : f32
    %broadcast_in_dim3A = vector.shape_cast %lt3A_34 : vector<512x1xi1> to vector<512x1xi1>
    %broadcast_in_dim3A_35 = vector.broadcast %broadcast_in_dim3A : vector<512x1xi1> to vector<512x128xi1>
    %broadcast_in_dim3A_36 = vector.broadcast %jit3A : f32 to vector<512x128xf32>
    %select_n3A = arith.select %broadcast_in_dim3A_35, %add3A_26, %broadcast_in_dim3A_36 : vector<512x128xi1>, vector<512x128xf32>
    %eq3A = arith.constant 0 : i32
    %eq3A_37 = arith.cmpi eq, %arg0, %eq3A : i32
    %convert_element_type3A = arith.extui %eq3A_37 : i1 to i32
    %cond3A = arith.constant 0 : i32
    %cond3A_38 = arith.cmpi ne, %convert_element_type3A, %cond3A : i32
    scf.if %cond3A_38 {
      %broadcast_in_dim3A_60 = arith.constant 0.000000e+00 : f32
      %broadcast_in_dim3A_61 = vector.broadcast %broadcast_in_dim3A_60 : f32 to vector<2x128xf32>
      %swap3A_62 = arith.constant 0 : index
      %swap3A_63 = arith.constant 0 : index
      %swap3A_64 = vector.load %arg6[%swap3A_62, %swap3A_63] : memref<2x128xf32, #tpu.memory_space<vmem>>, vector<2x128xf32>
      tpu.vector_store %arg6[%swap3A_62, %swap3A_63], %broadcast_in_dim3A_61 {strides = array<i32>} : memref<2x128xf32, #tpu.memory_space<vmem>>, vector<2x128xf32>,
    } else {
    }
    %get3A_39 = arith.constant 0 : index
    %get3A_40 = arith.constant 0 : index
    %get3A_41 = vector.load %arg6[%get3A_39, %get3A_40] : memref<2x128xf32, #tpu.memory_space<vmem>>, vector<1x128xf32>
    %reduce_sum3A_42 = arith.constant dense<0.000000e+00> : vector<128xf32>
    %reduce_sum3A_43 = vector.multi_reduction <add>, %select_n3A, %reduce_sum3A_42 [0] : vector<512x128xf32> to vector<128xf32>
    %broadcast_in_dim3A_44 = vector.shape_cast %reduce_sum3A_43 : vector<128xf32> to vector<1x128xf32>
    %add3A_45 = arith.addf %get3A_41, %broadcast_in_dim3A_44 : vector<1x128xf32>
    %swap3A_46 = arith.constant 0 : index
    %swap3A_47 = arith.constant 0 : index
    %swap3A_48 = vector.load %arg6[%swap3A_46, %swap3A_47] : memref<2x128xf32, #tpu.memory_space<vmem>>, vector<1x128xf32>
    tpu.vector_store %arg6[%swap3A_46, %swap3A_47], %add3A_45 {strides = array<i32>} : memref<2x128xf32, #tpu.memory_space<vmem>>, vector<1x128xf32>,
    %get3A_49 = arith.constant 1 : index
    %get3A_50 = arith.constant 0 : index
    %get3A_51 = vector.load %arg6[%get3A_49, %get3A_50] : memref<2x128xf32, #tpu.memory_space<vmem>>, vector<1x128xf32>
    %mul3A_52 = arith.mulf %select_n3A, %select_n3A : vector<512x128xf32>
    %reduce_sum3A_53 = arith.constant dense<0.000000e+00> : vector<128xf32>
    %reduce_sum3A_54 = vector.multi_reduction <add>, %mul3A_52, %reduce_sum3A_53 [0] : vector<512x128xf32> to vector<128xf32>
    %broadcast_in_dim3A_55 = vector.shape_cast %reduce_sum3A_54 : vector<128xf32> to vector<1x128xf32>
    %add3A_56 = arith.addf %get3A_51, %broadcast_in_dim3A_55 : vector<1x128xf32>
    %swap3A_57 = arith.constant 1 : index
    %swap3A_58 = arith.constant 0 : index
    %swap3A_59 = vector.load %arg6[%swap3A_57, %swap3A_58] : memref<2x128xf32, #tpu.memory_space<vmem>>, vector<1x128xf32>
    tpu.vector_store %arg6[%swap3A_57, %swap3A_58], %add3A_56 {strides = array<i32>} : memref<2x128xf32, #tpu.memory_space<vmem>>, vector<1x128xf32>,
    return
  }
  func.func @transform_0(%arg0: i32) -> (i32, i32, i32) {
    %c0_i32 = arith.constant 0 : i32
    %c0_i32_0 = arith.constant 0 : i32
    %c0_i32_1 = arith.constant 0 : i32
    return %c0_i32, %arg0, %c0_i32_0 : i32, i32, i32
  }
  func.func @transform_1(%arg0: i32) -> (i32, i32) {
    %c0_i32 = arith.constant 0 : i32
    %c0_i32_0 = arith.constant 0 : i32
    return %c0_i32, %arg0 : i32, i32
  }
  func.func @transform_2(%arg0: i32) -> (i32, i32) {
    %c0_i32 = arith.constant 0 : i32
    %c0_i32_0 = arith.constant 0 : i32
    %c0_i32_1 = arith.constant 0 : i32
    return %c0_i32, %c0_i32_0 : i32, i32
  }
  func.func @transform_3(%arg0: i32) -> (i32, i32) {
    %c0_i32 = arith.constant 0 : i32
    %c0_i32_0 = arith.constant 0 : i32
    %c0_i32_1 = arith.constant 0 : i32
    return %c0_i32, %c0_i32_0 : i32, i32
  }
  func.func @transform_4(%arg0: i32) -> (i32, i32) {
    %c0_i32 = arith.constant 0 : i32
    %c0_i32_0 = arith.constant 0 : i32
    return %arg0, %c0_i32 : i32, i32
  }
  func.func @transform_5(%arg0: i32) -> (i32, i32) {
    %c0_i32 = arith.constant 0 : i32
    %c0_i32_0 = arith.constant 0 : i32
    %c0_i32_1 = arith.constant 0 : i32
    return %c0_i32, %c0_i32_0 : i32, i32
  }
  func.func @transform_6(%arg0: i32) -> (i32, i32) {
    %c0_i32 = arith.constant 0 : i32
    %c0_i32_0 = arith.constant 0 : i32
    return %arg0, %c0_i32 : i32, i32
  }
}

module attributes {stable_mosaic.version = 14 : i64} {
  func.func @_bn_res_body(%arg0: i32, %arg1: memref<512x128xf32, #tpu.memory_space<vmem>>, %arg2: memref<2x128xf32, #tpu.memory_space<vmem>>, %arg3: memref<1x128xf32, #tpu.memory_space<vmem>>, %arg4: memref<1x128xf32, #tpu.memory_space<vmem>>, %arg5: memref<512x128xf32, #tpu.memory_space<vmem>>, %arg6: memref<512x128xf32, #tpu.memory_space<vmem>>) attributes {dimension_semantics = [#tpu.dimension_semantics<arbitrary>], iteration_bounds = array<i64: 20>, scalar_prefetch = 0 : i64, scratch_operands = 0 : i64, tpu.core_type = #tpu.core_type<tc>, window_params = [{transform_indices = @transform_0, window_bounds = array<i64: 512, 128>}, {pipeline_mode = #tpu.pipeline_mode<synchronous>, transform_indices = @transform_1, window_bounds = array<i64: 2, 128>}, {pipeline_mode = #tpu.pipeline_mode<synchronous>, transform_indices = @transform_2, window_bounds = array<i64: 1, 128>}, {pipeline_mode = #tpu.pipeline_mode<synchronous>, transform_indices = @transform_3, window_bounds = array<i64: 1, 128>}, {transform_indices = @transform_4, window_bounds = array<i64: 512, 128>}, {transform_indices = @transform_5, window_bounds = array<i64: 512, 128>}]} {
    %get3A = arith.constant 0 : index
    %get3A_0 = arith.constant 0 : index
    %get3A_1 = vector.load %arg2[%get3A, %get3A_0] : memref<2x128xf32, #tpu.memory_space<vmem>>, vector<1x128xf32>
    %div3A = arith.constant 1.000000e+04 : f32
    %div3A_2 = vector.broadcast %div3A : f32 to vector<1x128xf32>
    %div3A_3 = arith.divf %get3A_1, %div3A_2 : vector<1x128xf32>
    %get3A_4 = arith.constant 1 : index
    %get3A_5 = arith.constant 0 : index
    %get3A_6 = vector.load %arg2[%get3A_4, %get3A_5] : memref<2x128xf32, #tpu.memory_space<vmem>>, vector<1x128xf32>
    %div3A_7 = arith.constant 1.000000e+04 : f32
    %div3A_8 = vector.broadcast %div3A_7 : f32 to vector<1x128xf32>
    %div3A_9 = arith.divf %get3A_6, %div3A_8 : vector<1x128xf32>
    %mul3A = arith.mulf %div3A_3, %div3A_3 : vector<1x128xf32>
    %sub3A = arith.subf %div3A_9, %mul3A : vector<1x128xf32>
    %get3A_10 = arith.constant 0 : index
    %get3A_11 = arith.constant 0 : index
    %get3A_12 = vector.load %arg1[%get3A_10, %get3A_11] : memref<512x128xf32, #tpu.memory_space<vmem>>, vector<512x128xf32>
    %sub3A_13 = vector.broadcast %div3A_3 : vector<1x128xf32> to vector<512x128xf32>
    %sub3A_14 = arith.subf %get3A_12, %sub3A_13 : vector<512x128xf32>
    %add3A = arith.constant 9.99999974E-6 : f32
    %add3A_15 = vector.broadcast %add3A : f32 to vector<1x128xf32>
    %add3A_16 = arith.addf %sub3A, %add3A_15 : vector<1x128xf32>
    %sqrt3A = math.sqrt %add3A_16 : vector<1x128xf32>
    %div3A_17 = vector.broadcast %sqrt3A : vector<1x128xf32> to vector<512x128xf32>
    %div3A_18 = arith.divf %sub3A_14, %div3A_17 : vector<512x128xf32>
    %get3A_19 = arith.constant 0 : index
    %get3A_20 = arith.constant 0 : index
    %get3A_21 = vector.load %arg5[%get3A_19, %get3A_20] : memref<512x128xf32, #tpu.memory_space<vmem>>, vector<512x128xf32>
    %get3A_22 = arith.constant 0 : index
    %get3A_23 = arith.constant 0 : index
    %get3A_24 = vector.load %arg3[%get3A_22, %get3A_23] : memref<1x128xf32, #tpu.memory_space<vmem>>, vector<1x128xf32>
    %mul3A_25 = vector.broadcast %get3A_24 : vector<1x128xf32> to vector<512x128xf32>
    %mul3A_26 = arith.mulf %div3A_18, %mul3A_25 : vector<512x128xf32>
    %get3A_27 = arith.constant 0 : index
    %get3A_28 = arith.constant 0 : index
    %get3A_29 = vector.load %arg4[%get3A_27, %get3A_28] : memref<1x128xf32, #tpu.memory_space<vmem>>, vector<1x128xf32>
    %add3A_30 = vector.broadcast %get3A_29 : vector<1x128xf32> to vector<512x128xf32>
    %add3A_31 = arith.addf %mul3A_26, %add3A_30 : vector<512x128xf32>
    %max3A = arith.constant 0.000000e+00 : f32
    %max3A_32 = vector.broadcast %max3A : f32 to vector<512x128xf32>
    %max3A_33 = arith.maximumf %add3A_31, %max3A_32 : vector<512x128xf32>
    %add3A_34 = arith.addf %get3A_21, %max3A_33 : vector<512x128xf32>
    %swap3A = arith.constant 0 : index
    %swap3A_35 = arith.constant 0 : index
    %swap3A_36 = vector.load %arg6[%swap3A, %swap3A_35] : memref<512x128xf32, #tpu.memory_space<vmem>>, vector<512x128xf32>
    tpu.vector_store %arg6[%swap3A, %swap3A_35], %add3A_34 {strides = array<i32>} : memref<512x128xf32, #tpu.memory_space<vmem>>, vector<512x128xf32>,
    return
  }
  func.func @transform_0(%arg0: i32) -> (i32, i32) {
    %c0_i32 = arith.constant 0 : i32
    %c0_i32_0 = arith.constant 0 : i32
    return %arg0, %c0_i32 : i32, i32
  }
  func.func @transform_1(%arg0: i32) -> (i32, i32) {
    %c0_i32 = arith.constant 0 : i32
    %c0_i32_0 = arith.constant 0 : i32
    %c0_i32_1 = arith.constant 0 : i32
    return %c0_i32, %c0_i32_0 : i32, i32
  }
  func.func @transform_2(%arg0: i32) -> (i32, i32) {
    %c0_i32 = arith.constant 0 : i32
    %c0_i32_0 = arith.constant 0 : i32
    %c0_i32_1 = arith.constant 0 : i32
    return %c0_i32, %c0_i32_0 : i32, i32
  }
  func.func @transform_3(%arg0: i32) -> (i32, i32) {
    %c0_i32 = arith.constant 0 : i32
    %c0_i32_0 = arith.constant 0 : i32
    %c0_i32_1 = arith.constant 0 : i32
    return %c0_i32, %c0_i32_0 : i32, i32
  }
  func.func @transform_4(%arg0: i32) -> (i32, i32) {
    %c0_i32 = arith.constant 0 : i32
    %c0_i32_0 = arith.constant 0 : i32
    return %arg0, %c0_i32 : i32, i32
  }
  func.func @transform_5(%arg0: i32) -> (i32, i32) {
    %c0_i32 = arith.constant 0 : i32
    %c0_i32_0 = arith.constant 0 : i32
    return %arg0, %c0_i32 : i32, i32
  }
}

module attributes {stable_mosaic.version = 14 : i64} {
  func.func @_conv_mm_body(%arg0: i32, %arg1: memref<2x512x128xf32, #tpu.memory_space<vmem>>, %arg2: memref<512x1xf32, #tpu.memory_space<vmem>>, %arg3: memref<128x128xf32, #tpu.memory_space<vmem>>, %arg4: memref<1x128xf32, #tpu.memory_space<vmem>>, %arg5: memref<512x128xf32, #tpu.memory_space<vmem>>, %arg6: memref<2x128xf32, #tpu.memory_space<vmem>>) attributes {dimension_semantics = [#tpu.dimension_semantics<arbitrary>], iteration_bounds = array<i64: 20>, scalar_prefetch = 0 : i64, scratch_operands = 0 : i64, tpu.core_type = #tpu.core_type<tc>, window_params = [{transform_indices = @transform_0, window_bounds = array<i64: 2, 512, 128>}, {transform_indices = @transform_1, window_bounds = array<i64: 512, 1>}, {pipeline_mode = #tpu.pipeline_mode<synchronous>, transform_indices = @transform_2, window_bounds = array<i64: 128, 128>}, {pipeline_mode = #tpu.pipeline_mode<synchronous>, transform_indices = @transform_3, window_bounds = array<i64: 1, 128>}, {transform_indices = @transform_4, window_bounds = array<i64: 512, 128>}, {pipeline_mode = #tpu.pipeline_mode<synchronous>, transform_indices = @transform_5, window_bounds = array<i64: 2, 128>}]} {
    %get3A = arith.constant 0 : index
    %get3A_0 = arith.constant 0 : index
    %get3A_1 = arith.constant 0 : index
    %get3A_2 = vector.load %arg1[%get3A, %get3A_0, %get3A_1] : memref<2x512x128xf32, #tpu.memory_space<vmem>>, vector<1x512x128xf32>
    %get3A_3 = vector.shape_cast %get3A_2 : vector<1x512x128xf32> to vector<512x128xf32>
    %get3A_4 = arith.constant 1 : index
    %get3A_5 = arith.constant 0 : index
    %get3A_6 = arith.constant 0 : index
    %get3A_7 = vector.load %arg1[%get3A_4, %get3A_5, %get3A_6] : memref<2x512x128xf32, #tpu.memory_space<vmem>>, vector<1x512x128xf32>
    %get3A_8 = vector.shape_cast %get3A_7 : vector<1x512x128xf32> to vector<512x128xf32>
    %add3A = arith.addf %get3A_3, %get3A_8 : vector<512x128xf32>
    %get3A_9 = arith.constant 0 : index
    %get3A_10 = arith.constant 0 : index
    %get3A_11 = vector.load %arg2[%get3A_9, %get3A_10] : memref<512x1xf32, #tpu.memory_space<vmem>>, vector<512x1xf32>
    %max3A = arith.constant 1.000000e+00 : f32
    %max3A_12 = vector.broadcast %max3A : f32 to vector<512x1xf32>
    %max3A_13 = arith.maximumf %get3A_11, %max3A_12 : vector<512x1xf32>
    %div3A = vector.broadcast %max3A_13 : vector<512x1xf32> to vector<512x128xf32>
    %div3A_14 = arith.divf %add3A, %div3A : vector<512x128xf32>
    %get3A_15 = arith.constant 0 : index
    %get3A_16 = arith.constant 0 : index
    %get3A_17 = vector.load %arg3[%get3A_15, %get3A_16] : memref<128x128xf32, #tpu.memory_space<vmem>>, vector<128x128xf32>
    %dot_general3A = arith.constant dense<0.000000e+00> : vector<512x128xf32>
    %dot_general3A_18 = tpu.matmul %div3A_14, %get3A_17, %dot_general3A {dimension_numbers = #tpu.dot_dimension_numbers<[1], [0], [0], [1], [0, 0, 1, 1], [], []>, transpose_lhs_hint = false} : vector<512x128xf32>, vector<128x128xf32>, vector<512x128xf32> -> vector<512x128xf32>
    %get3A_19 = arith.constant 0 : index
    %get3A_20 = arith.constant 0 : index
    %get3A_21 = vector.load %arg4[%get3A_19, %get3A_20] : memref<1x128xf32, #tpu.memory_space<vmem>>, vector<1x128xf32>
    %add3A_22 = vector.broadcast %get3A_21 : vector<1x128xf32> to vector<512x128xf32>
    %add3A_23 = arith.addf %dot_general3A_18, %add3A_22 : vector<512x128xf32>
    %swap3A = arith.constant 0 : index
    %swap3A_24 = arith.constant 0 : index
    %swap3A_25 = vector.load %arg5[%swap3A, %swap3A_24] : memref<512x128xf32, #tpu.memory_space<vmem>>, vector<512x128xf32>
    tpu.vector_store %arg5[%swap3A, %swap3A_24], %add3A_23 {strides = array<i32>} : memref<512x128xf32, #tpu.memory_space<vmem>>, vector<512x128xf32>,
    %mul3A = arith.constant 512 : i32
    %mul3A_26 = arith.muli %arg0, %mul3A : i32
    %iota3A = tpu.iota {dimensions = array<i32: 0>} : vector<512x1xi32>
    %add3A_27 = vector.broadcast %mul3A_26 : i32 to vector<512x1xi32>
    %add3A_28 = arith.addi %add3A_27, %iota3A : vector<512x1xi32>
    %lt3A = arith.constant 10000 : i32
    %lt3A_29 = vector.broadcast %lt3A : i32 to vector<512x1xi32>
    %lt3A_30 = arith.cmpi slt, %add3A_28, %lt3A_29 : vector<512x1xi32>
    %jit3A = arith.constant 0.000000e+00 : f32
    %broadcast_in_dim3A = vector.shape_cast %lt3A_30 : vector<512x1xi1> to vector<512x1xi1>
    %broadcast_in_dim3A_31 = vector.broadcast %broadcast_in_dim3A : vector<512x1xi1> to vector<512x128xi1>
    %broadcast_in_dim3A_32 = vector.broadcast %jit3A : f32 to vector<512x128xf32>
    %select_n3A = arith.select %broadcast_in_dim3A_31, %add3A_23, %broadcast_in_dim3A_32 : vector<512x128xi1>, vector<512x128xf32>
    %eq3A = arith.constant 0 : i32
    %eq3A_33 = arith.cmpi eq, %arg0, %eq3A : i32
    %convert_element_type3A = arith.extui %eq3A_33 : i1 to i32
    %cond3A = arith.constant 0 : i32
    %cond3A_34 = arith.cmpi ne, %convert_element_type3A, %cond3A : i32
    scf.if %cond3A_34 {
      %broadcast_in_dim3A_55 = arith.constant 0.000000e+00 : f32
      %broadcast_in_dim3A_56 = vector.broadcast %broadcast_in_dim3A_55 : f32 to vector<2x128xf32>
      %swap3A_57 = arith.constant 0 : index
      %swap3A_58 = arith.constant 0 : index
      %swap3A_59 = vector.load %arg6[%swap3A_57, %swap3A_58] : memref<2x128xf32, #tpu.memory_space<vmem>>, vector<2x128xf32>
      tpu.vector_store %arg6[%swap3A_57, %swap3A_58], %broadcast_in_dim3A_56 {strides = array<i32>} : memref<2x128xf32, #tpu.memory_space<vmem>>, vector<2x128xf32>,
    } else {
    }
    %get3A_35 = arith.constant 0 : index
    %get3A_36 = arith.constant 0 : index
    %get3A_37 = vector.load %arg6[%get3A_35, %get3A_36] : memref<2x128xf32, #tpu.memory_space<vmem>>, vector<1x128xf32>
    %reduce_sum3A = arith.constant dense<0.000000e+00> : vector<128xf32>
    %reduce_sum3A_38 = vector.multi_reduction <add>, %select_n3A, %reduce_sum3A [0] : vector<512x128xf32> to vector<128xf32>
    %broadcast_in_dim3A_39 = vector.shape_cast %reduce_sum3A_38 : vector<128xf32> to vector<1x128xf32>
    %add3A_40 = arith.addf %get3A_37, %broadcast_in_dim3A_39 : vector<1x128xf32>
    %swap3A_41 = arith.constant 0 : index
    %swap3A_42 = arith.constant 0 : index
    %swap3A_43 = vector.load %arg6[%swap3A_41, %swap3A_42] : memref<2x128xf32, #tpu.memory_space<vmem>>, vector<1x128xf32>
    tpu.vector_store %arg6[%swap3A_41, %swap3A_42], %add3A_40 {strides = array<i32>} : memref<2x128xf32, #tpu.memory_space<vmem>>, vector<1x128xf32>,
    %get3A_44 = arith.constant 1 : index
    %get3A_45 = arith.constant 0 : index
    %get3A_46 = vector.load %arg6[%get3A_44, %get3A_45] : memref<2x128xf32, #tpu.memory_space<vmem>>, vector<1x128xf32>
    %mul3A_47 = arith.mulf %select_n3A, %select_n3A : vector<512x128xf32>
    %reduce_sum3A_48 = arith.constant dense<0.000000e+00> : vector<128xf32>
    %reduce_sum3A_49 = vector.multi_reduction <add>, %mul3A_47, %reduce_sum3A_48 [0] : vector<512x128xf32> to vector<128xf32>
    %broadcast_in_dim3A_50 = vector.shape_cast %reduce_sum3A_49 : vector<128xf32> to vector<1x128xf32>
    %add3A_51 = arith.addf %get3A_46, %broadcast_in_dim3A_50 : vector<1x128xf32>
    %swap3A_52 = arith.constant 1 : index
    %swap3A_53 = arith.constant 0 : index
    %swap3A_54 = vector.load %arg6[%swap3A_52, %swap3A_53] : memref<2x128xf32, #tpu.memory_space<vmem>>, vector<1x128xf32>
    tpu.vector_store %arg6[%swap3A_52, %swap3A_53], %add3A_51 {strides = array<i32>} : memref<2x128xf32, #tpu.memory_space<vmem>>, vector<1x128xf32>,
    return
  }
  func.func @transform_0(%arg0: i32) -> (i32, i32, i32) {
    %c0_i32 = arith.constant 0 : i32
    %c0_i32_0 = arith.constant 0 : i32
    %c0_i32_1 = arith.constant 0 : i32
    return %c0_i32, %arg0, %c0_i32_0 : i32, i32, i32
  }
  func.func @transform_1(%arg0: i32) -> (i32, i32) {
    %c0_i32 = arith.constant 0 : i32
    %c0_i32_0 = arith.constant 0 : i32
    return %arg0, %c0_i32 : i32, i32
  }
  func.func @transform_2(%arg0: i32) -> (i32, i32) {
    %c0_i32 = arith.constant 0 : i32
    %c0_i32_0 = arith.constant 0 : i32
    %c0_i32_1 = arith.constant 0 : i32
    return %c0_i32, %c0_i32_0 : i32, i32
  }
  func.func @transform_3(%arg0: i32) -> (i32, i32) {
    %c0_i32 = arith.constant 0 : i32
    %c0_i32_0 = arith.constant 0 : i32
    %c0_i32_1 = arith.constant 0 : i32
    return %c0_i32, %c0_i32_0 : i32, i32
  }
  func.func @transform_4(%arg0: i32) -> (i32, i32) {
    %c0_i32 = arith.constant 0 : i32
    %c0_i32_0 = arith.constant 0 : i32
    return %arg0, %c0_i32 : i32, i32
  }
  func.func @transform_5(%arg0: i32) -> (i32, i32) {
    %c0_i32 = arith.constant 0 : i32
    %c0_i32_0 = arith.constant 0 : i32
    %c0_i32_1 = arith.constant 0 : i32
    return %c0_i32, %c0_i32_0 : i32, i32
  }
}

module attributes {stable_mosaic.version = 14 : i64} {
  func.func @_pool_body(%arg0: i32, %arg1: memref<1x512xf32, #tpu.memory_space<vmem>>, %arg2: memref<512x128xf32, #tpu.memory_space<vmem>>, %arg3: memref<64x128xf32, #tpu.memory_space<vmem>>, %arg4: memref<64x128xf32, #tpu.memory_space<vmem>>, %arg5: memref<64x1xf32, #tpu.memory_space<vmem>>) attributes {dimension_semantics = [#tpu.dimension_semantics<arbitrary>], iteration_bounds = array<i64: 20>, scalar_prefetch = 0 : i64, scratch_operands = 2 : i64, tpu.core_type = #tpu.core_type<tc>, window_params = [{transform_indices = @transform_0, window_bounds = array<i64: 1, 512>}, {transform_indices = @transform_1, window_bounds = array<i64: 512, 128>}, {pipeline_mode = #tpu.pipeline_mode<synchronous>, transform_indices = @transform_2, window_bounds = array<i64: 64, 128>}]} {
    %eq3A = arith.constant 0 : i32
    %eq3A_0 = arith.cmpi eq, %arg0, %eq3A : i32
    %convert_element_type3A = arith.extui %eq3A_0 : i1 to i32
    %cond3A = arith.constant 0 : i32
    %cond3A_1 = arith.cmpi ne, %convert_element_type3A, %cond3A : i32
    scf.if %cond3A_1 {
      %broadcast_in_dim3A_31 = arith.constant 0.000000e+00 : f32
      %broadcast_in_dim3A_32 = vector.broadcast %broadcast_in_dim3A_31 : f32 to vector<64x128xf32>
      %swap3A_33 = arith.constant 0 : index
      %swap3A_34 = arith.constant 0 : index
      %swap3A_35 = vector.load %arg4[%swap3A_33, %swap3A_34] : memref<64x128xf32, #tpu.memory_space<vmem>>, vector<64x128xf32>
      tpu.vector_store %arg4[%swap3A_33, %swap3A_34], %broadcast_in_dim3A_32 {strides = array<i32>} : memref<64x128xf32, #tpu.memory_space<vmem>>, vector<64x128xf32>,
      %broadcast_in_dim3A_36 = arith.constant 0.000000e+00 : f32
      %broadcast_in_dim3A_37 = vector.broadcast %broadcast_in_dim3A_36 : f32 to vector<64x1xf32>
      %swap3A_38 = arith.constant 0 : index
      %swap3A_39 = arith.constant 0 : index
      %swap3A_40 = vector.load %arg5[%swap3A_38, %swap3A_39] : memref<64x1xf32, #tpu.memory_space<vmem>>, vector<64x1xf32>
      tpu.vector_store %arg5[%swap3A_38, %swap3A_39], %broadcast_in_dim3A_37 {strides = array<i32>} : memref<64x1xf32, #tpu.memory_space<vmem>>, vector<64x1xf32>,
    } else {
    }
    %iota3A = tpu.iota {dimensions = array<i32: 0>} : vector<64x512xi32>
    %convert_element_type3A_2 = arith.sitofp %iota3A : vector<64x512xi32> to vector<64x512xf32>
    %get3A = arith.constant 0 : index
    %get3A_3 = arith.constant 0 : index
    %get3A_4 = vector.load %arg1[%get3A, %get3A_3] : memref<1x512xf32, #tpu.memory_space<vmem>>, vector<1x512xf32>
    %eq3A_5 = vector.broadcast %get3A_4 : vector<1x512xf32> to vector<64x512xf32>
    %eq3A_6 = arith.cmpf oeq, %eq3A_5, %convert_element_type3A_2 : vector<64x512xf32>
    %convert_element_type3A_7 = arith.extui %eq3A_6 : vector<64x512xi1> to vector<64x512xi32>
    %convert_element_type3A_8 = arith.sitofp %convert_element_type3A_7 : vector<64x512xi32> to vector<64x512xf32>
    %get3A_9 = arith.constant 0 : index
    %get3A_10 = arith.constant 0 : index
    %get3A_11 = vector.load %arg4[%get3A_9, %get3A_10] : memref<64x128xf32, #tpu.memory_space<vmem>>, vector<64x128xf32>
    %get3A_12 = arith.constant 0 : index
    %get3A_13 = arith.constant 0 : index
    %get3A_14 = vector.load %arg2[%get3A_12, %get3A_13] : memref<512x128xf32, #tpu.memory_space<vmem>>, vector<512x128xf32>
    %dot_general3A = arith.constant dense<0.000000e+00> : vector<64x128xf32>
    %dot_general3A_15 = tpu.matmul %convert_element_type3A_8, %get3A_14, %dot_general3A {dimension_numbers = #tpu.dot_dimension_numbers<[1], [0], [0], [1], [0, 0, 1, 1], [], []>, transpose_lhs_hint = false} : vector<64x512xf32>, vector<512x128xf32>, vector<64x128xf32> -> vector<64x128xf32>
    %add3A = arith.addf %get3A_11, %dot_general3A_15 : vector<64x128xf32>
    %swap3A = arith.constant 0 : index
    %swap3A_16 = arith.constant 0 : index
    %swap3A_17 = vector.load %arg4[%swap3A, %swap3A_16] : memref<64x128xf32, #tpu.memory_space<vmem>>, vector<64x128xf32>
    tpu.vector_store %arg4[%swap3A, %swap3A_16], %add3A {strides = array<i32>} : memref<64x128xf32, #tpu.memory_space<vmem>>, vector<64x128xf32>,
    %get3A_18 = arith.constant 0 : index
    %get3A_19 = arith.constant 0 : index
    %get3A_20 = vector.load %arg5[%get3A_18, %get3A_19] : memref<64x1xf32, #tpu.memory_space<vmem>>, vector<64x1xf32>
    %reduce_sum3A = arith.constant dense<0.000000e+00> : vector<64xf32>
    %reduce_sum3A_21 = vector.multi_reduction <add>, %convert_element_type3A_8, %reduce_sum3A [1] : vector<64x512xf32> to vector<64xf32>
    %broadcast_in_dim3A = vector.shape_cast %reduce_sum3A_21 : vector<64xf32> to vector<64x1xf32>
    %add3A_22 = arith.addf %get3A_20, %broadcast_in_dim3A : vector<64x1xf32>
    %swap3A_23 = arith.constant 0 : index
    %swap3A_24 = arith.constant 0 : index
    %swap3A_25 = vector.load %arg5[%swap3A_23, %swap3A_24] : memref<64x1xf32, #tpu.memory_space<vmem>>, vector<64x1xf32>
    tpu.vector_store %arg5[%swap3A_23, %swap3A_24], %add3A_22 {strides = array<i32>} : memref<64x1xf32, #tpu.memory_space<vmem>>, vector<64x1xf32>,
    %eq3A_26 = arith.constant 19 : i32
    %eq3A_27 = arith.cmpi eq, %arg0, %eq3A_26 : i32
    %convert_element_type3A_28 = arith.extui %eq3A_27 : i1 to i32
    %cond3A_29 = arith.constant 0 : i32
    %cond3A_30 = arith.cmpi ne, %convert_element_type3A_28, %cond3A_29 : i32
    scf.if %cond3A_30 {
      %get3A_31 = arith.constant 0 : index
      %get3A_32 = arith.constant 0 : index
      %get3A_33 = vector.load %arg4[%get3A_31, %get3A_32] : memref<64x128xf32, #tpu.memory_space<vmem>>, vector<64x128xf32>
      %get3A_34 = arith.constant 0 : index
      %get3A_35 = arith.constant 0 : index
      %get3A_36 = vector.load %arg5[%get3A_34, %get3A_35] : memref<64x1xf32, #tpu.memory_space<vmem>>, vector<64x1xf32>
      %max3A = arith.constant 1.000000e+00 : f32
      %max3A_37 = vector.broadcast %max3A : f32 to vector<64x1xf32>
      %max3A_38 = arith.maximumf %get3A_36, %max3A_37 : vector<64x1xf32>
      %div3A = vector.broadcast %max3A_38 : vector<64x1xf32> to vector<64x128xf32>
      %div3A_39 = arith.divf %get3A_33, %div3A : vector<64x128xf32>
      %swap3A_40 = arith.constant 0 : index
      %swap3A_41 = arith.constant 0 : index
      %swap3A_42 = vector.load %arg3[%swap3A_40, %swap3A_41] : memref<64x128xf32, #tpu.memory_space<vmem>>, vector<64x128xf32>
      tpu.vector_store %arg3[%swap3A_40, %swap3A_41], %div3A_39 {strides = array<i32>} : memref<64x128xf32, #tpu.memory_space<vmem>>, vector<64x128xf32>,
    } else {
    }
    return
  }
  func.func @transform_0(%arg0: i32) -> (i32, i32) {
    %c0_i32 = arith.constant 0 : i32
    %c0_i32_0 = arith.constant 0 : i32
    return %c0_i32, %arg0 : i32, i32
  }
  func.func @transform_1(%arg0: i32) -> (i32, i32) {
    %c0_i32 = arith.constant 0 : i32
    %c0_i32_0 = arith.constant 0 : i32
    return %arg0, %c0_i32 : i32, i32
  }
  func.func @transform_2(%arg0: i32) -> (i32, i32) {
    %c0_i32 = arith.constant 0 : i32
    %c0_i32_0 = arith.constant 0 : i32
    %c0_i32_1 = arith.constant 0 : i32
    return %c0_i32, %c0_i32_0 : i32, i32
  }
}

</mosaic_0001>

<sc_bundles>
// kernel: kernel.13.cloned.1.call-start
scs
__scs_entry_jumppad:
0x0: {  	(pc) =	sbr.rel $0x88, $3  }
0x1: {  	(tag) =	ssettag $0x0;
	lr =	simm.s32 $0x1  }
0x2: {  	[smem:$0x3F90] =	sst lr;
	_ =	strace $0xD0000000  }
0x3: {  	_ = 	snop  }
0x4: {  	_ = 	snop  }
0x5: {  	_ = 	snop  }
0x6: {  	_ = 	snop  }
0x7: {  	_ = 	snop  }
__scs_overlays_trampoline_lowered:
0x8: {  	[smem:$0x3F9F] =	sst s0  }
0x9: {  	[smem:$0x3FA0] =	sst s1  }
0xa: {  	[smem:$0x3FA1] =	sst s2  }
0xb: {  	[smem:$0x3FA2] =	sst s3  }
0xc: {  	[smem:$0x3FA3] =	sst s4  }
0xd: {  	[smem:$0x3FA4] =	sst s5  }
0xe: {  	[smem:$0x3FA5] =	sst s6  }
0xf: {  	[smem:$0x3FA6] =	sst s7  }
0x10: {  	[smem:$0x3FA7] =	sst s8  }
0x11: {  	[smem:$0x3FA8] =	sst s9;
	s0 =	simm.s32 @!p0 $0x0  }
0x12: {  	s1 =	sld [smem:$0x3F8E];
	s0 =	simm.s32 @p0 $0x1  }
0x13: {  	[smem:$0x3FA9] =	sst s0;
	s0 =	simm.s32 @!p1 $0x0  }
0x14: {  	s2 =	sld [smem:$0x3F8D];
	s0 =	simm.s32 @p1 $0x1  }
0x15: {  	[smem:$0x3FAA] =	sst s0;
	s0 =	simm.s32 @!p2 $0x0  }
0x16: {  	s3 =	sld [smem:$0x3FDB];
	s0 =	simm.s32 @p2 $0x1  }
0x17: {  	s4 =	simm.s32 $0x1BF5;
	[smem:$0x3FAC] =	sst s0  }
0x18: {  	s0 =	sld [smem:$0x3F8F];
	_ =	swait.ge [sflag:s4], $0x0  }
0x19: {  	s7 =	sld [smem:$0x3F90]  }
0x1a: {  	s8 =	sadd.s32 $0xFFFFE003, lr  }
0x1b: {  	s9 =	sadd.s32 $0xFFFFFEF7, lr;
	s5 =	simm.s32 $0xFFFFFFFF;
	p2 =	slt.u32 s8, $0xFFFFF086  }
0x1c: {  	p1 =	slt.u32 s9, $0xF7A;
	s5 =	simm.s32 @!p2 $0x0  }
0x1d: {  	s5 =	simm.s32 @p1 $0x1;
	p0 =	seq.s32 s7, s2  }
0x1e: {  	s7 =	smul.u32 @!p0 $0xF7A, s2;
	p2 =	seq.s32 @!p0 s5, $0x0  }
0x1f: {  	s9 =	smul.u32 $0xF7A, s1;
	s8 =	simm.s32 @!p0 $0x1BF5;
	p2 =	por !p2, p0  }
0x20: {  	[sflag:s8] =	ssyncset.s32 @!p0 $0xFFFFF086;
	s6 =	sadd.s32 @!p0 s3, s7;
	s7 =	simm.s32 @!p0 $0x108  }
0x21: {  	s3 =	sadd.s32 s3, s9;
	s6 =	sadd.s32 @!p0 $0x88, s6;
	s7 =	simm.s32 @p2 $0x1082  }
0x22: {  	[simem:s7], [sflag:s8] =	dma.local @!p0 [hbm:s6], $0xF7A  }
0x23: {  	s9 =	sor.u32 $0xD0000000, s2;
	s6 =	simm.s32 $0x108;
	_ =	swait.ge @!p0 [sflag:s8], $0x0  }
0x24: {  	s3 =	sadd.s32 $0x88, s3;
	s6 =	simm.s32 @!p1 $0x1082;
	[sflag:s4] =	ssyncset.s32 $0xFFFFF086  }
0x25: {  	[simem:s6], [sflag:s4] =	dma.local [hbm:s3], $0xF7A  }
0x26: {  	[smem:$0x3F90] =	sst s1;
	(tag) =	ssettag s2;
	_ =	strace s9  }
0x27: {  	s1 =	sld [smem:$0x3FA0]  }
0x28: {  	s2 =	sld [smem:$0x3FA1]  }
0x29: {  	s4 =	sld [smem:$0x3FA3]  }
0x2a: {  	p0 =	seq.s32 s5, $0x0;
	s5 =	sld [smem:$0x3FA4]  }
0x2b: {  	s6 =	sld [smem:$0x3FA5]  }
0x2c: {  	s7 =	sld [smem:$0x3FA6]  }
0x2d: {  	s3 =	simm.s32 $0x108;
	s8 =	sld [smem:$0x3FA7]  }
0x2e: {  	s3 =	simm.s32 @!p0 $0x1082;
	s9 =	sld [smem:$0x3FA8]  }
0x2f: {  	lr =	sadd.s32 s0, s3;
	s0 =	sld [smem:$0x3F9F]  }
0x30: {  	s3 =	sld [smem:$0x3FA2]  }
0x31: {  	[smem:$0x3FAB] =	sst s10  }
0x32: {  	s10 =	sld [smem:$0x3FA9];
	_ =	sdelay $0x3  }
0x33: {  	p0 =	seq.s32 s10, $0x1;
	s10 =	sld [smem:$0x3FAB];
	_ =	sdelay $0x3  }
0x34: {  	[smem:$0x3FAB] =	sst s10  }
0x35: {  	s10 =	sld [smem:$0x3FAA];
	_ =	sdelay $0x3  }
0x36: {  	p1 =	seq.s32 s10, $0x1;
	s10 =	sld [smem:$0x3FAB];
	_ =	sdelay $0x3  }
0x37: {  	[smem:$0x3FAB] =	sst s10  }
0x38: {  	s10 =	sld [smem:$0x3FAC]  }
0x39: {  	_ = 	snop;
	(pc) =	sbr.ind lr, $3  }
0x3a: {  	_ = 	snop  }
0x3b: {  	_ = 	snop  }
0x3c: {  	p2 =	seq.s32 s10, $0x1;
	s10 =	sld [smem:$0x3FAB]  }
0x3d: {  	_ =	shalt  }
0x3e: {  	_ =	shalt  }
0x3f: {  	_ =	shalt  }
0x40: {  	_ =	shalt  }
0x41: {  	_ =	shalt  }
0x42: {  	_ =	shalt  }
0x43: {  	_ =	shalt  }
0x44: {  	_ =	shalt  }
0x45: {  	_ =	shalt  }
0x46: {  	_ =	shalt  }
0x47: {  	_ =	shalt  }
0x48: {  	_ =	shalt  }
0x49: {  	_ =	shalt  }
0x4a: {  	_ =	shalt  }
0x4b: {  	_ =	shalt  }
0x4c: {  	_ =	shalt  }
0x4d: {  	_ =	shalt  }
0x4e: {  	_ =	shalt  }
0x4f: {  	_ =	shalt  }
0x50: {  	_ =	shalt  }
0x51: {  	_ =	shalt  }
0x52: {  	_ =	shalt  }
0x53: {  	_ =	shalt  }
0x54: {  	_ =	shalt  }
0x55: {  	_ =	shalt  }
0x56: {  	_ =	shalt  }
0x57: {  	_ =	shalt  }
0x58: {  	_ =	shalt  }
0x59: {  	_ =	shalt  }
0x5a: {  	_ =	shalt  }
0x5b: {  	_ =	shalt  }
0x5c: {  	_ =	shalt  }
0x5d: {  	_ =	shalt  }
0x5e: {  	_ =	shalt  }
0x5f: {  	_ =	shalt  }
0x60: {  	_ =	shalt  }
0x61: {  	_ =	shalt  }
0x62: {  	_ =	shalt  }
0x63: {  	_ =	shalt  }
0x64: {  	_ =	shalt  }
0x65: {  	_ =	shalt  }
0x66: {  	_ =	shalt  }
0x67: {  	_ =	shalt  }
0x68: {  	_ =	shalt  }
0x69: {  	_ =	shalt  }
0x6a: {  	_ =	shalt  }
0x6b: {  	_ =	shalt  }
0x6c: {  	_ =	shalt  }
0x6d: {  	_ =	shalt  }
0x6e: {  	_ =	shalt  }
0x6f: {  	_ =	shalt  }
0x70: {  	_ =	shalt  }
0x71: {  	_ =	shalt  }
0x72: {  	_ =	shalt  }
0x73: {  	_ =	shalt  }
0x74: {  	_ =	shalt  }
0x75: {  	_ =	shalt  }
0x76: {  	_ =	shalt  }
0x77: {  	_ =	shalt  }
0x78: {  	_ =	shalt  }
0x79: {  	_ =	shalt  }
0x7a: {  	_ =	shalt  }
0x7b: {  	_ =	shalt  }
0x7c: {  	_ =	shalt  }
0x7d: {  	_ =	shalt  }
0x7e: {  	_ =	shalt  }
0x7f: {  	_ =	shalt  }
0x80: {  	_ =	shalt  }
0x81: {  	_ =	shalt  }
0x82: {  	_ =	shalt  }
0x83: {  	_ =	shalt  }
0x84: {  	_ =	shalt  }
0x85: {  	_ =	shalt  }
0x86: {  	_ =	shalt  }
0x87: {  	_ =	shalt  }
.Lfunc_end0:
.L_simem_size_0:
called_computation_lowered:
.L_overlay_start_0:
0x88: {  	s2 =	sld [smem:$0x3FD9]  }
0x89: {  	s3 =	sld [smem:$0x3FFE];
	_ =	sdelay $0x1  }
0x8a: {  	s1 =	srdreg.scid  }
0x8b: {  	s0 =	sand.u32 $0x1, s1  }
0x8c: {  	s16 =	sshll.u32 s0, $0xA;
	s2 =	sadd.s32 s3, s2  }
0x8d: {  	s2 =	sadd.s32 s2, s16  }
0x8e: {  	[smem:$0x3FB7] =	sst s2  }
0x8f: {  	_ = 	snop  }
0x90: {  	(tm) =	ssettm $0x1  }
0x91: {  	s17 =	sld [smem:$0x3FFB];
	_ =	sdelay $0x3  }
0x92: {  	_ =	strace s17  }
0x93: {  	s2 =	sld [smem:$0x3FFC];
	_ =	sdelay $0x3  }
0x94: {  	_ =	strace s2  }
0x95: {  	s2 =	sld [smem:$0x3FFD];
	_ =	sdelay $0x3  }
0x96: {  	_ =	strace s2  }
0x97: {  	_ =	strace $0x8FFFFFFF  }
0x98: {  	s18 =	sld [smem:$0x3FDB];
	_ =	sdelay $0x1  }
0x99: {  	s19 =	simm.s32 $_scs_section_size  }
0x9a: {  	s4 =	simm.s32 $_size__tile_overlayer_lowered;
	s5 =	simm.s32 $_tile_overlayer_lowered  }
0x9b: {  	s22 =	simm.s32 $0x1BFF;
	s21 =	sshll.u32 s5, $0x1;
	s2 =	sadd.s32 s19, s18  }
0x9c: {  	s6 =	simm.s32 $0x0;
	s20 =	sshll.u32 s4, $0x1;
	s4 =	sadd.s32 s21, s2  }
0x9d: {  	[timem:s6], [sflag:s22] =	dma.local [hbm:s4], s20  }
0x9e: {  	_ =	swait.ge [sflag:s22], s20  }
0x9f: {  	s3 =	ssub.s32 $0x0, s20;
	[sflag:s22] =	ssyncset.done $0x0  }
0xa0: {  	[sflag:s22] =	ssyncadd.s32 s3;
	_ =	sdelay $0x1  }
0xa1: {  	s23 =	simm.s32 $0x1B8B  }
0xa2: {  	_ =	swait.ge [sflag:s23], $0x1  }
0xa3: {  	[sflag:s23] =	ssyncset.done $0x0  }
0xa4: {  	s25 =	simm.s32 $0x1B8E;
	s24 =	sld [smem:$0x3FFE];
	[sflag:s23] =	ssyncadd.s32 $0xFFFFFFFF  }
0xa5: {  	s26 =	simm.s32 $execute0_lowered;
	[smem:$0x3FD2] =	sst s25  }
0xa6: {  	s4 =	sshll.u32 s26, $0x1;
	_ =	strace $0x80000046;
	[dreg:$0x1] =	wrdreg $0xFFFFFFFF  }
0xa7: {  	s28 =	simm.s32 $_size_execute0_lowered;
	s2 =	sadd.s32 s2, s4;
	[dreg:$0x0] =	wrdreg $0x0  }
0xa8: {  	s4 =	sshll.u32 s28, $0x1;
	[dreg:$0x2] =	wrdreg s2  }
0xa9: {  	[dreg:$0x3] =	wrdreg s4  }
0xaa: {  	[dreg:$0x4] =	wrdreg $0xC0  }
0xab: {  	_ =	task [dreg:s6], $0x5FFFF  }
0xac: {  	[dreg:$0x1] =	wrdreg $0xFFFFFFFF  }
0xad: {  	[dreg:$0x0] =	wrdreg $0x60  }
0xae: {  	[dreg:$0x2] =	wrdreg s24  }
0xaf: {  	[dreg:$0x3] =	wrdreg $0x84000  }
0xb0: {  	[dreg:$0x4] =	wrdreg $0x9  }
0xb1: {  	_ =	task.clear_ibuf [dreg:s6], $0x5FFFF;
	_ =	strace $0x90000046  }
0xb2: {  	s29 =	simm.s32 $0x9;
	_ =	strace $0x80000048  }
0xb3: {  	_ =	swait.ge [sflag:s29], $0x1  }
0xb4: {  	[sflag:s29] =	ssyncadd.s32 $0xFFFFFFFF  }
0xb5: {  	_ =	strace $0x90000048  }
0xb6: {  	_ =	sfence  }
0xb7: {  	s30 =	sld [smem:$0x0];
	_ =	sdelay $0x2  }
0xb8: {  	s31 =	sshll.u32 s1, $0xD;
	s1 =	sshrl.u32 s1, $0x2  }
0xb9: {  	s3 =	sand.u32 $0x4000, s31;
	s1 =	sadd.s32 s1, s30  }
0xba: {  	s0 =	sor.u32 s3, s0;
	s1 =	sshll.u32 s1, $0x11  }
0xbb: {  	s0 =	sor.u32 s1, s0  }
0xbc: {  	s0 =	sadd.s32 $0x8F2B, s0  }
0xbd: {  	[sflag:s0] =	ssyncadd.remote.s32 $0x1  }
0xbe: {  	_ =	sfence.sel $0xFFFF  }
0xbf: {  	[dreg:$0x0] =	wrdreg $0xFFFFFFFF;
	(pc) =	sbr.abs _section_cstart, $3  }
0xc0: {  	[dreg:$0x1] =	wrdreg $0xFFFFFFFF  }
0xc1: {  	_ =	task.clear_ibuf [dreg:s6], $0x2FFFF;
	_ =	strace $0x9FFFFFFF  }
0xc2: {  	(tm) =	ssettm $0x7FFFFFFF  }
0xc3: {  	_ =	shalt  }
tec
execute0_lowered:
.L_overlay_start_1:
0x0: {  	(tag) =	ssettag $0x1  }
0x1: {  	s0 =	srdreg.scid;
	s1 =	rddreg [dreg:$0x0]  }
0x2: {  	s18 =	stileid.u32;
	s2 =	rddreg [dreg:$0x1];
	s30 =	simm.s32 $0x400  }
0x3: {  	s31 =	simm.s32 $0x9;
	s0 =	sand.u32 $0x1, s0;
	s7 =	sshll.u32 s18, $0x7  }
0x4: {  	s21 =	sadd.s32 $0x5A00, s1;
	s22 =	smul.u32 $0x50000, s18;
	s8 =	sadd.s32 $0x41A00, s1  }
0x5: {  	s12 =	smul.u32 $0x14000, s18;
	s13 =	sadd.s32 $0x42200, s1;
	s3 =	sshll.u32 s0, $0x4  }
0x6: {  	s7 =	sand.u32 $0x380, s7;
	s23 =	ssub.s32 $0x2, s0;
	s26 =	smul.u32 $0x140000, s0  }
0x7: {  	s0 =	smul.u32 $0x500, s0;
	s5 =	sor.u32 s18, s3;
	s3 =	simm.s32 $0x0  }
0x8: {  	s24 =	sshrl.u32 s23, $0x1;
	s14 =	sadd.s32 $0x4000, s12;
	s25 =	sadd.s32 $0x8000, s12  }
0x9: {  	s15 =	sadd.s32 $0xC000, s12;
	s16 =	sadd.s32 $0x10000, s12;
	s18 =	smul.u32 $0x50, s18  }
0xa: {  	s4 =	sshrl.u32 s5, $0x3;
	[smem:$0x7FF] =	sst s3;
	s19 =	sadd.s32 s14, s2  }
0xb: {  	s17 =	smul.u32 $0xA00, s5;
	s11 =	sadd.s32 s25, s2;
	s9 =	sadd.s32 s15, s2  }
0xc: {  	s5 =	smul.u32 $0x5000, s5;
	s10 =	sadd.s32 s16, s2;
	s12 =	sadd.s32 s12, s26  }
0xd: {  	s14 =	sadd.s32 s26, s14;
	s15 =	sadd.s32 s26, s15;
	s16 =	sadd.s32 s26, s16  }
0xe: {  	s6 =	smul.u32 $0x14000, s4;
	_ =	strace $0x80000047;
	s4 =	sadd.s32 $0x19A00, s1  }
0xf: {  	[dreg:$0x3] =	wrdreg s8;
	s0 =	sadd.s32 s18, s0;
	s12 =	sshrl.u32 s12, $0x3  }
0x10: {  	s14 =	sshrl.u32 s14, $0x3;
	[dreg:$0x7] =	wrdreg s10;
	s20 =	sadd.s32 s21, s17  }
0x11: {  	s5 =	sshrl.u32 s5, $0x3;
	s12 =	sadd.s32 s13, s12;
	s0 =	sshll.u32 s0, $0x5  }
0x12: {  	s6 =	sor.u32 s7, s6;
	s7 =	sshrl.u32 s22, $0x2;
	s22 =	sadd.s32 $0x20, s20  }
0x13: {  	[dreg:$0xb] =	wrdreg s12;
	s5 =	sadd.s32 s21, s5;
	s21 =	sadd.s32 s0, s21  }
0x14: {  	[dreg:$0x6] =	wrdreg s20;
	s18 =	sadd.s32 $0xC0, s20;
	s0 =	simm.s32 $0x200  }
0x15: {  	s6 =	sshrl.u32 s6, $0x3;
	s8 =	sadd.s32 s7, s2;
	[dreg:$0x8] =	wrdreg s22  }
0x16: {  	s7 =	sadd.s32 s26, s25;
	s22 =	sadd.s32 $0x40, s20;
	s25 =	sshrl.u32 s15, $0x3  }
0x17: {  	s26 =	sshrl.u32 s16, $0x3;
	s15 =	sadd.s32 $0x9E0, s5;
	[dreg:$0x15] =	wrdreg s18  }
0x18: {  	s28 =	sadd.s32 $0x140, s21;
	s29 =	sadd.s32 $0x100, s21;
	s5 =	simm.s32 $0x300  }
0x19: {  	s18 =	simm.s32 $0x2;
	s1 =	sadd.s32 s6, s1;
	[dreg:$0x9] =	wrdreg s22  }
0x1a: {  	s6 =	ssub.s32 s23, s24;
	s23 =	sadd.s32 $0x60, s20;
	[dreg:$0x12] =	wrdreg s15  }
0x1b: {  	s24 =	sadd.s32 s13, s14;
	s7 =	sshrl.u32 s7, $0x3;
	[dreg:$0x5] =	wrdreg s8  }
0x1c: {  	s12 =	sadd.s32 s13, s26;
	s14 =	sadd.s32 $0xA0, s20;
	[dreg:$0xa] =	wrdreg s23  }
0x1d: {  	s15 =	simm.s32 $0x1C400;
	s22 =	simm.s32 $0x7;
	[dreg:$0xc] =	wrdreg s24  }
0x1e: {  	s26 =	simm.s32 $0x380;
	s7 =	sadd.s32 s13, s7;
	[dreg:$0xf] =	wrdreg s12  }
0x1f: {  	[dreg:$0x11] =	wrdreg s14;
	s16 =	sadd.s32 $0x92200, s1;
	s17 =	smax.u32 s6, $0x1  }
0x20: {  	s1 =	simm.s32 $0x100;
	s12 =	simm.s32 $0x5;
	[dreg:$0xd] =	wrdreg s7  }
0x21: {  	s14 =	simm.s32 $0x1;
	s23 =	simm.s32 $0x280;
	[dreg:$0x13] =	wrdreg s16  }
0x22: {  	s24 =	simm.s32 $0x4;
	s7 =	sadd.s32 s13, s25;
	[dreg:$0x14] =	wrdreg s17  }
0x23: {  	s13 =	sadd.s32 $0x80, s20;
	s16 =	simm.s32 $0x6;
	[dreg:$0xe] =	wrdreg s7  }
0x24: {  	s7 =	smov.u32 s19;
	[dreg:$0x10] =	wrdreg s13;
	s19 =	simm.s32 $0x0  }
0x25: {  	s17 =	simm.s32 $0x4400;
	s20 =	simm.s32 $0x3;
	[dreg:$0x16] =	wrdreg s19  }
0x26: {  	v0 =	vimm.f32 $0.0e+00;
	v1 =	vimm.f32 $1.000000000e+00;
	s25 =	simm.s32 $0x8;
	s13 =	simm.s32 $0x80;
	[dreg:$0x4] =	wrdreg s7  }
.LBB2_1:
0x27: {  	s6 =	rddreg [dreg:$0x3]  }
0x28: {  	[tilespmem:s30], [sflag:$0x9] =	stream.linear.gather [hbm4b:s6+s3], $0x4000, $0x38;
	[tilespmem:$0x1EC00] =	vst v63  }
0x29: {  	_ =	swait.ge [sflag:s31], $0x4000  }
0x2a: {  	[sflag:s31] =	ssyncset.done $0x0  }
0x2b: {  	[sflag:s31] =	ssyncadd.s32 $0xFFFFC000  }
0x2c: {  	[spmem:s8] =	stream.linear.scatter [tilespmem:s30], [sflag:$0x9], $0x4000, $0x38;
	[tilespmem:$0x1EC00] =	vst v63  }
0x2d: {  	_ =	swait.ge [sflag:s31], $0x4000  }
0x2e: {  	[sflag:s31] =	ssyncset.done $0x0  }
0x2f: {  	[sflag:s31] =	ssyncadd.s32 $0xFFFFC000  }
0x30: {  	[spmem:s7] =	stream.linear.scatter [tilespmem:s30], [sflag:$0x9], $0x4000, $0x38;
	[tilespmem:$0x1EC00] =	vst v63  }
0x31: {  	_ =	swait.ge [sflag:s31], $0x4000  }
0x32: {  	[sflag:s31] =	ssyncset.done $0x0  }
0x33: {  	[sflag:s31] =	ssyncadd.s32 $0xFFFFC000  }
0x34: {  	[spmem:s11] =	stream.linear.scatter [tilespmem:s30], [sflag:$0x9], $0x4000, $0x38;
	[tilespmem:$0x1EC00] =	vst v63  }
0x35: {  	_ =	swait.ge [sflag:s31], $0x4000  }
0x36: {  	[sflag:s31] =	ssyncset.done $0x0  }
0x37: {  	[sflag:s31] =	ssyncadd.s32 $0xFFFFC000  }
0x38: {  	[spmem:s9] =	stream.linear.scatter [tilespmem:s30], [sflag:$0x9], $0x4000, $0x38;
	[tilespmem:$0x1EC00] =	vst v63  }
0x39: {  	_ =	swait.ge [sflag:s31], $0x4000  }
0x3a: {  	[sflag:s31] =	ssyncset.done $0x0  }
0x3b: {  	[sflag:s31] =	ssyncadd.s32 $0xFFFFC000  }
0x3c: {  	[spmem:s10] =	stream.linear.scatter [tilespmem:s30], [sflag:$0x9], $0x4000, $0x38;
	[tilespmem:$0x1EC00] =	vst v63  }
0x3d: {  	_ =	swait.ge [sflag:s31], $0x4000  }
0x3e: {  	[sflag:s31] =	ssyncset.done $0x0  }
0x3f: {  	s6 =	simm.s32 $0x40;
	s7 =	simm.s32 $0x0;
	[sflag:s31] =	ssyncadd.s32 $0xFFFFC000  }
.LBB2_2:
0x40: {  	p0 =	sne.s32 s6, $0x9FC0;
	[tilespmem:s7+$0x1C400] =	vst v0;
	s7 =	smov.u32 s6;
	s6 =	sadd.s32 $0x40, s6  }
.Ltmp0:
0x41: {  	(pc) =	sbr.rel @p0 .LBB2_2-.Ltmp0, $2  }
0x42: {  	_ =	sdelay $0x2  }
0x43: {  	s7 =	sshra.s32 s7, $0x2  }
0x44: {  	[tilespmem:s7+$0x1C400] =	vst v0  }
0x45: {  	[bflag:$0x0] =	sbarrier.arrive $0xFFFF  }
0x46: {  	s6 =	simm.s32 $0x0;
	s10 =	rddreg [dreg:$0x6]  }
0x47: {  	[tilespmem:s6], [sflag:$0x5] =	stream.linear.gather [hbm4b:s10+s6], $0x100, $0x38;
	[tilespmem:$0x1EC00] =	vst v63  }
0x48: {  	s19 =	rddreg [dreg:$0x8]  }
0x49: {  	[tilespmem:s1], [sflag:$0x6] =	stream.linear.gather [hbm4b:s19+s6], $0x100, $0x38;
	[tilespmem:$0x1EC00] =	vst v63  }
0x4a: {  	s8 =	rddreg [dreg:$0x9]  }
0x4b: {  	[tilespmem:s0], [sflag:$0x7] =	stream.linear.gather [hbm4b:s8+s6], $0x100, $0x38;
	[tilespmem:$0x1EC00] =	vst v63  }
0x4c: {  	s10 =	rddreg [dreg:$0xa]  }
0x4d: {  	[tilespmem:s5], [sflag:$0x8] =	stream.linear.gather [hbm4b:s10+s6], $0x100, $0x38;
	[tilespmem:$0x1EC00] =	vst v63  }
0x4e: {  	_ =	swait.ge [sflag:s12], $0x100  }
0x4f: {  	[sflag:s12] =	ssyncset.done $0x0  }
0x50: {  	[sflag:s12] =	ssyncadd.s32 $0xFFFFFF00  }
0x51: {  	[tilespmem:s30], [sflag:$0x1] =	stream.indirect.gather [hbm4b:s4+s13], $0x80, s6, s13, $0xb8;
	[tilespmem:$0x1EC00] =	vst v63  }
0x52: {  	_ =	swait.ge [sflag:s14], $0x4000  }
0x53: {  	[sflag:s14] =	ssyncset.done $0x0  }
0x54: {  	[sflag:s14] =	ssyncadd.s32 $0xFFFFC000  }
0x55: {  	[spmem:s2] =	stream.indirect.scatter.add.f32 [tilespmem:s30], [sflag:$0x3], $0x80, s13, s13, $0xb8;
	[tilespmem:$0x1EC00] =	vst v63  }
0x56: {  	v2 =	vld [tilespmem:$0x80];
	_ =	sdelay $0x7  }
0x57: {  	[tilespmem:v2+s15+$0x0] =	vst.idx.add.f32.msk $0xffff, v1  }
0x58: {  	v2 =	vld [tilespmem:$0x90];
	_ =	sdelay $0x7  }
0x59: {  	[tilespmem:v2+s15+$0x0] =	vst.idx.add.f32.msk $0xffff, v1  }
0x5a: {  	v2 =	vld [tilespmem:$0xA0];
	_ =	sdelay $0x7  }
0x5b: {  	[tilespmem:v2+s15+$0x0] =	vst.idx.add.f32.msk $0xffff, v1  }
0x5c: {  	v2 =	vld [tilespmem:$0xB0];
	_ =	sdelay $0x7  }
0x5d: {  	[tilespmem:v2+s15+$0x0] =	vst.idx.add.f32.msk $0xffff, v1  }
0x5e: {  	v2 =	vld [tilespmem:$0xC0];
	_ =	sdelay $0x7  }
0x5f: {  	[tilespmem:v2+s15+$0x0] =	vst.idx.add.f32.msk $0xffff, v1  }
0x60: {  	v2 =	vld [tilespmem:$0xD0];
	_ =	sdelay $0x7  }
0x61: {  	[tilespmem:v2+s15+$0x0] =	vst.idx.add.f32.msk $0xffff, v1  }
0x62: {  	v2 =	vld [tilespmem:$0xE0];
	_ =	sdelay $0x7  }
0x63: {  	[tilespmem:v2+s15+$0x0] =	vst.idx.add.f32.msk $0xffff, v1  }
0x64: {  	v2 =	vld [tilespmem:$0xF0];
	_ =	sdelay $0x7  }
0x65: {  	[tilespmem:v2+s15+$0x0] =	vst.idx.add.f32.msk $0xffff, v1  }
0x66: {  	_ =	swait.ge [sflag:s16], $0x100  }
0x67: {  	[sflag:s16] =	ssyncset.done $0x0  }
0x68: {  	[sflag:s16] =	ssyncadd.s32 $0xFFFFFF00  }
0x69: {  	[tilespmem:s17], [sflag:$0x2] =	stream.indirect.gather [hbm4b:s4+s13], $0x80, s1, s13, $0xb8;
	[tilespmem:$0x1EC00] =	vst v63  }
0x6a: {  	_ =	swait.ge [sflag:s18], $0x4000  }
0x6b: {  	[sflag:s18] =	ssyncset.done $0x0  }
0x6c: {  	s10 =	simm.s32 $0x180;
	[sflag:s18] =	ssyncadd.s32 $0xFFFFC000  }
0x6d: {  	[spmem:s2] =	stream.indirect.scatter.add.f32 [tilespmem:s17], [sflag:$0x4], $0x80, s10, s13, $0xb8;
	[tilespmem:$0x1EC00] =	vst v63  }
0x6e: {  	v2 =	vld [tilespmem:$0x180];
	_ =	sdelay $0x7  }
0x6f: {  	[tilespmem:v2+s15+$0x0] =	vst.idx.add.f32.msk $0xffff, v1  }
0x70: {  	v2 =	vld [tilespmem:$0x190];
	_ =	sdelay $0x7  }
0x71: {  	[tilespmem:v2+s15+$0x0] =	vst.idx.add.f32.msk $0xffff, v1  }
0x72: {  	v2 =	vld [tilespmem:$0x1A0];
	_ =	sdelay $0x7  }
0x73: {  	[tilespmem:v2+s15+$0x0] =	vst.idx.add.f32.msk $0xffff, v1  }
0x74: {  	v2 =	vld [tilespmem:$0x1B0];
	_ =	sdelay $0x7  }
0x75: {  	[tilespmem:v2+s15+$0x0] =	vst.idx.add.f32.msk $0xffff, v1  }
0x76: {  	v2 =	vld [tilespmem:$0x1C0];
	_ =	sdelay $0x7  }
0x77: {  	[tilespmem:v2+s15+$0x0] =	vst.idx.add.f32.msk $0xffff, v1  }
0x78: {  	v2 =	vld [tilespmem:$0x1D0];
	_ =	sdelay $0x7  }
0x79: {  	[tilespmem:v2+s15+$0x0] =	vst.idx.add.f32.msk $0xffff, v1  }
0x7a: {  	v2 =	vld [tilespmem:$0x1E0];
	_ =	sdelay $0x7  }
0x7b: {  	[tilespmem:v2+s15+$0x0] =	vst.idx.add.f32.msk $0xffff, v1  }
0x7c: {  	v2 =	vld [tilespmem:$0x1F0];
	_ =	sdelay $0x7  }
0x7d: {  	[tilespmem:v2+s15+$0x0] =	vst.idx.add.f32.msk $0xffff, v1  }
0x7e: {  	_ =	swait.ge [sflag:s20], $0x4000  }
0x7f: {  	[sflag:s20] =	ssyncset.done $0x0  }
0x80: {  	s19 =	rddreg [dreg:$0x10];
	[sflag:s20] =	ssyncadd.s32 $0xFFFFC000  }
0x81: {  	[tilespmem:s6], [sflag:$0x5] =	stream.linear.gather [hbm4b:s19+s6], $0x100, $0x38;
	[tilespmem:$0x1EC00] =	vst v63  }
0x82: {  	_ =	swait.ge [sflag:s22], $0x100  }
0x83: {  	[sflag:s22] =	ssyncset.done $0x0  }
0x84: {  	[sflag:s22] =	ssyncadd.s32 $0xFFFFFF00  }
0x85: {  	[tilespmem:s30], [sflag:$0x1] =	stream.indirect.gather [hbm4b:s4+s13], $0x80, s0, s13, $0xb8;
	[tilespmem:$0x1EC00] =	vst v63  }
0x86: {  	_ =	swait.ge [sflag:s14], $0x4000  }
0x87: {  	[sflag:s14] =	ssyncset.done $0x0  }
0x88: {  	[sflag:s14] =	ssyncadd.s32 $0xFFFFC000  }
0x89: {  	[spmem:s2] =	stream.indirect.scatter.add.f32 [tilespmem:s30], [sflag:$0x3], $0x80, s23, s13, $0xb8;
	[tilespmem:$0x1EC00] =	vst v63  }
0x8a: {  	v2 =	vld [tilespmem:$0x280];
	_ =	sdelay $0x7  }
0x8b: {  	[tilespmem:v2+s15+$0x0] =	vst.idx.add.f32.msk $0xffff, v1  }
0x8c: {  	v2 =	vld [tilespmem:$0x290];
	_ =	sdelay $0x7  }
0x8d: {  	[tilespmem:v2+s15+$0x0] =	vst.idx.add.f32.msk $0xffff, v1  }
0x8e: {  	v2 =	vld [tilespmem:$0x2A0];
	_ =	sdelay $0x7  }
0x8f: {  	[tilespmem:v2+s15+$0x0] =	vst.idx.add.f32.msk $0xffff, v1  }
0x90: {  	v2 =	vld [tilespmem:$0x2B0];
	_ =	sdelay $0x7  }
0x91: {  	[tilespmem:v2+s15+$0x0] =	vst.idx.add.f32.msk $0xffff, v1  }
0x92: {  	v2 =	vld [tilespmem:$0x2C0];
	_ =	sdelay $0x7  }
0x93: {  	[tilespmem:v2+s15+$0x0] =	vst.idx.add.f32.msk $0xffff, v1  }
0x94: {  	v2 =	vld [tilespmem:$0x2D0];
	_ =	sdelay $0x7  }
0x95: {  	[tilespmem:v2+s15+$0x0] =	vst.idx.add.f32.msk $0xffff, v1  }
0x96: {  	v2 =	vld [tilespmem:$0x2E0];
	_ =	sdelay $0x7  }
0x97: {  	[tilespmem:v2+s15+$0x0] =	vst.idx.add.f32.msk $0xffff, v1  }
0x98: {  	v2 =	vld [tilespmem:$0x2F0];
	_ =	sdelay $0x7  }
0x99: {  	[tilespmem:v2+s15+$0x0] =	vst.idx.add.f32.msk $0xffff, v1  }
0x9a: {  	_ =	swait.ge [sflag:s24], $0x4000  }
0x9b: {  	[sflag:s24] =	ssyncset.done $0x0  }
0x9c: {  	s8 =	rddreg [dreg:$0x11];
	[sflag:s24] =	ssyncadd.s32 $0xFFFFC000  }
0x9d: {  	[tilespmem:s1], [sflag:$0x6] =	stream.linear.gather [hbm4b:s8+s6], $0x100, $0x38;
	[tilespmem:$0x1EC00] =	vst v63  }
0x9e: {  	_ =	swait.ge [sflag:s25], $0x100  }
0x9f: {  	[sflag:s25] =	ssyncset.done $0x0  }
0xa0: {  	[sflag:s25] =	ssyncadd.s32 $0xFFFFFF00  }
0xa1: {  	[tilespmem:s17], [sflag:$0x2] =	stream.indirect.gather [hbm4b:s4+s13], $0x80, s5, s13, $0xb8;
	[tilespmem:$0x1EC00] =	vst v63  }
0xa2: {  	_ =	swait.ge [sflag:s18], $0x4000  }
0xa3: {  	[sflag:s18] =	ssyncset.done $0x0  }
0xa4: {  	[sflag:s18] =	ssyncadd.s32 $0xFFFFC000  }
0xa5: {  	[spmem:s2] =	stream.indirect.scatter.add.f32 [tilespmem:s17], [sflag:$0x4], $0x80, s26, s13, $0xb8;
	[tilespmem:$0x1EC00] =	vst v63  }
0xa6: {  	v2 =	vld [tilespmem:$0x380];
	_ =	sdelay $0x7  }
0xa7: {  	[tilespmem:v2+s15+$0x0] =	vst.idx.add.f32.msk $0xffff, v1  }
0xa8: {  	v2 =	vld [tilespmem:$0x390];
	_ =	sdelay $0x7  }
0xa9: {  	[tilespmem:v2+s15+$0x0] =	vst.idx.add.f32.msk $0xffff, v1  }
0xaa: {  	v2 =	vld [tilespmem:$0x3A0];
	_ =	sdelay $0x7  }
0xab: {  	[tilespmem:v2+s15+$0x0] =	vst.idx.add.f32.msk $0xffff, v1  }
0xac: {  	v2 =	vld [tilespmem:$0x3B0];
	_ =	sdelay $0x7  }
0xad: {  	[tilespmem:v2+s15+$0x0] =	vst.idx.add.f32.msk $0xffff, v1  }
0xae: {  	v2 =	vld [tilespmem:$0x3C0];
	_ =	sdelay $0x7  }
0xaf: {  	[tilespmem:v2+s15+$0x0] =	vst.idx.add.f32.msk $0xffff, v1  }
0xb0: {  	v2 =	vld [tilespmem:$0x3D0];
	_ =	sdelay $0x7  }
0xb1: {  	[tilespmem:v2+s15+$0x0] =	vst.idx.add.f32.msk $0xffff, v1  }
0xb2: {  	v2 =	vld [tilespmem:$0x3E0];
	_ =	sdelay $0x7  }
0xb3: {  	[tilespmem:v2+s15+$0x0] =	vst.idx.add.f32.msk $0xffff, v1  }
0xb4: {  	v2 =	vld [tilespmem:$0x3F0];
	_ =	sdelay $0x7  }
0xb5: {  	[tilespmem:v2+s15+$0x0] =	vst.idx.add.f32.msk $0xffff, v1  }
0xb6: {  	_ =	swait.ge [sflag:s20], $0x4000  }
0xb7: {  	[sflag:s20] =	ssyncset.done $0x0  }
0xb8: {  	s19 =	rddreg [dreg:$0x15];
	[sflag:s20] =	ssyncadd.s32 $0xFFFFC000  }
0xb9: {  	[tilespmem:s0], [sflag:$0x7] =	stream.linear.gather [hbm4b:s19+s6], $0x100, $0x38;
	[tilespmem:$0x1EC00] =	vst v63  }
0xba: {  	_ =	swait.ge [sflag:s12], $0x100  }
0xbb: {  	[sflag:s12] =	ssyncset.done $0x0  }
0xbc: {  	[sflag:s12] =	ssyncadd.s32 $0xFFFFFF00  }
0xbd: {  	[tilespmem:s30], [sflag:$0x1] =	stream.indirect.gather [hbm4b:s4+s13], $0x80, s6, s13, $0xb8;
	[tilespmem:$0x1EC00] =	vst v63  }
.LBB2_4:
0xbe: {  	_ =	swait.ge [sflag:s14], $0x4000  }
0xbf: {  	[sflag:s14] =	ssyncset.done $0x0  }
0xc0: {  	[sflag:s14] =	ssyncadd.s32 $0xFFFFC000  }
0xc1: {  	[spmem:s2] =	stream.indirect.scatter.add.f32 [tilespmem:s30], [sflag:$0x3], $0x80, s13, s13, $0xb8;
	[tilespmem:$0x1EC00] =	vst v63  }
0xc2: {  	v2 =	vld [tilespmem:$0x80];
	_ =	sdelay $0x7  }
0xc3: {  	[tilespmem:v2+s15+$0x0] =	vst.idx.add.f32.msk $0xffff, v1  }
0xc4: {  	v2 =	vld [tilespmem:$0x90];
	_ =	sdelay $0x7  }
0xc5: {  	[tilespmem:v2+s15+$0x0] =	vst.idx.add.f32.msk $0xffff, v1  }
0xc6: {  	v2 =	vld [tilespmem:$0xA0];
	_ =	sdelay $0x7  }
0xc7: {  	[tilespmem:v2+s15+$0x0] =	vst.idx.add.f32.msk $0xffff, v1  }
0xc8: {  	v2 =	vld [tilespmem:$0xB0];
	_ =	sdelay $0x7  }
0xc9: {  	[tilespmem:v2+s15+$0x0] =	vst.idx.add.f32.msk $0xffff, v1  }
0xca: {  	v2 =	vld [tilespmem:$0xC0];
	_ =	sdelay $0x7  }
0xcb: {  	[tilespmem:v2+s15+$0x0] =	vst.idx.add.f32.msk $0xffff, v1  }
0xcc: {  	v2 =	vld [tilespmem:$0xD0];
	_ =	sdelay $0x7  }
0xcd: {  	[tilespmem:v2+s15+$0x0] =	vst.idx.add.f32.msk $0xffff, v1  }
0xce: {  	v2 =	vld [tilespmem:$0xE0];
	_ =	sdelay $0x7  }
0xcf: {  	[tilespmem:v2+s15+$0x0] =	vst.idx.add.f32.msk $0xffff, v1  }
0xd0: {  	v2 =	vld [tilespmem:$0xF0];
	_ =	sdelay $0x7  }
0xd1: {  	[tilespmem:v2+s15+$0x0] =	vst.idx.add.f32.msk $0xffff, v1  }
0xd2: {  	_ =	swait.ge [sflag:s24], $0x4000  }
0xd3: {  	s7 =	sadd.s32 s6, s21;
	[sflag:s24] =	ssyncset.done $0x0  }
0xd4: {  	s8 =	sadd.s32 $0xE0, s7;
	[sflag:s24] =	ssyncadd.s32 $0xFFFFC000  }
0xd5: {  	[tilespmem:s5], [sflag:$0x8] =	stream.linear.gather [hbm4b:s8+s3], $0x100, $0x38;
	[tilespmem:$0x1EC00] =	vst v63  }
0xd6: {  	_ =	swait.ge [sflag:s16], $0x100  }
0xd7: {  	[sflag:s16] =	ssyncset.done $0x0  }
0xd8: {  	[sflag:s16] =	ssyncadd.s32 $0xFFFFFF00  }
0xd9: {  	[tilespmem:s17], [sflag:$0x2] =	stream.indirect.gather [hbm4b:s4+s13], $0x80, s1, s13, $0xb8;
	[tilespmem:$0x1EC00] =	vst v63  }
0xda: {  	_ =	swait.ge [sflag:s18], $0x4000  }
0xdb: {  	[sflag:s18] =	ssyncset.done $0x0  }
0xdc: {  	[sflag:s18] =	ssyncadd.s32 $0xFFFFC000  }
0xdd: {  	[spmem:s2] =	stream.indirect.scatter.add.f32 [tilespmem:s17], [sflag:$0x4], $0x80, s10, s13, $0xb8;
	[tilespmem:$0x1EC00] =	vst v63  }
0xde: {  	v2 =	vld [tilespmem:$0x180];
	_ =	sdelay $0x7  }
0xdf: {  	[tilespmem:v2+s15+$0x0] =	vst.idx.add.f32.msk $0xffff, v1  }
0xe0: {  	v2 =	vld [tilespmem:$0x190];
	_ =	sdelay $0x7  }
0xe1: {  	[tilespmem:v2+s15+$0x0] =	vst.idx.add.f32.msk $0xffff, v1  }
0xe2: {  	v2 =	vld [tilespmem:$0x1A0];
	_ =	sdelay $0x7  }
0xe3: {  	[tilespmem:v2+s15+$0x0] =	vst.idx.add.f32.msk $0xffff, v1  }
0xe4: {  	v2 =	vld [tilespmem:$0x1B0];
	_ =	sdelay $0x7  }
0xe5: {  	[tilespmem:v2+s15+$0x0] =	vst.idx.add.f32.msk $0xffff, v1  }
0xe6: {  	v2 =	vld [tilespmem:$0x1C0];
	_ =	sdelay $0x7  }
0xe7: {  	[tilespmem:v2+s15+$0x0] =	vst.idx.add.f32.msk $0xffff, v1  }
0xe8: {  	v2 =	vld [tilespmem:$0x1D0];
	_ =	sdelay $0x7  }
0xe9: {  	[tilespmem:v2+s15+$0x0] =	vst.idx.add.f32.msk $0xffff, v1  }
0xea: {  	v2 =	vld [tilespmem:$0x1E0];
	_ =	sdelay $0x7  }
0xeb: {  	[tilespmem:v2+s15+$0x0] =	vst.idx.add.f32.msk $0xffff, v1  }
0xec: {  	v2 =	vld [tilespmem:$0x1F0];
	_ =	sdelay $0x7  }
0xed: {  	[tilespmem:v2+s15+$0x0] =	vst.idx.add.f32.msk $0xffff, v1  }
0xee: {  	_ =	swait.ge [sflag:s20], $0x4000  }
0xef: {  	[sflag:s20] =	ssyncset.done $0x0  }
0xf0: {  	s19 =	sadd.s32 s6, s29;
	[sflag:s20] =	ssyncadd.s32 $0xFFFFC000  }
0xf1: {  	[tilespmem:s3], [sflag:$0x5] =	stream.linear.gather [hbm4b:s19+s3], $0x100, $0x38;
	[tilespmem:$0x1EC00] =	vst v63  }
0xf2: {  	_ =	swait.ge [sflag:s22], $0x100  }
0xf3: {  	[sflag:s22] =	ssyncset.done $0x0  }
0xf4: {  	[sflag:s22] =	ssyncadd.s32 $0xFFFFFF00  }
0xf5: {  	[tilespmem:s30], [sflag:$0x1] =	stream.indirect.gather [hbm4b:s4+s13], $0x80, s0, s13, $0xb8;
	[tilespmem:$0x1EC00] =	vst v63  }
0xf6: {  	_ =	swait.ge [sflag:s14], $0x4000  }
0xf7: {  	[sflag:s14] =	ssyncset.done $0x0  }
0xf8: {  	[sflag:s14] =	ssyncadd.s32 $0xFFFFC000  }
0xf9: {  	[spmem:s2] =	stream.indirect.scatter.add.f32 [tilespmem:s30], [sflag:$0x3], $0x80, s23, s13, $0xb8;
	[tilespmem:$0x1EC00] =	vst v63  }
0xfa: {  	v2 =	vld [tilespmem:$0x280];
	_ =	sdelay $0x7  }
0xfb: {  	[tilespmem:v2+s15+$0x0] =	vst.idx.add.f32.msk $0xffff, v1  }
0xfc: {  	v2 =	vld [tilespmem:$0x290];
	_ =	sdelay $0x7  }
0xfd: {  	[tilespmem:v2+s15+$0x0] =	vst.idx.add.f32.msk $0xffff, v1  }
0xfe: {  	v2 =	vld [tilespmem:$0x2A0];
	_ =	sdelay $0x7  }
0xff: {  	[tilespmem:v2+s15+$0x0] =	vst.idx.add.f32.msk $0xffff, v1  }
0x100: {  	v2 =	vld [tilespmem:$0x2B0];
	_ =	sdelay $0x7  }
0x101: {  	[tilespmem:v2+s15+$0x0] =	vst.idx.add.f32.msk $0xffff, v1  }
0x102: {  	v2 =	vld [tilespmem:$0x2C0];
	_ =	sdelay $0x7  }
0x103: {  	[tilespmem:v2+s15+$0x0] =	vst.idx.add.f32.msk $0xffff, v1  }
0x104: {  	v2 =	vld [tilespmem:$0x2D0];
	_ =	sdelay $0x7  }
0x105: {  	[tilespmem:v2+s15+$0x0] =	vst.idx.add.f32.msk $0xffff, v1  }
0x106: {  	v2 =	vld [tilespmem:$0x2E0];
	_ =	sdelay $0x7  }
0x107: {  	[tilespmem:v2+s15+$0x0] =	vst.idx.add.f32.msk $0xffff, v1  }
0x108: {  	v2 =	vld [tilespmem:$0x2F0];
	_ =	sdelay $0x7  }
0x109: {  	[tilespmem:v2+s15+$0x0] =	vst.idx.add.f32.msk $0xffff, v1  }
0x10a: {  	_ =	swait.ge [sflag:s24], $0x4000  }
0x10b: {  	[sflag:s24] =	ssyncset.done $0x0  }
0x10c: {  	s7 =	sadd.s32 $0x120, s7;
	[sflag:s24] =	ssyncadd.s32 $0xFFFFC000  }
0x10d: {  	[tilespmem:s1], [sflag:$0x6] =	stream.linear.gather [hbm4b:s7+s3], $0x100, $0x38;
	[tilespmem:$0x1EC00] =	vst v63  }
0x10e: {  	_ =	swait.ge [sflag:s25], $0x100  }
0x10f: {  	[sflag:s25] =	ssyncset.done $0x0  }
0x110: {  	[sflag:s25] =	ssyncadd.s32 $0xFFFFFF00  }
0x111: {  	[tilespmem:s17], [sflag:$0x2] =	stream.indirect.gather [hbm4b:s4+s13], $0x80, s5, s13, $0xb8;
	[tilespmem:$0x1EC00] =	vst v63  }
0x112: {  	_ =	swait.ge [sflag:s18], $0x4000  }
0x113: {  	[sflag:s18] =	ssyncset.done $0x0  }
0x114: {  	[sflag:s18] =	ssyncadd.s32 $0xFFFFC000  }
0x115: {  	[spmem:s2] =	stream.indirect.scatter.add.f32 [tilespmem:s17], [sflag:$0x4], $0x80, s26, s13, $0xb8;
	[tilespmem:$0x1EC00] =	vst v63  }
0x116: {  	v2 =	vld [tilespmem:$0x380];
	_ =	sdelay $0x7  }
0x117: {  	[tilespmem:v2+s15+$0x0] =	vst.idx.add.f32.msk $0xffff, v1  }
0x118: {  	v2 =	vld [tilespmem:$0x390];
	_ =	sdelay $0x7  }
0x119: {  	[tilespmem:v2+s15+$0x0] =	vst.idx.add.f32.msk $0xffff, v1  }
0x11a: {  	v2 =	vld [tilespmem:$0x3A0];
	_ =	sdelay $0x7  }
0x11b: {  	[tilespmem:v2+s15+$0x0] =	vst.idx.add.f32.msk $0xffff, v1  }
0x11c: {  	v2 =	vld [tilespmem:$0x3B0];
	_ =	sdelay $0x7  }
0x11d: {  	[tilespmem:v2+s15+$0x0] =	vst.idx.add.f32.msk $0xffff, v1  }
0x11e: {  	v2 =	vld [tilespmem:$0x3C0];
	_ =	sdelay $0x7  }
0x11f: {  	[tilespmem:v2+s15+$0x0] =	vst.idx.add.f32.msk $0xffff, v1  }
0x120: {  	v2 =	vld [tilespmem:$0x3D0];
	_ =	sdelay $0x7  }
0x121: {  	[tilespmem:v2+s15+$0x0] =	vst.idx.add.f32.msk $0xffff, v1  }
0x122: {  	v2 =	vld [tilespmem:$0x3E0];
	_ =	sdelay $0x7  }
0x123: {  	[tilespmem:v2+s15+$0x0] =	vst.idx.add.f32.msk $0xffff, v1  }
0x124: {  	v2 =	vld [tilespmem:$0x3F0];
	_ =	sdelay $0x7  }
0x125: {  	[tilespmem:v2+s15+$0x0] =	vst.idx.add.f32.msk $0xffff, v1  }
0x126: {  	_ =	swait.ge [sflag:s20], $0x4000  }
0x127: {  	[sflag:s20] =	ssyncset.done $0x0  }
0x128: {  	p0 =	sne.s32 s6, $0x880;
	s19 =	sadd.s32 s6, s28;
	[sflag:s20] =	ssyncadd.s32 $0xFFFFC000  }
0x129: {  	[tilespmem:s0], [sflag:$0x7] =	stream.linear.gather [hbm4b:s19+s3], $0x100, $0x38;
	[tilespmem:$0x1EC00] =	vst v63  }
.Ltmp1:
0x12a: {  	_ = 	snop;
	(pc) =	sbr.rel @p0 .LBB2_4-.Ltmp1, $4  }
0x12b: {  	_ =	swait.ge [sflag:s12], $0x100  }
0x12c: {  	[sflag:s12] =	ssyncset.done $0x0  }
0x12d: {  	s6 =	sadd.s32 $0x80, s6;
	[sflag:s12] =	ssyncadd.s32 $0xFFFFFF00  }
0x12e: {  	[tilespmem:s30], [sflag:$0x1] =	stream.indirect.gather [hbm4b:s4+s13], $0x80, s3, s13, $0xb8;
	[tilespmem:$0x1EC00] =	vst v63  }
0x12f: {  	_ =	swait.ge [sflag:s14], $0x4000  }
0x130: {  	[sflag:s14] =	ssyncset.done $0x0  }
0x131: {  	[sflag:s14] =	ssyncadd.s32 $0xFFFFC000  }
0x132: {  	[spmem:s2] =	stream.indirect.scatter.add.f32 [tilespmem:s30], [sflag:$0x3], $0x80, s13, s13, $0xb8;
	[tilespmem:$0x1EC00] =	vst v63  }
0x133: {  	v2 =	vld [tilespmem:$0x80];
	_ =	sdelay $0x7  }
0x134: {  	[tilespmem:v2+s15+$0x0] =	vst.idx.add.f32.msk $0xffff, v1  }
0x135: {  	v2 =	vld [tilespmem:$0x90];
	_ =	sdelay $0x7  }
0x136: {  	[tilespmem:v2+s15+$0x0] =	vst.idx.add.f32.msk $0xffff, v1  }
0x137: {  	v2 =	vld [tilespmem:$0xA0];
	_ =	sdelay $0x7  }
0x138: {  	[tilespmem:v2+s15+$0x0] =	vst.idx.add.f32.msk $0xffff, v1  }
0x139: {  	v2 =	vld [tilespmem:$0xB0];
	_ =	sdelay $0x7  }
0x13a: {  	[tilespmem:v2+s15+$0x0] =	vst.idx.add.f32.msk $0xffff, v1  }
0x13b: {  	v2 =	vld [tilespmem:$0xC0];
	_ =	sdelay $0x7  }
0x13c: {  	[tilespmem:v2+s15+$0x0] =	vst.idx.add.f32.msk $0xffff, v1  }
0x13d: {  	v2 =	vld [tilespmem:$0xD0];
	_ =	sdelay $0x7  }
0x13e: {  	[tilespmem:v2+s15+$0x0] =	vst.idx.add.f32.msk $0xffff, v1  }
0x13f: {  	v2 =	vld [tilespmem:$0xE0];
	_ =	sdelay $0x7  }
0x140: {  	[tilespmem:v2+s15+$0x0] =	vst.idx.add.f32.msk $0xffff, v1  }
0x141: {  	v2 =	vld [tilespmem:$0xF0];
	_ =	sdelay $0x7  }
0x142: {  	[tilespmem:v2+s15+$0x0] =	vst.idx.add.f32.msk $0xffff, v1  }
0x143: {  	_ =	swait.ge [sflag:s24], $0x4000  }
0x144: {  	[sflag:s24] =	ssyncset.done $0x0  }
0x145: {  	s6 =	rddreg [dreg:$0x12];
	[sflag:s24] =	ssyncadd.s32 $0xFFFFC000  }
0x146: {  	[tilespmem:s5], [sflag:$0x8] =	stream.linear.gather [hbm4b:s6+s3], $0x100, $0x38;
	[tilespmem:$0x1EC00] =	vst v63  }
0x147: {  	_ =	swait.ge [sflag:s16], $0x100  }
0x148: {  	[sflag:s16] =	ssyncset.done $0x0  }
0x149: {  	[sflag:s16] =	ssyncadd.s32 $0xFFFFFF00  }
0x14a: {  	[tilespmem:s17], [sflag:$0x2] =	stream.indirect.gather [hbm4b:s4+s13], $0x80, s1, s13, $0xb8;
	[tilespmem:$0x1EC00] =	vst v63  }
0x14b: {  	_ =	swait.ge [sflag:s18], $0x4000  }
0x14c: {  	[sflag:s18] =	ssyncset.done $0x0  }
0x14d: {  	[sflag:s18] =	ssyncadd.s32 $0xFFFFC000  }
0x14e: {  	[spmem:s2] =	stream.indirect.scatter.add.f32 [tilespmem:s17], [sflag:$0x4], $0x80, s10, s13, $0xb8;
	[tilespmem:$0x1EC00] =	vst v63  }
0x14f: {  	v2 =	vld [tilespmem:$0x180];
	_ =	sdelay $0x7  }
0x150: {  	[tilespmem:v2+s15+$0x0] =	vst.idx.add.f32.msk $0xffff, v1  }
0x151: {  	v2 =	vld [tilespmem:$0x190];
	_ =	sdelay $0x7  }
0x152: {  	[tilespmem:v2+s15+$0x0] =	vst.idx.add.f32.msk $0xffff, v1  }
0x153: {  	v2 =	vld [tilespmem:$0x1A0];
	_ =	sdelay $0x7  }
0x154: {  	[tilespmem:v2+s15+$0x0] =	vst.idx.add.f32.msk $0xffff, v1  }
0x155: {  	v2 =	vld [tilespmem:$0x1B0];
	_ =	sdelay $0x7  }
0x156: {  	[tilespmem:v2+s15+$0x0] =	vst.idx.add.f32.msk $0xffff, v1  }
0x157: {  	v2 =	vld [tilespmem:$0x1C0];
	_ =	sdelay $0x7  }
0x158: {  	[tilespmem:v2+s15+$0x0] =	vst.idx.add.f32.msk $0xffff, v1  }
0x159: {  	v2 =	vld [tilespmem:$0x1D0];
	_ =	sdelay $0x7  }
0x15a: {  	[tilespmem:v2+s15+$0x0] =	vst.idx.add.f32.msk $0xffff, v1  }
0x15b: {  	v2 =	vld [tilespmem:$0x1E0];
	_ =	sdelay $0x7  }
0x15c: {  	[tilespmem:v2+s15+$0x0] =	vst.idx.add.f32.msk $0xffff, v1  }
0x15d: {  	v2 =	vld [tilespmem:$0x1F0];
	_ =	sdelay $0x7  }
0x15e: {  	[tilespmem:v2+s15+$0x0] =	vst.idx.add.f32.msk $0xffff, v1  }
0x15f: {  	_ =	swait.ge [sflag:s20], $0x4000  }
0x160: {  	[sflag:s20] =	ssyncset.done $0x0  }
0x161: {  	[sflag:s20] =	ssyncadd.s32 $0xFFFFC000  }
0x162: {  	_ =	swait.ge [sflag:s22], $0x100  }
0x163: {  	[sflag:s22] =	ssyncset.done $0x0  }
0x164: {  	[sflag:s22] =	ssyncadd.s32 $0xFFFFFF00  }
0x165: {  	[tilespmem:s30], [sflag:$0x1] =	stream.indirect.gather [hbm4b:s4+s13], $0x80, s0, s13, $0xb8;
	[tilespmem:$0x1EC00] =	vst v63  }
0x166: {  	_ =	swait.ge [sflag:s14], $0x4000  }
0x167: {  	[sflag:s14] =	ssyncset.done $0x0  }
0x168: {  	[sflag:s14] =	ssyncadd.s32 $0xFFFFC000  }
0x169: {  	[spmem:s2] =	stream.indirect.scatter.add.f32 [tilespmem:s30], [sflag:$0x3], $0x80, s23, s13, $0xb8;
	[tilespmem:$0x1EC00] =	vst v63  }
0x16a: {  	v2 =	vld [tilespmem:$0x280];
	_ =	sdelay $0x7  }
0x16b: {  	[tilespmem:v2+s15+$0x0] =	vst.idx.add.f32.msk $0xffff, v1  }
0x16c: {  	v2 =	vld [tilespmem:$0x290];
	_ =	sdelay $0x7  }
0x16d: {  	[tilespmem:v2+s15+$0x0] =	vst.idx.add.f32.msk $0xffff, v1  }
0x16e: {  	v2 =	vld [tilespmem:$0x2A0];
	_ =	sdelay $0x7  }
0x16f: {  	[tilespmem:v2+s15+$0x0] =	vst.idx.add.f32.msk $0xffff, v1  }
0x170: {  	v2 =	vld [tilespmem:$0x2B0];
	_ =	sdelay $0x7  }
0x171: {  	[tilespmem:v2+s15+$0x0] =	vst.idx.add.f32.msk $0xffff, v1  }
0x172: {  	v2 =	vld [tilespmem:$0x2C0];
	_ =	sdelay $0x7  }
0x173: {  	[tilespmem:v2+s15+$0x0] =	vst.idx.add.f32.msk $0xffff, v1  }
0x174: {  	v2 =	vld [tilespmem:$0x2D0];
	_ =	sdelay $0x7  }
0x175: {  	[tilespmem:v2+s15+$0x0] =	vst.idx.add.f32.msk $0xffff, v1  }
0x176: {  	v2 =	vld [tilespmem:$0x2E0];
	_ =	sdelay $0x7  }
0x177: {  	[tilespmem:v2+s15+$0x0] =	vst.idx.add.f32.msk $0xffff, v1  }
0x178: {  	v2 =	vld [tilespmem:$0x2F0];
	_ =	sdelay $0x7  }
0x179: {  	[tilespmem:v2+s15+$0x0] =	vst.idx.add.f32.msk $0xffff, v1  }
0x17a: {  	_ =	swait.ge [sflag:s24], $0x4000  }
0x17b: {  	[sflag:s24] =	ssyncset.done $0x0  }
0x17c: {  	[sflag:s24] =	ssyncadd.s32 $0xFFFFC000  }
0x17d: {  	_ =	swait.ge [sflag:s25], $0x100  }
0x17e: {  	[sflag:s25] =	ssyncset.done $0x0  }
0x17f: {  	[sflag:s25] =	ssyncadd.s32 $0xFFFFFF00  }
0x180: {  	[tilespmem:s17], [sflag:$0x2] =	stream.indirect.gather [hbm4b:s4+s13], $0x80, s5, s13, $0xb8;
	[tilespmem:$0x1EC00] =	vst v63  }
0x181: {  	_ =	swait.ge [sflag:s18], $0x4000  }
0x182: {  	[sflag:s18] =	ssyncset.done $0x0  }
0x183: {  	[sflag:s18] =	ssyncadd.s32 $0xFFFFC000  }
0x184: {  	[spmem:s2] =	stream.indirect.scatter.add.f32 [tilespmem:s17], [sflag:$0x4], $0x80, s26, s13, $0xb8;
	[tilespmem:$0x1EC00] =	vst v63  }
0x185: {  	v2 =	vld [tilespmem:$0x380];
	_ =	sdelay $0x7  }
0x186: {  	[tilespmem:v2+s15+$0x0] =	vst.idx.add.f32.msk $0xffff, v1  }
0x187: {  	v2 =	vld [tilespmem:$0x390];
	_ =	sdelay $0x7  }
0x188: {  	[tilespmem:v2+s15+$0x0] =	vst.idx.add.f32.msk $0xffff, v1  }
0x189: {  	v2 =	vld [tilespmem:$0x3A0];
	_ =	sdelay $0x7  }
0x18a: {  	[tilespmem:v2+s15+$0x0] =	vst.idx.add.f32.msk $0xffff, v1  }
0x18b: {  	v2 =	vld [tilespmem:$0x3B0];
	_ =	sdelay $0x7  }
0x18c: {  	[tilespmem:v2+s15+$0x0] =	vst.idx.add.f32.msk $0xffff, v1  }
0x18d: {  	v2 =	vld [tilespmem:$0x3C0];
	_ =	sdelay $0x7  }
0x18e: {  	[tilespmem:v2+s15+$0x0] =	vst.idx.add.f32.msk $0xffff, v1  }
0x18f: {  	v2 =	vld [tilespmem:$0x3D0];
	_ =	sdelay $0x7  }
0x190: {  	[tilespmem:v2+s15+$0x0] =	vst.idx.add.f32.msk $0xffff, v1  }
0x191: {  	v2 =	vld [tilespmem:$0x3E0];
	_ =	sdelay $0x7  }
0x192: {  	[tilespmem:v2+s15+$0x0] =	vst.idx.add.f32.msk $0xffff, v1  }
0x193: {  	v2 =	vld [tilespmem:$0x3F0];
	_ =	sdelay $0x7  }
0x194: {  	[tilespmem:v2+s15+$0x0] =	vst.idx.add.f32.msk $0xffff, v1  }
0x195: {  	_ =	swait.ge [sflag:s20], $0x4000  }
0x196: {  	[sflag:s20] =	ssyncset.done $0x0  }
0x197: {  	[sflag:s20] =	ssyncadd.s32 $0xFFFFC000  }
0x198: {  	_ =	swait.ge [sflag:s24], $0x4000  }
0x199: {  	[sflag:s24] =	ssyncset.done $0x0  }
0x19a: {  	[sflag:s24] =	ssyncadd.s32 $0xFFFFC000  }
0x19b: {  	[bflag:$0x0] =	sbarrier.arrive $0xFFFF  }
0x19c: {  	s8 =	rddreg [dreg:$0x5]  }
0x19d: {  	[tilespmem:s30], [sflag:$0x9] =	stream.linear.gather [spmem:s8], $0x4000, $0x38;
	[tilespmem:$0x1EC00] =	vst v63  }
0x19e: {  	_ =	swait.ge [sflag:s31], $0x4000  }
0x19f: {  	[sflag:s31] =	ssyncset.done $0x0  }
0x1a0: {  	s7 =	rddreg [dreg:$0xb];
	[sflag:s31] =	ssyncadd.s32 $0xFFFFC000  }
0x1a1: {  	[hbm4b:s7+s3] =	stream.linear.scatter [tilespmem:s30], [sflag:$0x3], $0x4000, $0x38;
	[tilespmem:$0x1EC00] =	vst v63  }
0x1a2: {  	s7 =	rddreg [dreg:$0x4]  }
0x1a3: {  	[tilespmem:s17], [sflag:$0x9] =	stream.linear.gather [spmem:s7], $0x4000, $0x38;
	[tilespmem:$0x1EC00] =	vst v63  }
0x1a4: {  	_ =	swait.ge [sflag:s31], $0x4000  }
0x1a5: {  	[sflag:s31] =	ssyncset.done $0x0  }
0x1a6: {  	s10 =	rddreg [dreg:$0xc];
	[sflag:s31] =	ssyncadd.s32 $0xFFFFC000  }
0x1a7: {  	[hbm4b:s10+s3] =	stream.linear.scatter [tilespmem:s17], [sflag:$0x4], $0x4000, $0x38;
	[tilespmem:$0x1EC00] =	vst v63  }
0x1a8: {  	_ =	swait.ge [sflag:s20], $0x4000  }
0x1a9: {  	[sflag:s20] =	ssyncset.done $0x0  }
0x1aa: {  	[sflag:s20] =	ssyncadd.s32 $0xFFFFC000  }
0x1ab: {  	[tilespmem:s30], [sflag:$0x9] =	stream.linear.gather [spmem:s11], $0x4000, $0x38;
	[tilespmem:$0x1EC00] =	vst v63  }
0x1ac: {  	_ =	swait.ge [sflag:s31], $0x4000  }
0x1ad: {  	[sflag:s31] =	ssyncset.done $0x0  }
0x1ae: {  	s19 =	rddreg [dreg:$0xd];
	[sflag:s31] =	ssyncadd.s32 $0xFFFFC000  }
0x1af: {  	[hbm4b:s19+s3] =	stream.linear.scatter [tilespmem:s30], [sflag:$0x3], $0x4000, $0x38;
	[tilespmem:$0x1EC00] =	vst v63  }
0x1b0: {  	_ =	swait.ge [sflag:s24], $0x4000  }
0x1b1: {  	[sflag:s24] =	ssyncset.done $0x0  }
0x1b2: {  	[sflag:s24] =	ssyncadd.s32 $0xFFFFC000  }
0x1b3: {  	[tilespmem:s17], [sflag:$0x9] =	stream.linear.gather [spmem:s9], $0x4000, $0x38;
	[tilespmem:$0x1EC00] =	vst v63  }
0x1b4: {  	_ =	swait.ge [sflag:s31], $0x4000  }
0x1b5: {  	[sflag:s31] =	ssyncset.done $0x0  }
0x1b6: {  	s10 =	rddreg [dreg:$0xe];
	[sflag:s31] =	ssyncadd.s32 $0xFFFFC000  }
0x1b7: {  	[hbm4b:s10+s3] =	stream.linear.scatter [tilespmem:s17], [sflag:$0x4], $0x4000, $0x38;
	[tilespmem:$0x1EC00] =	vst v63  }
0x1b8: {  	_ =	swait.ge [sflag:s20], $0x4000  }
0x1b9: {  	[sflag:s20] =	ssyncset.done $0x0  }
0x1ba: {  	s10 =	rddreg [dreg:$0x7];
	[sflag:s20] =	ssyncadd.s32 $0xFFFFC000  }
0x1bb: {  	[tilespmem:s30], [sflag:$0x9] =	stream.linear.gather [spmem:s10], $0x4000, $0x38;
	[tilespmem:$0x1EC00] =	vst v63  }
0x1bc: {  	_ =	swait.ge [sflag:s31], $0x4000  }
0x1bd: {  	[sflag:s31] =	ssyncset.done $0x0  }
0x1be: {  	s19 =	rddreg [dreg:$0xf];
	[sflag:s31] =	ssyncadd.s32 $0xFFFFC000  }
0x1bf: {  	[hbm4b:s19+s3] =	stream.linear.scatter [tilespmem:s30], [sflag:$0x3], $0x4000, $0x38;
	[tilespmem:$0x1EC00] =	vst v63  }
0x1c0: {  	_ =	swait.ge [sflag:s20], $0x4000  }
0x1c1: {  	[sflag:s20] =	ssyncset.done $0x0  }
0x1c2: {  	[sflag:s20] =	ssyncadd.s32 $0xFFFFC000  }
0x1c3: {  	_ =	swait.ge [sflag:s24], $0x4000  }
0x1c4: {  	[sflag:s24] =	ssyncset.done $0x0  }
0x1c5: {  	s19 =	rddreg [dreg:$0x13];
	[sflag:s24] =	ssyncadd.s32 $0xFFFFC000  }
0x1c6: {  	[hbm4b:s19+s13] =	stream.strided.scatter [tilespmem:s15], [sflag:$0x9], $0x2800, s30, s13, $0x38;
	[tilespmem:$0x1EC00] =	vst v63  }
0x1c7: {  	_ =	swait.ge [sflag:s31], $0x2800  }
0x1c8: {  	s19 =	rddreg [dreg:$0x16]  }
0x1c9: {  	s6 =	rddreg [dreg:$0x14];
	s19 =	sadd.s32 $0x1, s19  }
0x1ca: {  	p0 =	sne.s32 s19, s6  }
.Ltmp2:
0x1cb: {  	_ = 	snop;
	(pc) =	sbr.rel @p0 .LBB2_1-.Ltmp2, $3  }
0x1cc: {  	_ =	sdelay $0x1  }
0x1cd: {  	[sflag:s31] =	ssyncset.done $0x0  }
0x1ce: {  	[sflag:s31] =	ssyncadd.s32 $0xFFFFD800;
	[dreg:$0x16] =	wrdreg s19  }
0x1cf: {  	_ =	sfence.sel $0x180000  }
0x1d0: {  	[bflag:$0x0] =	sbarrier.arrive $0xFFFF  }
0x1d1: {  	_ =	strace $0x90000047  }
0x1d2: {  	s0 =	stileid.u32;
	[bflag:$0x2] =	sbarrier.arrive $0xFFFF  }
0x1d3: {  	p0 =	sne.s32 s0, $0x0;
	s0 =	rddreg [dreg:$0x2]  }
0x1d4: {  	s0 =	sadd.s32 @!p0 $0x100000, s0  }
0x1d5: {  	[sflag:s0] =	ssyncadd.tile.s32 @!p0 $0x1;
	_ =	shalt  }
.Lfunc_end2:
_tile_overlayer_lowered:
.L_overlay_start_2:
0x1d6: {  	(tag) =	ssettag $0x2  }
0x1d7: {  	s0 =	rddreg [dreg:$0x0];
	s2 =	stileid.u32  }
0x1d8: {  	s1 =	rddreg [dreg:$0x1];
	p0 =	sne.s32 s2, $0x0  }
0x1d9: {  	s3 =	rddreg [dreg:$0x2];
	[bflag:$0x3] =	sbarrier.arrive $0xFFFF;
	s2 =	simm.s32 @!p0 $0x1C09  }
0x1da: {  	[timem:s3], [sflag:s2] =	dma.local @!p0 [hbm:s0], s1  }
0x1db: {  	s0 =	simm.s32 @!p0 $0x9  }
0x1dc: {  	_ =	swait.ge @!p0 [sflag:s0], s1  }
0x1dd: {  	s1 =	ssub.s32 @!p0 $0x0, s1;
	[sflag:s0] =	ssyncset.done @!p0 $0x0  }
0x1de: {  	[sflag:s0] =	ssyncadd.s32 @!p0 s1  }
0x1df: {  	[bflag:$0x3] =	sbarrier.arrive $0xFFFF  }
0x1e0: {  	_ =	shalt  }

// kernel: kernel.16.cloned.1.call-start
scs
__scs_entry_jumppad:
0x0: {  	(pc) =	sbr.rel $0x88, $3  }
0x1: {  	(tag) =	ssettag $0x0;
	lr =	simm.s32 $0x1  }
0x2: {  	[smem:$0x3F90] =	sst lr;
	_ =	strace $0xD0000000  }
0x3: {  	_ = 	snop  }
0x4: {  	_ = 	snop  }
0x5: {  	_ = 	snop  }
0x6: {  	_ = 	snop  }
0x7: {  	_ = 	snop  }
__scs_overlays_trampoline_lowered:
0x8: {  	[smem:$0x3F9F] =	sst s0  }
0x9: {  	[smem:$0x3FA0] =	sst s1  }
0xa: {  	[smem:$0x3FA1] =	sst s2  }
0xb: {  	[smem:$0x3FA2] =	sst s3  }
0xc: {  	[smem:$0x3FA3] =	sst s4  }
0xd: {  	[smem:$0x3FA4] =	sst s5  }
0xe: {  	[smem:$0x3FA5] =	sst s6  }
0xf: {  	[smem:$0x3FA6] =	sst s7  }
0x10: {  	[smem:$0x3FA7] =	sst s8  }
0x11: {  	[smem:$0x3FA8] =	sst s9;
	s0 =	simm.s32 @!p0 $0x0  }
0x12: {  	s1 =	sld [smem:$0x3F8E];
	s0 =	simm.s32 @p0 $0x1  }
0x13: {  	[smem:$0x3FA9] =	sst s0;
	s0 =	simm.s32 @!p1 $0x0  }
0x14: {  	s2 =	sld [smem:$0x3F8D];
	s0 =	simm.s32 @p1 $0x1  }
0x15: {  	[smem:$0x3FAA] =	sst s0;
	s0 =	simm.s32 @!p2 $0x0  }
0x16: {  	s3 =	sld [smem:$0x3FDB];
	s0 =	simm.s32 @p2 $0x1  }
0x17: {  	s4 =	simm.s32 $0x1BF5;
	[smem:$0x3FAC] =	sst s0  }
0x18: {  	s0 =	sld [smem:$0x3F8F];
	_ =	swait.ge [sflag:s4], $0x0  }
0x19: {  	s7 =	sld [smem:$0x3F90]  }
0x1a: {  	s8 =	sadd.s32 $0xFFFFE003, lr  }
0x1b: {  	s9 =	sadd.s32 $0xFFFFFEF7, lr;
	s5 =	simm.s32 $0xFFFFFFFF;
	p2 =	slt.u32 s8, $0xFFFFF086  }
0x1c: {  	p1 =	slt.u32 s9, $0xF7A;
	s5 =	simm.s32 @!p2 $0x0  }
0x1d: {  	s5 =	simm.s32 @p1 $0x1;
	p0 =	seq.s32 s7, s2  }
0x1e: {  	s7 =	smul.u32 @!p0 $0xF7A, s2;
	p2 =	seq.s32 @!p0 s5, $0x0  }
0x1f: {  	s9 =	smul.u32 $0xF7A, s1;
	s8 =	simm.s32 @!p0 $0x1BF5;
	p2 =	por !p2, p0  }
0x20: {  	[sflag:s8] =	ssyncset.s32 @!p0 $0xFFFFF086;
	s6 =	sadd.s32 @!p0 s3, s7;
	s7 =	simm.s32 @!p0 $0x108  }
0x21: {  	s3 =	sadd.s32 s3, s9;
	s6 =	sadd.s32 @!p0 $0x88, s6;
	s7 =	simm.s32 @p2 $0x1082  }
0x22: {  	[simem:s7], [sflag:s8] =	dma.local @!p0 [hbm:s6], $0xF7A  }
0x23: {  	s9 =	sor.u32 $0xD0000000, s2;
	s6 =	simm.s32 $0x108;
	_ =	swait.ge @!p0 [sflag:s8], $0x0  }
0x24: {  	s3 =	sadd.s32 $0x88, s3;
	s6 =	simm.s32 @!p1 $0x1082;
	[sflag:s4] =	ssyncset.s32 $0xFFFFF086  }
0x25: {  	[simem:s6], [sflag:s4] =	dma.local [hbm:s3], $0xF7A  }
0x26: {  	[smem:$0x3F90] =	sst s1;
	(tag) =	ssettag s2;
	_ =	strace s9  }
0x27: {  	s1 =	sld [smem:$0x3FA0]  }
0x28: {  	s2 =	sld [smem:$0x3FA1]  }
0x29: {  	s4 =	sld [smem:$0x3FA3]  }
0x2a: {  	p0 =	seq.s32 s5, $0x0;
	s5 =	sld [smem:$0x3FA4]  }
0x2b: {  	s6 =	sld [smem:$0x3FA5]  }
0x2c: {  	s7 =	sld [smem:$0x3FA6]  }
0x2d: {  	s3 =	simm.s32 $0x108;
	s8 =	sld [smem:$0x3FA7]  }
0x2e: {  	s3 =	simm.s32 @!p0 $0x1082;
	s9 =	sld [smem:$0x3FA8]  }
0x2f: {  	lr =	sadd.s32 s0, s3;
	s0 =	sld [smem:$0x3F9F]  }
0x30: {  	s3 =	sld [smem:$0x3FA2]  }
0x31: {  	[smem:$0x3FAB] =	sst s10  }
0x32: {  	s10 =	sld [smem:$0x3FA9];
	_ =	sdelay $0x3  }
0x33: {  	p0 =	seq.s32 s10, $0x1;
	s10 =	sld [smem:$0x3FAB];
	_ =	sdelay $0x3  }
0x34: {  	[smem:$0x3FAB] =	sst s10  }
0x35: {  	s10 =	sld [smem:$0x3FAA];
	_ =	sdelay $0x3  }
0x36: {  	p1 =	seq.s32 s10, $0x1;
	s10 =	sld [smem:$0x3FAB];
	_ =	sdelay $0x3  }
0x37: {  	[smem:$0x3FAB] =	sst s10  }
0x38: {  	s10 =	sld [smem:$0x3FAC]  }
0x39: {  	_ = 	snop;
	(pc) =	sbr.ind lr, $3  }
0x3a: {  	_ = 	snop  }
0x3b: {  	_ = 	snop  }
0x3c: {  	p2 =	seq.s32 s10, $0x1;
	s10 =	sld [smem:$0x3FAB]  }
0x3d: {  	_ =	shalt  }
0x3e: {  	_ =	shalt  }
0x3f: {  	_ =	shalt  }
0x40: {  	_ =	shalt  }
0x41: {  	_ =	shalt  }
0x42: {  	_ =	shalt  }
0x43: {  	_ =	shalt  }
0x44: {  	_ =	shalt  }
0x45: {  	_ =	shalt  }
0x46: {  	_ =	shalt  }
0x47: {  	_ =	shalt  }
0x48: {  	_ =	shalt  }
0x49: {  	_ =	shalt  }
0x4a: {  	_ =	shalt  }
0x4b: {  	_ =	shalt  }
0x4c: {  	_ =	shalt  }
0x4d: {  	_ =	shalt  }
0x4e: {  	_ =	shalt  }
0x4f: {  	_ =	shalt  }
0x50: {  	_ =	shalt  }
0x51: {  	_ =	shalt  }
0x52: {  	_ =	shalt  }
0x53: {  	_ =	shalt  }
0x54: {  	_ =	shalt  }
0x55: {  	_ =	shalt  }
0x56: {  	_ =	shalt  }
0x57: {  	_ =	shalt  }
0x58: {  	_ =	shalt  }
0x59: {  	_ =	shalt  }
0x5a: {  	_ =	shalt  }
0x5b: {  	_ =	shalt  }
0x5c: {  	_ =	shalt  }
0x5d: {  	_ =	shalt  }
0x5e: {  	_ =	shalt  }
0x5f: {  	_ =	shalt  }
0x60: {  	_ =	shalt  }
0x61: {  	_ =	shalt  }
0x62: {  	_ =	shalt  }
0x63: {  	_ =	shalt  }
0x64: {  	_ =	shalt  }
0x65: {  	_ =	shalt  }
0x66: {  	_ =	shalt  }
0x67: {  	_ =	shalt  }
0x68: {  	_ =	shalt  }
0x69: {  	_ =	shalt  }
0x6a: {  	_ =	shalt  }
0x6b: {  	_ =	shalt  }
0x6c: {  	_ =	shalt  }
0x6d: {  	_ =	shalt  }
0x6e: {  	_ =	shalt  }
0x6f: {  	_ =	shalt  }
0x70: {  	_ =	shalt  }
0x71: {  	_ =	shalt  }
0x72: {  	_ =	shalt  }
0x73: {  	_ =	shalt  }
0x74: {  	_ =	shalt  }
0x75: {  	_ =	shalt  }
0x76: {  	_ =	shalt  }
0x77: {  	_ =	shalt  }
0x78: {  	_ =	shalt  }
0x79: {  	_ =	shalt  }
0x7a: {  	_ =	shalt  }
0x7b: {  	_ =	shalt  }
0x7c: {  	_ =	shalt  }
0x7d: {  	_ =	shalt  }
0x7e: {  	_ =	shalt  }
0x7f: {  	_ =	shalt  }
0x80: {  	_ =	shalt  }
0x81: {  	_ =	shalt  }
0x82: {  	_ =	shalt  }
0x83: {  	_ =	shalt  }
0x84: {  	_ =	shalt  }
0x85: {  	_ =	shalt  }
0x86: {  	_ =	shalt  }
0x87: {  	_ =	shalt  }
.Lfunc_end0:
.L_simem_size_0:
called_computation.1_lowered:
.L_overlay_start_0:
0x88: {  	s2 =	sld [smem:$0x3FD9]  }
0x89: {  	s3 =	sld [smem:$0x3FFE];
	_ =	sdelay $0x1  }
0x8a: {  	s1 =	srdreg.scid  }
0x8b: {  	s0 =	sand.u32 $0x1, s1  }
0x8c: {  	s16 =	sshll.u32 s0, $0xA;
	s2 =	sadd.s32 s3, s2  }
0x8d: {  	s2 =	sadd.s32 s2, s16  }
0x8e: {  	[smem:$0x3FB7] =	sst s2  }
0x8f: {  	_ = 	snop  }
0x90: {  	(tm) =	ssettm $0x1  }
0x91: {  	s17 =	sld [smem:$0x3FFB];
	_ =	sdelay $0x3  }
0x92: {  	_ =	strace s17  }
0x93: {  	s2 =	sld [smem:$0x3FFC];
	_ =	sdelay $0x3  }
0x94: {  	_ =	strace s2  }
0x95: {  	s2 =	sld [smem:$0x3FFD];
	_ =	sdelay $0x3  }
0x96: {  	_ =	strace s2  }
0x97: {  	_ =	strace $0x8FFFFFFF  }
0x98: {  	s18 =	sld [smem:$0x3FDB];
	_ =	sdelay $0x1  }
0x99: {  	s19 =	simm.s32 $_scs_section_size  }
0x9a: {  	s4 =	simm.s32 $_size__tile_overlayer_lowered;
	s5 =	simm.s32 $_tile_overlayer_lowered  }
0x9b: {  	s22 =	simm.s32 $0x1BFF;
	s21 =	sshll.u32 s5, $0x1;
	s2 =	sadd.s32 s19, s18  }
0x9c: {  	s6 =	simm.s32 $0x0;
	s20 =	sshll.u32 s4, $0x1;
	s4 =	sadd.s32 s21, s2  }
0x9d: {  	[timem:s6], [sflag:s22] =	dma.local [hbm:s4], s20  }
0x9e: {  	_ =	swait.ge [sflag:s22], s20  }
0x9f: {  	s3 =	ssub.s32 $0x0, s20;
	[sflag:s22] =	ssyncset.done $0x0  }
0xa0: {  	[sflag:s22] =	ssyncadd.s32 s3;
	_ =	sdelay $0x1  }
0xa1: {  	s23 =	simm.s32 $0x1B8B  }
0xa2: {  	_ =	swait.ge [sflag:s23], $0x1  }
0xa3: {  	[sflag:s23] =	ssyncset.done $0x0  }
0xa4: {  	s25 =	simm.s32 $0x1B8E;
	s24 =	sld [smem:$0x3FFE];
	[sflag:s23] =	ssyncadd.s32 $0xFFFFFFFF  }
0xa5: {  	s26 =	simm.s32 $execute0_lowered;
	[smem:$0x3FD2] =	sst s25  }
0xa6: {  	s4 =	sshll.u32 s26, $0x1;
	_ =	strace $0x80000049;
	[dreg:$0x1] =	wrdreg $0xFFFFFFFF  }
0xa7: {  	s28 =	simm.s32 $_size_execute0_lowered;
	s2 =	sadd.s32 s2, s4;
	[dreg:$0x0] =	wrdreg $0x0  }
0xa8: {  	s4 =	sshll.u32 s28, $0x1;
	[dreg:$0x2] =	wrdreg s2  }
0xa9: {  	[dreg:$0x3] =	wrdreg s4  }
0xaa: {  	[dreg:$0x4] =	wrdreg $0xC0  }
0xab: {  	_ =	task [dreg:s6], $0x5FFFF  }
0xac: {  	[dreg:$0x1] =	wrdreg $0xFFFFFFFF  }
0xad: {  	[dreg:$0x0] =	wrdreg $0x60  }
0xae: {  	[dreg:$0x2] =	wrdreg s24  }
0xaf: {  	[dreg:$0x3] =	wrdreg $0x84000  }
0xb0: {  	[dreg:$0x4] =	wrdreg $0x9  }
0xb1: {  	_ =	task.clear_ibuf [dreg:s6], $0x5FFFF;
	_ =	strace $0x90000049  }
0xb2: {  	s29 =	simm.s32 $0x9;
	_ =	strace $0x8000004B  }
0xb3: {  	_ =	swait.ge [sflag:s29], $0x1  }
0xb4: {  	[sflag:s29] =	ssyncadd.s32 $0xFFFFFFFF  }
0xb5: {  	_ =	strace $0x9000004B  }
0xb6: {  	_ =	sfence  }
0xb7: {  	s30 =	sld [smem:$0x0];
	_ =	sdelay $0x2  }
0xb8: {  	s31 =	sshll.u32 s1, $0xD;
	s1 =	sshrl.u32 s1, $0x2  }
0xb9: {  	s3 =	sand.u32 $0x4000, s31;
	s1 =	sadd.s32 s1, s30  }
0xba: {  	s0 =	sor.u32 s3, s0;
	s1 =	sshll.u32 s1, $0x11  }
0xbb: {  	s0 =	sor.u32 s1, s0  }
0xbc: {  	s0 =	sadd.s32 $0x8F2B, s0  }
0xbd: {  	[sflag:s0] =	ssyncadd.remote.s32 $0x1  }
0xbe: {  	_ =	sfence.sel $0xFFFF  }
0xbf: {  	[dreg:$0x0] =	wrdreg $0xFFFFFFFF;
	(pc) =	sbr.abs _section_cstart, $3  }
0xc0: {  	[dreg:$0x1] =	wrdreg $0xFFFFFFFF  }
0xc1: {  	_ =	task.clear_ibuf [dreg:s6], $0x2FFFF;
	_ =	strace $0x9FFFFFFF  }
0xc2: {  	(tm) =	ssettm $0x7FFFFFFF  }
0xc3: {  	_ =	shalt  }
tec
execute0_lowered:
.L_overlay_start_1:
0x0: {  	(tag) =	ssettag $0x1  }
0x1: {  	s0 =	rddreg [dreg:$0x0]  }
0x2: {  	s1 =	rddreg [dreg:$0x1];
	s2 =	simm.s32 $0x0  }
0x3: {  	s3 =	srdreg.scid;
	s18 =	stileid.u32;
	s29 =	simm.s32 $0x400  }
0x4: {  	s30 =	simm.s32 $0x9;
	s31 =	simm.s32 $0x100;
	[smem:$0x7FF] =	sst s2  }
0x5: {  	s4 =	sadd.s32 $0x19A00, s0;
	s3 =	sand.u32 $0x1, s3;
	s7 =	smul.u32 $0x50000, s18  }
0x6: {  	s5 =	sadd.s32 $0x5A00, s0;
	s8 =	sadd.s32 $0x41A00, s0;
	s11 =	smul.u32 $0x14000, s18  }
0x7: {  	s0 =	sadd.s32 $0x42200, s0;
	_ =	strace $0x8000004A;
	s6 =	ssub.s32 $0x2, s3  }
0x8: {  	[dreg:$0x3] =	wrdreg s8;
	s21 =	sshll.u32 s3, $0x4;
	s22 =	smul.u32 $0x140000, s3  }
0x9: {  	s3 =	smul.u32 $0x500, s3;
	s20 =	sshrl.u32 s6, $0x1;
	s17 =	sor.u32 s18, s21  }
0xa: {  	s7 =	sshrl.u32 s7, $0x2;
	s12 =	sadd.s32 $0x4000, s11;
	s13 =	sadd.s32 $0x8000, s11  }
0xb: {  	s14 =	sadd.s32 $0xC000, s11;
	s16 =	sadd.s32 $0x10000, s11;
	s18 =	smul.u32 $0x50, s18  }
0xc: {  	s6 =	ssub.s32 s6, s20;
	s7 =	sadd.s32 s7, s1;
	s8 =	sadd.s32 s12, s1  }
0xd: {  	s19 =	sadd.s32 s13, s1;
	s15 =	smul.u32 $0xA00, s17;
	s10 =	sadd.s32 s14, s1  }
0xe: {  	s17 =	smul.u32 $0x5000, s17;
	s9 =	sadd.s32 s16, s1;
	s11 =	sadd.s32 s11, s22  }
0xf: {  	s12 =	sadd.s32 s22, s12;
	s13 =	sadd.s32 s22, s13;
	[dreg:$0x5] =	wrdreg s10  }
0x10: {  	s14 =	sadd.s32 s22, s14;
	s3 =	sadd.s32 s18, s3;
	[dreg:$0x6] =	wrdreg s8  }
0x11: {  	s11 =	sshrl.u32 s11, $0x3;
	s12 =	sshrl.u32 s12, $0x3;
	[dreg:$0x7] =	wrdreg s9  }
0x12: {  	s13 =	sshrl.u32 s13, $0x3;
	[dreg:$0x8] =	wrdreg s7;
	s20 =	sadd.s32 s5, s15  }
0x13: {  	s15 =	sadd.s32 s22, s16;
	s26 =	sshrl.u32 s17, $0x3;
	s11 =	sadd.s32 s0, s11  }
0x14: {  	s12 =	sadd.s32 s0, s12;
	s17 =	sshrl.u32 s14, $0x3;
	[dreg:$0xe] =	wrdreg s11  }
0x15: {  	s14 =	simm.s32 $0x6;
	s16 =	simm.s32 $0x2;
	[dreg:$0xf] =	wrdreg s12  }
0x16: {  	s21 =	sadd.s32 $0x20, s20;
	s23 =	sadd.s32 $0x40, s20;
	[dreg:$0x9] =	wrdreg s20  }
0x17: {  	s24 =	sadd.s32 $0x60, s20;
	s25 =	sadd.s32 $0x80, s20;
	[dreg:$0xa] =	wrdreg s21  }
0x18: {  	s11 =	sadd.s32 s0, s13;
	s18 =	sshrl.u32 s15, $0x3;
	[dreg:$0xb] =	wrdreg s23  }
0x19: {  	s22 =	sadd.s32 $0xA0, s20;
	s12 =	simm.s32 $0x80;
	[dreg:$0xc] =	wrdreg s24  }
0x1a: {  	s13 =	simm.s32 $0x1;
	s15 =	simm.s32 $0x4400;
	[dreg:$0xd] =	wrdreg s25  }
0x1b: {  	[dreg:$0x10] =	wrdreg s11;
	s11 =	sadd.s32 s0, s17;
	s0 =	sadd.s32 s0, s18  }
0x1c: {  	s21 =	sshll.u32 s3, $0x5;
	[dreg:$0x13] =	wrdreg s22;
	s23 =	sadd.s32 s5, s26  }
0x1d: {  	s24 =	sadd.s32 $0xC0, s20;
	s26 =	smax.u32 s6, $0x1;
	s3 =	simm.s32 $0x300  }
0x1e: {  	s17 =	simm.s32 $0x180;
	s18 =	simm.s32 $0x3;
	[dreg:$0x11] =	wrdreg s11  }
0x1f: {  	s20 =	simm.s32 $0x280;
	s11 =	smov.u32 s19;
	[dreg:$0x12] =	wrdreg s0  }
0x20: {  	s22 =	sadd.s32 s21, s5;
	[dreg:$0x14] =	wrdreg s24;
	s25 =	sadd.s32 $0x9E0, s23  }
0x21: {  	[dreg:$0x16] =	wrdreg s26;
	s0 =	simm.s32 $0x200;
	s5 =	simm.s32 $0x5  }
0x22: {  	s19 =	simm.s32 $0x7;
	s21 =	simm.s32 $0x4;
	s23 =	simm.s32 $0x8  }
0x23: {  	s24 =	simm.s32 $0x380;
	[dreg:$0x15] =	wrdreg s25;
	s26 =	sadd.s32 $0x140, s22  }
0x24: {  	s28 =	sadd.s32 $0x100, s22;
	s25 =	simm.s32 $0x0;
	[dreg:$0x4] =	wrdreg s11  }
.LBB2_1:
0x25: {  	s6 =	rddreg [dreg:$0x3]  }
0x26: {  	[tilespmem:s29], [sflag:$0x9] =	stream.linear.gather [hbm4b:s6+s2], $0x4000, $0x38;
	[tilespmem:$0x1C400] =	vst v63  }
0x27: {  	_ =	swait.ge [sflag:s30], $0x4000  }
0x28: {  	[sflag:s30] =	ssyncset.done $0x0  }
0x29: {  	[sflag:s30] =	ssyncadd.s32 $0xFFFFC000  }
0x2a: {  	[spmem:s7] =	stream.linear.scatter [tilespmem:s29], [sflag:$0x9], $0x4000, $0x38;
	[tilespmem:$0x1C400] =	vst v63  }
0x2b: {  	_ =	swait.ge [sflag:s30], $0x4000  }
0x2c: {  	[sflag:s30] =	ssyncset.done $0x0  }
0x2d: {  	[sflag:s30] =	ssyncadd.s32 $0xFFFFC000  }
0x2e: {  	[spmem:s8] =	stream.linear.scatter [tilespmem:s29], [sflag:$0x9], $0x4000, $0x38;
	[tilespmem:$0x1C400] =	vst v63  }
0x2f: {  	_ =	swait.ge [sflag:s30], $0x4000  }
0x30: {  	[sflag:s30] =	ssyncset.done $0x0  }
0x31: {  	[sflag:s30] =	ssyncadd.s32 $0xFFFFC000  }
0x32: {  	[spmem:s11] =	stream.linear.scatter [tilespmem:s29], [sflag:$0x9], $0x4000, $0x38;
	[tilespmem:$0x1C400] =	vst v63  }
0x33: {  	_ =	swait.ge [sflag:s30], $0x4000  }
0x34: {  	[sflag:s30] =	ssyncset.done $0x0  }
0x35: {  	[sflag:s30] =	ssyncadd.s32 $0xFFFFC000  }
0x36: {  	[spmem:s10] =	stream.linear.scatter [tilespmem:s29], [sflag:$0x9], $0x4000, $0x38;
	[tilespmem:$0x1C400] =	vst v63  }
0x37: {  	_ =	swait.ge [sflag:s30], $0x4000  }
0x38: {  	[sflag:s30] =	ssyncset.done $0x0  }
0x39: {  	[sflag:s30] =	ssyncadd.s32 $0xFFFFC000  }
0x3a: {  	[spmem:s9] =	stream.linear.scatter [tilespmem:s29], [sflag:$0x9], $0x4000, $0x38;
	[tilespmem:$0x1C400] =	vst v63  }
0x3b: {  	_ =	swait.ge [sflag:s30], $0x4000  }
0x3c: {  	[sflag:s30] =	ssyncset.done $0x0  }
0x3d: {  	[sflag:s30] =	ssyncadd.s32 $0xFFFFC000  }
0x3e: {  	[bflag:$0x0] =	sbarrier.arrive $0xFFFF  }
0x3f: {  	s11 =	rddreg [dreg:$0x9]  }
0x40: {  	[tilespmem:s2], [sflag:$0x5] =	stream.linear.gather [hbm4b:s11+s2], $0x100, $0x38;
	[tilespmem:$0x1C400] =	vst v63  }
0x41: {  	s7 =	rddreg [dreg:$0xa]  }
0x42: {  	[tilespmem:s31], [sflag:$0x6] =	stream.linear.gather [hbm4b:s7+s2], $0x100, $0x38;
	[tilespmem:$0x1C400] =	vst v63  }
0x43: {  	s8 =	rddreg [dreg:$0xb]  }
0x44: {  	[tilespmem:s0], [sflag:$0x7] =	stream.linear.gather [hbm4b:s8+s2], $0x100, $0x38;
	[tilespmem:$0x1C400] =	vst v63  }
0x45: {  	s9 =	rddreg [dreg:$0xc]  }
0x46: {  	[tilespmem:s3], [sflag:$0x8] =	stream.linear.gather [hbm4b:s9+s2], $0x100, $0x38;
	[tilespmem:$0x1C400] =	vst v63  }
0x47: {  	_ =	swait.ge [sflag:s5], $0x100  }
0x48: {  	[sflag:s5] =	ssyncset.done $0x0  }
0x49: {  	[sflag:s5] =	ssyncadd.s32 $0xFFFFFF00  }
0x4a: {  	[tilespmem:s29], [sflag:$0x1] =	stream.indirect.gather [hbm4b:s4+s12], $0x80, s2, s12, $0xb8;
	[tilespmem:$0x1C400] =	vst v63  }
0x4b: {  	_ =	swait.ge [sflag:s13], $0x4000  }
0x4c: {  	[sflag:s13] =	ssyncset.done $0x0  }
0x4d: {  	[sflag:s13] =	ssyncadd.s32 $0xFFFFC000  }
0x4e: {  	[spmem:s1] =	stream.indirect.scatter.add.f32 [tilespmem:s29], [sflag:$0x3], $0x80, s12, s12, $0xb8;
	[tilespmem:$0x1C400] =	vst v63  }
0x4f: {  	_ =	swait.ge [sflag:s14], $0x100  }
0x50: {  	[sflag:s14] =	ssyncset.done $0x0  }
0x51: {  	[sflag:s14] =	ssyncadd.s32 $0xFFFFFF00  }
0x52: {  	[tilespmem:s15], [sflag:$0x2] =	stream.indirect.gather [hbm4b:s4+s12], $0x80, s31, s12, $0xb8;
	[tilespmem:$0x1C400] =	vst v63  }
0x53: {  	_ =	swait.ge [sflag:s16], $0x4000  }
0x54: {  	[sflag:s16] =	ssyncset.done $0x0  }
0x55: {  	[sflag:s16] =	ssyncadd.s32 $0xFFFFC000  }
0x56: {  	[spmem:s1] =	stream.indirect.scatter.add.f32 [tilespmem:s15], [sflag:$0x4], $0x80, s17, s12, $0xb8;
	[tilespmem:$0x1C400] =	vst v63  }
0x57: {  	_ =	swait.ge [sflag:s18], $0x4000  }
0x58: {  	[sflag:s18] =	ssyncset.done $0x0  }
0x59: {  	s10 =	rddreg [dreg:$0xd];
	[sflag:s18] =	ssyncadd.s32 $0xFFFFC000  }
0x5a: {  	[tilespmem:s2], [sflag:$0x5] =	stream.linear.gather [hbm4b:s10+s2], $0x100, $0x38;
	[tilespmem:$0x1C400] =	vst v63  }
0x5b: {  	_ =	swait.ge [sflag:s19], $0x100  }
0x5c: {  	[sflag:s19] =	ssyncset.done $0x0  }
0x5d: {  	[sflag:s19] =	ssyncadd.s32 $0xFFFFFF00  }
0x5e: {  	[tilespmem:s29], [sflag:$0x1] =	stream.indirect.gather [hbm4b:s4+s12], $0x80, s0, s12, $0xb8;
	[tilespmem:$0x1C400] =	vst v63  }
0x5f: {  	_ =	swait.ge [sflag:s13], $0x4000  }
0x60: {  	[sflag:s13] =	ssyncset.done $0x0  }
0x61: {  	[sflag:s13] =	ssyncadd.s32 $0xFFFFC000  }
0x62: {  	[spmem:s1] =	stream.indirect.scatter.add.f32 [tilespmem:s29], [sflag:$0x3], $0x80, s20, s12, $0xb8;
	[tilespmem:$0x1C400] =	vst v63  }
0x63: {  	_ =	swait.ge [sflag:s21], $0x4000  }
0x64: {  	[sflag:s21] =	ssyncset.done $0x0  }
0x65: {  	s11 =	rddreg [dreg:$0x13];
	[sflag:s21] =	ssyncadd.s32 $0xFFFFC000  }
0x66: {  	[tilespmem:s31], [sflag:$0x6] =	stream.linear.gather [hbm4b:s11+s2], $0x100, $0x38;
	[tilespmem:$0x1C400] =	vst v63  }
0x67: {  	_ =	swait.ge [sflag:s23], $0x100  }
0x68: {  	[sflag:s23] =	ssyncset.done $0x0  }
0x69: {  	[sflag:s23] =	ssyncadd.s32 $0xFFFFFF00  }
0x6a: {  	[tilespmem:s15], [sflag:$0x2] =	stream.indirect.gather [hbm4b:s4+s12], $0x80, s3, s12, $0xb8;
	[tilespmem:$0x1C400] =	vst v63  }
0x6b: {  	_ =	swait.ge [sflag:s16], $0x4000  }
0x6c: {  	[sflag:s16] =	ssyncset.done $0x0  }
0x6d: {  	[sflag:s16] =	ssyncadd.s32 $0xFFFFC000  }
0x6e: {  	[spmem:s1] =	stream.indirect.scatter.add.f32 [tilespmem:s15], [sflag:$0x4], $0x80, s24, s12, $0xb8;
	[tilespmem:$0x1C400] =	vst v63  }
0x6f: {  	_ =	swait.ge [sflag:s18], $0x4000  }
0x70: {  	[sflag:s18] =	ssyncset.done $0x0  }
0x71: {  	s7 =	rddreg [dreg:$0x14];
	[sflag:s18] =	ssyncadd.s32 $0xFFFFC000  }
0x72: {  	[tilespmem:s0], [sflag:$0x7] =	stream.linear.gather [hbm4b:s7+s2], $0x100, $0x38;
	[tilespmem:$0x1C400] =	vst v63  }
0x73: {  	_ =	swait.ge [sflag:s5], $0x100  }
0x74: {  	[sflag:s5] =	ssyncset.done $0x0  }
0x75: {  	[sflag:s5] =	ssyncadd.s32 $0xFFFFFF00  }
0x76: {  	[tilespmem:s29], [sflag:$0x1] =	stream.indirect.gather [hbm4b:s4+s12], $0x80, s2, s12, $0xb8;
	[tilespmem:$0x1C400] =	vst v63  }
0x77: {  	_ =	swait.ge [sflag:s13], $0x4000  }
0x78: {  	[sflag:s13] =	ssyncset.done $0x0  }
0x79: {  	[sflag:s13] =	ssyncadd.s32 $0xFFFFC000  }
0x7a: {  	[spmem:s1] =	stream.indirect.scatter.add.f32 [tilespmem:s29], [sflag:$0x3], $0x80, s12, s12, $0xb8;
	[tilespmem:$0x1C400] =	vst v63  }
0x7b: {  	_ =	swait.ge [sflag:s21], $0x4000  }
0x7c: {  	s8 =	sadd.s32 $0x0, s22;
	[sflag:s21] =	ssyncset.done $0x0  }
0x7d: {  	s9 =	sadd.s32 $0xE0, s8;
	[sflag:s21] =	ssyncadd.s32 $0xFFFFC000  }
0x7e: {  	[tilespmem:s3], [sflag:$0x8] =	stream.linear.gather [hbm4b:s9+s2], $0x100, $0x38;
	[tilespmem:$0x1C400] =	vst v63  }
0x7f: {  	_ =	swait.ge [sflag:s14], $0x100  }
0x80: {  	[sflag:s14] =	ssyncset.done $0x0  }
0x81: {  	[sflag:s14] =	ssyncadd.s32 $0xFFFFFF00  }
0x82: {  	[tilespmem:s15], [sflag:$0x2] =	stream.indirect.gather [hbm4b:s4+s12], $0x80, s31, s12, $0xb8;
	[tilespmem:$0x1C400] =	vst v63  }
0x83: {  	_ =	swait.ge [sflag:s16], $0x4000  }
0x84: {  	[sflag:s16] =	ssyncset.done $0x0  }
0x85: {  	[sflag:s16] =	ssyncadd.s32 $0xFFFFC000  }
0x86: {  	[spmem:s1] =	stream.indirect.scatter.add.f32 [tilespmem:s15], [sflag:$0x4], $0x80, s17, s12, $0xb8;
	[tilespmem:$0x1C400] =	vst v63  }
0x87: {  	_ =	swait.ge [sflag:s18], $0x4000  }
0x88: {  	[sflag:s18] =	ssyncset.done $0x0  }
0x89: {  	s10 =	sadd.s32 $0x0, s28;
	[sflag:s18] =	ssyncadd.s32 $0xFFFFC000  }
0x8a: {  	[tilespmem:s2], [sflag:$0x5] =	stream.linear.gather [hbm4b:s10+s2], $0x100, $0x38;
	[tilespmem:$0x1C400] =	vst v63  }
0x8b: {  	_ =	swait.ge [sflag:s19], $0x100  }
0x8c: {  	[sflag:s19] =	ssyncset.done $0x0  }
0x8d: {  	[sflag:s19] =	ssyncadd.s32 $0xFFFFFF00  }
0x8e: {  	[tilespmem:s29], [sflag:$0x1] =	stream.indirect.gather [hbm4b:s4+s12], $0x80, s0, s12, $0xb8;
	[tilespmem:$0x1C400] =	vst v63  }
0x8f: {  	_ =	swait.ge [sflag:s13], $0x4000  }
0x90: {  	[sflag:s13] =	ssyncset.done $0x0  }
0x91: {  	[sflag:s13] =	ssyncadd.s32 $0xFFFFC000  }
0x92: {  	[spmem:s1] =	stream.indirect.scatter.add.f32 [tilespmem:s29], [sflag:$0x3], $0x80, s20, s12, $0xb8;
	[tilespmem:$0x1C400] =	vst v63  }
0x93: {  	_ =	swait.ge [sflag:s21], $0x4000  }
0x94: {  	[sflag:s21] =	ssyncset.done $0x0  }
0x95: {  	s6 =	sadd.s32 $0x120, s8;
	[sflag:s21] =	ssyncadd.s32 $0xFFFFC000  }
0x96: {  	[tilespmem:s31], [sflag:$0x6] =	stream.linear.gather [hbm4b:s6+s2], $0x100, $0x38;
	[tilespmem:$0x1C400] =	vst v63  }
0x97: {  	_ =	swait.ge [sflag:s23], $0x100  }
0x98: {  	[sflag:s23] =	ssyncset.done $0x0  }
0x99: {  	[sflag:s23] =	ssyncadd.s32 $0xFFFFFF00  }
0x9a: {  	[tilespmem:s15], [sflag:$0x2] =	stream.indirect.gather [hbm4b:s4+s12], $0x80, s3, s12, $0xb8;
	[tilespmem:$0x1C400] =	vst v63  }
0x9b: {  	_ =	swait.ge [sflag:s16], $0x4000  }
0x9c: {  	[sflag:s16] =	ssyncset.done $0x0  }
0x9d: {  	[sflag:s16] =	ssyncadd.s32 $0xFFFFC000  }
0x9e: {  	[spmem:s1] =	stream.indirect.scatter.add.f32 [tilespmem:s15], [sflag:$0x4], $0x80, s24, s12, $0xb8;
	[tilespmem:$0x1C400] =	vst v63  }
0x9f: {  	_ =	swait.ge [sflag:s18], $0x4000  }
0xa0: {  	[sflag:s18] =	ssyncset.done $0x0  }
0xa1: {  	s11 =	sadd.s32 $0x0, s26;
	[sflag:s18] =	ssyncadd.s32 $0xFFFFC000  }
0xa2: {  	[tilespmem:s0], [sflag:$0x7] =	stream.linear.gather [hbm4b:s11+s2], $0x100, $0x38;
	[tilespmem:$0x1C400] =	vst v63  }
0xa3: {  	_ =	swait.ge [sflag:s5], $0x100  }
0xa4: {  	[sflag:s5] =	ssyncset.done $0x0  }
0xa5: {  	s11 =	simm.s32 $0x80;
	[sflag:s5] =	ssyncadd.s32 $0xFFFFFF00  }
.LBB2_2:
0xa6: {  	[tilespmem:s29], [sflag:$0x1] =	stream.indirect.gather [hbm4b:s4+s12], $0x80, s2, s12, $0xb8;
	[tilespmem:$0x1C400] =	vst v63  }
0xa7: {  	s6 =	smov.u32 s11  }
0xa8: {  	p0 =	sne.s32 s11, $0x880;
	s11 =	sadd.s32 $0x80, s11;
	_ =	swait.ge [sflag:s13], $0x4000  }
0xa9: {  	[sflag:s13] =	ssyncset.done $0x0  }
0xaa: {  	[sflag:s13] =	ssyncadd.s32 $0xFFFFC000  }
0xab: {  	[spmem:s1] =	stream.indirect.scatter.add.f32 [tilespmem:s29], [sflag:$0x3], $0x80, s12, s12, $0xb8;
	[tilespmem:$0x1C400] =	vst v63  }
0xac: {  	_ =	swait.ge [sflag:s21], $0x4000  }
0xad: {  	s7 =	sadd.s32 s6, s22;
	[sflag:s21] =	ssyncset.done $0x0  }
0xae: {  	s8 =	sadd.s32 $0xE0, s7;
	[sflag:s21] =	ssyncadd.s32 $0xFFFFC000  }
0xaf: {  	[tilespmem:s3], [sflag:$0x8] =	stream.linear.gather [hbm4b:s8+s2], $0x100, $0x38;
	[tilespmem:$0x1C400] =	vst v63  }
0xb0: {  	_ =	swait.ge [sflag:s14], $0x100  }
0xb1: {  	[sflag:s14] =	ssyncset.done $0x0  }
0xb2: {  	[sflag:s14] =	ssyncadd.s32 $0xFFFFFF00  }
0xb3: {  	[tilespmem:s15], [sflag:$0x2] =	stream.indirect.gather [hbm4b:s4+s12], $0x80, s31, s12, $0xb8;
	[tilespmem:$0x1C400] =	vst v63  }
0xb4: {  	_ =	swait.ge [sflag:s16], $0x4000  }
0xb5: {  	[sflag:s16] =	ssyncset.done $0x0  }
0xb6: {  	[sflag:s16] =	ssyncadd.s32 $0xFFFFC000  }
0xb7: {  	[spmem:s1] =	stream.indirect.scatter.add.f32 [tilespmem:s15], [sflag:$0x4], $0x80, s17, s12, $0xb8;
	[tilespmem:$0x1C400] =	vst v63  }
0xb8: {  	_ =	swait.ge [sflag:s18], $0x4000  }
0xb9: {  	[sflag:s18] =	ssyncset.done $0x0  }
0xba: {  	s8 =	sadd.s32 s6, s28;
	[sflag:s18] =	ssyncadd.s32 $0xFFFFC000  }
0xbb: {  	[tilespmem:s2], [sflag:$0x5] =	stream.linear.gather [hbm4b:s8+s2], $0x100, $0x38;
	[tilespmem:$0x1C400] =	vst v63  }
0xbc: {  	_ =	swait.ge [sflag:s19], $0x100  }
0xbd: {  	[sflag:s19] =	ssyncset.done $0x0  }
0xbe: {  	[sflag:s19] =	ssyncadd.s32 $0xFFFFFF00  }
0xbf: {  	[tilespmem:s29], [sflag:$0x1] =	stream.indirect.gather [hbm4b:s4+s12], $0x80, s0, s12, $0xb8;
	[tilespmem:$0x1C400] =	vst v63  }
0xc0: {  	_ =	swait.ge [sflag:s13], $0x4000  }
0xc1: {  	[sflag:s13] =	ssyncset.done $0x0  }
0xc2: {  	[sflag:s13] =	ssyncadd.s32 $0xFFFFC000  }
0xc3: {  	[spmem:s1] =	stream.indirect.scatter.add.f32 [tilespmem:s29], [sflag:$0x3], $0x80, s20, s12, $0xb8;
	[tilespmem:$0x1C400] =	vst v63  }
0xc4: {  	_ =	swait.ge [sflag:s21], $0x4000  }
0xc5: {  	[sflag:s21] =	ssyncset.done $0x0  }
0xc6: {  	s7 =	sadd.s32 $0x120, s7;
	[sflag:s21] =	ssyncadd.s32 $0xFFFFC000  }
0xc7: {  	[tilespmem:s31], [sflag:$0x6] =	stream.linear.gather [hbm4b:s7+s2], $0x100, $0x38;
	[tilespmem:$0x1C400] =	vst v63  }
0xc8: {  	_ =	swait.ge [sflag:s23], $0x100  }
0xc9: {  	[sflag:s23] =	ssyncset.done $0x0  }
0xca: {  	[sflag:s23] =	ssyncadd.s32 $0xFFFFFF00  }
0xcb: {  	[tilespmem:s15], [sflag:$0x2] =	stream.indirect.gather [hbm4b:s4+s12], $0x80, s3, s12, $0xb8;
	[tilespmem:$0x1C400] =	vst v63  }
0xcc: {  	_ =	swait.ge [sflag:s16], $0x4000  }
0xcd: {  	[sflag:s16] =	ssyncset.done $0x0  }
0xce: {  	[sflag:s16] =	ssyncadd.s32 $0xFFFFC000  }
0xcf: {  	[spmem:s1] =	stream.indirect.scatter.add.f32 [tilespmem:s15], [sflag:$0x4], $0x80, s24, s12, $0xb8;
	[tilespmem:$0x1C400] =	vst v63  }
0xd0: {  	_ =	swait.ge [sflag:s18], $0x4000  }
0xd1: {  	[sflag:s18] =	ssyncset.done $0x0  }
.Ltmp0:
0xd2: {  	s6 =	sadd.s32 s6, s26;
	[sflag:s18] =	ssyncadd.s32 $0xFFFFC000;
	(pc) =	sbr.rel @p0 .LBB2_2-.Ltmp0, $4  }
0xd3: {  	[tilespmem:s0], [sflag:$0x7] =	stream.linear.gather [hbm4b:s6+s2], $0x100, $0x38;
	[tilespmem:$0x1C400] =	vst v63  }
0xd4: {  	_ =	swait.ge [sflag:s5], $0x100  }
0xd5: {  	[sflag:s5] =	ssyncset.done $0x0  }
0xd6: {  	[sflag:s5] =	ssyncadd.s32 $0xFFFFFF00  }
0xd7: {  	[tilespmem:s29], [sflag:$0x1] =	stream.indirect.gather [hbm4b:s4+s12], $0x80, s2, s12, $0xb8;
	[tilespmem:$0x1C400] =	vst v63  }
0xd8: {  	_ =	swait.ge [sflag:s13], $0x4000  }
0xd9: {  	[sflag:s13] =	ssyncset.done $0x0  }
0xda: {  	[sflag:s13] =	ssyncadd.s32 $0xFFFFC000  }
0xdb: {  	[spmem:s1] =	stream.indirect.scatter.add.f32 [tilespmem:s29], [sflag:$0x3], $0x80, s12, s12, $0xb8;
	[tilespmem:$0x1C400] =	vst v63  }
0xdc: {  	_ =	swait.ge [sflag:s21], $0x4000  }
0xdd: {  	[sflag:s21] =	ssyncset.done $0x0  }
0xde: {  	s6 =	rddreg [dreg:$0x15];
	[sflag:s21] =	ssyncadd.s32 $0xFFFFC000  }
0xdf: {  	[tilespmem:s3], [sflag:$0x8] =	stream.linear.gather [hbm4b:s6+s2], $0x100, $0x38;
	[tilespmem:$0x1C400] =	vst v63  }
0xe0: {  	_ =	swait.ge [sflag:s14], $0x100  }
0xe1: {  	[sflag:s14] =	ssyncset.done $0x0  }
0xe2: {  	[sflag:s14] =	ssyncadd.s32 $0xFFFFFF00  }
0xe3: {  	[tilespmem:s15], [sflag:$0x2] =	stream.indirect.gather [hbm4b:s4+s12], $0x80, s31, s12, $0xb8;
	[tilespmem:$0x1C400] =	vst v63  }
0xe4: {  	_ =	swait.ge [sflag:s16], $0x4000  }
0xe5: {  	[sflag:s16] =	ssyncset.done $0x0  }
0xe6: {  	[sflag:s16] =	ssyncadd.s32 $0xFFFFC000  }
0xe7: {  	[spmem:s1] =	stream.indirect.scatter.add.f32 [tilespmem:s15], [sflag:$0x4], $0x80, s17, s12, $0xb8;
	[tilespmem:$0x1C400] =	vst v63  }
0xe8: {  	_ =	swait.ge [sflag:s18], $0x4000  }
0xe9: {  	[sflag:s18] =	ssyncset.done $0x0  }
0xea: {  	[sflag:s18] =	ssyncadd.s32 $0xFFFFC000  }
0xeb: {  	_ =	swait.ge [sflag:s19], $0x100  }
0xec: {  	[sflag:s19] =	ssyncset.done $0x0  }
0xed: {  	[sflag:s19] =	ssyncadd.s32 $0xFFFFFF00  }
0xee: {  	[tilespmem:s29], [sflag:$0x1] =	stream.indirect.gather [hbm4b:s4+s12], $0x80, s0, s12, $0xb8;
	[tilespmem:$0x1C400] =	vst v63  }
0xef: {  	_ =	swait.ge [sflag:s13], $0x4000  }
0xf0: {  	[sflag:s13] =	ssyncset.done $0x0  }
0xf1: {  	[sflag:s13] =	ssyncadd.s32 $0xFFFFC000  }
0xf2: {  	[spmem:s1] =	stream.indirect.scatter.add.f32 [tilespmem:s29], [sflag:$0x3], $0x80, s20, s12, $0xb8;
	[tilespmem:$0x1C400] =	vst v63  }
0xf3: {  	_ =	swait.ge [sflag:s21], $0x4000  }
0xf4: {  	[sflag:s21] =	ssyncset.done $0x0  }
0xf5: {  	[sflag:s21] =	ssyncadd.s32 $0xFFFFC000  }
0xf6: {  	_ =	swait.ge [sflag:s23], $0x100  }
0xf7: {  	[sflag:s23] =	ssyncset.done $0x0  }
0xf8: {  	[sflag:s23] =	ssyncadd.s32 $0xFFFFFF00  }
0xf9: {  	[tilespmem:s15], [sflag:$0x2] =	stream.indirect.gather [hbm4b:s4+s12], $0x80, s3, s12, $0xb8;
	[tilespmem:$0x1C400] =	vst v63  }
0xfa: {  	_ =	swait.ge [sflag:s16], $0x4000  }
0xfb: {  	[sflag:s16] =	ssyncset.done $0x0  }
0xfc: {  	[sflag:s16] =	ssyncadd.s32 $0xFFFFC000  }
0xfd: {  	[spmem:s1] =	stream.indirect.scatter.add.f32 [tilespmem:s15], [sflag:$0x4], $0x80, s24, s12, $0xb8;
	[tilespmem:$0x1C400] =	vst v63  }
0xfe: {  	_ =	swait.ge [sflag:s18], $0x4000  }
0xff: {  	[sflag:s18] =	ssyncset.done $0x0  }
0x100: {  	[sflag:s18] =	ssyncadd.s32 $0xFFFFC000  }
0x101: {  	_ =	swait.ge [sflag:s21], $0x4000  }
0x102: {  	[sflag:s21] =	ssyncset.done $0x0  }
0x103: {  	[sflag:s21] =	ssyncadd.s32 $0xFFFFC000  }
0x104: {  	[bflag:$0x0] =	sbarrier.arrive $0xFFFF  }
0x105: {  	s7 =	rddreg [dreg:$0x8]  }
0x106: {  	[tilespmem:s29], [sflag:$0x9] =	stream.linear.gather [spmem:s7], $0x4000, $0x38;
	[tilespmem:$0x1C400] =	vst v63  }
0x107: {  	_ =	swait.ge [sflag:s30], $0x4000  }
0x108: {  	[sflag:s30] =	ssyncset.done $0x0  }
0x109: {  	s8 =	rddreg [dreg:$0xe];
	[sflag:s30] =	ssyncadd.s32 $0xFFFFC000  }
0x10a: {  	[hbm4b:s8+s2] =	stream.linear.scatter [tilespmem:s29], [sflag:$0x3], $0x4000, $0x38;
	[tilespmem:$0x1C400] =	vst v63  }
0x10b: {  	s8 =	rddreg [dreg:$0x6]  }
0x10c: {  	[tilespmem:s15], [sflag:$0x9] =	stream.linear.gather [spmem:s8], $0x4000, $0x38;
	[tilespmem:$0x1C400] =	vst v63  }
0x10d: {  	_ =	swait.ge [sflag:s30], $0x4000  }
0x10e: {  	[sflag:s30] =	ssyncset.done $0x0  }
0x10f: {  	s9 =	rddreg [dreg:$0xf];
	[sflag:s30] =	ssyncadd.s32 $0xFFFFC000  }
0x110: {  	[hbm4b:s9+s2] =	stream.linear.scatter [tilespmem:s15], [sflag:$0x4], $0x4000, $0x38;
	[tilespmem:$0x1C400] =	vst v63  }
0x111: {  	_ =	swait.ge [sflag:s18], $0x4000  }
0x112: {  	[sflag:s18] =	ssyncset.done $0x0  }
0x113: {  	s11 =	rddreg [dreg:$0x4];
	[sflag:s18] =	ssyncadd.s32 $0xFFFFC000  }
0x114: {  	[tilespmem:s29], [sflag:$0x9] =	stream.linear.gather [spmem:s11], $0x4000, $0x38;
	[tilespmem:$0x1C400] =	vst v63  }
0x115: {  	_ =	swait.ge [sflag:s30], $0x4000  }
0x116: {  	[sflag:s30] =	ssyncset.done $0x0  }
0x117: {  	s10 =	rddreg [dreg:$0x10];
	[sflag:s30] =	ssyncadd.s32 $0xFFFFC000  }
0x118: {  	[hbm4b:s10+s2] =	stream.linear.scatter [tilespmem:s29], [sflag:$0x3], $0x4000, $0x38;
	[tilespmem:$0x1C400] =	vst v63  }
0x119: {  	_ =	swait.ge [sflag:s21], $0x4000  }
0x11a: {  	[sflag:s21] =	ssyncset.done $0x0  }
0x11b: {  	s10 =	rddreg [dreg:$0x5];
	[sflag:s21] =	ssyncadd.s32 $0xFFFFC000  }
0x11c: {  	[tilespmem:s15], [sflag:$0x9] =	stream.linear.gather [spmem:s10], $0x4000, $0x38;
	[tilespmem:$0x1C400] =	vst v63  }
0x11d: {  	_ =	swait.ge [sflag:s30], $0x4000  }
0x11e: {  	[sflag:s30] =	ssyncset.done $0x0  }
0x11f: {  	s9 =	rddreg [dreg:$0x11];
	[sflag:s30] =	ssyncadd.s32 $0xFFFFC000  }
0x120: {  	[hbm4b:s9+s2] =	stream.linear.scatter [tilespmem:s15], [sflag:$0x4], $0x4000, $0x38;
	[tilespmem:$0x1C400] =	vst v63  }
0x121: {  	_ =	swait.ge [sflag:s18], $0x4000  }
0x122: {  	[sflag:s18] =	ssyncset.done $0x0  }
0x123: {  	s9 =	rddreg [dreg:$0x7];
	[sflag:s18] =	ssyncadd.s32 $0xFFFFC000  }
0x124: {  	[tilespmem:s29], [sflag:$0x9] =	stream.linear.gather [spmem:s9], $0x4000, $0x38;
	[tilespmem:$0x1C400] =	vst v63  }
0x125: {  	_ =	swait.ge [sflag:s30], $0x4000  }
0x126: {  	[sflag:s30] =	ssyncset.done $0x0  }
0x127: {  	s6 =	rddreg [dreg:$0x12];
	[sflag:s30] =	ssyncadd.s32 $0xFFFFC000  }
0x128: {  	[hbm4b:s6+s2] =	stream.linear.scatter [tilespmem:s29], [sflag:$0x3], $0x4000, $0x38;
	[tilespmem:$0x1C400] =	vst v63  }
0x129: {  	_ =	swait.ge [sflag:s18], $0x4000  }
0x12a: {  	[sflag:s18] =	ssyncset.done $0x0  }
0x12b: {  	[sflag:s18] =	ssyncadd.s32 $0xFFFFC000  }
0x12c: {  	_ =	swait.ge [sflag:s21], $0x4000  }
0x12d: {  	s25 =	sadd.s32 $0x1, s25;
	s6 =	rddreg [dreg:$0x16]  }
0x12e: {  	p0 =	sne.s32 s25, s6  }
.Ltmp1:
0x12f: {  	_ = 	snop;
	(pc) =	sbr.rel @p0 .LBB2_1-.Ltmp1, $3  }
0x130: {  	_ =	sdelay $0x1  }
0x131: {  	[sflag:s21] =	ssyncset.done $0x0  }
0x132: {  	[sflag:s21] =	ssyncadd.s32 $0xFFFFC000  }
0x133: {  	_ =	sfence.sel $0x180000  }
0x134: {  	[bflag:$0x0] =	sbarrier.arrive $0xFFFF  }
0x135: {  	_ =	strace $0x9000004A  }
0x136: {  	s0 =	stileid.u32;
	[bflag:$0x2] =	sbarrier.arrive $0xFFFF  }
0x137: {  	p0 =	sne.s32 s0, $0x0;
	s0 =	rddreg [dreg:$0x2]  }
0x138: {  	s0 =	sadd.s32 @!p0 $0x100000, s0  }
0x139: {  	[sflag:s0] =	ssyncadd.tile.s32 @!p0 $0x1;
	_ =	shalt  }
.Lfunc_end2:
_tile_overlayer_lowered:
.L_overlay_start_2:
0x13a: {  	(tag) =	ssettag $0x2  }
0x13b: {  	s0 =	rddreg [dreg:$0x0];
	s2 =	stileid.u32  }
0x13c: {  	s1 =	rddreg [dreg:$0x1];
	p0 =	sne.s32 s2, $0x0  }
0x13d: {  	s3 =	rddreg [dreg:$0x2];
	[bflag:$0x3] =	sbarrier.arrive $0xFFFF;
	s2 =	simm.s32 @!p0 $0x1C09  }
0x13e: {  	[timem:s3], [sflag:s2] =	dma.local @!p0 [hbm:s0], s1  }
0x13f: {  	s0 =	simm.s32 @!p0 $0x9  }
0x140: {  	_ =	swait.ge @!p0 [sflag:s0], s1  }
0x141: {  	s1 =	ssub.s32 @!p0 $0x0, s1;
	[sflag:s0] =	ssyncset.done @!p0 $0x0  }
0x142: {  	[sflag:s0] =	ssyncadd.s32 @!p0 s1  }
0x143: {  	[bflag:$0x3] =	sbarrier.arrive $0xFFFF  }
0x144: {  	_ =	shalt  }

// kernel: kernel.19.cloned.1.call-start
scs
__scs_entry_jumppad:
0x0: {  	(pc) =	sbr.rel $0x88, $3  }
0x1: {  	(tag) =	ssettag $0x0;
	lr =	simm.s32 $0x1  }
0x2: {  	[smem:$0x3F90] =	sst lr;
	_ =	strace $0xD0000000  }
0x3: {  	_ = 	snop  }
0x4: {  	_ = 	snop  }
0x5: {  	_ = 	snop  }
0x6: {  	_ = 	snop  }
0x7: {  	_ = 	snop  }
__scs_overlays_trampoline_lowered:
0x8: {  	[smem:$0x3F9F] =	sst s0  }
0x9: {  	[smem:$0x3FA0] =	sst s1  }
0xa: {  	[smem:$0x3FA1] =	sst s2  }
0xb: {  	[smem:$0x3FA2] =	sst s3  }
0xc: {  	[smem:$0x3FA3] =	sst s4  }
0xd: {  	[smem:$0x3FA4] =	sst s5  }
0xe: {  	[smem:$0x3FA5] =	sst s6  }
0xf: {  	[smem:$0x3FA6] =	sst s7  }
0x10: {  	[smem:$0x3FA7] =	sst s8  }
0x11: {  	[smem:$0x3FA8] =	sst s9;
	s0 =	simm.s32 @!p0 $0x0  }
0x12: {  	s1 =	sld [smem:$0x3F8E];
	s0 =	simm.s32 @p0 $0x1  }
0x13: {  	[smem:$0x3FA9] =	sst s0;
	s0 =	simm.s32 @!p1 $0x0  }
0x14: {  	s2 =	sld [smem:$0x3F8D];
	s0 =	simm.s32 @p1 $0x1  }
0x15: {  	[smem:$0x3FAA] =	sst s0;
	s0 =	simm.s32 @!p2 $0x0  }
0x16: {  	s3 =	sld [smem:$0x3FDB];
	s0 =	simm.s32 @p2 $0x1  }
0x17: {  	s4 =	simm.s32 $0x1BF5;
	[smem:$0x3FAC] =	sst s0  }
0x18: {  	s0 =	sld [smem:$0x3F8F];
	_ =	swait.ge [sflag:s4], $0x0  }
0x19: {  	s7 =	sld [smem:$0x3F90]  }
0x1a: {  	s8 =	sadd.s32 $0xFFFFE003, lr  }
0x1b: {  	s9 =	sadd.s32 $0xFFFFFEF7, lr;
	s5 =	simm.s32 $0xFFFFFFFF;
	p2 =	slt.u32 s8, $0xFFFFF086  }
0x1c: {  	p1 =	slt.u32 s9, $0xF7A;
	s5 =	simm.s32 @!p2 $0x0  }
0x1d: {  	s5 =	simm.s32 @p1 $0x1;
	p0 =	seq.s32 s7, s2  }
0x1e: {  	s7 =	smul.u32 @!p0 $0xF7A, s2;
	p2 =	seq.s32 @!p0 s5, $0x0  }
0x1f: {  	s9 =	smul.u32 $0xF7A, s1;
	s8 =	simm.s32 @!p0 $0x1BF5;
	p2 =	por !p2, p0  }
0x20: {  	[sflag:s8] =	ssyncset.s32 @!p0 $0xFFFFF086;
	s6 =	sadd.s32 @!p0 s3, s7;
	s7 =	simm.s32 @!p0 $0x108  }
0x21: {  	s3 =	sadd.s32 s3, s9;
	s6 =	sadd.s32 @!p0 $0x88, s6;
	s7 =	simm.s32 @p2 $0x1082  }
0x22: {  	[simem:s7], [sflag:s8] =	dma.local @!p0 [hbm:s6], $0xF7A  }
0x23: {  	s9 =	sor.u32 $0xD0000000, s2;
	s6 =	simm.s32 $0x108;
	_ =	swait.ge @!p0 [sflag:s8], $0x0  }
0x24: {  	s3 =	sadd.s32 $0x88, s3;
	s6 =	simm.s32 @!p1 $0x1082;
	[sflag:s4] =	ssyncset.s32 $0xFFFFF086  }
0x25: {  	[simem:s6], [sflag:s4] =	dma.local [hbm:s3], $0xF7A  }
0x26: {  	[smem:$0x3F90] =	sst s1;
	(tag) =	ssettag s2;
	_ =	strace s9  }
0x27: {  	s1 =	sld [smem:$0x3FA0]  }
0x28: {  	s2 =	sld [smem:$0x3FA1]  }
0x29: {  	s4 =	sld [smem:$0x3FA3]  }
0x2a: {  	p0 =	seq.s32 s5, $0x0;
	s5 =	sld [smem:$0x3FA4]  }
0x2b: {  	s6 =	sld [smem:$0x3FA5]  }
0x2c: {  	s7 =	sld [smem:$0x3FA6]  }
0x2d: {  	s3 =	simm.s32 $0x108;
	s8 =	sld [smem:$0x3FA7]  }
0x2e: {  	s3 =	simm.s32 @!p0 $0x1082;
	s9 =	sld [smem:$0x3FA8]  }
0x2f: {  	lr =	sadd.s32 s0, s3;
	s0 =	sld [smem:$0x3F9F]  }
0x30: {  	s3 =	sld [smem:$0x3FA2]  }
0x31: {  	[smem:$0x3FAB] =	sst s10  }
0x32: {  	s10 =	sld [smem:$0x3FA9];
	_ =	sdelay $0x3  }
0x33: {  	p0 =	seq.s32 s10, $0x1;
	s10 =	sld [smem:$0x3FAB];
	_ =	sdelay $0x3  }
0x34: {  	[smem:$0x3FAB] =	sst s10  }
0x35: {  	s10 =	sld [smem:$0x3FAA];
	_ =	sdelay $0x3  }
0x36: {  	p1 =	seq.s32 s10, $0x1;
	s10 =	sld [smem:$0x3FAB];
	_ =	sdelay $0x3  }
0x37: {  	[smem:$0x3FAB] =	sst s10  }
0x38: {  	s10 =	sld [smem:$0x3FAC]  }
0x39: {  	_ = 	snop;
	(pc) =	sbr.ind lr, $3  }
0x3a: {  	_ = 	snop  }
0x3b: {  	_ = 	snop  }
0x3c: {  	p2 =	seq.s32 s10, $0x1;
	s10 =	sld [smem:$0x3FAB]  }
0x3d: {  	_ =	shalt  }
0x3e: {  	_ =	shalt  }
0x3f: {  	_ =	shalt  }
0x40: {  	_ =	shalt  }
0x41: {  	_ =	shalt  }
0x42: {  	_ =	shalt  }
0x43: {  	_ =	shalt  }
0x44: {  	_ =	shalt  }
0x45: {  	_ =	shalt  }
0x46: {  	_ =	shalt  }
0x47: {  	_ =	shalt  }
0x48: {  	_ =	shalt  }
0x49: {  	_ =	shalt  }
0x4a: {  	_ =	shalt  }
0x4b: {  	_ =	shalt  }
0x4c: {  	_ =	shalt  }
0x4d: {  	_ =	shalt  }
0x4e: {  	_ =	shalt  }
0x4f: {  	_ =	shalt  }
0x50: {  	_ =	shalt  }
0x51: {  	_ =	shalt  }
0x52: {  	_ =	shalt  }
0x53: {  	_ =	shalt  }
0x54: {  	_ =	shalt  }
0x55: {  	_ =	shalt  }
0x56: {  	_ =	shalt  }
0x57: {  	_ =	shalt  }
0x58: {  	_ =	shalt  }
0x59: {  	_ =	shalt  }
0x5a: {  	_ =	shalt  }
0x5b: {  	_ =	shalt  }
0x5c: {  	_ =	shalt  }
0x5d: {  	_ =	shalt  }
0x5e: {  	_ =	shalt  }
0x5f: {  	_ =	shalt  }
0x60: {  	_ =	shalt  }
0x61: {  	_ =	shalt  }
0x62: {  	_ =	shalt  }
0x63: {  	_ =	shalt  }
0x64: {  	_ =	shalt  }
0x65: {  	_ =	shalt  }
0x66: {  	_ =	shalt  }
0x67: {  	_ =	shalt  }
0x68: {  	_ =	shalt  }
0x69: {  	_ =	shalt  }
0x6a: {  	_ =	shalt  }
0x6b: {  	_ =	shalt  }
0x6c: {  	_ =	shalt  }
0x6d: {  	_ =	shalt  }
0x6e: {  	_ =	shalt  }
0x6f: {  	_ =	shalt  }
0x70: {  	_ =	shalt  }
0x71: {  	_ =	shalt  }
0x72: {  	_ =	shalt  }
0x73: {  	_ =	shalt  }
0x74: {  	_ =	shalt  }
0x75: {  	_ =	shalt  }
0x76: {  	_ =	shalt  }
0x77: {  	_ =	shalt  }
0x78: {  	_ =	shalt  }
0x79: {  	_ =	shalt  }
0x7a: {  	_ =	shalt  }
0x7b: {  	_ =	shalt  }
0x7c: {  	_ =	shalt  }
0x7d: {  	_ =	shalt  }
0x7e: {  	_ =	shalt  }
0x7f: {  	_ =	shalt  }
0x80: {  	_ =	shalt  }
0x81: {  	_ =	shalt  }
0x82: {  	_ =	shalt  }
0x83: {  	_ =	shalt  }
0x84: {  	_ =	shalt  }
0x85: {  	_ =	shalt  }
0x86: {  	_ =	shalt  }
0x87: {  	_ =	shalt  }
.Lfunc_end0:
.L_simem_size_0:
called_computation.2_lowered:
.L_overlay_start_0:
0x88: {  	s2 =	sld [smem:$0x3FD9]  }
0x89: {  	s3 =	sld [smem:$0x3FFE];
	_ =	sdelay $0x1  }
0x8a: {  	s1 =	srdreg.scid  }
0x8b: {  	s0 =	sand.u32 $0x1, s1  }
0x8c: {  	s16 =	sshll.u32 s0, $0xA;
	s2 =	sadd.s32 s3, s2  }
0x8d: {  	s2 =	sadd.s32 s2, s16  }
0x8e: {  	[smem:$0x3FB7] =	sst s2  }
0x8f: {  	_ = 	snop  }
0x90: {  	(tm) =	ssettm $0x1  }
0x91: {  	s17 =	sld [smem:$0x3FFB];
	_ =	sdelay $0x3  }
0x92: {  	_ =	strace s17  }
0x93: {  	s2 =	sld [smem:$0x3FFC];
	_ =	sdelay $0x3  }
0x94: {  	_ =	strace s2  }
0x95: {  	s2 =	sld [smem:$0x3FFD];
	_ =	sdelay $0x3  }
0x96: {  	_ =	strace s2  }
0x97: {  	_ =	strace $0x8FFFFFFF  }
0x98: {  	s18 =	sld [smem:$0x3FDB];
	_ =	sdelay $0x1  }
0x99: {  	s19 =	simm.s32 $_scs_section_size  }
0x9a: {  	s4 =	simm.s32 $_size__tile_overlayer_lowered;
	s5 =	simm.s32 $_tile_overlayer_lowered  }
0x9b: {  	s22 =	simm.s32 $0x1BFF;
	s21 =	sshll.u32 s5, $0x1;
	s2 =	sadd.s32 s19, s18  }
0x9c: {  	s6 =	simm.s32 $0x0;
	s20 =	sshll.u32 s4, $0x1;
	s4 =	sadd.s32 s21, s2  }
0x9d: {  	[timem:s6], [sflag:s22] =	dma.local [hbm:s4], s20  }
0x9e: {  	_ =	swait.ge [sflag:s22], s20  }
0x9f: {  	s3 =	ssub.s32 $0x0, s20;
	[sflag:s22] =	ssyncset.done $0x0  }
0xa0: {  	[sflag:s22] =	ssyncadd.s32 s3;
	_ =	sdelay $0x1  }
0xa1: {  	s23 =	simm.s32 $0x1B8B  }
0xa2: {  	_ =	swait.ge [sflag:s23], $0x1  }
0xa3: {  	[sflag:s23] =	ssyncset.done $0x0  }
0xa4: {  	s25 =	simm.s32 $0x1B8E;
	s24 =	sld [smem:$0x3FFE];
	[sflag:s23] =	ssyncadd.s32 $0xFFFFFFFF  }
0xa5: {  	s26 =	simm.s32 $execute0_lowered;
	[smem:$0x3FD2] =	sst s25  }
0xa6: {  	s4 =	sshll.u32 s26, $0x1;
	_ =	strace $0x8000004C;
	[dreg:$0x1] =	wrdreg $0xFFFFFFFF  }
0xa7: {  	s28 =	simm.s32 $_size_execute0_lowered;
	s2 =	sadd.s32 s2, s4;
	[dreg:$0x0] =	wrdreg $0x0  }
0xa8: {  	s4 =	sshll.u32 s28, $0x1;
	[dreg:$0x2] =	wrdreg s2  }
0xa9: {  	[dreg:$0x3] =	wrdreg s4  }
0xaa: {  	[dreg:$0x4] =	wrdreg $0xC0  }
0xab: {  	_ =	task [dreg:s6], $0x5FFFF  }
0xac: {  	[dreg:$0x1] =	wrdreg $0xFFFFFFFF  }
0xad: {  	[dreg:$0x0] =	wrdreg $0x60  }
0xae: {  	[dreg:$0x2] =	wrdreg s24  }
0xaf: {  	[dreg:$0x3] =	wrdreg $0x84000  }
0xb0: {  	[dreg:$0x4] =	wrdreg $0x9  }
0xb1: {  	_ =	task.clear_ibuf [dreg:s6], $0x5FFFF;
	_ =	strace $0x9000004C  }
0xb2: {  	s29 =	simm.s32 $0x9;
	_ =	strace $0x8000004E  }
0xb3: {  	_ =	swait.ge [sflag:s29], $0x1  }
0xb4: {  	[sflag:s29] =	ssyncadd.s32 $0xFFFFFFFF  }
0xb5: {  	_ =	strace $0x9000004E  }
0xb6: {  	_ =	sfence  }
0xb7: {  	s30 =	sld [smem:$0x0];
	_ =	sdelay $0x2  }
0xb8: {  	s31 =	sshll.u32 s1, $0xD;
	s1 =	sshrl.u32 s1, $0x2  }
0xb9: {  	s3 =	sand.u32 $0x4000, s31;
	s1 =	sadd.s32 s1, s30  }
0xba: {  	s0 =	sor.u32 s3, s0;
	s1 =	sshll.u32 s1, $0x11  }
0xbb: {  	s0 =	sor.u32 s1, s0  }
0xbc: {  	s0 =	sadd.s32 $0x8F2B, s0  }
0xbd: {  	[sflag:s0] =	ssyncadd.remote.s32 $0x1  }
0xbe: {  	_ =	sfence.sel $0xFFFF  }
0xbf: {  	[dreg:$0x0] =	wrdreg $0xFFFFFFFF;
	(pc) =	sbr.abs _section_cstart, $3  }
0xc0: {  	[dreg:$0x1] =	wrdreg $0xFFFFFFFF  }
0xc1: {  	_ =	task.clear_ibuf [dreg:s6], $0x2FFFF;
	_ =	strace $0x9FFFFFFF  }
0xc2: {  	(tm) =	ssettm $0x7FFFFFFF  }
0xc3: {  	_ =	shalt  }
tec
execute0_lowered:
.L_overlay_start_1:
0x0: {  	(tag) =	ssettag $0x1  }
0x1: {  	s0 =	rddreg [dreg:$0x0]  }
0x2: {  	s1 =	rddreg [dreg:$0x1];
	s2 =	simm.s32 $0x0  }
0x3: {  	s3 =	srdreg.scid;
	s18 =	stileid.u32;
	s29 =	simm.s32 $0x400  }
0x4: {  	s30 =	simm.s32 $0x9;
	s31 =	simm.s32 $0x100;
	[smem:$0x7FF] =	sst s2  }
0x5: {  	s4 =	sadd.s32 $0x19A00, s0;
	s3 =	sand.u32 $0x1, s3;
	s7 =	smul.u32 $0x50000, s18  }
0x6: {  	s5 =	sadd.s32 $0x5A00, s0;
	s8 =	sadd.s32 $0x41A00, s0;
	s11 =	smul.u32 $0x14000, s18  }
0x7: {  	s0 =	sadd.s32 $0x42200, s0;
	_ =	strace $0x8000004D;
	s6 =	ssub.s32 $0x2, s3  }
0x8: {  	[dreg:$0x3] =	wrdreg s8;
	s21 =	sshll.u32 s3, $0x4;
	s22 =	smul.u32 $0x140000, s3  }
0x9: {  	s3 =	smul.u32 $0x500, s3;
	s20 =	sshrl.u32 s6, $0x1;
	s17 =	sor.u32 s18, s21  }
0xa: {  	s7 =	sshrl.u32 s7, $0x2;
	s12 =	sadd.s32 $0x4000, s11;
	s13 =	sadd.s32 $0x8000, s11  }
0xb: {  	s14 =	sadd.s32 $0xC000, s11;
	s16 =	sadd.s32 $0x10000, s11;
	s18 =	smul.u32 $0x50, s18  }
0xc: {  	s6 =	ssub.s32 s6, s20;
	s7 =	sadd.s32 s7, s1;
	s8 =	sadd.s32 s12, s1  }
0xd: {  	s19 =	sadd.s32 s13, s1;
	s15 =	smul.u32 $0xA00, s17;
	s10 =	sadd.s32 s14, s1  }
0xe: {  	s17 =	smul.u32 $0x5000, s17;
	s9 =	sadd.s32 s16, s1;
	s11 =	sadd.s32 s11, s22  }
0xf: {  	s12 =	sadd.s32 s22, s12;
	s13 =	sadd.s32 s22, s13;
	[dreg:$0x5] =	wrdreg s10  }
0x10: {  	s14 =	sadd.s32 s22, s14;
	s3 =	sadd.s32 s18, s3;
	[dreg:$0x6] =	wrdreg s8  }
0x11: {  	s11 =	sshrl.u32 s11, $0x3;
	s12 =	sshrl.u32 s12, $0x3;
	[dreg:$0x7] =	wrdreg s9  }
0x12: {  	s13 =	sshrl.u32 s13, $0x3;
	[dreg:$0x8] =	wrdreg s7;
	s20 =	sadd.s32 s5, s15  }
0x13: {  	s15 =	sadd.s32 s22, s16;
	s26 =	sshrl.u32 s17, $0x3;
	s11 =	sadd.s32 s0, s11  }
0x14: {  	s12 =	sadd.s32 s0, s12;
	s17 =	sshrl.u32 s14, $0x3;
	[dreg:$0xe] =	wrdreg s11  }
0x15: {  	s14 =	simm.s32 $0x6;
	s16 =	simm.s32 $0x2;
	[dreg:$0xf] =	wrdreg s12  }
0x16: {  	s21 =	sadd.s32 $0x20, s20;
	s23 =	sadd.s32 $0x40, s20;
	[dreg:$0x9] =	wrdreg s20  }
0x17: {  	s24 =	sadd.s32 $0x60, s20;
	s25 =	sadd.s32 $0x80, s20;
	[dreg:$0xa] =	wrdreg s21  }
0x18: {  	s11 =	sadd.s32 s0, s13;
	s18 =	sshrl.u32 s15, $0x3;
	[dreg:$0xb] =	wrdreg s23  }
0x19: {  	s22 =	sadd.s32 $0xA0, s20;
	s12 =	simm.s32 $0x80;
	[dreg:$0xc] =	wrdreg s24  }
0x1a: {  	s13 =	simm.s32 $0x1;
	s15 =	simm.s32 $0x4400;
	[dreg:$0xd] =	wrdreg s25  }
0x1b: {  	[dreg:$0x10] =	wrdreg s11;
	s11 =	sadd.s32 s0, s17;
	s0 =	sadd.s32 s0, s18  }
0x1c: {  	s21 =	sshll.u32 s3, $0x5;
	[dreg:$0x13] =	wrdreg s22;
	s23 =	sadd.s32 s5, s26  }
0x1d: {  	s24 =	sadd.s32 $0xC0, s20;
	s26 =	smax.u32 s6, $0x1;
	s3 =	simm.s32 $0x300  }
0x1e: {  	s17 =	simm.s32 $0x180;
	s18 =	simm.s32 $0x3;
	[dreg:$0x11] =	wrdreg s11  }
0x1f: {  	s20 =	simm.s32 $0x280;
	s11 =	smov.u32 s19;
	[dreg:$0x12] =	wrdreg s0  }
0x20: {  	s22 =	sadd.s32 s21, s5;
	[dreg:$0x14] =	wrdreg s24;
	s25 =	sadd.s32 $0x9E0, s23  }
0x21: {  	[dreg:$0x16] =	wrdreg s26;
	s0 =	simm.s32 $0x200;
	s5 =	simm.s32 $0x5  }
0x22: {  	s19 =	simm.s32 $0x7;
	s21 =	simm.s32 $0x4;
	s23 =	simm.s32 $0x8  }
0x23: {  	s24 =	simm.s32 $0x380;
	[dreg:$0x15] =	wrdreg s25;
	s26 =	sadd.s32 $0x140, s22  }
0x24: {  	s28 =	sadd.s32 $0x100, s22;
	s25 =	simm.s32 $0x0;
	[dreg:$0x4] =	wrdreg s11  }
.LBB2_1:
0x25: {  	s6 =	rddreg [dreg:$0x3]  }
0x26: {  	[tilespmem:s29], [sflag:$0x9] =	stream.linear.gather [hbm4b:s6+s2], $0x4000, $0x38;
	[tilespmem:$0x1C400] =	vst v63  }
0x27: {  	_ =	swait.ge [sflag:s30], $0x4000  }
0x28: {  	[sflag:s30] =	ssyncset.done $0x0  }
0x29: {  	[sflag:s30] =	ssyncadd.s32 $0xFFFFC000  }
0x2a: {  	[spmem:s7] =	stream.linear.scatter [tilespmem:s29], [sflag:$0x9], $0x4000, $0x38;
	[tilespmem:$0x1C400] =	vst v63  }
0x2b: {  	_ =	swait.ge [sflag:s30], $0x4000  }
0x2c: {  	[sflag:s30] =	ssyncset.done $0x0  }
0x2d: {  	[sflag:s30] =	ssyncadd.s32 $0xFFFFC000  }
0x2e: {  	[spmem:s8] =	stream.linear.scatter [tilespmem:s29], [sflag:$0x9], $0x4000, $0x38;
	[tilespmem:$0x1C400] =	vst v63  }
0x2f: {  	_ =	swait.ge [sflag:s30], $0x4000  }
0x30: {  	[sflag:s30] =	ssyncset.done $0x0  }
0x31: {  	[sflag:s30] =	ssyncadd.s32 $0xFFFFC000  }
0x32: {  	[spmem:s11] =	stream.linear.scatter [tilespmem:s29], [sflag:$0x9], $0x4000, $0x38;
	[tilespmem:$0x1C400] =	vst v63  }
0x33: {  	_ =	swait.ge [sflag:s30], $0x4000  }
0x34: {  	[sflag:s30] =	ssyncset.done $0x0  }
0x35: {  	[sflag:s30] =	ssyncadd.s32 $0xFFFFC000  }
0x36: {  	[spmem:s10] =	stream.linear.scatter [tilespmem:s29], [sflag:$0x9], $0x4000, $0x38;
	[tilespmem:$0x1C400] =	vst v63  }
0x37: {  	_ =	swait.ge [sflag:s30], $0x4000  }
0x38: {  	[sflag:s30] =	ssyncset.done $0x0  }
0x39: {  	[sflag:s30] =	ssyncadd.s32 $0xFFFFC000  }
0x3a: {  	[spmem:s9] =	stream.linear.scatter [tilespmem:s29], [sflag:$0x9], $0x4000, $0x38;
	[tilespmem:$0x1C400] =	vst v63  }
0x3b: {  	_ =	swait.ge [sflag:s30], $0x4000  }
0x3c: {  	[sflag:s30] =	ssyncset.done $0x0  }
0x3d: {  	[sflag:s30] =	ssyncadd.s32 $0xFFFFC000  }
0x3e: {  	[bflag:$0x0] =	sbarrier.arrive $0xFFFF  }
0x3f: {  	s11 =	rddreg [dreg:$0x9]  }
0x40: {  	[tilespmem:s2], [sflag:$0x5] =	stream.linear.gather [hbm4b:s11+s2], $0x100, $0x38;
	[tilespmem:$0x1C400] =	vst v63  }
0x41: {  	s7 =	rddreg [dreg:$0xa]  }
0x42: {  	[tilespmem:s31], [sflag:$0x6] =	stream.linear.gather [hbm4b:s7+s2], $0x100, $0x38;
	[tilespmem:$0x1C400] =	vst v63  }
0x43: {  	s8 =	rddreg [dreg:$0xb]  }
0x44: {  	[tilespmem:s0], [sflag:$0x7] =	stream.linear.gather [hbm4b:s8+s2], $0x100, $0x38;
	[tilespmem:$0x1C400] =	vst v63  }
0x45: {  	s9 =	rddreg [dreg:$0xc]  }
0x46: {  	[tilespmem:s3], [sflag:$0x8] =	stream.linear.gather [hbm4b:s9+s2], $0x100, $0x38;
	[tilespmem:$0x1C400] =	vst v63  }
0x47: {  	_ =	swait.ge [sflag:s5], $0x100  }
0x48: {  	[sflag:s5] =	ssyncset.done $0x0  }
0x49: {  	[sflag:s5] =	ssyncadd.s32 $0xFFFFFF00  }
0x4a: {  	[tilespmem:s29], [sflag:$0x1] =	stream.indirect.gather [hbm4b:s4+s12], $0x80, s2, s12, $0xb8;
	[tilespmem:$0x1C400] =	vst v63  }
0x4b: {  	_ =	swait.ge [sflag:s13], $0x4000  }
0x4c: {  	[sflag:s13] =	ssyncset.done $0x0  }
0x4d: {  	[sflag:s13] =	ssyncadd.s32 $0xFFFFC000  }
0x4e: {  	[spmem:s1] =	stream.indirect.scatter.add.f32 [tilespmem:s29], [sflag:$0x3], $0x80, s12, s12, $0xb8;
	[tilespmem:$0x1C400] =	vst v63  }
0x4f: {  	_ =	swait.ge [sflag:s14], $0x100  }
0x50: {  	[sflag:s14] =	ssyncset.done $0x0  }
0x51: {  	[sflag:s14] =	ssyncadd.s32 $0xFFFFFF00  }
0x52: {  	[tilespmem:s15], [sflag:$0x2] =	stream.indirect.gather [hbm4b:s4+s12], $0x80, s31, s12, $0xb8;
	[tilespmem:$0x1C400] =	vst v63  }
0x53: {  	_ =	swait.ge [sflag:s16], $0x4000  }
0x54: {  	[sflag:s16] =	ssyncset.done $0x0  }
0x55: {  	[sflag:s16] =	ssyncadd.s32 $0xFFFFC000  }
0x56: {  	[spmem:s1] =	stream.indirect.scatter.add.f32 [tilespmem:s15], [sflag:$0x4], $0x80, s17, s12, $0xb8;
	[tilespmem:$0x1C400] =	vst v63  }
0x57: {  	_ =	swait.ge [sflag:s18], $0x4000  }
0x58: {  	[sflag:s18] =	ssyncset.done $0x0  }
0x59: {  	s10 =	rddreg [dreg:$0xd];
	[sflag:s18] =	ssyncadd.s32 $0xFFFFC000  }
0x5a: {  	[tilespmem:s2], [sflag:$0x5] =	stream.linear.gather [hbm4b:s10+s2], $0x100, $0x38;
	[tilespmem:$0x1C400] =	vst v63  }
0x5b: {  	_ =	swait.ge [sflag:s19], $0x100  }
0x5c: {  	[sflag:s19] =	ssyncset.done $0x0  }
0x5d: {  	[sflag:s19] =	ssyncadd.s32 $0xFFFFFF00  }
0x5e: {  	[tilespmem:s29], [sflag:$0x1] =	stream.indirect.gather [hbm4b:s4+s12], $0x80, s0, s12, $0xb8;
	[tilespmem:$0x1C400] =	vst v63  }
0x5f: {  	_ =	swait.ge [sflag:s13], $0x4000  }
0x60: {  	[sflag:s13] =	ssyncset.done $0x0  }
0x61: {  	[sflag:s13] =	ssyncadd.s32 $0xFFFFC000  }
0x62: {  	[spmem:s1] =	stream.indirect.scatter.add.f32 [tilespmem:s29], [sflag:$0x3], $0x80, s20, s12, $0xb8;
	[tilespmem:$0x1C400] =	vst v63  }
0x63: {  	_ =	swait.ge [sflag:s21], $0x4000  }
0x64: {  	[sflag:s21] =	ssyncset.done $0x0  }
0x65: {  	s11 =	rddreg [dreg:$0x13];
	[sflag:s21] =	ssyncadd.s32 $0xFFFFC000  }
0x66: {  	[tilespmem:s31], [sflag:$0x6] =	stream.linear.gather [hbm4b:s11+s2], $0x100, $0x38;
	[tilespmem:$0x1C400] =	vst v63  }
0x67: {  	_ =	swait.ge [sflag:s23], $0x100  }
0x68: {  	[sflag:s23] =	ssyncset.done $0x0  }
0x69: {  	[sflag:s23] =	ssyncadd.s32 $0xFFFFFF00  }
0x6a: {  	[tilespmem:s15], [sflag:$0x2] =	stream.indirect.gather [hbm4b:s4+s12], $0x80, s3, s12, $0xb8;
	[tilespmem:$0x1C400] =	vst v63  }
0x6b: {  	_ =	swait.ge [sflag:s16], $0x4000  }
0x6c: {  	[sflag:s16] =	ssyncset.done $0x0  }
0x6d: {  	[sflag:s16] =	ssyncadd.s32 $0xFFFFC000  }
0x6e: {  	[spmem:s1] =	stream.indirect.scatter.add.f32 [tilespmem:s15], [sflag:$0x4], $0x80, s24, s12, $0xb8;
	[tilespmem:$0x1C400] =	vst v63  }
0x6f: {  	_ =	swait.ge [sflag:s18], $0x4000  }
0x70: {  	[sflag:s18] =	ssyncset.done $0x0  }
0x71: {  	s7 =	rddreg [dreg:$0x14];
	[sflag:s18] =	ssyncadd.s32 $0xFFFFC000  }
0x72: {  	[tilespmem:s0], [sflag:$0x7] =	stream.linear.gather [hbm4b:s7+s2], $0x100, $0x38;
	[tilespmem:$0x1C400] =	vst v63  }
0x73: {  	_ =	swait.ge [sflag:s5], $0x100  }
0x74: {  	[sflag:s5] =	ssyncset.done $0x0  }
0x75: {  	[sflag:s5] =	ssyncadd.s32 $0xFFFFFF00  }
0x76: {  	[tilespmem:s29], [sflag:$0x1] =	stream.indirect.gather [hbm4b:s4+s12], $0x80, s2, s12, $0xb8;
	[tilespmem:$0x1C400] =	vst v63  }
0x77: {  	_ =	swait.ge [sflag:s13], $0x4000  }
0x78: {  	[sflag:s13] =	ssyncset.done $0x0  }
0x79: {  	[sflag:s13] =	ssyncadd.s32 $0xFFFFC000  }
0x7a: {  	[spmem:s1] =	stream.indirect.scatter.add.f32 [tilespmem:s29], [sflag:$0x3], $0x80, s12, s12, $0xb8;
	[tilespmem:$0x1C400] =	vst v63  }
0x7b: {  	_ =	swait.ge [sflag:s21], $0x4000  }
0x7c: {  	s8 =	sadd.s32 $0x0, s22;
	[sflag:s21] =	ssyncset.done $0x0  }
0x7d: {  	s9 =	sadd.s32 $0xE0, s8;
	[sflag:s21] =	ssyncadd.s32 $0xFFFFC000  }
0x7e: {  	[tilespmem:s3], [sflag:$0x8] =	stream.linear.gather [hbm4b:s9+s2], $0x100, $0x38;
	[tilespmem:$0x1C400] =	vst v63  }
0x7f: {  	_ =	swait.ge [sflag:s14], $0x100  }
0x80: {  	[sflag:s14] =	ssyncset.done $0x0  }
0x81: {  	[sflag:s14] =	ssyncadd.s32 $0xFFFFFF00  }
0x82: {  	[tilespmem:s15], [sflag:$0x2] =	stream.indirect.gather [hbm4b:s4+s12], $0x80, s31, s12, $0xb8;
	[tilespmem:$0x1C400] =	vst v63  }
0x83: {  	_ =	swait.ge [sflag:s16], $0x4000  }
0x84: {  	[sflag:s16] =	ssyncset.done $0x0  }
0x85: {  	[sflag:s16] =	ssyncadd.s32 $0xFFFFC000  }
0x86: {  	[spmem:s1] =	stream.indirect.scatter.add.f32 [tilespmem:s15], [sflag:$0x4], $0x80, s17, s12, $0xb8;
	[tilespmem:$0x1C400] =	vst v63  }
0x87: {  	_ =	swait.ge [sflag:s18], $0x4000  }
0x88: {  	[sflag:s18] =	ssyncset.done $0x0  }
0x89: {  	s10 =	sadd.s32 $0x0, s28;
	[sflag:s18] =	ssyncadd.s32 $0xFFFFC000  }
0x8a: {  	[tilespmem:s2], [sflag:$0x5] =	stream.linear.gather [hbm4b:s10+s2], $0x100, $0x38;
	[tilespmem:$0x1C400] =	vst v63  }
0x8b: {  	_ =	swait.ge [sflag:s19], $0x100  }
0x8c: {  	[sflag:s19] =	ssyncset.done $0x0  }
0x8d: {  	[sflag:s19] =	ssyncadd.s32 $0xFFFFFF00  }
0x8e: {  	[tilespmem:s29], [sflag:$0x1] =	stream.indirect.gather [hbm4b:s4+s12], $0x80, s0, s12, $0xb8;
	[tilespmem:$0x1C400] =	vst v63  }
0x8f: {  	_ =	swait.ge [sflag:s13], $0x4000  }
0x90: {  	[sflag:s13] =	ssyncset.done $0x0  }
0x91: {  	[sflag:s13] =	ssyncadd.s32 $0xFFFFC000  }
0x92: {  	[spmem:s1] =	stream.indirect.scatter.add.f32 [tilespmem:s29], [sflag:$0x3], $0x80, s20, s12, $0xb8;
	[tilespmem:$0x1C400] =	vst v63  }
0x93: {  	_ =	swait.ge [sflag:s21], $0x4000  }
0x94: {  	[sflag:s21] =	ssyncset.done $0x0  }
0x95: {  	s6 =	sadd.s32 $0x120, s8;
	[sflag:s21] =	ssyncadd.s32 $0xFFFFC000  }
0x96: {  	[tilespmem:s31], [sflag:$0x6] =	stream.linear.gather [hbm4b:s6+s2], $0x100, $0x38;
	[tilespmem:$0x1C400] =	vst v63  }
0x97: {  	_ =	swait.ge [sflag:s23], $0x100  }
0x98: {  	[sflag:s23] =	ssyncset.done $0x0  }
0x99: {  	[sflag:s23] =	ssyncadd.s32 $0xFFFFFF00  }
0x9a: {  	[tilespmem:s15], [sflag:$0x2] =	stream.indirect.gather [hbm4b:s4+s12], $0x80, s3, s12, $0xb8;
	[tilespmem:$0x1C400] =	vst v63  }
0x9b: {  	_ =	swait.ge [sflag:s16], $0x4000  }
0x9c: {  	[sflag:s16] =	ssyncset.done $0x0  }
0x9d: {  	[sflag:s16] =	ssyncadd.s32 $0xFFFFC000  }
0x9e: {  	[spmem:s1] =	stream.indirect.scatter.add.f32 [tilespmem:s15], [sflag:$0x4], $0x80, s24, s12, $0xb8;
	[tilespmem:$0x1C400] =	vst v63  }
0x9f: {  	_ =	swait.ge [sflag:s18], $0x4000  }
0xa0: {  	[sflag:s18] =	ssyncset.done $0x0  }
0xa1: {  	s11 =	sadd.s32 $0x0, s26;
	[sflag:s18] =	ssyncadd.s32 $0xFFFFC000  }
0xa2: {  	[tilespmem:s0], [sflag:$0x7] =	stream.linear.gather [hbm4b:s11+s2], $0x100, $0x38;
	[tilespmem:$0x1C400] =	vst v63  }
0xa3: {  	_ =	swait.ge [sflag:s5], $0x100  }
0xa4: {  	[sflag:s5] =	ssyncset.done $0x0  }
0xa5: {  	s11 =	simm.s32 $0x80;
	[sflag:s5] =	ssyncadd.s32 $0xFFFFFF00  }
.LBB2_2:
0xa6: {  	[tilespmem:s29], [sflag:$0x1] =	stream.indirect.gather [hbm4b:s4+s12], $0x80, s2, s12, $0xb8;
	[tilespmem:$0x1C400] =	vst v63  }
0xa7: {  	s6 =	smov.u32 s11  }
0xa8: {  	p0 =	sne.s32 s11, $0x880;
	s11 =	sadd.s32 $0x80, s11;
	_ =	swait.ge [sflag:s13], $0x4000  }
0xa9: {  	[sflag:s13] =	ssyncset.done $0x0  }
0xaa: {  	[sflag:s13] =	ssyncadd.s32 $0xFFFFC000  }
0xab: {  	[spmem:s1] =	stream.indirect.scatter.add.f32 [tilespmem:s29], [sflag:$0x3], $0x80, s12, s12, $0xb8;
	[tilespmem:$0x1C400] =	vst v63  }
0xac: {  	_ =	swait.ge [sflag:s21], $0x4000  }
0xad: {  	s7 =	sadd.s32 s6, s22;
	[sflag:s21] =	ssyncset.done $0x0  }
0xae: {  	s8 =	sadd.s32 $0xE0, s7;
	[sflag:s21] =	ssyncadd.s32 $0xFFFFC000  }
0xaf: {  	[tilespmem:s3], [sflag:$0x8] =	stream.linear.gather [hbm4b:s8+s2], $0x100, $0x38;
	[tilespmem:$0x1C400] =	vst v63  }
0xb0: {  	_ =	swait.ge [sflag:s14], $0x100  }
0xb1: {  	[sflag:s14] =	ssyncset.done $0x0  }
0xb2: {  	[sflag:s14] =	ssyncadd.s32 $0xFFFFFF00  }
0xb3: {  	[tilespmem:s15], [sflag:$0x2] =	stream.indirect.gather [hbm4b:s4+s12], $0x80, s31, s12, $0xb8;
	[tilespmem:$0x1C400] =	vst v63  }
0xb4: {  	_ =	swait.ge [sflag:s16], $0x4000  }
0xb5: {  	[sflag:s16] =	ssyncset.done $0x0  }
0xb6: {  	[sflag:s16] =	ssyncadd.s32 $0xFFFFC000  }
0xb7: {  	[spmem:s1] =	stream.indirect.scatter.add.f32 [tilespmem:s15], [sflag:$0x4], $0x80, s17, s12, $0xb8;
	[tilespmem:$0x1C400] =	vst v63  }
0xb8: {  	_ =	swait.ge [sflag:s18], $0x4000  }
0xb9: {  	[sflag:s18] =	ssyncset.done $0x0  }
0xba: {  	s8 =	sadd.s32 s6, s28;
	[sflag:s18] =	ssyncadd.s32 $0xFFFFC000  }
0xbb: {  	[tilespmem:s2], [sflag:$0x5] =	stream.linear.gather [hbm4b:s8+s2], $0x100, $0x38;
	[tilespmem:$0x1C400] =	vst v63  }
0xbc: {  	_ =	swait.ge [sflag:s19], $0x100  }
0xbd: {  	[sflag:s19] =	ssyncset.done $0x0  }
0xbe: {  	[sflag:s19] =	ssyncadd.s32 $0xFFFFFF00  }
0xbf: {  	[tilespmem:s29], [sflag:$0x1] =	stream.indirect.gather [hbm4b:s4+s12], $0x80, s0, s12, $0xb8;
	[tilespmem:$0x1C400] =	vst v63  }
0xc0: {  	_ =	swait.ge [sflag:s13], $0x4000  }
0xc1: {  	[sflag:s13] =	ssyncset.done $0x0  }
0xc2: {  	[sflag:s13] =	ssyncadd.s32 $0xFFFFC000  }
0xc3: {  	[spmem:s1] =	stream.indirect.scatter.add.f32 [tilespmem:s29], [sflag:$0x3], $0x80, s20, s12, $0xb8;
	[tilespmem:$0x1C400] =	vst v63  }
0xc4: {  	_ =	swait.ge [sflag:s21], $0x4000  }
0xc5: {  	[sflag:s21] =	ssyncset.done $0x0  }
0xc6: {  	s7 =	sadd.s32 $0x120, s7;
	[sflag:s21] =	ssyncadd.s32 $0xFFFFC000  }
0xc7: {  	[tilespmem:s31], [sflag:$0x6] =	stream.linear.gather [hbm4b:s7+s2], $0x100, $0x38;
	[tilespmem:$0x1C400] =	vst v63  }
0xc8: {  	_ =	swait.ge [sflag:s23], $0x100  }
0xc9: {  	[sflag:s23] =	ssyncset.done $0x0  }
0xca: {  	[sflag:s23] =	ssyncadd.s32 $0xFFFFFF00  }
0xcb: {  	[tilespmem:s15], [sflag:$0x2] =	stream.indirect.gather [hbm4b:s4+s12], $0x80, s3, s12, $0xb8;
	[tilespmem:$0x1C400] =	vst v63  }
0xcc: {  	_ =	swait.ge [sflag:s16], $0x4000  }
0xcd: {  	[sflag:s16] =	ssyncset.done $0x0  }
0xce: {  	[sflag:s16] =	ssyncadd.s32 $0xFFFFC000  }
0xcf: {  	[spmem:s1] =	stream.indirect.scatter.add.f32 [tilespmem:s15], [sflag:$0x4], $0x80, s24, s12, $0xb8;
	[tilespmem:$0x1C400] =	vst v63  }
0xd0: {  	_ =	swait.ge [sflag:s18], $0x4000  }
0xd1: {  	[sflag:s18] =	ssyncset.done $0x0  }
.Ltmp0:
0xd2: {  	s6 =	sadd.s32 s6, s26;
	[sflag:s18] =	ssyncadd.s32 $0xFFFFC000;
	(pc) =	sbr.rel @p0 .LBB2_2-.Ltmp0, $4  }
0xd3: {  	[tilespmem:s0], [sflag:$0x7] =	stream.linear.gather [hbm4b:s6+s2], $0x100, $0x38;
	[tilespmem:$0x1C400] =	vst v63  }
0xd4: {  	_ =	swait.ge [sflag:s5], $0x100  }
0xd5: {  	[sflag:s5] =	ssyncset.done $0x0  }
0xd6: {  	[sflag:s5] =	ssyncadd.s32 $0xFFFFFF00  }
0xd7: {  	[tilespmem:s29], [sflag:$0x1] =	stream.indirect.gather [hbm4b:s4+s12], $0x80, s2, s12, $0xb8;
	[tilespmem:$0x1C400] =	vst v63  }
0xd8: {  	_ =	swait.ge [sflag:s13], $0x4000  }
0xd9: {  	[sflag:s13] =	ssyncset.done $0x0  }
0xda: {  	[sflag:s13] =	ssyncadd.s32 $0xFFFFC000  }
0xdb: {  	[spmem:s1] =	stream.indirect.scatter.add.f32 [tilespmem:s29], [sflag:$0x3], $0x80, s12, s12, $0xb8;
	[tilespmem:$0x1C400] =	vst v63  }
0xdc: {  	_ =	swait.ge [sflag:s21], $0x4000  }
0xdd: {  	[sflag:s21] =	ssyncset.done $0x0  }
0xde: {  	s6 =	rddreg [dreg:$0x15];
	[sflag:s21] =	ssyncadd.s32 $0xFFFFC000  }
0xdf: {  	[tilespmem:s3], [sflag:$0x8] =	stream.linear.gather [hbm4b:s6+s2], $0x100, $0x38;
	[tilespmem:$0x1C400] =	vst v63  }
0xe0: {  	_ =	swait.ge [sflag:s14], $0x100  }
0xe1: {  	[sflag:s14] =	ssyncset.done $0x0  }
0xe2: {  	[sflag:s14] =	ssyncadd.s32 $0xFFFFFF00  }
0xe3: {  	[tilespmem:s15], [sflag:$0x2] =	stream.indirect.gather [hbm4b:s4+s12], $0x80, s31, s12, $0xb8;
	[tilespmem:$0x1C400] =	vst v63  }
0xe4: {  	_ =	swait.ge [sflag:s16], $0x4000  }
0xe5: {  	[sflag:s16] =	ssyncset.done $0x0  }
0xe6: {  	[sflag:s16] =	ssyncadd.s32 $0xFFFFC000  }
0xe7: {  	[spmem:s1] =	stream.indirect.scatter.add.f32 [tilespmem:s15], [sflag:$0x4], $0x80, s17, s12, $0xb8;
	[tilespmem:$0x1C400] =	vst v63  }
0xe8: {  	_ =	swait.ge [sflag:s18], $0x4000  }
0xe9: {  	[sflag:s18] =	ssyncset.done $0x0  }
0xea: {  	[sflag:s18] =	ssyncadd.s32 $0xFFFFC000  }
0xeb: {  	_ =	swait.ge [sflag:s19], $0x100  }
0xec: {  	[sflag:s19] =	ssyncset.done $0x0  }
0xed: {  	[sflag:s19] =	ssyncadd.s32 $0xFFFFFF00  }
0xee: {  	[tilespmem:s29], [sflag:$0x1] =	stream.indirect.gather [hbm4b:s4+s12], $0x80, s0, s12, $0xb8;
	[tilespmem:$0x1C400] =	vst v63  }
0xef: {  	_ =	swait.ge [sflag:s13], $0x4000  }
0xf0: {  	[sflag:s13] =	ssyncset.done $0x0  }
0xf1: {  	[sflag:s13] =	ssyncadd.s32 $0xFFFFC000  }
0xf2: {  	[spmem:s1] =	stream.indirect.scatter.add.f32 [tilespmem:s29], [sflag:$0x3], $0x80, s20, s12, $0xb8;
	[tilespmem:$0x1C400] =	vst v63  }
0xf3: {  	_ =	swait.ge [sflag:s21], $0x4000  }
0xf4: {  	[sflag:s21] =	ssyncset.done $0x0  }
0xf5: {  	[sflag:s21] =	ssyncadd.s32 $0xFFFFC000  }
0xf6: {  	_ =	swait.ge [sflag:s23], $0x100  }
0xf7: {  	[sflag:s23] =	ssyncset.done $0x0  }
0xf8: {  	[sflag:s23] =	ssyncadd.s32 $0xFFFFFF00  }
0xf9: {  	[tilespmem:s15], [sflag:$0x2] =	stream.indirect.gather [hbm4b:s4+s12], $0x80, s3, s12, $0xb8;
	[tilespmem:$0x1C400] =	vst v63  }
0xfa: {  	_ =	swait.ge [sflag:s16], $0x4000  }
0xfb: {  	[sflag:s16] =	ssyncset.done $0x0  }
0xfc: {  	[sflag:s16] =	ssyncadd.s32 $0xFFFFC000  }
0xfd: {  	[spmem:s1] =	stream.indirect.scatter.add.f32 [tilespmem:s15], [sflag:$0x4], $0x80, s24, s12, $0xb8;
	[tilespmem:$0x1C400] =	vst v63  }
0xfe: {  	_ =	swait.ge [sflag:s18], $0x4000  }
0xff: {  	[sflag:s18] =	ssyncset.done $0x0  }
0x100: {  	[sflag:s18] =	ssyncadd.s32 $0xFFFFC000  }
0x101: {  	_ =	swait.ge [sflag:s21], $0x4000  }
0x102: {  	[sflag:s21] =	ssyncset.done $0x0  }
0x103: {  	[sflag:s21] =	ssyncadd.s32 $0xFFFFC000  }
0x104: {  	[bflag:$0x0] =	sbarrier.arrive $0xFFFF  }
0x105: {  	s7 =	rddreg [dreg:$0x8]  }
0x106: {  	[tilespmem:s29], [sflag:$0x9] =	stream.linear.gather [spmem:s7], $0x4000, $0x38;
	[tilespmem:$0x1C400] =	vst v63  }
0x107: {  	_ =	swait.ge [sflag:s30], $0x4000  }
0x108: {  	[sflag:s30] =	ssyncset.done $0x0  }
0x109: {  	s8 =	rddreg [dreg:$0xe];
	[sflag:s30] =	ssyncadd.s32 $0xFFFFC000  }
0x10a: {  	[hbm4b:s8+s2] =	stream.linear.scatter [tilespmem:s29], [sflag:$0x3], $0x4000, $0x38;
	[tilespmem:$0x1C400] =	vst v63  }
0x10b: {  	s8 =	rddreg [dreg:$0x6]  }
0x10c: {  	[tilespmem:s15], [sflag:$0x9] =	stream.linear.gather [spmem:s8], $0x4000, $0x38;
	[tilespmem:$0x1C400] =	vst v63  }
0x10d: {  	_ =	swait.ge [sflag:s30], $0x4000  }
0x10e: {  	[sflag:s30] =	ssyncset.done $0x0  }
0x10f: {  	s9 =	rddreg [dreg:$0xf];
	[sflag:s30] =	ssyncadd.s32 $0xFFFFC000  }
0x110: {  	[hbm4b:s9+s2] =	stream.linear.scatter [tilespmem:s15], [sflag:$0x4], $0x4000, $0x38;
	[tilespmem:$0x1C400] =	vst v63  }
0x111: {  	_ =	swait.ge [sflag:s18], $0x4000  }
0x112: {  	[sflag:s18] =	ssyncset.done $0x0  }
0x113: {  	s11 =	rddreg [dreg:$0x4];
	[sflag:s18] =	ssyncadd.s32 $0xFFFFC000  }
0x114: {  	[tilespmem:s29], [sflag:$0x9] =	stream.linear.gather [spmem:s11], $0x4000, $0x38;
	[tilespmem:$0x1C400] =	vst v63  }
0x115: {  	_ =	swait.ge [sflag:s30], $0x4000  }
0x116: {  	[sflag:s30] =	ssyncset.done $0x0  }
0x117: {  	s10 =	rddreg [dreg:$0x10];
	[sflag:s30] =	ssyncadd.s32 $0xFFFFC000  }
0x118: {  	[hbm4b:s10+s2] =	stream.linear.scatter [tilespmem:s29], [sflag:$0x3], $0x4000, $0x38;
	[tilespmem:$0x1C400] =	vst v63  }
0x119: {  	_ =	swait.ge [sflag:s21], $0x4000  }
0x11a: {  	[sflag:s21] =	ssyncset.done $0x0  }
0x11b: {  	s10 =	rddreg [dreg:$0x5];
	[sflag:s21] =	ssyncadd.s32 $0xFFFFC000  }
0x11c: {  	[tilespmem:s15], [sflag:$0x9] =	stream.linear.gather [spmem:s10], $0x4000, $0x38;
	[tilespmem:$0x1C400] =	vst v63  }
0x11d: {  	_ =	swait.ge [sflag:s30], $0x4000  }
0x11e: {  	[sflag:s30] =	ssyncset.done $0x0  }
0x11f: {  	s9 =	rddreg [dreg:$0x11];
	[sflag:s30] =	ssyncadd.s32 $0xFFFFC000  }
0x120: {  	[hbm4b:s9+s2] =	stream.linear.scatter [tilespmem:s15], [sflag:$0x4], $0x4000, $0x38;
	[tilespmem:$0x1C400] =	vst v63  }
0x121: {  	_ =	swait.ge [sflag:s18], $0x4000  }
0x122: {  	[sflag:s18] =	ssyncset.done $0x0  }
0x123: {  	s9 =	rddreg [dreg:$0x7];
	[sflag:s18] =	ssyncadd.s32 $0xFFFFC000  }
0x124: {  	[tilespmem:s29], [sflag:$0x9] =	stream.linear.gather [spmem:s9], $0x4000, $0x38;
	[tilespmem:$0x1C400] =	vst v63  }
0x125: {  	_ =	swait.ge [sflag:s30], $0x4000  }
0x126: {  	[sflag:s30] =	ssyncset.done $0x0  }
0x127: {  	s6 =	rddreg [dreg:$0x12];
	[sflag:s30] =	ssyncadd.s32 $0xFFFFC000  }
0x128: {  	[hbm4b:s6+s2] =	stream.linear.scatter [tilespmem:s29], [sflag:$0x3], $0x4000, $0x38;
	[tilespmem:$0x1C400] =	vst v63  }
0x129: {  	_ =	swait.ge [sflag:s18], $0x4000  }
0x12a: {  	[sflag:s18] =	ssyncset.done $0x0  }
0x12b: {  	[sflag:s18] =	ssyncadd.s32 $0xFFFFC000  }
0x12c: {  	_ =	swait.ge [sflag:s21], $0x4000  }
0x12d: {  	s25 =	sadd.s32 $0x1, s25;
	s6 =	rddreg [dreg:$0x16]  }
0x12e: {  	p0 =	sne.s32 s25, s6  }
.Ltmp1:
0x12f: {  	_ = 	snop;
	(pc) =	sbr.rel @p0 .LBB2_1-.Ltmp1, $3  }
0x130: {  	_ =	sdelay $0x1  }
0x131: {  	[sflag:s21] =	ssyncset.done $0x0  }
0x132: {  	[sflag:s21] =	ssyncadd.s32 $0xFFFFC000  }
0x133: {  	_ =	sfence.sel $0x180000  }
0x134: {  	[bflag:$0x0] =	sbarrier.arrive $0xFFFF  }
0x135: {  	_ =	strace $0x9000004D  }
0x136: {  	s0 =	stileid.u32;
	[bflag:$0x2] =	sbarrier.arrive $0xFFFF  }
0x137: {  	p0 =	sne.s32 s0, $0x0;
	s0 =	rddreg [dreg:$0x2]  }
0x138: {  	s0 =	sadd.s32 @!p0 $0x100000, s0  }
0x139: {  	[sflag:s0] =	ssyncadd.tile.s32 @!p0 $0x1;
	_ =	shalt  }
.Lfunc_end2:
_tile_overlayer_lowered:
.L_overlay_start_2:
0x13a: {  	(tag) =	ssettag $0x2  }
0x13b: {  	s0 =	rddreg [dreg:$0x0];
	s2 =	stileid.u32  }
0x13c: {  	s1 =	rddreg [dreg:$0x1];
	p0 =	sne.s32 s2, $0x0  }
0x13d: {  	s3 =	rddreg [dreg:$0x2];
	[bflag:$0x3] =	sbarrier.arrive $0xFFFF;
	s2 =	simm.s32 @!p0 $0x1C09  }
0x13e: {  	[timem:s3], [sflag:s2] =	dma.local @!p0 [hbm:s0], s1  }
0x13f: {  	s0 =	simm.s32 @!p0 $0x9  }
0x140: {  	_ =	swait.ge @!p0 [sflag:s0], s1  }
0x141: {  	s1 =	ssub.s32 @!p0 $0x0, s1;
	[sflag:s0] =	ssyncset.done @!p0 $0x0  }
0x142: {  	[sflag:s0] =	ssyncadd.s32 @!p0 s1  }
0x143: {  	[bflag:$0x3] =	sbarrier.arrive $0xFFFF  }
0x144: {  	_ =	shalt  }

</sc_bundles>
